<compile_context>
chip_gen: v7x
topology: tpu7x:2x2x1
jax: 0.10.2.dev20260603
libtpu: 0.0.44.dev20260713+nightly
codegen_flags: <defaults>
</compile_context>

<pallas_src>
import functools

import jax
import jax.numpy as jnp
from jax import lax
from jax.experimental import pallas as pl
from jax.experimental.pallas import tpu as pltpu
from jax.experimental.pallas import tpu_sc as plsc

B = 8; S = 512; H = 128; INTENT = 128; SLOT = 512
GHD = 16; GOD = 128; NHEAD = 4; TOPK = 3; WINDOW = 2; ALPHA = 0.2
N = S + INTENT + SLOT
SI = S + INTENT

BS = B * S
NW = 32
RPW = BS // NW
_BIG = 1 << 20


_SHIFTS = (8, 4, 2, 1)


def _xlane(v, lane, op):
    for sh in _SHIFTS:
        v = op(v, v.at[(lane + sh) & 15].get(mode='promise_in_bounds'))
    return v


def _sc_row_topk(xs, lane, rowv, col0):
    for kk in range(TOPK):
        m16 = jnp.full((16,), -jnp.inf, jnp.float32)
        j16 = jnp.zeros((16,), jnp.int32)
        for j in range(len(xs)):
            gt = xs[j] > m16
            j16 = jnp.where(gt, jnp.int32(j), j16)
            m16 = jnp.where(gt, xs[j], m16)
        gm = _xlane(m16, lane, jnp.maximum)
        flat = j16 * 16 + lane
        mi = _xlane(jnp.where(m16 == gm, flat, _BIG), lane, jnp.minimum)
        rowv = jnp.where(lane == col0 + kk, mi, rowv)
        for j in range(len(xs)):
            xs[j] = jnp.where(lane + j * 16 == mi, -jnp.inf, xs[j])
    return rowv


def _sc_topk_body(ipro_hbm, spro_hbm, out_hbm, ivm, svm, ovm):
    wid = lax.axis_index("s") * 2 + lax.axis_index("c")
    base = wid * RPW
    pltpu.sync_copy(ipro_hbm.at[pl.ds(base, RPW)], ivm)
    pltpu.sync_copy(spro_hbm.at[pl.ds(base, RPW)], svm)
    lane = lax.broadcasted_iota(jnp.int32, (16,), 0)

    def row(r, carry):
        rowv = jnp.zeros((16,), jnp.int32)
        xi = [ivm[r, pl.ds(16 * j, 16)] for j in range(INTENT // 16)]
        rowv = _sc_row_topk(xi, lane, rowv, 0)
        xsl = [svm[r, pl.ds(16 * j, 16)] for j in range(SLOT // 16)]
        rowv = _sc_row_topk(xsl, lane, rowv, TOPK)
        ovm[r, pl.ds(0, 16)] = rowv
        return carry

    lax.fori_loop(0, RPW, row, 0)
    pltpu.sync_copy(ovm, out_hbm.at[pl.ds(base, RPW)])


@functools.cache
def _sc_topk_fn():
    mesh = plsc.VectorSubcoreMesh(core_axis_name="c", subcore_axis_name="s")

    @functools.partial(
        pl.kernel,
        mesh=mesh,
        out_type=jax.ShapeDtypeStruct((BS, 16), jnp.int32),
        scratch_types=[
            pltpu.VMEM((RPW, INTENT), jnp.float32),
            pltpu.VMEM((RPW, SLOT), jnp.float32),
            pltpu.VMEM((RPW, 16), jnp.int32),
        ],
    )
    def _sc_topk(ipro_hbm, spro_hbm, out_hbm, ivm, svm, ovm):
        _sc_topk_body(ipro_hbm, spro_hbm, out_hbm, ivm, svm, ovm)

    return _sc_topk


def _onehot3(idx3, cols):
    ci = lax.broadcasted_iota(jnp.int32, (S, cols), 1)
    oh = (ci == idx3[:, 0:1]) | (ci == idx3[:, 1:2]) | (ci == idx3[:, 2:3])
    return oh.astype(jnp.float32)


def _tr(x_bf, eye_bf):
    return lax.dot_general(x_bf, eye_bf, (((0,), (0,)), ((), ())),
                           preferred_element_type=jnp.float32)


def _elu(x):
    return jnp.where(x > 0, x, jnp.exp(x) - 1.0)


def _pexp(z):
    e = jnp.maximum(z, ALPHA * z)
    return jnp.exp(jnp.minimum(e, 60.0))


def _att_rows(a1_tile, a2_row, mask_tile, h, ones_col):
    p = _pexp(a1_tile + a2_row) * mask_tile
    num = lax.dot_general(p, h, (((1,), (0,)), ((), ())),
                          preferred_element_type=jnp.float32)
    s = lax.dot_general(p, ones_col, (((1,), (0,)), ((), ())),
                        preferred_element_type=jnp.float32)
    return num / s


def _body(idx_ref, hid_ref, iemb_ref, semb_ref, W_ref, a_ref,
          Wout_ref, aout_ref, iW_ref, ib_ref, sW_ref, sb_ref,
          hidden_out, iout, sout, mask_ref):
    f32 = jnp.float32

    idx = idx_ref[0]
    P_int = _onehot3(idx[:, 0:TOPK], INTENT)
    P_slot = _onehot3(idx[:, TOPK:2 * TOPK], SLOT)

    r512 = lax.broadcasted_iota(jnp.int32, (S, S), 0)
    c512 = lax.broadcasted_iota(jnp.int32, (S, S), 1)
    eyeS_bf = ((r512 == c512)).astype(jnp.bfloat16)
    P_int_bf = P_int.astype(jnp.bfloat16)
    P_slot_bf = P_slot.astype(jnp.bfloat16)

    mask_ref[0:S, 0:S] = (jnp.abs(r512 - c512) <= WINDOW).astype(f32)
    rI = lax.broadcasted_iota(jnp.int32, (INTENT, INTENT), 0)
    cI = lax.broadcasted_iota(jnp.int32, (INTENT, INTENT), 1)
    mask_ref[S:SI, S:SI] = (rI == cI).astype(f32)
    mask_ref[SI:N, SI:N] = (r512 == c512).astype(f32)

    rTI = lax.broadcasted_iota(jnp.int32, (S, INTENT), 0)
    cTI = lax.broadcasted_iota(jnp.int32, (S, INTENT), 1)
    spill = (cTI <= rTI - (S - WINDOW)).astype(f32)
    mask_ref[0:S, S:SI] = jnp.maximum(P_int, spill)
    mask_ref[0:S, SI:N] = P_slot
    mask_ref[S:SI, 0:S] = _tr(P_int_bf, eyeS_bf)
    IS = lax.dot_general(P_int_bf, P_slot_bf, (((0,), (0,)), ((), ())),
                         preferred_element_type=f32)
    mask_ref[S:SI, SI:N] = (IS > 0).astype(f32)
    mask_ref[SI:N, 0:S] = _tr(P_slot_bf, eyeS_bf)
    IST = lax.dot_general(P_slot_bf, P_int_bf, (((0,), (0,)), ((), ())),
                          preferred_element_type=f32)
    mask_ref[SI:N, S:SI] = (IST > 0).astype(f32)

    hcat = jnp.concatenate([hid_ref[0], iemb_ref[...], semb_ref[...]], axis=0)
    ones_n = jnp.ones((N, 1), f32)

    RT = 384
    heads = []
    for k in range(NHEAD):
        hk = jnp.dot(hcat, W_ref[k], preferred_element_type=f32)
        a1v = a_ref[k:k + 1, 0:GHD]
        a2v = a_ref[k:k + 1, GHD:2 * GHD]
        a1 = lax.dot_general(hk, a1v, (((1,), (1,)), ((), ())),
                             preferred_element_type=f32)
        a2 = lax.dot_general(a2v, hk, (((1,), (1,)), ((), ())),
                             preferred_element_type=f32)
        tiles = []
        for t in range(N // RT):
            o = _att_rows(a1[t * RT:(t + 1) * RT], a2,
                          mask_ref[t * RT:(t + 1) * RT, :], hk, ones_n)
            tiles.append(_elu(o))
        heads.append(jnp.concatenate(tiles, axis=0))
    h1 = jnp.concatenate(heads, axis=1)

    h2 = jnp.dot(h1, Wout_ref[...], preferred_element_type=f32)
    a1o = lax.dot_general(h2, aout_ref[0:1, :], (((1,), (1,)), ((), ())),
                          preferred_element_type=f32)
    a2o = lax.dot_general(aout_ref[1:2, :], h2, (((1,), (1,)), ((), ())),
                          preferred_element_type=f32)
    RT2 = 256
    for t in range(S // RT2):
        o = _att_rows(a1o[t * RT2:(t + 1) * RT2], a2o,
                      mask_ref[t * RT2:(t + 1) * RT2, :], h2, ones_n)
        hid = _elu(o)
        hidden_out[0, t * RT2:(t + 1) * RT2, :] = hid
        iout[0, t * RT2:(t + 1) * RT2, :] = (
            jnp.dot(hid, iW_ref[...], preferred_element_type=f32) + ib_ref[...])
        sout[0, t * RT2:(t + 1) * RT2, :] = (
            jnp.dot(hid, sW_ref[...], preferred_element_type=f32) + sb_ref[...])


def kernel(hiddens, seq_lens, intent_pro, slot_pro, intent_embedding,
           slot_embedding, gat_W, gat_a, gat_Wout, gat_aout, intent_W,
           intent_b, slot_W, slot_b):
    del seq_lens
    idx16 = _sc_topk_fn()(intent_pro.reshape(BS, INTENT),
                          slot_pro.reshape(BS, SLOT)).reshape(B, S, 16)
    aout2 = gat_aout.reshape(2, GOD)
    ib2 = intent_b.reshape(1, INTENT)
    sb2 = slot_b.reshape(1, SLOT)

    full = lambda shape: pl.BlockSpec(shape, lambda b: (0,) * len(shape))
    batched = lambda shape: pl.BlockSpec((1,) + shape, lambda b: (b, 0, 0))

    hidden, intent_out, slot_out = pl.pallas_call(
        _body,
        grid=(B,),
        in_specs=[
            batched((S, 16)),
            batched((S, H)),
            full((INTENT, H)),
            full((SLOT, H)),
            full((NHEAD, H, GHD)),
            full((NHEAD, 2 * GHD)),
            full((NHEAD * GHD, GOD)),
            full((2, GOD)),
            full((GOD, INTENT)),
            full((1, INTENT)),
            full((GOD, SLOT)),
            full((1, SLOT)),
        ],
        out_specs=[
            batched((S, GOD)),
            batched((S, INTENT)),
            batched((S, SLOT)),
        ],
        out_shape=[
            jax.ShapeDtypeStruct((B, S, GOD), jnp.float32),
            jax.ShapeDtypeStruct((B, S, INTENT), jnp.float32),
            jax.ShapeDtypeStruct((B, S, SLOT), jnp.float32),
        ],
        scratch_shapes=[pltpu.VMEM((N, N), jnp.float32)],
        compiler_params=pltpu.CompilerParams(
            dimension_semantics=("arbitrary",)),
    )(idx16, hiddens, intent_embedding, slot_embedding,
      gat_W, gat_a, gat_Wout, aout2, intent_W, ib2, slot_W, sb2)

    return (hidden, hidden, intent_out, slot_out)

# --- scband reference (transcript-rebuilt; emitter-appended) ---
"""Pipeline reference for scband-refine-decoder-24799141167748 (READ-ONLY COPY).

The authoritative reference and input builder live on the scoring server;
editing this copy changes nothing except your own understanding.
"""

import jax, jax.numpy as jnp
import numpy as np

B = 8; S = 512; H = 128; INTENT = 128; SLOT = 512
GHD = 16; GOD = 128; NHEAD = 4; TOPK = 3; WINDOW = 2; ALPHA = 0.2
N = S + INTENT + SLOT


def setup_inputs(seed: int = 0):
    key = jax.random.key(seed)
    ks = jax.random.split(key, 16)
    inp = {}
    inp["hiddens"] = jax.random.normal(ks[0], (B, S, H), jnp.float32)
    inp["seq_lens"] = jax.random.randint(ks[1], (B,), 1, S + 1)
    inp["intent_pro"] = jax.random.normal(ks[2], (B, S, INTENT), jnp.float32)
    inp["slot_pro"] = jax.random.normal(ks[3], (B, S, SLOT), jnp.float32)
    inp["intent_embedding"] = jax.random.normal(ks[4], (INTENT, H), jnp.float32)
    inp["slot_embedding"] = jax.random.normal(ks[5], (SLOT, H), jnp.float32)
    sc = 1.0 / np.sqrt(H)
    inp["gat_W"] = jax.random.uniform(ks[6], (NHEAD, H, GHD), jnp.float32, -sc, sc)
    inp["gat_a"] = jax.random.uniform(ks[7], (NHEAD, 2 * GHD), jnp.float32, -sc, sc)
    sc2 = 1.0 / np.sqrt(NHEAD * GHD)
    inp["gat_Wout"] = jax.random.uniform(ks[8], (NHEAD * GHD, GOD), jnp.float32, -sc2, sc2)
    inp["gat_aout"] = jax.random.uniform(ks[9], (2 * GOD,), jnp.float32, -sc2, sc2)
    sc3 = 1.0 / np.sqrt(GOD)
    inp["intent_W"] = jax.random.uniform(ks[10], (GOD, INTENT), jnp.float32, -sc3, sc3)
    inp["intent_b"] = jnp.zeros((INTENT,), jnp.float32)
    inp["slot_W"] = jax.random.uniform(ks[11], (GOD, SLOT), jnp.float32, -sc3, sc3)
    inp["slot_b"] = jnp.zeros((SLOT,), jnp.float32)
    return inp


def _create_adj(intent_idx, slot_idx):
    adj = jnp.tile(jnp.eye(N, dtype=jnp.float32)[None], (B, 1, 1))
    b4 = jnp.arange(B)[:, None, None, None]
    rows = S + INTENT + slot_idx[:, :, :, None]
    cols = S + intent_idx[:, :, None, :]
    adj = adj.at[b4, rows, cols].set(1.0)
    adj = adj.at[b4, cols, rows].set(1.0)
    b3 = jnp.arange(B)[:, None, None]
    t = jnp.arange(S)[None, :, None]
    ic = S + intent_idx
    sc_ = S + INTENT + slot_idx
    adj = adj.at[b3, t, ic].set(1.0)
    adj = adj.at[b3, ic, t].set(1.0)
    adj = adj.at[b3, t, sc_].set(1.0)
    adj = adj.at[b3, sc_, t].set(1.0)
    r = jnp.arange(N)[:, None]
    c = jnp.arange(N)[None, :]
    band = (r < S) & (c >= r - WINDOW) & (c <= r + WINDOW)
    adj = jnp.where(band[None, :, :], 1.0, adj)
    rowsum = adj.sum(2)
    r_inv = jnp.where(rowsum > 0, 1.0 / rowsum, 0.0)
    return adj * r_inv[:, :, None]


def _gat_layer(x, adj, W, a):
    h = x @ W
    f = W.shape[1]
    a1 = h @ a[:f]
    a2 = h @ a[f:]
    e = jax.nn.leaky_relu(a1[:, :, None] + a2[:, None, :], ALPHA)
    att = jnp.where(adj > 0, e, -9e15)
    att = jax.nn.softmax(att, axis=-1)
    return att @ h


def _gat(x, adj, gat_W, gat_a, gat_Wout, gat_aout):
    heads = [jax.nn.elu(_gat_layer(x, adj, gat_W[i], gat_a[i])) for i in range(NHEAD)]
    hcat = jnp.concatenate(heads, axis=-1)
    return jax.nn.elu(_gat_layer(hcat, adj, gat_Wout, gat_aout))


def reference(hiddens, seq_lens, intent_pro, slot_pro, intent_embedding, slot_embedding, gat_W, gat_a, gat_Wout, gat_aout, intent_W, intent_b, slot_W, slot_b):
    _, intent_idx = jax.lax.top_k(intent_pro, TOPK)
    _, slot_idx = jax.lax.top_k(slot_pro, TOPK)
    Hcat = jnp.concatenate([
        hiddens,
        jnp.broadcast_to(intent_embedding[None], (B, INTENT, H)),
        jnp.broadcast_to(slot_embedding[None], (B, SLOT, H)),
    ], axis=1)
    adj = _create_adj(intent_idx, slot_idx)
    hidden = _gat(Hcat, adj, gat_W, gat_a, gat_Wout, gat_aout)[:, :S, :]
    # force_intent/force_slot are None -> adj_pos is built from the same topk
    # indices and is bitwise identical to adj, so pos_hidden == hidden.
    pos_hidden = hidden
    intent_out = hidden @ intent_W + intent_b
    slot_out = hidden @ slot_W + slot_b
    return (hidden, pos_hidden, intent_out, slot_out)

if __name__ == "__main__":
    import jax
    _d = setup_inputs()
    print(jax.jit(kernel)(*tuple(_d.values())))

</pallas_src>

<mosaic_0001>
#map = affine_map<(d0, d1) -> (0, 0)>
module attributes {stable_mosaic.version = 14 : i64} {
  func.func @_sc_topk(%arg0: i32, %arg1: i32, %arg2: memref<4096x128xf32, #tpu.memory_space<hbm>>, %arg3: memref<4096x512xf32, #tpu.memory_space<hbm>>, %arg4: memref<4096x16xi32, #tpu.memory_space<hbm>>, %arg5: memref<128x128xf32, #tpu.memory_space<vmem>>, %arg6: memref<128x512xf32, #tpu.memory_space<vmem>>, %arg7: memref<128x16xi32, #tpu.memory_space<vmem>>) attributes {dimension_semantics = [#tpu.dimension_semantics<core_parallel>, #tpu.dimension_semantics<subcore_parallel>], iteration_bounds = array<i64: 2, 16>, scalar_prefetch = 0 : i64, scratch_operands = 3 : i64, tpu.core_type = #tpu.core_type<sc_vector_subcore>, window_params = [{transform_indices = #map}, {transform_indices = #map}, {transform_indices = #map}]} {
    %mul3A = arith.constant 2 : i32
    %mul3A_0 = arith.muli %arg1, %mul3A : i32
    %add3A = arith.addi %mul3A_0, %arg0 : i32
    %mul3A_1 = arith.constant 128 : i32
    %mul3A_2 = arith.muli %add3A, %mul3A_1 : i32
    "tpu.region"() ({
      %run_scoped3A = tpu.sem_alloc : memref<!tpu.dma_semaphore, #tpu.memory_space<semaphore_mem>>
      %dma_start3A = arith.constant 0 : i32
      %dma_start3A_8 = tpu.memref_slice %arg2[%mul3A_2, %dma_start3A] : memref<4096x128xf32, #tpu.memory_space<hbm>> -> memref<128x128xf32, #tpu.memory_space<hbm>>
      %dma_start3A_9 = arith.constant 0 : i32
      %dma_start3A_10 = tpu.memref_slice %arg2[%mul3A_2, %dma_start3A_9] : memref<4096x128xf32, #tpu.memory_space<hbm>> -> memref<128x128xf32, #tpu.memory_space<hbm>>
      tpu.enqueue_dma source(%dma_start3A_10 : memref<128x128xf32, #tpu.memory_space<hbm>>) target(%arg5 : memref<128x128xf32, #tpu.memory_space<vmem>>) target_semaphore(%run_scoped3A : memref<!tpu.dma_semaphore, #tpu.memory_space<semaphore_mem>>)
      %dma_wait3A = arith.constant 0 : i32
      %dma_wait3A_11 = tpu.memref_slice %arg2[%mul3A_2, %dma_wait3A] : memref<4096x128xf32, #tpu.memory_space<hbm>> -> memref<128x128xf32, #tpu.memory_space<hbm>>
      %dma_wait3A_12 = arith.constant 0 : i32
      %dma_wait3A_13 = tpu.memref_slice %arg2[%mul3A_2, %dma_wait3A_12] : memref<4096x128xf32, #tpu.memory_space<hbm>> -> memref<128x128xf32, #tpu.memory_space<hbm>>
      tpu.wait_dma2 semaphore(%run_scoped3A : memref<!tpu.dma_semaphore, #tpu.memory_space<semaphore_mem>>) src(%dma_wait3A_13 : memref<128x128xf32, #tpu.memory_space<hbm>>) dst(%arg5 : memref<128x128xf32, #tpu.memory_space<vmem>>)
      tpu.yield
    }) : () -> ()
    "tpu.region"() ({
      %run_scoped3A = tpu.sem_alloc : memref<!tpu.dma_semaphore, #tpu.memory_space<semaphore_mem>>
      %dma_start3A = arith.constant 0 : i32
      %dma_start3A_8 = tpu.memref_slice %arg3[%mul3A_2, %dma_start3A] : memref<4096x512xf32, #tpu.memory_space<hbm>> -> memref<128x512xf32, #tpu.memory_space<hbm>>
      %dma_start3A_9 = arith.constant 0 : i32
      %dma_start3A_10 = tpu.memref_slice %arg3[%mul3A_2, %dma_start3A_9] : memref<4096x512xf32, #tpu.memory_space<hbm>> -> memref<128x512xf32, #tpu.memory_space<hbm>>
      tpu.enqueue_dma source(%dma_start3A_10 : memref<128x512xf32, #tpu.memory_space<hbm>>) target(%arg6 : memref<128x512xf32, #tpu.memory_space<vmem>>) target_semaphore(%run_scoped3A : memref<!tpu.dma_semaphore, #tpu.memory_space<semaphore_mem>>)
      %dma_wait3A = arith.constant 0 : i32
      %dma_wait3A_11 = tpu.memref_slice %arg3[%mul3A_2, %dma_wait3A] : memref<4096x512xf32, #tpu.memory_space<hbm>> -> memref<128x512xf32, #tpu.memory_space<hbm>>
      %dma_wait3A_12 = arith.constant 0 : i32
      %dma_wait3A_13 = tpu.memref_slice %arg3[%mul3A_2, %dma_wait3A_12] : memref<4096x512xf32, #tpu.memory_space<hbm>> -> memref<128x512xf32, #tpu.memory_space<hbm>>
      tpu.wait_dma2 semaphore(%run_scoped3A : memref<!tpu.dma_semaphore, #tpu.memory_space<semaphore_mem>>) src(%dma_wait3A_13 : memref<128x512xf32, #tpu.memory_space<hbm>>) dst(%arg6 : memref<128x512xf32, #tpu.memory_space<vmem>>)
      tpu.yield
    }) : () -> ()
    %iota3A = tpu.iota {dimensions = array<i32: 0>} : vector<16xi32>
    %scan3A = arith.constant 0 : i32
    %scan3A_3 = arith.constant 0 : i32
    %scan3A_4 = arith.constant 128 : i32
    %scan3A_5 = arith.addi %scan3A_3, %scan3A_4 : i32
    %scan3A_6 = arith.constant 1 : i32
    scf.for %scan3A_8 = %scan3A_3 to %scan3A_5 step %scan3A_6  : i32 {
      %broadcast_in_dim3A = arith.constant 0 : i32
      %broadcast_in_dim3A_9 = vector.broadcast %broadcast_in_dim3A : i32 to vector<16xi32>
      %get3A = arith.index_cast %scan3A_8 : i32 to index
      %get3A_10 = arith.constant 0 : index
      %get3A_11 = tpu.vector_load %arg5[%get3A, %get3A_10] {strides = array<i32>} : memref<128x128xf32, #tpu.memory_space<vmem>>, vector<1x16xf32>,
      %get3A_12 = vector.shape_cast %get3A_11 : vector<1x16xf32> to vector<16xf32>
      %get3A_13 = arith.index_cast %scan3A_8 : i32 to index
      %get3A_14 = arith.constant 16 : index
      %get3A_15 = tpu.vector_load %arg5[%get3A_13, %get3A_14] {strides = array<i32>} : memref<128x128xf32, #tpu.memory_space<vmem>>, vector<1x16xf32>,
      %get3A_16 = vector.shape_cast %get3A_15 : vector<1x16xf32> to vector<16xf32>
      %get3A_17 = arith.index_cast %scan3A_8 : i32 to index
      %get3A_18 = arith.constant 32 : index
      %get3A_19 = tpu.vector_load %arg5[%get3A_17, %get3A_18] {strides = array<i32>} : memref<128x128xf32, #tpu.memory_space<vmem>>, vector<1x16xf32>,
      %get3A_20 = vector.shape_cast %get3A_19 : vector<1x16xf32> to vector<16xf32>
      %get3A_21 = arith.index_cast %scan3A_8 : i32 to index
      %get3A_22 = arith.constant 48 : index
      %get3A_23 = tpu.vector_load %arg5[%get3A_21, %get3A_22] {strides = array<i32>} : memref<128x128xf32, #tpu.memory_space<vmem>>, vector<1x16xf32>,
      %get3A_24 = vector.shape_cast %get3A_23 : vector<1x16xf32> to vector<16xf32>
      %get3A_25 = arith.index_cast %scan3A_8 : i32 to index
      %get3A_26 = arith.constant 64 : index
      %get3A_27 = tpu.vector_load %arg5[%get3A_25, %get3A_26] {strides = array<i32>} : memref<128x128xf32, #tpu.memory_space<vmem>>, vector<1x16xf32>,
      %get3A_28 = vector.shape_cast %get3A_27 : vector<1x16xf32> to vector<16xf32>
      %get3A_29 = arith.index_cast %scan3A_8 : i32 to index
      %get3A_30 = arith.constant 80 : index
      %get3A_31 = tpu.vector_load %arg5[%get3A_29, %get3A_30] {strides = array<i32>} : memref<128x128xf32, #tpu.memory_space<vmem>>, vector<1x16xf32>,
      %get3A_32 = vector.shape_cast %get3A_31 : vector<1x16xf32> to vector<16xf32>
      %get3A_33 = arith.index_cast %scan3A_8 : i32 to index
      %get3A_34 = arith.constant 96 : index
      %get3A_35 = tpu.vector_load %arg5[%get3A_33, %get3A_34] {strides = array<i32>} : memref<128x128xf32, #tpu.memory_space<vmem>>, vector<1x16xf32>,
      %get3A_36 = vector.shape_cast %get3A_35 : vector<1x16xf32> to vector<16xf32>
      %get3A_37 = arith.index_cast %scan3A_8 : i32 to index
      %get3A_38 = arith.constant 112 : index
      %get3A_39 = tpu.vector_load %arg5[%get3A_37, %get3A_38] {strides = array<i32>} : memref<128x128xf32, #tpu.memory_space<vmem>>, vector<1x16xf32>,
      %get3A_40 = vector.shape_cast %get3A_39 : vector<1x16xf32> to vector<16xf32>
      %broadcast_in_dim3A_41 = arith.constant 0xFF800000 : f32
      %broadcast_in_dim3A_42 = vector.broadcast %broadcast_in_dim3A_41 : f32 to vector<16xf32>
      %broadcast_in_dim3A_43 = arith.constant 0 : i32
      %broadcast_in_dim3A_44 = vector.broadcast %broadcast_in_dim3A_43 : i32 to vector<16xi32>
      %gt3A = arith.cmpf ogt, %get3A_12, %broadcast_in_dim3A_42 : vector<16xf32>
      %jit3A = arith.constant 0 : i32
      %broadcast_in_dim3A_45 = vector.broadcast %jit3A : i32 to vector<16xi32>
      %select_n3A = arith.select %gt3A, %broadcast_in_dim3A_45, %broadcast_in_dim3A_44 : vector<16xi1>, vector<16xi32>
      %select_n3A_46 = arith.select %gt3A, %get3A_12, %broadcast_in_dim3A_42 : vector<16xi1>, vector<16xf32>
      %gt3A_47 = arith.cmpf ogt, %get3A_16, %select_n3A_46 : vector<16xf32>
      %jit3A_48 = arith.constant 1 : i32
      %broadcast_in_dim3A_49 = vector.broadcast %jit3A_48 : i32 to vector<16xi32>
      %select_n3A_50 = arith.select %gt3A_47, %broadcast_in_dim3A_49, %select_n3A : vector<16xi1>, vector<16xi32>
      %select_n3A_51 = arith.select %gt3A_47, %get3A_16, %select_n3A_46 : vector<16xi1>, vector<16xf32>
      %gt3A_52 = arith.cmpf ogt, %get3A_20, %select_n3A_51 : vector<16xf32>
      %jit3A_53 = arith.constant 2 : i32
      %broadcast_in_dim3A_54 = vector.broadcast %jit3A_53 : i32 to vector<16xi32>
      %select_n3A_55 = arith.select %gt3A_52, %broadcast_in_dim3A_54, %select_n3A_50 : vector<16xi1>, vector<16xi32>
      %select_n3A_56 = arith.select %gt3A_52, %get3A_20, %select_n3A_51 : vector<16xi1>, vector<16xf32>
      %gt3A_57 = arith.cmpf ogt, %get3A_24, %select_n3A_56 : vector<16xf32>
      %jit3A_58 = arith.constant 3 : i32
      %broadcast_in_dim3A_59 = vector.broadcast %jit3A_58 : i32 to vector<16xi32>
      %select_n3A_60 = arith.select %gt3A_57, %broadcast_in_dim3A_59, %select_n3A_55 : vector<16xi1>, vector<16xi32>
      %select_n3A_61 = arith.select %gt3A_57, %get3A_24, %select_n3A_56 : vector<16xi1>, vector<16xf32>
      %gt3A_62 = arith.cmpf ogt, %get3A_28, %select_n3A_61 : vector<16xf32>
      %jit3A_63 = arith.constant 4 : i32
      %broadcast_in_dim3A_64 = vector.broadcast %jit3A_63 : i32 to vector<16xi32>
      %select_n3A_65 = arith.select %gt3A_62, %broadcast_in_dim3A_64, %select_n3A_60 : vector<16xi1>, vector<16xi32>
      %select_n3A_66 = arith.select %gt3A_62, %get3A_28, %select_n3A_61 : vector<16xi1>, vector<16xf32>
      %gt3A_67 = arith.cmpf ogt, %get3A_32, %select_n3A_66 : vector<16xf32>
      %jit3A_68 = arith.constant 5 : i32
      %broadcast_in_dim3A_69 = vector.broadcast %jit3A_68 : i32 to vector<16xi32>
      %select_n3A_70 = arith.select %gt3A_67, %broadcast_in_dim3A_69, %select_n3A_65 : vector<16xi1>, vector<16xi32>
      %select_n3A_71 = arith.select %gt3A_67, %get3A_32, %select_n3A_66 : vector<16xi1>, vector<16xf32>
      %gt3A_72 = arith.cmpf ogt, %get3A_36, %select_n3A_71 : vector<16xf32>
      %jit3A_73 = arith.constant 6 : i32
      %broadcast_in_dim3A_74 = vector.broadcast %jit3A_73 : i32 to vector<16xi32>
      %select_n3A_75 = arith.select %gt3A_72, %broadcast_in_dim3A_74, %select_n3A_70 : vector<16xi1>, vector<16xi32>
      %select_n3A_76 = arith.select %gt3A_72, %get3A_36, %select_n3A_71 : vector<16xi1>, vector<16xf32>
      %gt3A_77 = arith.cmpf ogt, %get3A_40, %select_n3A_76 : vector<16xf32>
      %jit3A_78 = arith.constant 7 : i32
      %broadcast_in_dim3A_79 = vector.broadcast %jit3A_78 : i32 to vector<16xi32>
      %select_n3A_80 = arith.select %gt3A_77, %broadcast_in_dim3A_79, %select_n3A_75 : vector<16xi1>, vector<16xi32>
      %select_n3A_81 = arith.select %gt3A_77, %get3A_40, %select_n3A_76 : vector<16xi1>, vector<16xf32>
      %add3A_82 = arith.constant 8 : i32
      %add3A_83 = vector.broadcast %add3A_82 : i32 to vector<16xi32>
      %add3A_84 = arith.addi %iota3A, %add3A_83 : vector<16xi32>
      %and3A = arith.constant 15 : i32
      %and3A_85 = vector.broadcast %and3A : i32 to vector<16xi32>
      %and3A_86 = arith.andi %add3A_84, %and3A_85 : vector<16xi32>
      %lt3A = arith.constant 0 : i32
      %lt3A_87 = vector.broadcast %lt3A : i32 to vector<16xi32>
      %lt3A_88 = arith.cmpi slt, %and3A_86, %lt3A_87 : vector<16xi32>
      %add3A_89 = arith.constant 16 : i32
      %add3A_90 = vector.broadcast %add3A_89 : i32 to vector<16xi32>
      %add3A_91 = arith.addi %and3A_86, %add3A_90 : vector<16xi32>
      %select_n3A_92 = arith.select %lt3A_88, %add3A_91, %and3A_86 : vector<16xi1>, vector<16xi32>
      %broadcast_in_dim3A_93 = vector.shape_cast %select_n3A_92 : vector<16xi32> to vector<16x1xi32>
      %gather3A = vector.shape_cast %broadcast_in_dim3A_93 : vector<16x1xi32> to vector<16xi32>
      %gather3A_94 = tpu.dynamic_gather %select_n3A_81[%gather3A] in [0] : vector<16xf32>, vector<16xi32> -> vector<16xf32>
      %max3A = arith.maximumf %select_n3A_81, %gather3A_94 : vector<16xf32>
      %add3A_95 = arith.constant 4 : i32
      %add3A_96 = vector.broadcast %add3A_95 : i32 to vector<16xi32>
      %add3A_97 = arith.addi %iota3A, %add3A_96 : vector<16xi32>
      %and3A_98 = arith.constant 15 : i32
      %and3A_99 = vector.broadcast %and3A_98 : i32 to vector<16xi32>
      %and3A_100 = arith.andi %add3A_97, %and3A_99 : vector<16xi32>
      %lt3A_101 = arith.constant 0 : i32
      %lt3A_102 = vector.broadcast %lt3A_101 : i32 to vector<16xi32>
      %lt3A_103 = arith.cmpi slt, %and3A_100, %lt3A_102 : vector<16xi32>
      %add3A_104 = arith.constant 16 : i32
      %add3A_105 = vector.broadcast %add3A_104 : i32 to vector<16xi32>
      %add3A_106 = arith.addi %and3A_100, %add3A_105 : vector<16xi32>
      %select_n3A_107 = arith.select %lt3A_103, %add3A_106, %and3A_100 : vector<16xi1>, vector<16xi32>
      %broadcast_in_dim3A_108 = vector.shape_cast %select_n3A_107 : vector<16xi32> to vector<16x1xi32>
      %gather3A_109 = vector.shape_cast %broadcast_in_dim3A_108 : vector<16x1xi32> to vector<16xi32>
      %gather3A_110 = tpu.dynamic_gather %max3A[%gather3A_109] in [0] : vector<16xf32>, vector<16xi32> -> vector<16xf32>
      %max3A_111 = arith.maximumf %max3A, %gather3A_110 : vector<16xf32>
      %add3A_112 = arith.constant 2 : i32
      %add3A_113 = vector.broadcast %add3A_112 : i32 to vector<16xi32>
      %add3A_114 = arith.addi %iota3A, %add3A_113 : vector<16xi32>
      %and3A_115 = arith.constant 15 : i32
      %and3A_116 = vector.broadcast %and3A_115 : i32 to vector<16xi32>
      %and3A_117 = arith.andi %add3A_114, %and3A_116 : vector<16xi32>
      %lt3A_118 = arith.constant 0 : i32
      %lt3A_119 = vector.broadcast %lt3A_118 : i32 to vector<16xi32>
      %lt3A_120 = arith.cmpi slt, %and3A_117, %lt3A_119 : vector<16xi32>
      %add3A_121 = arith.constant 16 : i32
      %add3A_122 = vector.broadcast %add3A_121 : i32 to vector<16xi32>
      %add3A_123 = arith.addi %and3A_117, %add3A_122 : vector<16xi32>
      %select_n3A_124 = arith.select %lt3A_120, %add3A_123, %and3A_117 : vector<16xi1>, vector<16xi32>
      %broadcast_in_dim3A_125 = vector.shape_cast %select_n3A_124 : vector<16xi32> to vector<16x1xi32>
      %gather3A_126 = vector.shape_cast %broadcast_in_dim3A_125 : vector<16x1xi32> to vector<16xi32>
      %gather3A_127 = tpu.dynamic_gather %max3A_111[%gather3A_126] in [0] : vector<16xf32>, vector<16xi32> -> vector<16xf32>
      %max3A_128 = arith.maximumf %max3A_111, %gather3A_127 : vector<16xf32>
      %add3A_129 = arith.constant 1 : i32
      %add3A_130 = vector.broadcast %add3A_129 : i32 to vector<16xi32>
      %add3A_131 = arith.addi %iota3A, %add3A_130 : vector<16xi32>
      %and3A_132 = arith.constant 15 : i32
      %and3A_133 = vector.broadcast %and3A_132 : i32 to vector<16xi32>
      %and3A_134 = arith.andi %add3A_131, %and3A_133 : vector<16xi32>
      %lt3A_135 = arith.constant 0 : i32
      %lt3A_136 = vector.broadcast %lt3A_135 : i32 to vector<16xi32>
      %lt3A_137 = arith.cmpi slt, %and3A_134, %lt3A_136 : vector<16xi32>
      %add3A_138 = arith.constant 16 : i32
      %add3A_139 = vector.broadcast %add3A_138 : i32 to vector<16xi32>
      %add3A_140 = arith.addi %and3A_134, %add3A_139 : vector<16xi32>
      %select_n3A_141 = arith.select %lt3A_137, %add3A_140, %and3A_134 : vector<16xi1>, vector<16xi32>
      %broadcast_in_dim3A_142 = vector.shape_cast %select_n3A_141 : vector<16xi32> to vector<16x1xi32>
      %gather3A_143 = vector.shape_cast %broadcast_in_dim3A_142 : vector<16x1xi32> to vector<16xi32>
      %gather3A_144 = tpu.dynamic_gather %max3A_128[%gather3A_143] in [0] : vector<16xf32>, vector<16xi32> -> vector<16xf32>
      %max3A_145 = arith.maximumf %max3A_128, %gather3A_144 : vector<16xf32>
      %mul3A_146 = arith.constant 16 : i32
      %mul3A_147 = vector.broadcast %mul3A_146 : i32 to vector<16xi32>
      %mul3A_148 = arith.muli %select_n3A_80, %mul3A_147 : vector<16xi32>
      %add3A_149 = arith.addi %mul3A_148, %iota3A : vector<16xi32>
      %eq3A = arith.cmpf oeq, %select_n3A_81, %max3A_145 : vector<16xf32>
      %jit3A_150 = arith.constant 1048576 : i32
      %broadcast_in_dim3A_151 = vector.broadcast %jit3A_150 : i32 to vector<16xi32>
      %select_n3A_152 = arith.select %eq3A, %add3A_149, %broadcast_in_dim3A_151 : vector<16xi1>, vector<16xi32>
      %add3A_153 = arith.constant 8 : i32
      %add3A_154 = vector.broadcast %add3A_153 : i32 to vector<16xi32>
      %add3A_155 = arith.addi %iota3A, %add3A_154 : vector<16xi32>
      %and3A_156 = arith.constant 15 : i32
      %and3A_157 = vector.broadcast %and3A_156 : i32 to vector<16xi32>
      %and3A_158 = arith.andi %add3A_155, %and3A_157 : vector<16xi32>
      %lt3A_159 = arith.constant 0 : i32
      %lt3A_160 = vector.broadcast %lt3A_159 : i32 to vector<16xi32>
      %lt3A_161 = arith.cmpi slt, %and3A_158, %lt3A_160 : vector<16xi32>
      %add3A_162 = arith.constant 16 : i32
      %add3A_163 = vector.broadcast %add3A_162 : i32 to vector<16xi32>
      %add3A_164 = arith.addi %and3A_158, %add3A_163 : vector<16xi32>
      %select_n3A_165 = arith.select %lt3A_161, %add3A_164, %and3A_158 : vector<16xi1>, vector<16xi32>
      %broadcast_in_dim3A_166 = vector.shape_cast %select_n3A_165 : vector<16xi32> to vector<16x1xi32>
      %gather3A_167 = vector.shape_cast %broadcast_in_dim3A_166 : vector<16x1xi32> to vector<16xi32>
      %gather3A_168 = tpu.dynamic_gather %select_n3A_152[%gather3A_167] in [0] : vector<16xi32>, vector<16xi32> -> vector<16xi32>
      %min3A = arith.minsi %select_n3A_152, %gather3A_168 : vector<16xi32>
      %add3A_169 = arith.constant 4 : i32
      %add3A_170 = vector.broadcast %add3A_169 : i32 to vector<16xi32>
      %add3A_171 = arith.addi %iota3A, %add3A_170 : vector<16xi32>
      %and3A_172 = arith.constant 15 : i32
      %and3A_173 = vector.broadcast %and3A_172 : i32 to vector<16xi32>
      %and3A_174 = arith.andi %add3A_171, %and3A_173 : vector<16xi32>
      %lt3A_175 = arith.constant 0 : i32
      %lt3A_176 = vector.broadcast %lt3A_175 : i32 to vector<16xi32>
      %lt3A_177 = arith.cmpi slt, %and3A_174, %lt3A_176 : vector<16xi32>
      %add3A_178 = arith.constant 16 : i32
      %add3A_179 = vector.broadcast %add3A_178 : i32 to vector<16xi32>
      %add3A_180 = arith.addi %and3A_174, %add3A_179 : vector<16xi32>
      %select_n3A_181 = arith.select %lt3A_177, %add3A_180, %and3A_174 : vector<16xi1>, vector<16xi32>
      %broadcast_in_dim3A_182 = vector.shape_cast %select_n3A_181 : vector<16xi32> to vector<16x1xi32>
      %gather3A_183 = vector.shape_cast %broadcast_in_dim3A_182 : vector<16x1xi32> to vector<16xi32>
      %gather3A_184 = tpu.dynamic_gather %min3A[%gather3A_183] in [0] : vector<16xi32>, vector<16xi32> -> vector<16xi32>
      %min3A_185 = arith.minsi %min3A, %gather3A_184 : vector<16xi32>
      %add3A_186 = arith.constant 2 : i32
      %add3A_187 = vector.broadcast %add3A_186 : i32 to vector<16xi32>
      %add3A_188 = arith.addi %iota3A, %add3A_187 : vector<16xi32>
      %and3A_189 = arith.constant 15 : i32
      %and3A_190 = vector.broadcast %and3A_189 : i32 to vector<16xi32>
      %and3A_191 = arith.andi %add3A_188, %and3A_190 : vector<16xi32>
      %lt3A_192 = arith.constant 0 : i32
      %lt3A_193 = vector.broadcast %lt3A_192 : i32 to vector<16xi32>
      %lt3A_194 = arith.cmpi slt, %and3A_191, %lt3A_193 : vector<16xi32>
      %add3A_195 = arith.constant 16 : i32
      %add3A_196 = vector.broadcast %add3A_195 : i32 to vector<16xi32>
      %add3A_197 = arith.addi %and3A_191, %add3A_196 : vector<16xi32>
      %select_n3A_198 = arith.select %lt3A_194, %add3A_197, %and3A_191 : vector<16xi1>, vector<16xi32>
      %broadcast_in_dim3A_199 = vector.shape_cast %select_n3A_198 : vector<16xi32> to vector<16x1xi32>
      %gather3A_200 = vector.shape_cast %broadcast_in_dim3A_199 : vector<16x1xi32> to vector<16xi32>
      %gather3A_201 = tpu.dynamic_gather %min3A_185[%gather3A_200] in [0] : vector<16xi32>, vector<16xi32> -> vector<16xi32>
      %min3A_202 = arith.minsi %min3A_185, %gather3A_201 : vector<16xi32>
      %add3A_203 = arith.constant 1 : i32
      %add3A_204 = vector.broadcast %add3A_203 : i32 to vector<16xi32>
      %add3A_205 = arith.addi %iota3A, %add3A_204 : vector<16xi32>
      %and3A_206 = arith.constant 15 : i32
      %and3A_207 = vector.broadcast %and3A_206 : i32 to vector<16xi32>
      %and3A_208 = arith.andi %add3A_205, %and3A_207 : vector<16xi32>
      %lt3A_209 = arith.constant 0 : i32
      %lt3A_210 = vector.broadcast %lt3A_209 : i32 to vector<16xi32>
      %lt3A_211 = arith.cmpi slt, %and3A_208, %lt3A_210 : vector<16xi32>
      %add3A_212 = arith.constant 16 : i32
      %add3A_213 = vector.broadcast %add3A_212 : i32 to vector<16xi32>
      %add3A_214 = arith.addi %and3A_208, %add3A_213 : vector<16xi32>
      %select_n3A_215 = arith.select %lt3A_211, %add3A_214, %and3A_208 : vector<16xi1>, vector<16xi32>
      %broadcast_in_dim3A_216 = vector.shape_cast %select_n3A_215 : vector<16xi32> to vector<16x1xi32>
      %gather3A_217 = vector.shape_cast %broadcast_in_dim3A_216 : vector<16x1xi32> to vector<16xi32>
      %gather3A_218 = tpu.dynamic_gather %min3A_202[%gather3A_217] in [0] : vector<16xi32>, vector<16xi32> -> vector<16xi32>
      %min3A_219 = arith.minsi %min3A_202, %gather3A_218 : vector<16xi32>
      %eq3A_220 = arith.constant 0 : i32
      %eq3A_221 = vector.broadcast %eq3A_220 : i32 to vector<16xi32>
      %eq3A_222 = arith.cmpi eq, %iota3A, %eq3A_221 : vector<16xi32>
      %select_n3A_223 = arith.select %eq3A_222, %min3A_219, %broadcast_in_dim3A_9 : vector<16xi1>, vector<16xi32>
      %add3A_224 = arith.constant 0 : i32
      %add3A_225 = vector.broadcast %add3A_224 : i32 to vector<16xi32>
      %add3A_226 = arith.addi %iota3A, %add3A_225 : vector<16xi32>
      %eq3A_227 = arith.cmpi eq, %add3A_226, %min3A_219 : vector<16xi32>
      %jit3A_228 = arith.constant 0xFF800000 : f32
      %broadcast_in_dim3A_229 = vector.broadcast %jit3A_228 : f32 to vector<16xf32>
      %select_n3A_230 = arith.select %eq3A_227, %broadcast_in_dim3A_229, %get3A_12 : vector<16xi1>, vector<16xf32>
      %add3A_231 = arith.constant 16 : i32
      %add3A_232 = vector.broadcast %add3A_231 : i32 to vector<16xi32>
      %add3A_233 = arith.addi %iota3A, %add3A_232 : vector<16xi32>
      %eq3A_234 = arith.cmpi eq, %add3A_233, %min3A_219 : vector<16xi32>
      %jit3A_235 = arith.constant 0xFF800000 : f32
      %broadcast_in_dim3A_236 = vector.broadcast %jit3A_235 : f32 to vector<16xf32>
      %select_n3A_237 = arith.select %eq3A_234, %broadcast_in_dim3A_236, %get3A_16 : vector<16xi1>, vector<16xf32>
      %add3A_238 = arith.constant 32 : i32
      %add3A_239 = vector.broadcast %add3A_238 : i32 to vector<16xi32>
      %add3A_240 = arith.addi %iota3A, %add3A_239 : vector<16xi32>
      %eq3A_241 = arith.cmpi eq, %add3A_240, %min3A_219 : vector<16xi32>
      %jit3A_242 = arith.constant 0xFF800000 : f32
      %broadcast_in_dim3A_243 = vector.broadcast %jit3A_242 : f32 to vector<16xf32>
      %select_n3A_244 = arith.select %eq3A_241, %broadcast_in_dim3A_243, %get3A_20 : vector<16xi1>, vector<16xf32>
      %add3A_245 = arith.constant 48 : i32
      %add3A_246 = vector.broadcast %add3A_245 : i32 to vector<16xi32>
      %add3A_247 = arith.addi %iota3A, %add3A_246 : vector<16xi32>
      %eq3A_248 = arith.cmpi eq, %add3A_247, %min3A_219 : vector<16xi32>
      %jit3A_249 = arith.constant 0xFF800000 : f32
      %broadcast_in_dim3A_250 = vector.broadcast %jit3A_249 : f32 to vector<16xf32>
      %select_n3A_251 = arith.select %eq3A_248, %broadcast_in_dim3A_250, %get3A_24 : vector<16xi1>, vector<16xf32>
      %add3A_252 = arith.constant 64 : i32
      %add3A_253 = vector.broadcast %add3A_252 : i32 to vector<16xi32>
      %add3A_254 = arith.addi %iota3A, %add3A_253 : vector<16xi32>
      %eq3A_255 = arith.cmpi eq, %add3A_254, %min3A_219 : vector<16xi32>
      %jit3A_256 = arith.constant 0xFF800000 : f32
      %broadcast_in_dim3A_257 = vector.broadcast %jit3A_256 : f32 to vector<16xf32>
      %select_n3A_258 = arith.select %eq3A_255, %broadcast_in_dim3A_257, %get3A_28 : vector<16xi1>, vector<16xf32>
      %add3A_259 = arith.constant 80 : i32
      %add3A_260 = vector.broadcast %add3A_259 : i32 to vector<16xi32>
      %add3A_261 = arith.addi %iota3A, %add3A_260 : vector<16xi32>
      %eq3A_262 = arith.cmpi eq, %add3A_261, %min3A_219 : vector<16xi32>
      %jit3A_263 = arith.constant 0xFF800000 : f32
      %broadcast_in_dim3A_264 = vector.broadcast %jit3A_263 : f32 to vector<16xf32>
      %select_n3A_265 = arith.select %eq3A_262, %broadcast_in_dim3A_264, %get3A_32 : vector<16xi1>, vector<16xf32>
      %add3A_266 = arith.constant 96 : i32
      %add3A_267 = vector.broadcast %add3A_266 : i32 to vector<16xi32>
      %add3A_268 = arith.addi %iota3A, %add3A_267 : vector<16xi32>
      %eq3A_269 = arith.cmpi eq, %add3A_268, %min3A_219 : vector<16xi32>
      %jit3A_270 = arith.constant 0xFF800000 : f32
      %broadcast_in_dim3A_271 = vector.broadcast %jit3A_270 : f32 to vector<16xf32>
      %select_n3A_272 = arith.select %eq3A_269, %broadcast_in_dim3A_271, %get3A_36 : vector<16xi1>, vector<16xf32>
      %add3A_273 = arith.constant 112 : i32
      %add3A_274 = vector.broadcast %add3A_273 : i32 to vector<16xi32>
      %add3A_275 = arith.addi %iota3A, %add3A_274 : vector<16xi32>
      %eq3A_276 = arith.cmpi eq, %add3A_275, %min3A_219 : vector<16xi32>
      %jit3A_277 = arith.constant 0xFF800000 : f32
      %broadcast_in_dim3A_278 = vector.broadcast %jit3A_277 : f32 to vector<16xf32>
      %select_n3A_279 = arith.select %eq3A_276, %broadcast_in_dim3A_278, %get3A_40 : vector<16xi1>, vector<16xf32>
      %broadcast_in_dim3A_280 = arith.constant 0xFF800000 : f32
      %broadcast_in_dim3A_281 = vector.broadcast %broadcast_in_dim3A_280 : f32 to vector<16xf32>
      %broadcast_in_dim3A_282 = arith.constant 0 : i32
      %broadcast_in_dim3A_283 = vector.broadcast %broadcast_in_dim3A_282 : i32 to vector<16xi32>
      %gt3A_284 = arith.cmpf ogt, %select_n3A_230, %broadcast_in_dim3A_281 : vector<16xf32>
      %jit3A_285 = arith.constant 0 : i32
      %broadcast_in_dim3A_286 = vector.broadcast %jit3A_285 : i32 to vector<16xi32>
      %select_n3A_287 = arith.select %gt3A_284, %broadcast_in_dim3A_286, %broadcast_in_dim3A_283 : vector<16xi1>, vector<16xi32>
      %select_n3A_288 = arith.select %gt3A_284, %select_n3A_230, %broadcast_in_dim3A_281 : vector<16xi1>, vector<16xf32>
      %gt3A_289 = arith.cmpf ogt, %select_n3A_237, %select_n3A_288 : vector<16xf32>
      %jit3A_290 = arith.constant 1 : i32
      %broadcast_in_dim3A_291 = vector.broadcast %jit3A_290 : i32 to vector<16xi32>
      %select_n3A_292 = arith.select %gt3A_289, %broadcast_in_dim3A_291, %select_n3A_287 : vector<16xi1>, vector<16xi32>
      %select_n3A_293 = arith.select %gt3A_289, %select_n3A_237, %select_n3A_288 : vector<16xi1>, vector<16xf32>
      %gt3A_294 = arith.cmpf ogt, %select_n3A_244, %select_n3A_293 : vector<16xf32>
      %jit3A_295 = arith.constant 2 : i32
      %broadcast_in_dim3A_296 = vector.broadcast %jit3A_295 : i32 to vector<16xi32>
      %select_n3A_297 = arith.select %gt3A_294, %broadcast_in_dim3A_296, %select_n3A_292 : vector<16xi1>, vector<16xi32>
      %select_n3A_298 = arith.select %gt3A_294, %select_n3A_244, %select_n3A_293 : vector<16xi1>, vector<16xf32>
      %gt3A_299 = arith.cmpf ogt, %select_n3A_251, %select_n3A_298 : vector<16xf32>
      %jit3A_300 = arith.constant 3 : i32
      %broadcast_in_dim3A_301 = vector.broadcast %jit3A_300 : i32 to vector<16xi32>
      %select_n3A_302 = arith.select %gt3A_299, %broadcast_in_dim3A_301, %select_n3A_297 : vector<16xi1>, vector<16xi32>
      %select_n3A_303 = arith.select %gt3A_299, %select_n3A_251, %select_n3A_298 : vector<16xi1>, vector<16xf32>
      %gt3A_304 = arith.cmpf ogt, %select_n3A_258, %select_n3A_303 : vector<16xf32>
      %jit3A_305 = arith.constant 4 : i32
      %broadcast_in_dim3A_306 = vector.broadcast %jit3A_305 : i32 to vector<16xi32>
      %select_n3A_307 = arith.select %gt3A_304, %broadcast_in_dim3A_306, %select_n3A_302 : vector<16xi1>, vector<16xi32>
      %select_n3A_308 = arith.select %gt3A_304, %select_n3A_258, %select_n3A_303 : vector<16xi1>, vector<16xf32>
      %gt3A_309 = arith.cmpf ogt, %select_n3A_265, %select_n3A_308 : vector<16xf32>
      %jit3A_310 = arith.constant 5 : i32
      %broadcast_in_dim3A_311 = vector.broadcast %jit3A_310 : i32 to vector<16xi32>
      %select_n3A_312 = arith.select %gt3A_309, %broadcast_in_dim3A_311, %select_n3A_307 : vector<16xi1>, vector<16xi32>
      %select_n3A_313 = arith.select %gt3A_309, %select_n3A_265, %select_n3A_308 : vector<16xi1>, vector<16xf32>
      %gt3A_314 = arith.cmpf ogt, %select_n3A_272, %select_n3A_313 : vector<16xf32>
      %jit3A_315 = arith.constant 6 : i32
      %broadcast_in_dim3A_316 = vector.broadcast %jit3A_315 : i32 to vector<16xi32>
      %select_n3A_317 = arith.select %gt3A_314, %broadcast_in_dim3A_316, %select_n3A_312 : vector<16xi1>, vector<16xi32>
      %select_n3A_318 = arith.select %gt3A_314, %select_n3A_272, %select_n3A_313 : vector<16xi1>, vector<16xf32>
      %gt3A_319 = arith.cmpf ogt, %select_n3A_279, %select_n3A_318 : vector<16xf32>
      %jit3A_320 = arith.constant 7 : i32
      %broadcast_in_dim3A_321 = vector.broadcast %jit3A_320 : i32 to vector<16xi32>
      %select_n3A_322 = arith.select %gt3A_319, %broadcast_in_dim3A_321, %select_n3A_317 : vector<16xi1>, vector<16xi32>
      %select_n3A_323 = arith.select %gt3A_319, %select_n3A_279, %select_n3A_318 : vector<16xi1>, vector<16xf32>
      %add3A_324 = arith.constant 8 : i32
      %add3A_325 = vector.broadcast %add3A_324 : i32 to vector<16xi32>
      %add3A_326 = arith.addi %iota3A, %add3A_325 : vector<16xi32>
      %and3A_327 = arith.constant 15 : i32
      %and3A_328 = vector.broadcast %and3A_327 : i32 to vector<16xi32>
      %and3A_329 = arith.andi %add3A_326, %and3A_328 : vector<16xi32>
      %lt3A_330 = arith.constant 0 : i32
      %lt3A_331 = vector.broadcast %lt3A_330 : i32 to vector<16xi32>
      %lt3A_332 = arith.cmpi slt, %and3A_329, %lt3A_331 : vector<16xi32>
      %add3A_333 = arith.constant 16 : i32
      %add3A_334 = vector.broadcast %add3A_333 : i32 to vector<16xi32>
      %add3A_335 = arith.addi %and3A_329, %add3A_334 : vector<16xi32>
      %select_n3A_336 = arith.select %lt3A_332, %add3A_335, %and3A_329 : vector<16xi1>, vector<16xi32>
      %broadcast_in_dim3A_337 = vector.shape_cast %select_n3A_336 : vector<16xi32> to vector<16x1xi32>
      %gather3A_338 = vector.shape_cast %broadcast_in_dim3A_337 : vector<16x1xi32> to vector<16xi32>
      %gather3A_339 = tpu.dynamic_gather %select_n3A_323[%gather3A_338] in [0] : vector<16xf32>, vector<16xi32> -> vector<16xf32>
      %max3A_340 = arith.maximumf %select_n3A_323, %gather3A_339 : vector<16xf32>
      %add3A_341 = arith.constant 4 : i32
      %add3A_342 = vector.broadcast %add3A_341 : i32 to vector<16xi32>
      %add3A_343 = arith.addi %iota3A, %add3A_342 : vector<16xi32>
      %and3A_344 = arith.constant 15 : i32
      %and3A_345 = vector.broadcast %and3A_344 : i32 to vector<16xi32>
      %and3A_346 = arith.andi %add3A_343, %and3A_345 : vector<16xi32>
      %lt3A_347 = arith.constant 0 : i32
      %lt3A_348 = vector.broadcast %lt3A_347 : i32 to vector<16xi32>
      %lt3A_349 = arith.cmpi slt, %and3A_346, %lt3A_348 : vector<16xi32>
      %add3A_350 = arith.constant 16 : i32
      %add3A_351 = vector.broadcast %add3A_350 : i32 to vector<16xi32>
      %add3A_352 = arith.addi %and3A_346, %add3A_351 : vector<16xi32>
      %select_n3A_353 = arith.select %lt3A_349, %add3A_352, %and3A_346 : vector<16xi1>, vector<16xi32>
      %broadcast_in_dim3A_354 = vector.shape_cast %select_n3A_353 : vector<16xi32> to vector<16x1xi32>
      %gather3A_355 = vector.shape_cast %broadcast_in_dim3A_354 : vector<16x1xi32> to vector<16xi32>
      %gather3A_356 = tpu.dynamic_gather %max3A_340[%gather3A_355] in [0] : vector<16xf32>, vector<16xi32> -> vector<16xf32>
      %max3A_357 = arith.maximumf %max3A_340, %gather3A_356 : vector<16xf32>
      %add3A_358 = arith.constant 2 : i32
      %add3A_359 = vector.broadcast %add3A_358 : i32 to vector<16xi32>
      %add3A_360 = arith.addi %iota3A, %add3A_359 : vector<16xi32>
      %and3A_361 = arith.constant 15 : i32
      %and3A_362 = vector.broadcast %and3A_361 : i32 to vector<16xi32>
      %and3A_363 = arith.andi %add3A_360, %and3A_362 : vector<16xi32>
      %lt3A_364 = arith.constant 0 : i32
      %lt3A_365 = vector.broadcast %lt3A_364 : i32 to vector<16xi32>
      %lt3A_366 = arith.cmpi slt, %and3A_363, %lt3A_365 : vector<16xi32>
      %add3A_367 = arith.constant 16 : i32
      %add3A_368 = vector.broadcast %add3A_367 : i32 to vector<16xi32>
      %add3A_369 = arith.addi %and3A_363, %add3A_368 : vector<16xi32>
      %select_n3A_370 = arith.select %lt3A_366, %add3A_369, %and3A_363 : vector<16xi1>, vector<16xi32>
      %broadcast_in_dim3A_371 = vector.shape_cast %select_n3A_370 : vector<16xi32> to vector<16x1xi32>
      %gather3A_372 = vector.shape_cast %broadcast_in_dim3A_371 : vector<16x1xi32> to vector<16xi32>
      %gather3A_373 = tpu.dynamic_gather %max3A_357[%gather3A_372] in [0] : vector<16xf32>, vector<16xi32> -> vector<16xf32>
      %max3A_374 = arith.maximumf %max3A_357, %gather3A_373 : vector<16xf32>
      %add3A_375 = arith.constant 1 : i32
      %add3A_376 = vector.broadcast %add3A_375 : i32 to vector<16xi32>
      %add3A_377 = arith.addi %iota3A, %add3A_376 : vector<16xi32>
      %and3A_378 = arith.constant 15 : i32
      %and3A_379 = vector.broadcast %and3A_378 : i32 to vector<16xi32>
      %and3A_380 = arith.andi %add3A_377, %and3A_379 : vector<16xi32>
      %lt3A_381 = arith.constant 0 : i32
      %lt3A_382 = vector.broadcast %lt3A_381 : i32 to vector<16xi32>
      %lt3A_383 = arith.cmpi slt, %and3A_380, %lt3A_382 : vector<16xi32>
      %add3A_384 = arith.constant 16 : i32
      %add3A_385 = vector.broadcast %add3A_384 : i32 to vector<16xi32>
      %add3A_386 = arith.addi %and3A_380, %add3A_385 : vector<16xi32>
      %select_n3A_387 = arith.select %lt3A_383, %add3A_386, %and3A_380 : vector<16xi1>, vector<16xi32>
      %broadcast_in_dim3A_388 = vector.shape_cast %select_n3A_387 : vector<16xi32> to vector<16x1xi32>
      %gather3A_389 = vector.shape_cast %broadcast_in_dim3A_388 : vector<16x1xi32> to vector<16xi32>
      %gather3A_390 = tpu.dynamic_gather %max3A_374[%gather3A_389] in [0] : vector<16xf32>, vector<16xi32> -> vector<16xf32>
      %max3A_391 = arith.maximumf %max3A_374, %gather3A_390 : vector<16xf32>
      %mul3A_392 = arith.constant 16 : i32
      %mul3A_393 = vector.broadcast %mul3A_392 : i32 to vector<16xi32>
      %mul3A_394 = arith.muli %select_n3A_322, %mul3A_393 : vector<16xi32>
      %add3A_395 = arith.addi %mul3A_394, %iota3A : vector<16xi32>
      %eq3A_396 = arith.cmpf oeq, %select_n3A_323, %max3A_391 : vector<16xf32>
      %jit3A_397 = arith.constant 1048576 : i32
      %broadcast_in_dim3A_398 = vector.broadcast %jit3A_397 : i32 to vector<16xi32>
      %select_n3A_399 = arith.select %eq3A_396, %add3A_395, %broadcast_in_dim3A_398 : vector<16xi1>, vector<16xi32>
      %add3A_400 = arith.constant 8 : i32
      %add3A_401 = vector.broadcast %add3A_400 : i32 to vector<16xi32>
      %add3A_402 = arith.addi %iota3A, %add3A_401 : vector<16xi32>
      %and3A_403 = arith.constant 15 : i32
      %and3A_404 = vector.broadcast %and3A_403 : i32 to vector<16xi32>
      %and3A_405 = arith.andi %add3A_402, %and3A_404 : vector<16xi32>
      %lt3A_406 = arith.constant 0 : i32
      %lt3A_407 = vector.broadcast %lt3A_406 : i32 to vector<16xi32>
      %lt3A_408 = arith.cmpi slt, %and3A_405, %lt3A_407 : vector<16xi32>
      %add3A_409 = arith.constant 16 : i32
      %add3A_410 = vector.broadcast %add3A_409 : i32 to vector<16xi32>
      %add3A_411 = arith.addi %and3A_405, %add3A_410 : vector<16xi32>
      %select_n3A_412 = arith.select %lt3A_408, %add3A_411, %and3A_405 : vector<16xi1>, vector<16xi32>
      %broadcast_in_dim3A_413 = vector.shape_cast %select_n3A_412 : vector<16xi32> to vector<16x1xi32>
      %gather3A_414 = vector.shape_cast %broadcast_in_dim3A_413 : vector<16x1xi32> to vector<16xi32>
      %gather3A_415 = tpu.dynamic_gather %select_n3A_399[%gather3A_414] in [0] : vector<16xi32>, vector<16xi32> -> vector<16xi32>
      %min3A_416 = arith.minsi %select_n3A_399, %gather3A_415 : vector<16xi32>
      %add3A_417 = arith.constant 4 : i32
      %add3A_418 = vector.broadcast %add3A_417 : i32 to vector<16xi32>
      %add3A_419 = arith.addi %iota3A, %add3A_418 : vector<16xi32>
      %and3A_420 = arith.constant 15 : i32
      %and3A_421 = vector.broadcast %and3A_420 : i32 to vector<16xi32>
      %and3A_422 = arith.andi %add3A_419, %and3A_421 : vector<16xi32>
      %lt3A_423 = arith.constant 0 : i32
      %lt3A_424 = vector.broadcast %lt3A_423 : i32 to vector<16xi32>
      %lt3A_425 = arith.cmpi slt, %and3A_422, %lt3A_424 : vector<16xi32>
      %add3A_426 = arith.constant 16 : i32
      %add3A_427 = vector.broadcast %add3A_426 : i32 to vector<16xi32>
      %add3A_428 = arith.addi %and3A_422, %add3A_427 : vector<16xi32>
      %select_n3A_429 = arith.select %lt3A_425, %add3A_428, %and3A_422 : vector<16xi1>, vector<16xi32>
      %broadcast_in_dim3A_430 = vector.shape_cast %select_n3A_429 : vector<16xi32> to vector<16x1xi32>
      %gather3A_431 = vector.shape_cast %broadcast_in_dim3A_430 : vector<16x1xi32> to vector<16xi32>
      %gather3A_432 = tpu.dynamic_gather %min3A_416[%gather3A_431] in [0] : vector<16xi32>, vector<16xi32> -> vector<16xi32>
      %min3A_433 = arith.minsi %min3A_416, %gather3A_432 : vector<16xi32>
      %add3A_434 = arith.constant 2 : i32
      %add3A_435 = vector.broadcast %add3A_434 : i32 to vector<16xi32>
      %add3A_436 = arith.addi %iota3A, %add3A_435 : vector<16xi32>
      %and3A_437 = arith.constant 15 : i32
      %and3A_438 = vector.broadcast %and3A_437 : i32 to vector<16xi32>
      %and3A_439 = arith.andi %add3A_436, %and3A_438 : vector<16xi32>
      %lt3A_440 = arith.constant 0 : i32
      %lt3A_441 = vector.broadcast %lt3A_440 : i32 to vector<16xi32>
      %lt3A_442 = arith.cmpi slt, %and3A_439, %lt3A_441 : vector<16xi32>
      %add3A_443 = arith.constant 16 : i32
      %add3A_444 = vector.broadcast %add3A_443 : i32 to vector<16xi32>
      %add3A_445 = arith.addi %and3A_439, %add3A_444 : vector<16xi32>
      %select_n3A_446 = arith.select %lt3A_442, %add3A_445, %and3A_439 : vector<16xi1>, vector<16xi32>
      %broadcast_in_dim3A_447 = vector.shape_cast %select_n3A_446 : vector<16xi32> to vector<16x1xi32>
      %gather3A_448 = vector.shape_cast %broadcast_in_dim3A_447 : vector<16x1xi32> to vector<16xi32>
      %gather3A_449 = tpu.dynamic_gather %min3A_433[%gather3A_448] in [0] : vector<16xi32>, vector<16xi32> -> vector<16xi32>
      %min3A_450 = arith.minsi %min3A_433, %gather3A_449 : vector<16xi32>
      %add3A_451 = arith.constant 1 : i32
      %add3A_452 = vector.broadcast %add3A_451 : i32 to vector<16xi32>
      %add3A_453 = arith.addi %iota3A, %add3A_452 : vector<16xi32>
      %and3A_454 = arith.constant 15 : i32
      %and3A_455 = vector.broadcast %and3A_454 : i32 to vector<16xi32>
      %and3A_456 = arith.andi %add3A_453, %and3A_455 : vector<16xi32>
      %lt3A_457 = arith.constant 0 : i32
      %lt3A_458 = vector.broadcast %lt3A_457 : i32 to vector<16xi32>
      %lt3A_459 = arith.cmpi slt, %and3A_456, %lt3A_458 : vector<16xi32>
      %add3A_460 = arith.constant 16 : i32
      %add3A_461 = vector.broadcast %add3A_460 : i32 to vector<16xi32>
      %add3A_462 = arith.addi %and3A_456, %add3A_461 : vector<16xi32>
      %select_n3A_463 = arith.select %lt3A_459, %add3A_462, %and3A_456 : vector<16xi1>, vector<16xi32>
      %broadcast_in_dim3A_464 = vector.shape_cast %select_n3A_463 : vector<16xi32> to vector<16x1xi32>
      %gather3A_465 = vector.shape_cast %broadcast_in_dim3A_464 : vector<16x1xi32> to vector<16xi32>
      %gather3A_466 = tpu.dynamic_gather %min3A_450[%gather3A_465] in [0] : vector<16xi32>, vector<16xi32> -> vector<16xi32>
      %min3A_467 = arith.minsi %min3A_450, %gather3A_466 : vector<16xi32>
      %eq3A_468 = arith.constant 1 : i32
      %eq3A_469 = vector.broadcast %eq3A_468 : i32 to vector<16xi32>
      %eq3A_470 = arith.cmpi eq, %iota3A, %eq3A_469 : vector<16xi32>
      %select_n3A_471 = arith.select %eq3A_470, %min3A_467, %select_n3A_223 : vector<16xi1>, vector<16xi32>
      %add3A_472 = arith.constant 0 : i32
      %add3A_473 = vector.broadcast %add3A_472 : i32 to vector<16xi32>
      %add3A_474 = arith.addi %iota3A, %add3A_473 : vector<16xi32>
      %eq3A_475 = arith.cmpi eq, %add3A_474, %min3A_467 : vector<16xi32>
      %jit3A_476 = arith.constant 0xFF800000 : f32
      %broadcast_in_dim3A_477 = vector.broadcast %jit3A_476 : f32 to vector<16xf32>
      %select_n3A_478 = arith.select %eq3A_475, %broadcast_in_dim3A_477, %select_n3A_230 : vector<16xi1>, vector<16xf32>
      %add3A_479 = arith.constant 16 : i32
      %add3A_480 = vector.broadcast %add3A_479 : i32 to vector<16xi32>
      %add3A_481 = arith.addi %iota3A, %add3A_480 : vector<16xi32>
      %eq3A_482 = arith.cmpi eq, %add3A_481, %min3A_467 : vector<16xi32>
      %jit3A_483 = arith.constant 0xFF800000 : f32
      %broadcast_in_dim3A_484 = vector.broadcast %jit3A_483 : f32 to vector<16xf32>
      %select_n3A_485 = arith.select %eq3A_482, %broadcast_in_dim3A_484, %select_n3A_237 : vector<16xi1>, vector<16xf32>
      %add3A_486 = arith.constant 32 : i32
      %add3A_487 = vector.broadcast %add3A_486 : i32 to vector<16xi32>
      %add3A_488 = arith.addi %iota3A, %add3A_487 : vector<16xi32>
      %eq3A_489 = arith.cmpi eq, %add3A_488, %min3A_467 : vector<16xi32>
      %jit3A_490 = arith.constant 0xFF800000 : f32
      %broadcast_in_dim3A_491 = vector.broadcast %jit3A_490 : f32 to vector<16xf32>
      %select_n3A_492 = arith.select %eq3A_489, %broadcast_in_dim3A_491, %select_n3A_244 : vector<16xi1>, vector<16xf32>
      %add3A_493 = arith.constant 48 : i32
      %add3A_494 = vector.broadcast %add3A_493 : i32 to vector<16xi32>
      %add3A_495 = arith.addi %iota3A, %add3A_494 : vector<16xi32>
      %eq3A_496 = arith.cmpi eq, %add3A_495, %min3A_467 : vector<16xi32>
      %jit3A_497 = arith.constant 0xFF800000 : f32
      %broadcast_in_dim3A_498 = vector.broadcast %jit3A_497 : f32 to vector<16xf32>
      %select_n3A_499 = arith.select %eq3A_496, %broadcast_in_dim3A_498, %select_n3A_251 : vector<16xi1>, vector<16xf32>
      %add3A_500 = arith.constant 64 : i32
      %add3A_501 = vector.broadcast %add3A_500 : i32 to vector<16xi32>
      %add3A_502 = arith.addi %iota3A, %add3A_501 : vector<16xi32>
      %eq3A_503 = arith.cmpi eq, %add3A_502, %min3A_467 : vector<16xi32>
      %jit3A_504 = arith.constant 0xFF800000 : f32
      %broadcast_in_dim3A_505 = vector.broadcast %jit3A_504 : f32 to vector<16xf32>
      %select_n3A_506 = arith.select %eq3A_503, %broadcast_in_dim3A_505, %select_n3A_258 : vector<16xi1>, vector<16xf32>
      %add3A_507 = arith.constant 80 : i32
      %add3A_508 = vector.broadcast %add3A_507 : i32 to vector<16xi32>
      %add3A_509 = arith.addi %iota3A, %add3A_508 : vector<16xi32>
      %eq3A_510 = arith.cmpi eq, %add3A_509, %min3A_467 : vector<16xi32>
      %jit3A_511 = arith.constant 0xFF800000 : f32
      %broadcast_in_dim3A_512 = vector.broadcast %jit3A_511 : f32 to vector<16xf32>
      %select_n3A_513 = arith.select %eq3A_510, %broadcast_in_dim3A_512, %select_n3A_265 : vector<16xi1>, vector<16xf32>
      %add3A_514 = arith.constant 96 : i32
      %add3A_515 = vector.broadcast %add3A_514 : i32 to vector<16xi32>
      %add3A_516 = arith.addi %iota3A, %add3A_515 : vector<16xi32>
      %eq3A_517 = arith.cmpi eq, %add3A_516, %min3A_467 : vector<16xi32>
      %jit3A_518 = arith.constant 0xFF800000 : f32
      %broadcast_in_dim3A_519 = vector.broadcast %jit3A_518 : f32 to vector<16xf32>
      %select_n3A_520 = arith.select %eq3A_517, %broadcast_in_dim3A_519, %select_n3A_272 : vector<16xi1>, vector<16xf32>
      %add3A_521 = arith.constant 112 : i32
      %add3A_522 = vector.broadcast %add3A_521 : i32 to vector<16xi32>
      %add3A_523 = arith.addi %iota3A, %add3A_522 : vector<16xi32>
      %eq3A_524 = arith.cmpi eq, %add3A_523, %min3A_467 : vector<16xi32>
      %jit3A_525 = arith.constant 0xFF800000 : f32
      %broadcast_in_dim3A_526 = vector.broadcast %jit3A_525 : f32 to vector<16xf32>
      %select_n3A_527 = arith.select %eq3A_524, %broadcast_in_dim3A_526, %select_n3A_279 : vector<16xi1>, vector<16xf32>
      %broadcast_in_dim3A_528 = arith.constant 0xFF800000 : f32
      %broadcast_in_dim3A_529 = vector.broadcast %broadcast_in_dim3A_528 : f32 to vector<16xf32>
      %broadcast_in_dim3A_530 = arith.constant 0 : i32
      %broadcast_in_dim3A_531 = vector.broadcast %broadcast_in_dim3A_530 : i32 to vector<16xi32>
      %gt3A_532 = arith.cmpf ogt, %select_n3A_478, %broadcast_in_dim3A_529 : vector<16xf32>
      %jit3A_533 = arith.constant 0 : i32
      %broadcast_in_dim3A_534 = vector.broadcast %jit3A_533 : i32 to vector<16xi32>
      %select_n3A_535 = arith.select %gt3A_532, %broadcast_in_dim3A_534, %broadcast_in_dim3A_531 : vector<16xi1>, vector<16xi32>
      %select_n3A_536 = arith.select %gt3A_532, %select_n3A_478, %broadcast_in_dim3A_529 : vector<16xi1>, vector<16xf32>
      %gt3A_537 = arith.cmpf ogt, %select_n3A_485, %select_n3A_536 : vector<16xf32>
      %jit3A_538 = arith.constant 1 : i32
      %broadcast_in_dim3A_539 = vector.broadcast %jit3A_538 : i32 to vector<16xi32>
      %select_n3A_540 = arith.select %gt3A_537, %broadcast_in_dim3A_539, %select_n3A_535 : vector<16xi1>, vector<16xi32>
      %select_n3A_541 = arith.select %gt3A_537, %select_n3A_485, %select_n3A_536 : vector<16xi1>, vector<16xf32>
      %gt3A_542 = arith.cmpf ogt, %select_n3A_492, %select_n3A_541 : vector<16xf32>
      %jit3A_543 = arith.constant 2 : i32
      %broadcast_in_dim3A_544 = vector.broadcast %jit3A_543 : i32 to vector<16xi32>
      %select_n3A_545 = arith.select %gt3A_542, %broadcast_in_dim3A_544, %select_n3A_540 : vector<16xi1>, vector<16xi32>
      %select_n3A_546 = arith.select %gt3A_542, %select_n3A_492, %select_n3A_541 : vector<16xi1>, vector<16xf32>
      %gt3A_547 = arith.cmpf ogt, %select_n3A_499, %select_n3A_546 : vector<16xf32>
      %jit3A_548 = arith.constant 3 : i32
      %broadcast_in_dim3A_549 = vector.broadcast %jit3A_548 : i32 to vector<16xi32>
      %select_n3A_550 = arith.select %gt3A_547, %broadcast_in_dim3A_549, %select_n3A_545 : vector<16xi1>, vector<16xi32>
      %select_n3A_551 = arith.select %gt3A_547, %select_n3A_499, %select_n3A_546 : vector<16xi1>, vector<16xf32>
      %gt3A_552 = arith.cmpf ogt, %select_n3A_506, %select_n3A_551 : vector<16xf32>
      %jit3A_553 = arith.constant 4 : i32
      %broadcast_in_dim3A_554 = vector.broadcast %jit3A_553 : i32 to vector<16xi32>
      %select_n3A_555 = arith.select %gt3A_552, %broadcast_in_dim3A_554, %select_n3A_550 : vector<16xi1>, vector<16xi32>
      %select_n3A_556 = arith.select %gt3A_552, %select_n3A_506, %select_n3A_551 : vector<16xi1>, vector<16xf32>
      %gt3A_557 = arith.cmpf ogt, %select_n3A_513, %select_n3A_556 : vector<16xf32>
      %jit3A_558 = arith.constant 5 : i32
      %broadcast_in_dim3A_559 = vector.broadcast %jit3A_558 : i32 to vector<16xi32>
      %select_n3A_560 = arith.select %gt3A_557, %broadcast_in_dim3A_559, %select_n3A_555 : vector<16xi1>, vector<16xi32>
      %select_n3A_561 = arith.select %gt3A_557, %select_n3A_513, %select_n3A_556 : vector<16xi1>, vector<16xf32>
      %gt3A_562 = arith.cmpf ogt, %select_n3A_520, %select_n3A_561 : vector<16xf32>
      %jit3A_563 = arith.constant 6 : i32
      %broadcast_in_dim3A_564 = vector.broadcast %jit3A_563 : i32 to vector<16xi32>
      %select_n3A_565 = arith.select %gt3A_562, %broadcast_in_dim3A_564, %select_n3A_560 : vector<16xi1>, vector<16xi32>
      %select_n3A_566 = arith.select %gt3A_562, %select_n3A_520, %select_n3A_561 : vector<16xi1>, vector<16xf32>
      %gt3A_567 = arith.cmpf ogt, %select_n3A_527, %select_n3A_566 : vector<16xf32>
      %jit3A_568 = arith.constant 7 : i32
      %broadcast_in_dim3A_569 = vector.broadcast %jit3A_568 : i32 to vector<16xi32>
      %select_n3A_570 = arith.select %gt3A_567, %broadcast_in_dim3A_569, %select_n3A_565 : vector<16xi1>, vector<16xi32>
      %select_n3A_571 = arith.select %gt3A_567, %select_n3A_527, %select_n3A_566 : vector<16xi1>, vector<16xf32>
      %add3A_572 = arith.constant 8 : i32
      %add3A_573 = vector.broadcast %add3A_572 : i32 to vector<16xi32>
      %add3A_574 = arith.addi %iota3A, %add3A_573 : vector<16xi32>
      %and3A_575 = arith.constant 15 : i32
      %and3A_576 = vector.broadcast %and3A_575 : i32 to vector<16xi32>
      %and3A_577 = arith.andi %add3A_574, %and3A_576 : vector<16xi32>
      %lt3A_578 = arith.constant 0 : i32
      %lt3A_579 = vector.broadcast %lt3A_578 : i32 to vector<16xi32>
      %lt3A_580 = arith.cmpi slt, %and3A_577, %lt3A_579 : vector<16xi32>
      %add3A_581 = arith.constant 16 : i32
      %add3A_582 = vector.broadcast %add3A_581 : i32 to vector<16xi32>
      %add3A_583 = arith.addi %and3A_577, %add3A_582 : vector<16xi32>
      %select_n3A_584 = arith.select %lt3A_580, %add3A_583, %and3A_577 : vector<16xi1>, vector<16xi32>
      %broadcast_in_dim3A_585 = vector.shape_cast %select_n3A_584 : vector<16xi32> to vector<16x1xi32>
      %gather3A_586 = vector.shape_cast %broadcast_in_dim3A_585 : vector<16x1xi32> to vector<16xi32>
      %gather3A_587 = tpu.dynamic_gather %select_n3A_571[%gather3A_586] in [0] : vector<16xf32>, vector<16xi32> -> vector<16xf32>
      %max3A_588 = arith.maximumf %select_n3A_571, %gather3A_587 : vector<16xf32>
      %add3A_589 = arith.constant 4 : i32
      %add3A_590 = vector.broadcast %add3A_589 : i32 to vector<16xi32>
      %add3A_591 = arith.addi %iota3A, %add3A_590 : vector<16xi32>
      %and3A_592 = arith.constant 15 : i32
      %and3A_593 = vector.broadcast %and3A_592 : i32 to vector<16xi32>
      %and3A_594 = arith.andi %add3A_591, %and3A_593 : vector<16xi32>
      %lt3A_595 = arith.constant 0 : i32
      %lt3A_596 = vector.broadcast %lt3A_595 : i32 to vector<16xi32>
      %lt3A_597 = arith.cmpi slt, %and3A_594, %lt3A_596 : vector<16xi32>
      %add3A_598 = arith.constant 16 : i32
      %add3A_599 = vector.broadcast %add3A_598 : i32 to vector<16xi32>
      %add3A_600 = arith.addi %and3A_594, %add3A_599 : vector<16xi32>
      %select_n3A_601 = arith.select %lt3A_597, %add3A_600, %and3A_594 : vector<16xi1>, vector<16xi32>
      %broadcast_in_dim3A_602 = vector.shape_cast %select_n3A_601 : vector<16xi32> to vector<16x1xi32>
      %gather3A_603 = vector.shape_cast %broadcast_in_dim3A_602 : vector<16x1xi32> to vector<16xi32>
      %gather3A_604 = tpu.dynamic_gather %max3A_588[%gather3A_603] in [0] : vector<16xf32>, vector<16xi32> -> vector<16xf32>
      %max3A_605 = arith.maximumf %max3A_588, %gather3A_604 : vector<16xf32>
      %add3A_606 = arith.constant 2 : i32
      %add3A_607 = vector.broadcast %add3A_606 : i32 to vector<16xi32>
      %add3A_608 = arith.addi %iota3A, %add3A_607 : vector<16xi32>
      %and3A_609 = arith.constant 15 : i32
      %and3A_610 = vector.broadcast %and3A_609 : i32 to vector<16xi32>
      %and3A_611 = arith.andi %add3A_608, %and3A_610 : vector<16xi32>
      %lt3A_612 = arith.constant 0 : i32
      %lt3A_613 = vector.broadcast %lt3A_612 : i32 to vector<16xi32>
      %lt3A_614 = arith.cmpi slt, %and3A_611, %lt3A_613 : vector<16xi32>
      %add3A_615 = arith.constant 16 : i32
      %add3A_616 = vector.broadcast %add3A_615 : i32 to vector<16xi32>
      %add3A_617 = arith.addi %and3A_611, %add3A_616 : vector<16xi32>
      %select_n3A_618 = arith.select %lt3A_614, %add3A_617, %and3A_611 : vector<16xi1>, vector<16xi32>
      %broadcast_in_dim3A_619 = vector.shape_cast %select_n3A_618 : vector<16xi32> to vector<16x1xi32>
      %gather3A_620 = vector.shape_cast %broadcast_in_dim3A_619 : vector<16x1xi32> to vector<16xi32>
      %gather3A_621 = tpu.dynamic_gather %max3A_605[%gather3A_620] in [0] : vector<16xf32>, vector<16xi32> -> vector<16xf32>
      %max3A_622 = arith.maximumf %max3A_605, %gather3A_621 : vector<16xf32>
      %add3A_623 = arith.constant 1 : i32
      %add3A_624 = vector.broadcast %add3A_623 : i32 to vector<16xi32>
      %add3A_625 = arith.addi %iota3A, %add3A_624 : vector<16xi32>
      %and3A_626 = arith.constant 15 : i32
      %and3A_627 = vector.broadcast %and3A_626 : i32 to vector<16xi32>
      %and3A_628 = arith.andi %add3A_625, %and3A_627 : vector<16xi32>
      %lt3A_629 = arith.constant 0 : i32
      %lt3A_630 = vector.broadcast %lt3A_629 : i32 to vector<16xi32>
      %lt3A_631 = arith.cmpi slt, %and3A_628, %lt3A_630 : vector<16xi32>
      %add3A_632 = arith.constant 16 : i32
      %add3A_633 = vector.broadcast %add3A_632 : i32 to vector<16xi32>
      %add3A_634 = arith.addi %and3A_628, %add3A_633 : vector<16xi32>
      %select_n3A_635 = arith.select %lt3A_631, %add3A_634, %and3A_628 : vector<16xi1>, vector<16xi32>
      %broadcast_in_dim3A_636 = vector.shape_cast %select_n3A_635 : vector<16xi32> to vector<16x1xi32>
      %gather3A_637 = vector.shape_cast %broadcast_in_dim3A_636 : vector<16x1xi32> to vector<16xi32>
      %gather3A_638 = tpu.dynamic_gather %max3A_622[%gather3A_637] in [0] : vector<16xf32>, vector<16xi32> -> vector<16xf32>
      %max3A_639 = arith.maximumf %max3A_622, %gather3A_638 : vector<16xf32>
      %mul3A_640 = arith.constant 16 : i32
      %mul3A_641 = vector.broadcast %mul3A_640 : i32 to vector<16xi32>
      %mul3A_642 = arith.muli %select_n3A_570, %mul3A_641 : vector<16xi32>
      %add3A_643 = arith.addi %mul3A_642, %iota3A : vector<16xi32>
      %eq3A_644 = arith.cmpf oeq, %select_n3A_571, %max3A_639 : vector<16xf32>
      %jit3A_645 = arith.constant 1048576 : i32
      %broadcast_in_dim3A_646 = vector.broadcast %jit3A_645 : i32 to vector<16xi32>
      %select_n3A_647 = arith.select %eq3A_644, %add3A_643, %broadcast_in_dim3A_646 : vector<16xi1>, vector<16xi32>
      %add3A_648 = arith.constant 8 : i32
      %add3A_649 = vector.broadcast %add3A_648 : i32 to vector<16xi32>
      %add3A_650 = arith.addi %iota3A, %add3A_649 : vector<16xi32>
      %and3A_651 = arith.constant 15 : i32
      %and3A_652 = vector.broadcast %and3A_651 : i32 to vector<16xi32>
      %and3A_653 = arith.andi %add3A_650, %and3A_652 : vector<16xi32>
      %lt3A_654 = arith.constant 0 : i32
      %lt3A_655 = vector.broadcast %lt3A_654 : i32 to vector<16xi32>
      %lt3A_656 = arith.cmpi slt, %and3A_653, %lt3A_655 : vector<16xi32>
      %add3A_657 = arith.constant 16 : i32
      %add3A_658 = vector.broadcast %add3A_657 : i32 to vector<16xi32>
      %add3A_659 = arith.addi %and3A_653, %add3A_658 : vector<16xi32>
      %select_n3A_660 = arith.select %lt3A_656, %add3A_659, %and3A_653 : vector<16xi1>, vector<16xi32>
      %broadcast_in_dim3A_661 = vector.shape_cast %select_n3A_660 : vector<16xi32> to vector<16x1xi32>
      %gather3A_662 = vector.shape_cast %broadcast_in_dim3A_661 : vector<16x1xi32> to vector<16xi32>
      %gather3A_663 = tpu.dynamic_gather %select_n3A_647[%gather3A_662] in [0] : vector<16xi32>, vector<16xi32> -> vector<16xi32>
      %min3A_664 = arith.minsi %select_n3A_647, %gather3A_663 : vector<16xi32>
      %add3A_665 = arith.constant 4 : i32
      %add3A_666 = vector.broadcast %add3A_665 : i32 to vector<16xi32>
      %add3A_667 = arith.addi %iota3A, %add3A_666 : vector<16xi32>
      %and3A_668 = arith.constant 15 : i32
      %and3A_669 = vector.broadcast %and3A_668 : i32 to vector<16xi32>
      %and3A_670 = arith.andi %add3A_667, %and3A_669 : vector<16xi32>
      %lt3A_671 = arith.constant 0 : i32
      %lt3A_672 = vector.broadcast %lt3A_671 : i32 to vector<16xi32>
      %lt3A_673 = arith.cmpi slt, %and3A_670, %lt3A_672 : vector<16xi32>
      %add3A_674 = arith.constant 16 : i32
      %add3A_675 = vector.broadcast %add3A_674 : i32 to vector<16xi32>
      %add3A_676 = arith.addi %and3A_670, %add3A_675 : vector<16xi32>
      %select_n3A_677 = arith.select %lt3A_673, %add3A_676, %and3A_670 : vector<16xi1>, vector<16xi32>
      %broadcast_in_dim3A_678 = vector.shape_cast %select_n3A_677 : vector<16xi32> to vector<16x1xi32>
      %gather3A_679 = vector.shape_cast %broadcast_in_dim3A_678 : vector<16x1xi32> to vector<16xi32>
      %gather3A_680 = tpu.dynamic_gather %min3A_664[%gather3A_679] in [0] : vector<16xi32>, vector<16xi32> -> vector<16xi32>
      %min3A_681 = arith.minsi %min3A_664, %gather3A_680 : vector<16xi32>
      %add3A_682 = arith.constant 2 : i32
      %add3A_683 = vector.broadcast %add3A_682 : i32 to vector<16xi32>
      %add3A_684 = arith.addi %iota3A, %add3A_683 : vector<16xi32>
      %and3A_685 = arith.constant 15 : i32
      %and3A_686 = vector.broadcast %and3A_685 : i32 to vector<16xi32>
      %and3A_687 = arith.andi %add3A_684, %and3A_686 : vector<16xi32>
      %lt3A_688 = arith.constant 0 : i32
      %lt3A_689 = vector.broadcast %lt3A_688 : i32 to vector<16xi32>
      %lt3A_690 = arith.cmpi slt, %and3A_687, %lt3A_689 : vector<16xi32>
      %add3A_691 = arith.constant 16 : i32
      %add3A_692 = vector.broadcast %add3A_691 : i32 to vector<16xi32>
      %add3A_693 = arith.addi %and3A_687, %add3A_692 : vector<16xi32>
      %select_n3A_694 = arith.select %lt3A_690, %add3A_693, %and3A_687 : vector<16xi1>, vector<16xi32>
      %broadcast_in_dim3A_695 = vector.shape_cast %select_n3A_694 : vector<16xi32> to vector<16x1xi32>
      %gather3A_696 = vector.shape_cast %broadcast_in_dim3A_695 : vector<16x1xi32> to vector<16xi32>
      %gather3A_697 = tpu.dynamic_gather %min3A_681[%gather3A_696] in [0] : vector<16xi32>, vector<16xi32> -> vector<16xi32>
      %min3A_698 = arith.minsi %min3A_681, %gather3A_697 : vector<16xi32>
      %add3A_699 = arith.constant 1 : i32
      %add3A_700 = vector.broadcast %add3A_699 : i32 to vector<16xi32>
      %add3A_701 = arith.addi %iota3A, %add3A_700 : vector<16xi32>
      %and3A_702 = arith.constant 15 : i32
      %and3A_703 = vector.broadcast %and3A_702 : i32 to vector<16xi32>
      %and3A_704 = arith.andi %add3A_701, %and3A_703 : vector<16xi32>
      %lt3A_705 = arith.constant 0 : i32
      %lt3A_706 = vector.broadcast %lt3A_705 : i32 to vector<16xi32>
      %lt3A_707 = arith.cmpi slt, %and3A_704, %lt3A_706 : vector<16xi32>
      %add3A_708 = arith.constant 16 : i32
      %add3A_709 = vector.broadcast %add3A_708 : i32 to vector<16xi32>
      %add3A_710 = arith.addi %and3A_704, %add3A_709 : vector<16xi32>
      %select_n3A_711 = arith.select %lt3A_707, %add3A_710, %and3A_704 : vector<16xi1>, vector<16xi32>
      %broadcast_in_dim3A_712 = vector.shape_cast %select_n3A_711 : vector<16xi32> to vector<16x1xi32>
      %gather3A_713 = vector.shape_cast %broadcast_in_dim3A_712 : vector<16x1xi32> to vector<16xi32>
      %gather3A_714 = tpu.dynamic_gather %min3A_698[%gather3A_713] in [0] : vector<16xi32>, vector<16xi32> -> vector<16xi32>
      %min3A_715 = arith.minsi %min3A_698, %gather3A_714 : vector<16xi32>
      %eq3A_716 = arith.constant 2 : i32
      %eq3A_717 = vector.broadcast %eq3A_716 : i32 to vector<16xi32>
      %eq3A_718 = arith.cmpi eq, %iota3A, %eq3A_717 : vector<16xi32>
      %select_n3A_719 = arith.select %eq3A_718, %min3A_715, %select_n3A_471 : vector<16xi1>, vector<16xi32>
      %add3A_720 = arith.constant 0 : i32
      %add3A_721 = vector.broadcast %add3A_720 : i32 to vector<16xi32>
      %add3A_722 = arith.addi %iota3A, %add3A_721 : vector<16xi32>
      %eq3A_723 = arith.cmpi eq, %add3A_722, %min3A_715 : vector<16xi32>
      %jit3A_724 = arith.constant 0xFF800000 : f32
      %broadcast_in_dim3A_725 = vector.broadcast %jit3A_724 : f32 to vector<16xf32>
      %select_n3A_726 = arith.select %eq3A_723, %broadcast_in_dim3A_725, %select_n3A_478 : vector<16xi1>, vector<16xf32>
      %add3A_727 = arith.constant 16 : i32
      %add3A_728 = vector.broadcast %add3A_727 : i32 to vector<16xi32>
      %add3A_729 = arith.addi %iota3A, %add3A_728 : vector<16xi32>
      %eq3A_730 = arith.cmpi eq, %add3A_729, %min3A_715 : vector<16xi32>
      %jit3A_731 = arith.constant 0xFF800000 : f32
      %broadcast_in_dim3A_732 = vector.broadcast %jit3A_731 : f32 to vector<16xf32>
      %select_n3A_733 = arith.select %eq3A_730, %broadcast_in_dim3A_732, %select_n3A_485 : vector<16xi1>, vector<16xf32>
      %add3A_734 = arith.constant 32 : i32
      %add3A_735 = vector.broadcast %add3A_734 : i32 to vector<16xi32>
      %add3A_736 = arith.addi %iota3A, %add3A_735 : vector<16xi32>
      %eq3A_737 = arith.cmpi eq, %add3A_736, %min3A_715 : vector<16xi32>
      %jit3A_738 = arith.constant 0xFF800000 : f32
      %broadcast_in_dim3A_739 = vector.broadcast %jit3A_738 : f32 to vector<16xf32>
      %select_n3A_740 = arith.select %eq3A_737, %broadcast_in_dim3A_739, %select_n3A_492 : vector<16xi1>, vector<16xf32>
      %add3A_741 = arith.constant 48 : i32
      %add3A_742 = vector.broadcast %add3A_741 : i32 to vector<16xi32>
      %add3A_743 = arith.addi %iota3A, %add3A_742 : vector<16xi32>
      %eq3A_744 = arith.cmpi eq, %add3A_743, %min3A_715 : vector<16xi32>
      %jit3A_745 = arith.constant 0xFF800000 : f32
      %broadcast_in_dim3A_746 = vector.broadcast %jit3A_745 : f32 to vector<16xf32>
      %select_n3A_747 = arith.select %eq3A_744, %broadcast_in_dim3A_746, %select_n3A_499 : vector<16xi1>, vector<16xf32>
      %add3A_748 = arith.constant 64 : i32
      %add3A_749 = vector.broadcast %add3A_748 : i32 to vector<16xi32>
      %add3A_750 = arith.addi %iota3A, %add3A_749 : vector<16xi32>
      %eq3A_751 = arith.cmpi eq, %add3A_750, %min3A_715 : vector<16xi32>
      %jit3A_752 = arith.constant 0xFF800000 : f32
      %broadcast_in_dim3A_753 = vector.broadcast %jit3A_752 : f32 to vector<16xf32>
      %select_n3A_754 = arith.select %eq3A_751, %broadcast_in_dim3A_753, %select_n3A_506 : vector<16xi1>, vector<16xf32>
      %add3A_755 = arith.constant 80 : i32
      %add3A_756 = vector.broadcast %add3A_755 : i32 to vector<16xi32>
      %add3A_757 = arith.addi %iota3A, %add3A_756 : vector<16xi32>
      %eq3A_758 = arith.cmpi eq, %add3A_757, %min3A_715 : vector<16xi32>
      %jit3A_759 = arith.constant 0xFF800000 : f32
      %broadcast_in_dim3A_760 = vector.broadcast %jit3A_759 : f32 to vector<16xf32>
      %select_n3A_761 = arith.select %eq3A_758, %broadcast_in_dim3A_760, %select_n3A_513 : vector<16xi1>, vector<16xf32>
      %add3A_762 = arith.constant 96 : i32
      %add3A_763 = vector.broadcast %add3A_762 : i32 to vector<16xi32>
      %add3A_764 = arith.addi %iota3A, %add3A_763 : vector<16xi32>
      %eq3A_765 = arith.cmpi eq, %add3A_764, %min3A_715 : vector<16xi32>
      %jit3A_766 = arith.constant 0xFF800000 : f32
      %broadcast_in_dim3A_767 = vector.broadcast %jit3A_766 : f32 to vector<16xf32>
      %select_n3A_768 = arith.select %eq3A_765, %broadcast_in_dim3A_767, %select_n3A_520 : vector<16xi1>, vector<16xf32>
      %add3A_769 = arith.constant 112 : i32
      %add3A_770 = vector.broadcast %add3A_769 : i32 to vector<16xi32>
      %add3A_771 = arith.addi %iota3A, %add3A_770 : vector<16xi32>
      %eq3A_772 = arith.cmpi eq, %add3A_771, %min3A_715 : vector<16xi32>
      %jit3A_773 = arith.constant 0xFF800000 : f32
      %broadcast_in_dim3A_774 = vector.broadcast %jit3A_773 : f32 to vector<16xf32>
      %select_n3A_775 = arith.select %eq3A_772, %broadcast_in_dim3A_774, %select_n3A_527 : vector<16xi1>, vector<16xf32>
      %get3A_776 = arith.index_cast %scan3A_8 : i32 to index
      %get3A_777 = arith.constant 0 : index
      %get3A_778 = tpu.vector_load %arg6[%get3A_776, %get3A_777] {strides = array<i32>} : memref<128x512xf32, #tpu.memory_space<vmem>>, vector<1x16xf32>,
      %get3A_779 = vector.shape_cast %get3A_778 : vector<1x16xf32> to vector<16xf32>
      %get3A_780 = arith.index_cast %scan3A_8 : i32 to index
      %get3A_781 = arith.constant 16 : index
      %get3A_782 = tpu.vector_load %arg6[%get3A_780, %get3A_781] {strides = array<i32>} : memref<128x512xf32, #tpu.memory_space<vmem>>, vector<1x16xf32>,
      %get3A_783 = vector.shape_cast %get3A_782 : vector<1x16xf32> to vector<16xf32>
      %get3A_784 = arith.index_cast %scan3A_8 : i32 to index
      %get3A_785 = arith.constant 32 : index
      %get3A_786 = tpu.vector_load %arg6[%get3A_784, %get3A_785] {strides = array<i32>} : memref<128x512xf32, #tpu.memory_space<vmem>>, vector<1x16xf32>,
      %get3A_787 = vector.shape_cast %get3A_786 : vector<1x16xf32> to vector<16xf32>
      %get3A_788 = arith.index_cast %scan3A_8 : i32 to index
      %get3A_789 = arith.constant 48 : index
      %get3A_790 = tpu.vector_load %arg6[%get3A_788, %get3A_789] {strides = array<i32>} : memref<128x512xf32, #tpu.memory_space<vmem>>, vector<1x16xf32>,
      %get3A_791 = vector.shape_cast %get3A_790 : vector<1x16xf32> to vector<16xf32>
      %get3A_792 = arith.index_cast %scan3A_8 : i32 to index
      %get3A_793 = arith.constant 64 : index
      %get3A_794 = tpu.vector_load %arg6[%get3A_792, %get3A_793] {strides = array<i32>} : memref<128x512xf32, #tpu.memory_space<vmem>>, vector<1x16xf32>,
      %get3A_795 = vector.shape_cast %get3A_794 : vector<1x16xf32> to vector<16xf32>
      %get3A_796 = arith.index_cast %scan3A_8 : i32 to index
      %get3A_797 = arith.constant 80 : index
      %get3A_798 = tpu.vector_load %arg6[%get3A_796, %get3A_797] {strides = array<i32>} : memref<128x512xf32, #tpu.memory_space<vmem>>, vector<1x16xf32>,
      %get3A_799 = vector.shape_cast %get3A_798 : vector<1x16xf32> to vector<16xf32>
      %get3A_800 = arith.index_cast %scan3A_8 : i32 to index
      %get3A_801 = arith.constant 96 : index
      %get3A_802 = tpu.vector_load %arg6[%get3A_800, %get3A_801] {strides = array<i32>} : memref<128x512xf32, #tpu.memory_space<vmem>>, vector<1x16xf32>,
      %get3A_803 = vector.shape_cast %get3A_802 : vector<1x16xf32> to vector<16xf32>
      %get3A_804 = arith.index_cast %scan3A_8 : i32 to index
      %get3A_805 = arith.constant 112 : index
      %get3A_806 = tpu.vector_load %arg6[%get3A_804, %get3A_805] {strides = array<i32>} : memref<128x512xf32, #tpu.memory_space<vmem>>, vector<1x16xf32>,
      %get3A_807 = vector.shape_cast %get3A_806 : vector<1x16xf32> to vector<16xf32>
      %get3A_808 = arith.index_cast %scan3A_8 : i32 to index
      %get3A_809 = arith.constant 128 : index
      %get3A_810 = tpu.vector_load %arg6[%get3A_808, %get3A_809] {strides = array<i32>} : memref<128x512xf32, #tpu.memory_space<vmem>>, vector<1x16xf32>,
      %get3A_811 = vector.shape_cast %get3A_810 : vector<1x16xf32> to vector<16xf32>
      %get3A_812 = arith.index_cast %scan3A_8 : i32 to index
      %get3A_813 = arith.constant 144 : index
      %get3A_814 = tpu.vector_load %arg6[%get3A_812, %get3A_813] {strides = array<i32>} : memref<128x512xf32, #tpu.memory_space<vmem>>, vector<1x16xf32>,
      %get3A_815 = vector.shape_cast %get3A_814 : vector<1x16xf32> to vector<16xf32>
      %get3A_816 = arith.index_cast %scan3A_8 : i32 to index
      %get3A_817 = arith.constant 160 : index
      %get3A_818 = tpu.vector_load %arg6[%get3A_816, %get3A_817] {strides = array<i32>} : memref<128x512xf32, #tpu.memory_space<vmem>>, vector<1x16xf32>,
      %get3A_819 = vector.shape_cast %get3A_818 : vector<1x16xf32> to vector<16xf32>
      %get3A_820 = arith.index_cast %scan3A_8 : i32 to index
      %get3A_821 = arith.constant 176 : index
      %get3A_822 = tpu.vector_load %arg6[%get3A_820, %get3A_821] {strides = array<i32>} : memref<128x512xf32, #tpu.memory_space<vmem>>, vector<1x16xf32>,
      %get3A_823 = vector.shape_cast %get3A_822 : vector<1x16xf32> to vector<16xf32>
      %get3A_824 = arith.index_cast %scan3A_8 : i32 to index
      %get3A_825 = arith.constant 192 : index
      %get3A_826 = tpu.vector_load %arg6[%get3A_824, %get3A_825] {strides = array<i32>} : memref<128x512xf32, #tpu.memory_space<vmem>>, vector<1x16xf32>,
      %get3A_827 = vector.shape_cast %get3A_826 : vector<1x16xf32> to vector<16xf32>
      %get3A_828 = arith.index_cast %scan3A_8 : i32 to index
      %get3A_829 = arith.constant 208 : index
      %get3A_830 = tpu.vector_load %arg6[%get3A_828, %get3A_829] {strides = array<i32>} : memref<128x512xf32, #tpu.memory_space<vmem>>, vector<1x16xf32>,
      %get3A_831 = vector.shape_cast %get3A_830 : vector<1x16xf32> to vector<16xf32>
      %get3A_832 = arith.index_cast %scan3A_8 : i32 to index
      %get3A_833 = arith.constant 224 : index
      %get3A_834 = tpu.vector_load %arg6[%get3A_832, %get3A_833] {strides = array<i32>} : memref<128x512xf32, #tpu.memory_space<vmem>>, vector<1x16xf32>,
      %get3A_835 = vector.shape_cast %get3A_834 : vector<1x16xf32> to vector<16xf32>
      %get3A_836 = arith.index_cast %scan3A_8 : i32 to index
      %get3A_837 = arith.constant 240 : index
      %get3A_838 = tpu.vector_load %arg6[%get3A_836, %get3A_837] {strides = array<i32>} : memref<128x512xf32, #tpu.memory_space<vmem>>, vector<1x16xf32>,
      %get3A_839 = vector.shape_cast %get3A_838 : vector<1x16xf32> to vector<16xf32>
      %get3A_840 = arith.index_cast %scan3A_8 : i32 to index
      %get3A_841 = arith.constant 256 : index
      %get3A_842 = tpu.vector_load %arg6[%get3A_840, %get3A_841] {strides = array<i32>} : memref<128x512xf32, #tpu.memory_space<vmem>>, vector<1x16xf32>,
      %get3A_843 = vector.shape_cast %get3A_842 : vector<1x16xf32> to vector<16xf32>
      %get3A_844 = arith.index_cast %scan3A_8 : i32 to index
      %get3A_845 = arith.constant 272 : index
      %get3A_846 = tpu.vector_load %arg6[%get3A_844, %get3A_845] {strides = array<i32>} : memref<128x512xf32, #tpu.memory_space<vmem>>, vector<1x16xf32>,
      %get3A_847 = vector.shape_cast %get3A_846 : vector<1x16xf32> to vector<16xf32>
      %get3A_848 = arith.index_cast %scan3A_8 : i32 to index
      %get3A_849 = arith.constant 288 : index
      %get3A_850 = tpu.vector_load %arg6[%get3A_848, %get3A_849] {strides = array<i32>} : memref<128x512xf32, #tpu.memory_space<vmem>>, vector<1x16xf32>,
      %get3A_851 = vector.shape_cast %get3A_850 : vector<1x16xf32> to vector<16xf32>
      %get3A_852 = arith.index_cast %scan3A_8 : i32 to index
      %get3A_853 = arith.constant 304 : index
      %get3A_854 = tpu.vector_load %arg6[%get3A_852, %get3A_853] {strides = array<i32>} : memref<128x512xf32, #tpu.memory_space<vmem>>, vector<1x16xf32>,
      %get3A_855 = vector.shape_cast %get3A_854 : vector<1x16xf32> to vector<16xf32>
      %get3A_856 = arith.index_cast %scan3A_8 : i32 to index
      %get3A_857 = arith.constant 320 : index
      %get3A_858 = tpu.vector_load %arg6[%get3A_856, %get3A_857] {strides = array<i32>} : memref<128x512xf32, #tpu.memory_space<vmem>>, vector<1x16xf32>,
      %get3A_859 = vector.shape_cast %get3A_858 : vector<1x16xf32> to vector<16xf32>
      %get3A_860 = arith.index_cast %scan3A_8 : i32 to index
      %get3A_861 = arith.constant 336 : index
      %get3A_862 = tpu.vector_load %arg6[%get3A_860, %get3A_861] {strides = array<i32>} : memref<128x512xf32, #tpu.memory_space<vmem>>, vector<1x16xf32>,
      %get3A_863 = vector.shape_cast %get3A_862 : vector<1x16xf32> to vector<16xf32>
      %get3A_864 = arith.index_cast %scan3A_8 : i32 to index
      %get3A_865 = arith.constant 352 : index
      %get3A_866 = tpu.vector_load %arg6[%get3A_864, %get3A_865] {strides = array<i32>} : memref<128x512xf32, #tpu.memory_space<vmem>>, vector<1x16xf32>,
      %get3A_867 = vector.shape_cast %get3A_866 : vector<1x16xf32> to vector<16xf32>
      %get3A_868 = arith.index_cast %scan3A_8 : i32 to index
      %get3A_869 = arith.constant 368 : index
      %get3A_870 = tpu.vector_load %arg6[%get3A_868, %get3A_869] {strides = array<i32>} : memref<128x512xf32, #tpu.memory_space<vmem>>, vector<1x16xf32>,
      %get3A_871 = vector.shape_cast %get3A_870 : vector<1x16xf32> to vector<16xf32>
      %get3A_872 = arith.index_cast %scan3A_8 : i32 to index
      %get3A_873 = arith.constant 384 : index
      %get3A_874 = tpu.vector_load %arg6[%get3A_872, %get3A_873] {strides = array<i32>} : memref<128x512xf32, #tpu.memory_space<vmem>>, vector<1x16xf32>,
      %get3A_875 = vector.shape_cast %get3A_874 : vector<1x16xf32> to vector<16xf32>
      %get3A_876 = arith.index_cast %scan3A_8 : i32 to index
      %get3A_877 = arith.constant 400 : index
      %get3A_878 = tpu.vector_load %arg6[%get3A_876, %get3A_877] {strides = array<i32>} : memref<128x512xf32, #tpu.memory_space<vmem>>, vector<1x16xf32>,
      %get3A_879 = vector.shape_cast %get3A_878 : vector<1x16xf32> to vector<16xf32>
      %get3A_880 = arith.index_cast %scan3A_8 : i32 to index
      %get3A_881 = arith.constant 416 : index
      %get3A_882 = tpu.vector_load %arg6[%get3A_880, %get3A_881] {strides = array<i32>} : memref<128x512xf32, #tpu.memory_space<vmem>>, vector<1x16xf32>,
      %get3A_883 = vector.shape_cast %get3A_882 : vector<1x16xf32> to vector<16xf32>
      %get3A_884 = arith.index_cast %scan3A_8 : i32 to index
      %get3A_885 = arith.constant 432 : index
      %get3A_886 = tpu.vector_load %arg6[%get3A_884, %get3A_885] {strides = array<i32>} : memref<128x512xf32, #tpu.memory_space<vmem>>, vector<1x16xf32>,
      %get3A_887 = vector.shape_cast %get3A_886 : vector<1x16xf32> to vector<16xf32>
      %get3A_888 = arith.index_cast %scan3A_8 : i32 to index
      %get3A_889 = arith.constant 448 : index
      %get3A_890 = tpu.vector_load %arg6[%get3A_888, %get3A_889] {strides = array<i32>} : memref<128x512xf32, #tpu.memory_space<vmem>>, vector<1x16xf32>,
      %get3A_891 = vector.shape_cast %get3A_890 : vector<1x16xf32> to vector<16xf32>
      %get3A_892 = arith.index_cast %scan3A_8 : i32 to index
      %get3A_893 = arith.constant 464 : index
      %get3A_894 = tpu.vector_load %arg6[%get3A_892, %get3A_893] {strides = array<i32>} : memref<128x512xf32, #tpu.memory_space<vmem>>, vector<1x16xf32>,
      %get3A_895 = vector.shape_cast %get3A_894 : vector<1x16xf32> to vector<16xf32>
      %get3A_896 = arith.index_cast %scan3A_8 : i32 to index
      %get3A_897 = arith.constant 480 : index
      %get3A_898 = tpu.vector_load %arg6[%get3A_896, %get3A_897] {strides = array<i32>} : memref<128x512xf32, #tpu.memory_space<vmem>>, vector<1x16xf32>,
      %get3A_899 = vector.shape_cast %get3A_898 : vector<1x16xf32> to vector<16xf32>
      %get3A_900 = arith.index_cast %scan3A_8 : i32 to index
      %get3A_901 = arith.constant 496 : index
      %get3A_902 = tpu.vector_load %arg6[%get3A_900, %get3A_901] {strides = array<i32>} : memref<128x512xf32, #tpu.memory_space<vmem>>, vector<1x16xf32>,
      %get3A_903 = vector.shape_cast %get3A_902 : vector<1x16xf32> to vector<16xf32>
      %broadcast_in_dim3A_904 = arith.constant 0xFF800000 : f32
      %broadcast_in_dim3A_905 = vector.broadcast %broadcast_in_dim3A_904 : f32 to vector<16xf32>
      %broadcast_in_dim3A_906 = arith.constant 0 : i32
      %broadcast_in_dim3A_907 = vector.broadcast %broadcast_in_dim3A_906 : i32 to vector<16xi32>
      %gt3A_908 = arith.cmpf ogt, %get3A_779, %broadcast_in_dim3A_905 : vector<16xf32>
      %jit3A_909 = arith.constant 0 : i32
      %broadcast_in_dim3A_910 = vector.broadcast %jit3A_909 : i32 to vector<16xi32>
      %select_n3A_911 = arith.select %gt3A_908, %broadcast_in_dim3A_910, %broadcast_in_dim3A_907 : vector<16xi1>, vector<16xi32>
      %select_n3A_912 = arith.select %gt3A_908, %get3A_779, %broadcast_in_dim3A_905 : vector<16xi1>, vector<16xf32>
      %gt3A_913 = arith.cmpf ogt, %get3A_783, %select_n3A_912 : vector<16xf32>
      %jit3A_914 = arith.constant 1 : i32
      %broadcast_in_dim3A_915 = vector.broadcast %jit3A_914 : i32 to vector<16xi32>
      %select_n3A_916 = arith.select %gt3A_913, %broadcast_in_dim3A_915, %select_n3A_911 : vector<16xi1>, vector<16xi32>
      %select_n3A_917 = arith.select %gt3A_913, %get3A_783, %select_n3A_912 : vector<16xi1>, vector<16xf32>
      %gt3A_918 = arith.cmpf ogt, %get3A_787, %select_n3A_917 : vector<16xf32>
      %jit3A_919 = arith.constant 2 : i32
      %broadcast_in_dim3A_920 = vector.broadcast %jit3A_919 : i32 to vector<16xi32>
      %select_n3A_921 = arith.select %gt3A_918, %broadcast_in_dim3A_920, %select_n3A_916 : vector<16xi1>, vector<16xi32>
      %select_n3A_922 = arith.select %gt3A_918, %get3A_787, %select_n3A_917 : vector<16xi1>, vector<16xf32>
      %gt3A_923 = arith.cmpf ogt, %get3A_791, %select_n3A_922 : vector<16xf32>
      %jit3A_924 = arith.constant 3 : i32
      %broadcast_in_dim3A_925 = vector.broadcast %jit3A_924 : i32 to vector<16xi32>
      %select_n3A_926 = arith.select %gt3A_923, %broadcast_in_dim3A_925, %select_n3A_921 : vector<16xi1>, vector<16xi32>
      %select_n3A_927 = arith.select %gt3A_923, %get3A_791, %select_n3A_922 : vector<16xi1>, vector<16xf32>
      %gt3A_928 = arith.cmpf ogt, %get3A_795, %select_n3A_927 : vector<16xf32>
      %jit3A_929 = arith.constant 4 : i32
      %broadcast_in_dim3A_930 = vector.broadcast %jit3A_929 : i32 to vector<16xi32>
      %select_n3A_931 = arith.select %gt3A_928, %broadcast_in_dim3A_930, %select_n3A_926 : vector<16xi1>, vector<16xi32>
      %select_n3A_932 = arith.select %gt3A_928, %get3A_795, %select_n3A_927 : vector<16xi1>, vector<16xf32>
      %gt3A_933 = arith.cmpf ogt, %get3A_799, %select_n3A_932 : vector<16xf32>
      %jit3A_934 = arith.constant 5 : i32
      %broadcast_in_dim3A_935 = vector.broadcast %jit3A_934 : i32 to vector<16xi32>
      %select_n3A_936 = arith.select %gt3A_933, %broadcast_in_dim3A_935, %select_n3A_931 : vector<16xi1>, vector<16xi32>
      %select_n3A_937 = arith.select %gt3A_933, %get3A_799, %select_n3A_932 : vector<16xi1>, vector<16xf32>
      %gt3A_938 = arith.cmpf ogt, %get3A_803, %select_n3A_937 : vector<16xf32>
      %jit3A_939 = arith.constant 6 : i32
      %broadcast_in_dim3A_940 = vector.broadcast %jit3A_939 : i32 to vector<16xi32>
      %select_n3A_941 = arith.select %gt3A_938, %broadcast_in_dim3A_940, %select_n3A_936 : vector<16xi1>, vector<16xi32>
      %select_n3A_942 = arith.select %gt3A_938, %get3A_803, %select_n3A_937 : vector<16xi1>, vector<16xf32>
      %gt3A_943 = arith.cmpf ogt, %get3A_807, %select_n3A_942 : vector<16xf32>
      %jit3A_944 = arith.constant 7 : i32
      %broadcast_in_dim3A_945 = vector.broadcast %jit3A_944 : i32 to vector<16xi32>
      %select_n3A_946 = arith.select %gt3A_943, %broadcast_in_dim3A_945, %select_n3A_941 : vector<16xi1>, vector<16xi32>
      %select_n3A_947 = arith.select %gt3A_943, %get3A_807, %select_n3A_942 : vector<16xi1>, vector<16xf32>
      %gt3A_948 = arith.cmpf ogt, %get3A_811, %select_n3A_947 : vector<16xf32>
      %jit3A_949 = arith.constant 8 : i32
      %broadcast_in_dim3A_950 = vector.broadcast %jit3A_949 : i32 to vector<16xi32>
      %select_n3A_951 = arith.select %gt3A_948, %broadcast_in_dim3A_950, %select_n3A_946 : vector<16xi1>, vector<16xi32>
      %select_n3A_952 = arith.select %gt3A_948, %get3A_811, %select_n3A_947 : vector<16xi1>, vector<16xf32>
      %gt3A_953 = arith.cmpf ogt, %get3A_815, %select_n3A_952 : vector<16xf32>
      %jit3A_954 = arith.constant 9 : i32
      %broadcast_in_dim3A_955 = vector.broadcast %jit3A_954 : i32 to vector<16xi32>
      %select_n3A_956 = arith.select %gt3A_953, %broadcast_in_dim3A_955, %select_n3A_951 : vector<16xi1>, vector<16xi32>
      %select_n3A_957 = arith.select %gt3A_953, %get3A_815, %select_n3A_952 : vector<16xi1>, vector<16xf32>
      %gt3A_958 = arith.cmpf ogt, %get3A_819, %select_n3A_957 : vector<16xf32>
      %jit3A_959 = arith.constant 10 : i32
      %broadcast_in_dim3A_960 = vector.broadcast %jit3A_959 : i32 to vector<16xi32>
      %select_n3A_961 = arith.select %gt3A_958, %broadcast_in_dim3A_960, %select_n3A_956 : vector<16xi1>, vector<16xi32>
      %select_n3A_962 = arith.select %gt3A_958, %get3A_819, %select_n3A_957 : vector<16xi1>, vector<16xf32>
      %gt3A_963 = arith.cmpf ogt, %get3A_823, %select_n3A_962 : vector<16xf32>
      %jit3A_964 = arith.constant 11 : i32
      %broadcast_in_dim3A_965 = vector.broadcast %jit3A_964 : i32 to vector<16xi32>
      %select_n3A_966 = arith.select %gt3A_963, %broadcast_in_dim3A_965, %select_n3A_961 : vector<16xi1>, vector<16xi32>
      %select_n3A_967 = arith.select %gt3A_963, %get3A_823, %select_n3A_962 : vector<16xi1>, vector<16xf32>
      %gt3A_968 = arith.cmpf ogt, %get3A_827, %select_n3A_967 : vector<16xf32>
      %jit3A_969 = arith.constant 12 : i32
      %broadcast_in_dim3A_970 = vector.broadcast %jit3A_969 : i32 to vector<16xi32>
      %select_n3A_971 = arith.select %gt3A_968, %broadcast_in_dim3A_970, %select_n3A_966 : vector<16xi1>, vector<16xi32>
      %select_n3A_972 = arith.select %gt3A_968, %get3A_827, %select_n3A_967 : vector<16xi1>, vector<16xf32>
      %gt3A_973 = arith.cmpf ogt, %get3A_831, %select_n3A_972 : vector<16xf32>
      %jit3A_974 = arith.constant 13 : i32
      %broadcast_in_dim3A_975 = vector.broadcast %jit3A_974 : i32 to vector<16xi32>
      %select_n3A_976 = arith.select %gt3A_973, %broadcast_in_dim3A_975, %select_n3A_971 : vector<16xi1>, vector<16xi32>
      %select_n3A_977 = arith.select %gt3A_973, %get3A_831, %select_n3A_972 : vector<16xi1>, vector<16xf32>
      %gt3A_978 = arith.cmpf ogt, %get3A_835, %select_n3A_977 : vector<16xf32>
      %jit3A_979 = arith.constant 14 : i32
      %broadcast_in_dim3A_980 = vector.broadcast %jit3A_979 : i32 to vector<16xi32>
      %select_n3A_981 = arith.select %gt3A_978, %broadcast_in_dim3A_980, %select_n3A_976 : vector<16xi1>, vector<16xi32>
      %select_n3A_982 = arith.select %gt3A_978, %get3A_835, %select_n3A_977 : vector<16xi1>, vector<16xf32>
      %gt3A_983 = arith.cmpf ogt, %get3A_839, %select_n3A_982 : vector<16xf32>
      %jit3A_984 = arith.constant 15 : i32
      %broadcast_in_dim3A_985 = vector.broadcast %jit3A_984 : i32 to vector<16xi32>
      %select_n3A_986 = arith.select %gt3A_983, %broadcast_in_dim3A_985, %select_n3A_981 : vector<16xi1>, vector<16xi32>
      %select_n3A_987 = arith.select %gt3A_983, %get3A_839, %select_n3A_982 : vector<16xi1>, vector<16xf32>
      %gt3A_988 = arith.cmpf ogt, %get3A_843, %select_n3A_987 : vector<16xf32>
      %jit3A_989 = arith.constant 16 : i32
      %broadcast_in_dim3A_990 = vector.broadcast %jit3A_989 : i32 to vector<16xi32>
      %select_n3A_991 = arith.select %gt3A_988, %broadcast_in_dim3A_990, %select_n3A_986 : vector<16xi1>, vector<16xi32>
      %select_n3A_992 = arith.select %gt3A_988, %get3A_843, %select_n3A_987 : vector<16xi1>, vector<16xf32>
      %gt3A_993 = arith.cmpf ogt, %get3A_847, %select_n3A_992 : vector<16xf32>
      %jit3A_994 = arith.constant 17 : i32
      %broadcast_in_dim3A_995 = vector.broadcast %jit3A_994 : i32 to vector<16xi32>
      %select_n3A_996 = arith.select %gt3A_993, %broadcast_in_dim3A_995, %select_n3A_991 : vector<16xi1>, vector<16xi32>
      %select_n3A_997 = arith.select %gt3A_993, %get3A_847, %select_n3A_992 : vector<16xi1>, vector<16xf32>
      %gt3A_998 = arith.cmpf ogt, %get3A_851, %select_n3A_997 : vector<16xf32>
      %jit3A_999 = arith.constant 18 : i32
      %broadcast_in_dim3A_1000 = vector.broadcast %jit3A_999 : i32 to vector<16xi32>
      %select_n3A_1001 = arith.select %gt3A_998, %broadcast_in_dim3A_1000, %select_n3A_996 : vector<16xi1>, vector<16xi32>
      %select_n3A_1002 = arith.select %gt3A_998, %get3A_851, %select_n3A_997 : vector<16xi1>, vector<16xf32>
      %gt3A_1003 = arith.cmpf ogt, %get3A_855, %select_n3A_1002 : vector<16xf32>
      %jit3A_1004 = arith.constant 19 : i32
      %broadcast_in_dim3A_1005 = vector.broadcast %jit3A_1004 : i32 to vector<16xi32>
      %select_n3A_1006 = arith.select %gt3A_1003, %broadcast_in_dim3A_1005, %select_n3A_1001 : vector<16xi1>, vector<16xi32>
      %select_n3A_1007 = arith.select %gt3A_1003, %get3A_855, %select_n3A_1002 : vector<16xi1>, vector<16xf32>
      %gt3A_1008 = arith.cmpf ogt, %get3A_859, %select_n3A_1007 : vector<16xf32>
      %jit3A_1009 = arith.constant 20 : i32
      %broadcast_in_dim3A_1010 = vector.broadcast %jit3A_1009 : i32 to vector<16xi32>
      %select_n3A_1011 = arith.select %gt3A_1008, %broadcast_in_dim3A_1010, %select_n3A_1006 : vector<16xi1>, vector<16xi32>
      %select_n3A_1012 = arith.select %gt3A_1008, %get3A_859, %select_n3A_1007 : vector<16xi1>, vector<16xf32>
      %gt3A_1013 = arith.cmpf ogt, %get3A_863, %select_n3A_1012 : vector<16xf32>
      %jit3A_1014 = arith.constant 21 : i32
      %broadcast_in_dim3A_1015 = vector.broadcast %jit3A_1014 : i32 to vector<16xi32>
      %select_n3A_1016 = arith.select %gt3A_1013, %broadcast_in_dim3A_1015, %select_n3A_1011 : vector<16xi1>, vector<16xi32>
      %select_n3A_1017 = arith.select %gt3A_1013, %get3A_863, %select_n3A_1012 : vector<16xi1>, vector<16xf32>
      %gt3A_1018 = arith.cmpf ogt, %get3A_867, %select_n3A_1017 : vector<16xf32>
      %jit3A_1019 = arith.constant 22 : i32
      %broadcast_in_dim3A_1020 = vector.broadcast %jit3A_1019 : i32 to vector<16xi32>
      %select_n3A_1021 = arith.select %gt3A_1018, %broadcast_in_dim3A_1020, %select_n3A_1016 : vector<16xi1>, vector<16xi32>
      %select_n3A_1022 = arith.select %gt3A_1018, %get3A_867, %select_n3A_1017 : vector<16xi1>, vector<16xf32>
      %gt3A_1023 = arith.cmpf ogt, %get3A_871, %select_n3A_1022 : vector<16xf32>
      %jit3A_1024 = arith.constant 23 : i32
      %broadcast_in_dim3A_1025 = vector.broadcast %jit3A_1024 : i32 to vector<16xi32>
      %select_n3A_1026 = arith.select %gt3A_1023, %broadcast_in_dim3A_1025, %select_n3A_1021 : vector<16xi1>, vector<16xi32>
      %select_n3A_1027 = arith.select %gt3A_1023, %get3A_871, %select_n3A_1022 : vector<16xi1>, vector<16xf32>
      %gt3A_1028 = arith.cmpf ogt, %get3A_875, %select_n3A_1027 : vector<16xf32>
      %jit3A_1029 = arith.constant 24 : i32
      %broadcast_in_dim3A_1030 = vector.broadcast %jit3A_1029 : i32 to vector<16xi32>
      %select_n3A_1031 = arith.select %gt3A_1028, %broadcast_in_dim3A_1030, %select_n3A_1026 : vector<16xi1>, vector<16xi32>
      %select_n3A_1032 = arith.select %gt3A_1028, %get3A_875, %select_n3A_1027 : vector<16xi1>, vector<16xf32>
      %gt3A_1033 = arith.cmpf ogt, %get3A_879, %select_n3A_1032 : vector<16xf32>
      %jit3A_1034 = arith.constant 25 : i32
      %broadcast_in_dim3A_1035 = vector.broadcast %jit3A_1034 : i32 to vector<16xi32>
      %select_n3A_1036 = arith.select %gt3A_1033, %broadcast_in_dim3A_1035, %select_n3A_1031 : vector<16xi1>, vector<16xi32>
      %select_n3A_1037 = arith.select %gt3A_1033, %get3A_879, %select_n3A_1032 : vector<16xi1>, vector<16xf32>
      %gt3A_1038 = arith.cmpf ogt, %get3A_883, %select_n3A_1037 : vector<16xf32>
      %jit3A_1039 = arith.constant 26 : i32
      %broadcast_in_dim3A_1040 = vector.broadcast %jit3A_1039 : i32 to vector<16xi32>
      %select_n3A_1041 = arith.select %gt3A_1038, %broadcast_in_dim3A_1040, %select_n3A_1036 : vector<16xi1>, vector<16xi32>
      %select_n3A_1042 = arith.select %gt3A_1038, %get3A_883, %select_n3A_1037 : vector<16xi1>, vector<16xf32>
      %gt3A_1043 = arith.cmpf ogt, %get3A_887, %select_n3A_1042 : vector<16xf32>
      %jit3A_1044 = arith.constant 27 : i32
      %broadcast_in_dim3A_1045 = vector.broadcast %jit3A_1044 : i32 to vector<16xi32>
      %select_n3A_1046 = arith.select %gt3A_1043, %broadcast_in_dim3A_1045, %select_n3A_1041 : vector<16xi1>, vector<16xi32>
      %select_n3A_1047 = arith.select %gt3A_1043, %get3A_887, %select_n3A_1042 : vector<16xi1>, vector<16xf32>
      %gt3A_1048 = arith.cmpf ogt, %get3A_891, %select_n3A_1047 : vector<16xf32>
      %jit3A_1049 = arith.constant 28 : i32
      %broadcast_in_dim3A_1050 = vector.broadcast %jit3A_1049 : i32 to vector<16xi32>
      %select_n3A_1051 = arith.select %gt3A_1048, %broadcast_in_dim3A_1050, %select_n3A_1046 : vector<16xi1>, vector<16xi32>
      %select_n3A_1052 = arith.select %gt3A_1048, %get3A_891, %select_n3A_1047 : vector<16xi1>, vector<16xf32>
      %gt3A_1053 = arith.cmpf ogt, %get3A_895, %select_n3A_1052 : vector<16xf32>
      %jit3A_1054 = arith.constant 29 : i32
      %broadcast_in_dim3A_1055 = vector.broadcast %jit3A_1054 : i32 to vector<16xi32>
      %select_n3A_1056 = arith.select %gt3A_1053, %broadcast_in_dim3A_1055, %select_n3A_1051 : vector<16xi1>, vector<16xi32>
      %select_n3A_1057 = arith.select %gt3A_1053, %get3A_895, %select_n3A_1052 : vector<16xi1>, vector<16xf32>
      %gt3A_1058 = arith.cmpf ogt, %get3A_899, %select_n3A_1057 : vector<16xf32>
      %jit3A_1059 = arith.constant 30 : i32
      %broadcast_in_dim3A_1060 = vector.broadcast %jit3A_1059 : i32 to vector<16xi32>
      %select_n3A_1061 = arith.select %gt3A_1058, %broadcast_in_dim3A_1060, %select_n3A_1056 : vector<16xi1>, vector<16xi32>
      %select_n3A_1062 = arith.select %gt3A_1058, %get3A_899, %select_n3A_1057 : vector<16xi1>, vector<16xf32>
      %gt3A_1063 = arith.cmpf ogt, %get3A_903, %select_n3A_1062 : vector<16xf32>
      %jit3A_1064 = arith.constant 31 : i32
      %broadcast_in_dim3A_1065 = vector.broadcast %jit3A_1064 : i32 to vector<16xi32>
      %select_n3A_1066 = arith.select %gt3A_1063, %broadcast_in_dim3A_1065, %select_n3A_1061 : vector<16xi1>, vector<16xi32>
      %select_n3A_1067 = arith.select %gt3A_1063, %get3A_903, %select_n3A_1062 : vector<16xi1>, vector<16xf32>
      %add3A_1068 = arith.constant 8 : i32
      %add3A_1069 = vector.broadcast %add3A_1068 : i32 to vector<16xi32>
      %add3A_1070 = arith.addi %iota3A, %add3A_1069 : vector<16xi32>
      %and3A_1071 = arith.constant 15 : i32
      %and3A_1072 = vector.broadcast %and3A_1071 : i32 to vector<16xi32>
      %and3A_1073 = arith.andi %add3A_1070, %and3A_1072 : vector<16xi32>
      %lt3A_1074 = arith.constant 0 : i32
      %lt3A_1075 = vector.broadcast %lt3A_1074 : i32 to vector<16xi32>
      %lt3A_1076 = arith.cmpi slt, %and3A_1073, %lt3A_1075 : vector<16xi32>
      %add3A_1077 = arith.constant 16 : i32
      %add3A_1078 = vector.broadcast %add3A_1077 : i32 to vector<16xi32>
      %add3A_1079 = arith.addi %and3A_1073, %add3A_1078 : vector<16xi32>
      %select_n3A_1080 = arith.select %lt3A_1076, %add3A_1079, %and3A_1073 : vector<16xi1>, vector<16xi32>
      %broadcast_in_dim3A_1081 = vector.shape_cast %select_n3A_1080 : vector<16xi32> to vector<16x1xi32>
      %gather3A_1082 = vector.shape_cast %broadcast_in_dim3A_1081 : vector<16x1xi32> to vector<16xi32>
      %gather3A_1083 = tpu.dynamic_gather %select_n3A_1067[%gather3A_1082] in [0] : vector<16xf32>, vector<16xi32> -> vector<16xf32>
      %max3A_1084 = arith.maximumf %select_n3A_1067, %gather3A_1083 : vector<16xf32>
      %add3A_1085 = arith.constant 4 : i32
      %add3A_1086 = vector.broadcast %add3A_1085 : i32 to vector<16xi32>
      %add3A_1087 = arith.addi %iota3A, %add3A_1086 : vector<16xi32>
      %and3A_1088 = arith.constant 15 : i32
      %and3A_1089 = vector.broadcast %and3A_1088 : i32 to vector<16xi32>
      %and3A_1090 = arith.andi %add3A_1087, %and3A_1089 : vector<16xi32>
      %lt3A_1091 = arith.constant 0 : i32
      %lt3A_1092 = vector.broadcast %lt3A_1091 : i32 to vector<16xi32>
      %lt3A_1093 = arith.cmpi slt, %and3A_1090, %lt3A_1092 : vector<16xi32>
      %add3A_1094 = arith.constant 16 : i32
      %add3A_1095 = vector.broadcast %add3A_1094 : i32 to vector<16xi32>
      %add3A_1096 = arith.addi %and3A_1090, %add3A_1095 : vector<16xi32>
      %select_n3A_1097 = arith.select %lt3A_1093, %add3A_1096, %and3A_1090 : vector<16xi1>, vector<16xi32>
      %broadcast_in_dim3A_1098 = vector.shape_cast %select_n3A_1097 : vector<16xi32> to vector<16x1xi32>
      %gather3A_1099 = vector.shape_cast %broadcast_in_dim3A_1098 : vector<16x1xi32> to vector<16xi32>
      %gather3A_1100 = tpu.dynamic_gather %max3A_1084[%gather3A_1099] in [0] : vector<16xf32>, vector<16xi32> -> vector<16xf32>
      %max3A_1101 = arith.maximumf %max3A_1084, %gather3A_1100 : vector<16xf32>
      %add3A_1102 = arith.constant 2 : i32
      %add3A_1103 = vector.broadcast %add3A_1102 : i32 to vector<16xi32>
      %add3A_1104 = arith.addi %iota3A, %add3A_1103 : vector<16xi32>
      %and3A_1105 = arith.constant 15 : i32
      %and3A_1106 = vector.broadcast %and3A_1105 : i32 to vector<16xi32>
      %and3A_1107 = arith.andi %add3A_1104, %and3A_1106 : vector<16xi32>
      %lt3A_1108 = arith.constant 0 : i32
      %lt3A_1109 = vector.broadcast %lt3A_1108 : i32 to vector<16xi32>
      %lt3A_1110 = arith.cmpi slt, %and3A_1107, %lt3A_1109 : vector<16xi32>
      %add3A_1111 = arith.constant 16 : i32
      %add3A_1112 = vector.broadcast %add3A_1111 : i32 to vector<16xi32>
      %add3A_1113 = arith.addi %and3A_1107, %add3A_1112 : vector<16xi32>
      %select_n3A_1114 = arith.select %lt3A_1110, %add3A_1113, %and3A_1107 : vector<16xi1>, vector<16xi32>
      %broadcast_in_dim3A_1115 = vector.shape_cast %select_n3A_1114 : vector<16xi32> to vector<16x1xi32>
      %gather3A_1116 = vector.shape_cast %broadcast_in_dim3A_1115 : vector<16x1xi32> to vector<16xi32>
      %gather3A_1117 = tpu.dynamic_gather %max3A_1101[%gather3A_1116] in [0] : vector<16xf32>, vector<16xi32> -> vector<16xf32>
      %max3A_1118 = arith.maximumf %max3A_1101, %gather3A_1117 : vector<16xf32>
      %add3A_1119 = arith.constant 1 : i32
      %add3A_1120 = vector.broadcast %add3A_1119 : i32 to vector<16xi32>
      %add3A_1121 = arith.addi %iota3A, %add3A_1120 : vector<16xi32>
      %and3A_1122 = arith.constant 15 : i32
      %and3A_1123 = vector.broadcast %and3A_1122 : i32 to vector<16xi32>
      %and3A_1124 = arith.andi %add3A_1121, %and3A_1123 : vector<16xi32>
      %lt3A_1125 = arith.constant 0 : i32
      %lt3A_1126 = vector.broadcast %lt3A_1125 : i32 to vector<16xi32>
      %lt3A_1127 = arith.cmpi slt, %and3A_1124, %lt3A_1126 : vector<16xi32>
      %add3A_1128 = arith.constant 16 : i32
      %add3A_1129 = vector.broadcast %add3A_1128 : i32 to vector<16xi32>
      %add3A_1130 = arith.addi %and3A_1124, %add3A_1129 : vector<16xi32>
      %select_n3A_1131 = arith.select %lt3A_1127, %add3A_1130, %and3A_1124 : vector<16xi1>, vector<16xi32>
      %broadcast_in_dim3A_1132 = vector.shape_cast %select_n3A_1131 : vector<16xi32> to vector<16x1xi32>
      %gather3A_1133 = vector.shape_cast %broadcast_in_dim3A_1132 : vector<16x1xi32> to vector<16xi32>
      %gather3A_1134 = tpu.dynamic_gather %max3A_1118[%gather3A_1133] in [0] : vector<16xf32>, vector<16xi32> -> vector<16xf32>
      %max3A_1135 = arith.maximumf %max3A_1118, %gather3A_1134 : vector<16xf32>
      %mul3A_1136 = arith.constant 16 : i32
      %mul3A_1137 = vector.broadcast %mul3A_1136 : i32 to vector<16xi32>
      %mul3A_1138 = arith.muli %select_n3A_1066, %mul3A_1137 : vector<16xi32>
      %add3A_1139 = arith.addi %mul3A_1138, %iota3A : vector<16xi32>
      %eq3A_1140 = arith.cmpf oeq, %select_n3A_1067, %max3A_1135 : vector<16xf32>
      %jit3A_1141 = arith.constant 1048576 : i32
      %broadcast_in_dim3A_1142 = vector.broadcast %jit3A_1141 : i32 to vector<16xi32>
      %select_n3A_1143 = arith.select %eq3A_1140, %add3A_1139, %broadcast_in_dim3A_1142 : vector<16xi1>, vector<16xi32>
      %add3A_1144 = arith.constant 8 : i32
      %add3A_1145 = vector.broadcast %add3A_1144 : i32 to vector<16xi32>
      %add3A_1146 = arith.addi %iota3A, %add3A_1145 : vector<16xi32>
      %and3A_1147 = arith.constant 15 : i32
      %and3A_1148 = vector.broadcast %and3A_1147 : i32 to vector<16xi32>
      %and3A_1149 = arith.andi %add3A_1146, %and3A_1148 : vector<16xi32>
      %lt3A_1150 = arith.constant 0 : i32
      %lt3A_1151 = vector.broadcast %lt3A_1150 : i32 to vector<16xi32>
      %lt3A_1152 = arith.cmpi slt, %and3A_1149, %lt3A_1151 : vector<16xi32>
      %add3A_1153 = arith.constant 16 : i32
      %add3A_1154 = vector.broadcast %add3A_1153 : i32 to vector<16xi32>
      %add3A_1155 = arith.addi %and3A_1149, %add3A_1154 : vector<16xi32>
      %select_n3A_1156 = arith.select %lt3A_1152, %add3A_1155, %and3A_1149 : vector<16xi1>, vector<16xi32>
      %broadcast_in_dim3A_1157 = vector.shape_cast %select_n3A_1156 : vector<16xi32> to vector<16x1xi32>
      %gather3A_1158 = vector.shape_cast %broadcast_in_dim3A_1157 : vector<16x1xi32> to vector<16xi32>
      %gather3A_1159 = tpu.dynamic_gather %select_n3A_1143[%gather3A_1158] in [0] : vector<16xi32>, vector<16xi32> -> vector<16xi32>
      %min3A_1160 = arith.minsi %select_n3A_1143, %gather3A_1159 : vector<16xi32>
      %add3A_1161 = arith.constant 4 : i32
      %add3A_1162 = vector.broadcast %add3A_1161 : i32 to vector<16xi32>
      %add3A_1163 = arith.addi %iota3A, %add3A_1162 : vector<16xi32>
      %and3A_1164 = arith.constant 15 : i32
      %and3A_1165 = vector.broadcast %and3A_1164 : i32 to vector<16xi32>
      %and3A_1166 = arith.andi %add3A_1163, %and3A_1165 : vector<16xi32>
      %lt3A_1167 = arith.constant 0 : i32
      %lt3A_1168 = vector.broadcast %lt3A_1167 : i32 to vector<16xi32>
      %lt3A_1169 = arith.cmpi slt, %and3A_1166, %lt3A_1168 : vector<16xi32>
      %add3A_1170 = arith.constant 16 : i32
      %add3A_1171 = vector.broadcast %add3A_1170 : i32 to vector<16xi32>
      %add3A_1172 = arith.addi %and3A_1166, %add3A_1171 : vector<16xi32>
      %select_n3A_1173 = arith.select %lt3A_1169, %add3A_1172, %and3A_1166 : vector<16xi1>, vector<16xi32>
      %broadcast_in_dim3A_1174 = vector.shape_cast %select_n3A_1173 : vector<16xi32> to vector<16x1xi32>
      %gather3A_1175 = vector.shape_cast %broadcast_in_dim3A_1174 : vector<16x1xi32> to vector<16xi32>
      %gather3A_1176 = tpu.dynamic_gather %min3A_1160[%gather3A_1175] in [0] : vector<16xi32>, vector<16xi32> -> vector<16xi32>
      %min3A_1177 = arith.minsi %min3A_1160, %gather3A_1176 : vector<16xi32>
      %add3A_1178 = arith.constant 2 : i32
      %add3A_1179 = vector.broadcast %add3A_1178 : i32 to vector<16xi32>
      %add3A_1180 = arith.addi %iota3A, %add3A_1179 : vector<16xi32>
      %and3A_1181 = arith.constant 15 : i32
      %and3A_1182 = vector.broadcast %and3A_1181 : i32 to vector<16xi32>
      %and3A_1183 = arith.andi %add3A_1180, %and3A_1182 : vector<16xi32>
      %lt3A_1184 = arith.constant 0 : i32
      %lt3A_1185 = vector.broadcast %lt3A_1184 : i32 to vector<16xi32>
      %lt3A_1186 = arith.cmpi slt, %and3A_1183, %lt3A_1185 : vector<16xi32>
      %add3A_1187 = arith.constant 16 : i32
      %add3A_1188 = vector.broadcast %add3A_1187 : i32 to vector<16xi32>
      %add3A_1189 = arith.addi %and3A_1183, %add3A_1188 : vector<16xi32>
      %select_n3A_1190 = arith.select %lt3A_1186, %add3A_1189, %and3A_1183 : vector<16xi1>, vector<16xi32>
      %broadcast_in_dim3A_1191 = vector.shape_cast %select_n3A_1190 : vector<16xi32> to vector<16x1xi32>
      %gather3A_1192 = vector.shape_cast %broadcast_in_dim3A_1191 : vector<16x1xi32> to vector<16xi32>
      %gather3A_1193 = tpu.dynamic_gather %min3A_1177[%gather3A_1192] in [0] : vector<16xi32>, vector<16xi32> -> vector<16xi32>
      %min3A_1194 = arith.minsi %min3A_1177, %gather3A_1193 : vector<16xi32>
      %add3A_1195 = arith.constant 1 : i32
      %add3A_1196 = vector.broadcast %add3A_1195 : i32 to vector<16xi32>
      %add3A_1197 = arith.addi %iota3A, %add3A_1196 : vector<16xi32>
      %and3A_1198 = arith.constant 15 : i32
      %and3A_1199 = vector.broadcast %and3A_1198 : i32 to vector<16xi32>
      %and3A_1200 = arith.andi %add3A_1197, %and3A_1199 : vector<16xi32>
      %lt3A_1201 = arith.constant 0 : i32
      %lt3A_1202 = vector.broadcast %lt3A_1201 : i32 to vector<16xi32>
      %lt3A_1203 = arith.cmpi slt, %and3A_1200, %lt3A_1202 : vector<16xi32>
      %add3A_1204 = arith.constant 16 : i32
      %add3A_1205 = vector.broadcast %add3A_1204 : i32 to vector<16xi32>
      %add3A_1206 = arith.addi %and3A_1200, %add3A_1205 : vector<16xi32>
      %select_n3A_1207 = arith.select %lt3A_1203, %add3A_1206, %and3A_1200 : vector<16xi1>, vector<16xi32>
      %broadcast_in_dim3A_1208 = vector.shape_cast %select_n3A_1207 : vector<16xi32> to vector<16x1xi32>
      %gather3A_1209 = vector.shape_cast %broadcast_in_dim3A_1208 : vector<16x1xi32> to vector<16xi32>
      %gather3A_1210 = tpu.dynamic_gather %min3A_1194[%gather3A_1209] in [0] : vector<16xi32>, vector<16xi32> -> vector<16xi32>
      %min3A_1211 = arith.minsi %min3A_1194, %gather3A_1210 : vector<16xi32>
      %eq3A_1212 = arith.constant 3 : i32
      %eq3A_1213 = vector.broadcast %eq3A_1212 : i32 to vector<16xi32>
      %eq3A_1214 = arith.cmpi eq, %iota3A, %eq3A_1213 : vector<16xi32>
      %select_n3A_1215 = arith.select %eq3A_1214, %min3A_1211, %select_n3A_719 : vector<16xi1>, vector<16xi32>
      %add3A_1216 = arith.constant 0 : i32
      %add3A_1217 = vector.broadcast %add3A_1216 : i32 to vector<16xi32>
      %add3A_1218 = arith.addi %iota3A, %add3A_1217 : vector<16xi32>
      %eq3A_1219 = arith.cmpi eq, %add3A_1218, %min3A_1211 : vector<16xi32>
      %jit3A_1220 = arith.constant 0xFF800000 : f32
      %broadcast_in_dim3A_1221 = vector.broadcast %jit3A_1220 : f32 to vector<16xf32>
      %select_n3A_1222 = arith.select %eq3A_1219, %broadcast_in_dim3A_1221, %get3A_779 : vector<16xi1>, vector<16xf32>
      %add3A_1223 = arith.constant 16 : i32
      %add3A_1224 = vector.broadcast %add3A_1223 : i32 to vector<16xi32>
      %add3A_1225 = arith.addi %iota3A, %add3A_1224 : vector<16xi32>
      %eq3A_1226 = arith.cmpi eq, %add3A_1225, %min3A_1211 : vector<16xi32>
      %jit3A_1227 = arith.constant 0xFF800000 : f32
      %broadcast_in_dim3A_1228 = vector.broadcast %jit3A_1227 : f32 to vector<16xf32>
      %select_n3A_1229 = arith.select %eq3A_1226, %broadcast_in_dim3A_1228, %get3A_783 : vector<16xi1>, vector<16xf32>
      %add3A_1230 = arith.constant 32 : i32
      %add3A_1231 = vector.broadcast %add3A_1230 : i32 to vector<16xi32>
      %add3A_1232 = arith.addi %iota3A, %add3A_1231 : vector<16xi32>
      %eq3A_1233 = arith.cmpi eq, %add3A_1232, %min3A_1211 : vector<16xi32>
      %jit3A_1234 = arith.constant 0xFF800000 : f32
      %broadcast_in_dim3A_1235 = vector.broadcast %jit3A_1234 : f32 to vector<16xf32>
      %select_n3A_1236 = arith.select %eq3A_1233, %broadcast_in_dim3A_1235, %get3A_787 : vector<16xi1>, vector<16xf32>
      %add3A_1237 = arith.constant 48 : i32
      %add3A_1238 = vector.broadcast %add3A_1237 : i32 to vector<16xi32>
      %add3A_1239 = arith.addi %iota3A, %add3A_1238 : vector<16xi32>
      %eq3A_1240 = arith.cmpi eq, %add3A_1239, %min3A_1211 : vector<16xi32>
      %jit3A_1241 = arith.constant 0xFF800000 : f32
      %broadcast_in_dim3A_1242 = vector.broadcast %jit3A_1241 : f32 to vector<16xf32>
      %select_n3A_1243 = arith.select %eq3A_1240, %broadcast_in_dim3A_1242, %get3A_791 : vector<16xi1>, vector<16xf32>
      %add3A_1244 = arith.constant 64 : i32
      %add3A_1245 = vector.broadcast %add3A_1244 : i32 to vector<16xi32>
      %add3A_1246 = arith.addi %iota3A, %add3A_1245 : vector<16xi32>
      %eq3A_1247 = arith.cmpi eq, %add3A_1246, %min3A_1211 : vector<16xi32>
      %jit3A_1248 = arith.constant 0xFF800000 : f32
      %broadcast_in_dim3A_1249 = vector.broadcast %jit3A_1248 : f32 to vector<16xf32>
      %select_n3A_1250 = arith.select %eq3A_1247, %broadcast_in_dim3A_1249, %get3A_795 : vector<16xi1>, vector<16xf32>
      %add3A_1251 = arith.constant 80 : i32
      %add3A_1252 = vector.broadcast %add3A_1251 : i32 to vector<16xi32>
      %add3A_1253 = arith.addi %iota3A, %add3A_1252 : vector<16xi32>
      %eq3A_1254 = arith.cmpi eq, %add3A_1253, %min3A_1211 : vector<16xi32>
      %jit3A_1255 = arith.constant 0xFF800000 : f32
      %broadcast_in_dim3A_1256 = vector.broadcast %jit3A_1255 : f32 to vector<16xf32>
      %select_n3A_1257 = arith.select %eq3A_1254, %broadcast_in_dim3A_1256, %get3A_799 : vector<16xi1>, vector<16xf32>
      %add3A_1258 = arith.constant 96 : i32
      %add3A_1259 = vector.broadcast %add3A_1258 : i32 to vector<16xi32>
      %add3A_1260 = arith.addi %iota3A, %add3A_1259 : vector<16xi32>
      %eq3A_1261 = arith.cmpi eq, %add3A_1260, %min3A_1211 : vector<16xi32>
      %jit3A_1262 = arith.constant 0xFF800000 : f32
      %broadcast_in_dim3A_1263 = vector.broadcast %jit3A_1262 : f32 to vector<16xf32>
      %select_n3A_1264 = arith.select %eq3A_1261, %broadcast_in_dim3A_1263, %get3A_803 : vector<16xi1>, vector<16xf32>
      %add3A_1265 = arith.constant 112 : i32
      %add3A_1266 = vector.broadcast %add3A_1265 : i32 to vector<16xi32>
      %add3A_1267 = arith.addi %iota3A, %add3A_1266 : vector<16xi32>
      %eq3A_1268 = arith.cmpi eq, %add3A_1267, %min3A_1211 : vector<16xi32>
      %jit3A_1269 = arith.constant 0xFF800000 : f32
      %broadcast_in_dim3A_1270 = vector.broadcast %jit3A_1269 : f32 to vector<16xf32>
      %select_n3A_1271 = arith.select %eq3A_1268, %broadcast_in_dim3A_1270, %get3A_807 : vector<16xi1>, vector<16xf32>
      %add3A_1272 = arith.constant 128 : i32
      %add3A_1273 = vector.broadcast %add3A_1272 : i32 to vector<16xi32>
      %add3A_1274 = arith.addi %iota3A, %add3A_1273 : vector<16xi32>
      %eq3A_1275 = arith.cmpi eq, %add3A_1274, %min3A_1211 : vector<16xi32>
      %jit3A_1276 = arith.constant 0xFF800000 : f32
      %broadcast_in_dim3A_1277 = vector.broadcast %jit3A_1276 : f32 to vector<16xf32>
      %select_n3A_1278 = arith.select %eq3A_1275, %broadcast_in_dim3A_1277, %get3A_811 : vector<16xi1>, vector<16xf32>
      %add3A_1279 = arith.constant 144 : i32
      %add3A_1280 = vector.broadcast %add3A_1279 : i32 to vector<16xi32>
      %add3A_1281 = arith.addi %iota3A, %add3A_1280 : vector<16xi32>
      %eq3A_1282 = arith.cmpi eq, %add3A_1281, %min3A_1211 : vector<16xi32>
      %jit3A_1283 = arith.constant 0xFF800000 : f32
      %broadcast_in_dim3A_1284 = vector.broadcast %jit3A_1283 : f32 to vector<16xf32>
      %select_n3A_1285 = arith.select %eq3A_1282, %broadcast_in_dim3A_1284, %get3A_815 : vector<16xi1>, vector<16xf32>
      %add3A_1286 = arith.constant 160 : i32
      %add3A_1287 = vector.broadcast %add3A_1286 : i32 to vector<16xi32>
      %add3A_1288 = arith.addi %iota3A, %add3A_1287 : vector<16xi32>
      %eq3A_1289 = arith.cmpi eq, %add3A_1288, %min3A_1211 : vector<16xi32>
      %jit3A_1290 = arith.constant 0xFF800000 : f32
      %broadcast_in_dim3A_1291 = vector.broadcast %jit3A_1290 : f32 to vector<16xf32>
      %select_n3A_1292 = arith.select %eq3A_1289, %broadcast_in_dim3A_1291, %get3A_819 : vector<16xi1>, vector<16xf32>
      %add3A_1293 = arith.constant 176 : i32
      %add3A_1294 = vector.broadcast %add3A_1293 : i32 to vector<16xi32>
      %add3A_1295 = arith.addi %iota3A, %add3A_1294 : vector<16xi32>
      %eq3A_1296 = arith.cmpi eq, %add3A_1295, %min3A_1211 : vector<16xi32>
      %jit3A_1297 = arith.constant 0xFF800000 : f32
      %broadcast_in_dim3A_1298 = vector.broadcast %jit3A_1297 : f32 to vector<16xf32>
      %select_n3A_1299 = arith.select %eq3A_1296, %broadcast_in_dim3A_1298, %get3A_823 : vector<16xi1>, vector<16xf32>
      %add3A_1300 = arith.constant 192 : i32
      %add3A_1301 = vector.broadcast %add3A_1300 : i32 to vector<16xi32>
      %add3A_1302 = arith.addi %iota3A, %add3A_1301 : vector<16xi32>
      %eq3A_1303 = arith.cmpi eq, %add3A_1302, %min3A_1211 : vector<16xi32>
      %jit3A_1304 = arith.constant 0xFF800000 : f32
      %broadcast_in_dim3A_1305 = vector.broadcast %jit3A_1304 : f32 to vector<16xf32>
      %select_n3A_1306 = arith.select %eq3A_1303, %broadcast_in_dim3A_1305, %get3A_827 : vector<16xi1>, vector<16xf32>
      %add3A_1307 = arith.constant 208 : i32
      %add3A_1308 = vector.broadcast %add3A_1307 : i32 to vector<16xi32>
      %add3A_1309 = arith.addi %iota3A, %add3A_1308 : vector<16xi32>
      %eq3A_1310 = arith.cmpi eq, %add3A_1309, %min3A_1211 : vector<16xi32>
      %jit3A_1311 = arith.constant 0xFF800000 : f32
      %broadcast_in_dim3A_1312 = vector.broadcast %jit3A_1311 : f32 to vector<16xf32>
      %select_n3A_1313 = arith.select %eq3A_1310, %broadcast_in_dim3A_1312, %get3A_831 : vector<16xi1>, vector<16xf32>
      %add3A_1314 = arith.constant 224 : i32
      %add3A_1315 = vector.broadcast %add3A_1314 : i32 to vector<16xi32>
      %add3A_1316 = arith.addi %iota3A, %add3A_1315 : vector<16xi32>
      %eq3A_1317 = arith.cmpi eq, %add3A_1316, %min3A_1211 : vector<16xi32>
      %jit3A_1318 = arith.constant 0xFF800000 : f32
      %broadcast_in_dim3A_1319 = vector.broadcast %jit3A_1318 : f32 to vector<16xf32>
      %select_n3A_1320 = arith.select %eq3A_1317, %broadcast_in_dim3A_1319, %get3A_835 : vector<16xi1>, vector<16xf32>
      %add3A_1321 = arith.constant 240 : i32
      %add3A_1322 = vector.broadcast %add3A_1321 : i32 to vector<16xi32>
      %add3A_1323 = arith.addi %iota3A, %add3A_1322 : vector<16xi32>
      %eq3A_1324 = arith.cmpi eq, %add3A_1323, %min3A_1211 : vector<16xi32>
      %jit3A_1325 = arith.constant 0xFF800000 : f32
      %broadcast_in_dim3A_1326 = vector.broadcast %jit3A_1325 : f32 to vector<16xf32>
      %select_n3A_1327 = arith.select %eq3A_1324, %broadcast_in_dim3A_1326, %get3A_839 : vector<16xi1>, vector<16xf32>
      %add3A_1328 = arith.constant 256 : i32
      %add3A_1329 = vector.broadcast %add3A_1328 : i32 to vector<16xi32>
      %add3A_1330 = arith.addi %iota3A, %add3A_1329 : vector<16xi32>
      %eq3A_1331 = arith.cmpi eq, %add3A_1330, %min3A_1211 : vector<16xi32>
      %jit3A_1332 = arith.constant 0xFF800000 : f32
      %broadcast_in_dim3A_1333 = vector.broadcast %jit3A_1332 : f32 to vector<16xf32>
      %select_n3A_1334 = arith.select %eq3A_1331, %broadcast_in_dim3A_1333, %get3A_843 : vector<16xi1>, vector<16xf32>
      %add3A_1335 = arith.constant 272 : i32
      %add3A_1336 = vector.broadcast %add3A_1335 : i32 to vector<16xi32>
      %add3A_1337 = arith.addi %iota3A, %add3A_1336 : vector<16xi32>
      %eq3A_1338 = arith.cmpi eq, %add3A_1337, %min3A_1211 : vector<16xi32>
      %jit3A_1339 = arith.constant 0xFF800000 : f32
      %broadcast_in_dim3A_1340 = vector.broadcast %jit3A_1339 : f32 to vector<16xf32>
      %select_n3A_1341 = arith.select %eq3A_1338, %broadcast_in_dim3A_1340, %get3A_847 : vector<16xi1>, vector<16xf32>
      %add3A_1342 = arith.constant 288 : i32
      %add3A_1343 = vector.broadcast %add3A_1342 : i32 to vector<16xi32>
      %add3A_1344 = arith.addi %iota3A, %add3A_1343 : vector<16xi32>
      %eq3A_1345 = arith.cmpi eq, %add3A_1344, %min3A_1211 : vector<16xi32>
      %jit3A_1346 = arith.constant 0xFF800000 : f32
      %broadcast_in_dim3A_1347 = vector.broadcast %jit3A_1346 : f32 to vector<16xf32>
      %select_n3A_1348 = arith.select %eq3A_1345, %broadcast_in_dim3A_1347, %get3A_851 : vector<16xi1>, vector<16xf32>
      %add3A_1349 = arith.constant 304 : i32
      %add3A_1350 = vector.broadcast %add3A_1349 : i32 to vector<16xi32>
      %add3A_1351 = arith.addi %iota3A, %add3A_1350 : vector<16xi32>
      %eq3A_1352 = arith.cmpi eq, %add3A_1351, %min3A_1211 : vector<16xi32>
      %jit3A_1353 = arith.constant 0xFF800000 : f32
      %broadcast_in_dim3A_1354 = vector.broadcast %jit3A_1353 : f32 to vector<16xf32>
      %select_n3A_1355 = arith.select %eq3A_1352, %broadcast_in_dim3A_1354, %get3A_855 : vector<16xi1>, vector<16xf32>
      %add3A_1356 = arith.constant 320 : i32
      %add3A_1357 = vector.broadcast %add3A_1356 : i32 to vector<16xi32>
      %add3A_1358 = arith.addi %iota3A, %add3A_1357 : vector<16xi32>
      %eq3A_1359 = arith.cmpi eq, %add3A_1358, %min3A_1211 : vector<16xi32>
      %jit3A_1360 = arith.constant 0xFF800000 : f32
      %broadcast_in_dim3A_1361 = vector.broadcast %jit3A_1360 : f32 to vector<16xf32>
      %select_n3A_1362 = arith.select %eq3A_1359, %broadcast_in_dim3A_1361, %get3A_859 : vector<16xi1>, vector<16xf32>
      %add3A_1363 = arith.constant 336 : i32
      %add3A_1364 = vector.broadcast %add3A_1363 : i32 to vector<16xi32>
      %add3A_1365 = arith.addi %iota3A, %add3A_1364 : vector<16xi32>
      %eq3A_1366 = arith.cmpi eq, %add3A_1365, %min3A_1211 : vector<16xi32>
      %jit3A_1367 = arith.constant 0xFF800000 : f32
      %broadcast_in_dim3A_1368 = vector.broadcast %jit3A_1367 : f32 to vector<16xf32>
      %select_n3A_1369 = arith.select %eq3A_1366, %broadcast_in_dim3A_1368, %get3A_863 : vector<16xi1>, vector<16xf32>
      %add3A_1370 = arith.constant 352 : i32
      %add3A_1371 = vector.broadcast %add3A_1370 : i32 to vector<16xi32>
      %add3A_1372 = arith.addi %iota3A, %add3A_1371 : vector<16xi32>
      %eq3A_1373 = arith.cmpi eq, %add3A_1372, %min3A_1211 : vector<16xi32>
      %jit3A_1374 = arith.constant 0xFF800000 : f32
      %broadcast_in_dim3A_1375 = vector.broadcast %jit3A_1374 : f32 to vector<16xf32>
      %select_n3A_1376 = arith.select %eq3A_1373, %broadcast_in_dim3A_1375, %get3A_867 : vector<16xi1>, vector<16xf32>
      %add3A_1377 = arith.constant 368 : i32
      %add3A_1378 = vector.broadcast %add3A_1377 : i32 to vector<16xi32>
      %add3A_1379 = arith.addi %iota3A, %add3A_1378 : vector<16xi32>
      %eq3A_1380 = arith.cmpi eq, %add3A_1379, %min3A_1211 : vector<16xi32>
      %jit3A_1381 = arith.constant 0xFF800000 : f32
      %broadcast_in_dim3A_1382 = vector.broadcast %jit3A_1381 : f32 to vector<16xf32>
      %select_n3A_1383 = arith.select %eq3A_1380, %broadcast_in_dim3A_1382, %get3A_871 : vector<16xi1>, vector<16xf32>
      %add3A_1384 = arith.constant 384 : i32
      %add3A_1385 = vector.broadcast %add3A_1384 : i32 to vector<16xi32>
      %add3A_1386 = arith.addi %iota3A, %add3A_1385 : vector<16xi32>
      %eq3A_1387 = arith.cmpi eq, %add3A_1386, %min3A_1211 : vector<16xi32>
      %jit3A_1388 = arith.constant 0xFF800000 : f32
      %broadcast_in_dim3A_1389 = vector.broadcast %jit3A_1388 : f32 to vector<16xf32>
      %select_n3A_1390 = arith.select %eq3A_1387, %broadcast_in_dim3A_1389, %get3A_875 : vector<16xi1>, vector<16xf32>
      %add3A_1391 = arith.constant 400 : i32
      %add3A_1392 = vector.broadcast %add3A_1391 : i32 to vector<16xi32>
      %add3A_1393 = arith.addi %iota3A, %add3A_1392 : vector<16xi32>
      %eq3A_1394 = arith.cmpi eq, %add3A_1393, %min3A_1211 : vector<16xi32>
      %jit3A_1395 = arith.constant 0xFF800000 : f32
      %broadcast_in_dim3A_1396 = vector.broadcast %jit3A_1395 : f32 to vector<16xf32>
      %select_n3A_1397 = arith.select %eq3A_1394, %broadcast_in_dim3A_1396, %get3A_879 : vector<16xi1>, vector<16xf32>
      %add3A_1398 = arith.constant 416 : i32
      %add3A_1399 = vector.broadcast %add3A_1398 : i32 to vector<16xi32>
      %add3A_1400 = arith.addi %iota3A, %add3A_1399 : vector<16xi32>
      %eq3A_1401 = arith.cmpi eq, %add3A_1400, %min3A_1211 : vector<16xi32>
      %jit3A_1402 = arith.constant 0xFF800000 : f32
      %broadcast_in_dim3A_1403 = vector.broadcast %jit3A_1402 : f32 to vector<16xf32>
      %select_n3A_1404 = arith.select %eq3A_1401, %broadcast_in_dim3A_1403, %get3A_883 : vector<16xi1>, vector<16xf32>
      %add3A_1405 = arith.constant 432 : i32
      %add3A_1406 = vector.broadcast %add3A_1405 : i32 to vector<16xi32>
      %add3A_1407 = arith.addi %iota3A, %add3A_1406 : vector<16xi32>
      %eq3A_1408 = arith.cmpi eq, %add3A_1407, %min3A_1211 : vector<16xi32>
      %jit3A_1409 = arith.constant 0xFF800000 : f32
      %broadcast_in_dim3A_1410 = vector.broadcast %jit3A_1409 : f32 to vector<16xf32>
      %select_n3A_1411 = arith.select %eq3A_1408, %broadcast_in_dim3A_1410, %get3A_887 : vector<16xi1>, vector<16xf32>
      %add3A_1412 = arith.constant 448 : i32
      %add3A_1413 = vector.broadcast %add3A_1412 : i32 to vector<16xi32>
      %add3A_1414 = arith.addi %iota3A, %add3A_1413 : vector<16xi32>
      %eq3A_1415 = arith.cmpi eq, %add3A_1414, %min3A_1211 : vector<16xi32>
      %jit3A_1416 = arith.constant 0xFF800000 : f32
      %broadcast_in_dim3A_1417 = vector.broadcast %jit3A_1416 : f32 to vector<16xf32>
      %select_n3A_1418 = arith.select %eq3A_1415, %broadcast_in_dim3A_1417, %get3A_891 : vector<16xi1>, vector<16xf32>
      %add3A_1419 = arith.constant 464 : i32
      %add3A_1420 = vector.broadcast %add3A_1419 : i32 to vector<16xi32>
      %add3A_1421 = arith.addi %iota3A, %add3A_1420 : vector<16xi32>
      %eq3A_1422 = arith.cmpi eq, %add3A_1421, %min3A_1211 : vector<16xi32>
      %jit3A_1423 = arith.constant 0xFF800000 : f32
      %broadcast_in_dim3A_1424 = vector.broadcast %jit3A_1423 : f32 to vector<16xf32>
      %select_n3A_1425 = arith.select %eq3A_1422, %broadcast_in_dim3A_1424, %get3A_895 : vector<16xi1>, vector<16xf32>
      %add3A_1426 = arith.constant 480 : i32
      %add3A_1427 = vector.broadcast %add3A_1426 : i32 to vector<16xi32>
      %add3A_1428 = arith.addi %iota3A, %add3A_1427 : vector<16xi32>
      %eq3A_1429 = arith.cmpi eq, %add3A_1428, %min3A_1211 : vector<16xi32>
      %jit3A_1430 = arith.constant 0xFF800000 : f32
      %broadcast_in_dim3A_1431 = vector.broadcast %jit3A_1430 : f32 to vector<16xf32>
      %select_n3A_1432 = arith.select %eq3A_1429, %broadcast_in_dim3A_1431, %get3A_899 : vector<16xi1>, vector<16xf32>
      %add3A_1433 = arith.constant 496 : i32
      %add3A_1434 = vector.broadcast %add3A_1433 : i32 to vector<16xi32>
      %add3A_1435 = arith.addi %iota3A, %add3A_1434 : vector<16xi32>
      %eq3A_1436 = arith.cmpi eq, %add3A_1435, %min3A_1211 : vector<16xi32>
      %jit3A_1437 = arith.constant 0xFF800000 : f32
      %broadcast_in_dim3A_1438 = vector.broadcast %jit3A_1437 : f32 to vector<16xf32>
      %select_n3A_1439 = arith.select %eq3A_1436, %broadcast_in_dim3A_1438, %get3A_903 : vector<16xi1>, vector<16xf32>
      %broadcast_in_dim3A_1440 = arith.constant 0xFF800000 : f32
      %broadcast_in_dim3A_1441 = vector.broadcast %broadcast_in_dim3A_1440 : f32 to vector<16xf32>
      %broadcast_in_dim3A_1442 = arith.constant 0 : i32
      %broadcast_in_dim3A_1443 = vector.broadcast %broadcast_in_dim3A_1442 : i32 to vector<16xi32>
      %gt3A_1444 = arith.cmpf ogt, %select_n3A_1222, %broadcast_in_dim3A_1441 : vector<16xf32>
      %jit3A_1445 = arith.constant 0 : i32
      %broadcast_in_dim3A_1446 = vector.broadcast %jit3A_1445 : i32 to vector<16xi32>
      %select_n3A_1447 = arith.select %gt3A_1444, %broadcast_in_dim3A_1446, %broadcast_in_dim3A_1443 : vector<16xi1>, vector<16xi32>
      %select_n3A_1448 = arith.select %gt3A_1444, %select_n3A_1222, %broadcast_in_dim3A_1441 : vector<16xi1>, vector<16xf32>
      %gt3A_1449 = arith.cmpf ogt, %select_n3A_1229, %select_n3A_1448 : vector<16xf32>
      %jit3A_1450 = arith.constant 1 : i32
      %broadcast_in_dim3A_1451 = vector.broadcast %jit3A_1450 : i32 to vector<16xi32>
      %select_n3A_1452 = arith.select %gt3A_1449, %broadcast_in_dim3A_1451, %select_n3A_1447 : vector<16xi1>, vector<16xi32>
      %select_n3A_1453 = arith.select %gt3A_1449, %select_n3A_1229, %select_n3A_1448 : vector<16xi1>, vector<16xf32>
      %gt3A_1454 = arith.cmpf ogt, %select_n3A_1236, %select_n3A_1453 : vector<16xf32>
      %jit3A_1455 = arith.constant 2 : i32
      %broadcast_in_dim3A_1456 = vector.broadcast %jit3A_1455 : i32 to vector<16xi32>
      %select_n3A_1457 = arith.select %gt3A_1454, %broadcast_in_dim3A_1456, %select_n3A_1452 : vector<16xi1>, vector<16xi32>
      %select_n3A_1458 = arith.select %gt3A_1454, %select_n3A_1236, %select_n3A_1453 : vector<16xi1>, vector<16xf32>
      %gt3A_1459 = arith.cmpf ogt, %select_n3A_1243, %select_n3A_1458 : vector<16xf32>
      %jit3A_1460 = arith.constant 3 : i32
      %broadcast_in_dim3A_1461 = vector.broadcast %jit3A_1460 : i32 to vector<16xi32>
      %select_n3A_1462 = arith.select %gt3A_1459, %broadcast_in_dim3A_1461, %select_n3A_1457 : vector<16xi1>, vector<16xi32>
      %select_n3A_1463 = arith.select %gt3A_1459, %select_n3A_1243, %select_n3A_1458 : vector<16xi1>, vector<16xf32>
      %gt3A_1464 = arith.cmpf ogt, %select_n3A_1250, %select_n3A_1463 : vector<16xf32>
      %jit3A_1465 = arith.constant 4 : i32
      %broadcast_in_dim3A_1466 = vector.broadcast %jit3A_1465 : i32 to vector<16xi32>
      %select_n3A_1467 = arith.select %gt3A_1464, %broadcast_in_dim3A_1466, %select_n3A_1462 : vector<16xi1>, vector<16xi32>
      %select_n3A_1468 = arith.select %gt3A_1464, %select_n3A_1250, %select_n3A_1463 : vector<16xi1>, vector<16xf32>
      %gt3A_1469 = arith.cmpf ogt, %select_n3A_1257, %select_n3A_1468 : vector<16xf32>
      %jit3A_1470 = arith.constant 5 : i32
      %broadcast_in_dim3A_1471 = vector.broadcast %jit3A_1470 : i32 to vector<16xi32>
      %select_n3A_1472 = arith.select %gt3A_1469, %broadcast_in_dim3A_1471, %select_n3A_1467 : vector<16xi1>, vector<16xi32>
      %select_n3A_1473 = arith.select %gt3A_1469, %select_n3A_1257, %select_n3A_1468 : vector<16xi1>, vector<16xf32>
      %gt3A_1474 = arith.cmpf ogt, %select_n3A_1264, %select_n3A_1473 : vector<16xf32>
      %jit3A_1475 = arith.constant 6 : i32
      %broadcast_in_dim3A_1476 = vector.broadcast %jit3A_1475 : i32 to vector<16xi32>
      %select_n3A_1477 = arith.select %gt3A_1474, %broadcast_in_dim3A_1476, %select_n3A_1472 : vector<16xi1>, vector<16xi32>
      %select_n3A_1478 = arith.select %gt3A_1474, %select_n3A_1264, %select_n3A_1473 : vector<16xi1>, vector<16xf32>
      %gt3A_1479 = arith.cmpf ogt, %select_n3A_1271, %select_n3A_1478 : vector<16xf32>
      %jit3A_1480 = arith.constant 7 : i32
      %broadcast_in_dim3A_1481 = vector.broadcast %jit3A_1480 : i32 to vector<16xi32>
      %select_n3A_1482 = arith.select %gt3A_1479, %broadcast_in_dim3A_1481, %select_n3A_1477 : vector<16xi1>, vector<16xi32>
      %select_n3A_1483 = arith.select %gt3A_1479, %select_n3A_1271, %select_n3A_1478 : vector<16xi1>, vector<16xf32>
      %gt3A_1484 = arith.cmpf ogt, %select_n3A_1278, %select_n3A_1483 : vector<16xf32>
      %jit3A_1485 = arith.constant 8 : i32
      %broadcast_in_dim3A_1486 = vector.broadcast %jit3A_1485 : i32 to vector<16xi32>
      %select_n3A_1487 = arith.select %gt3A_1484, %broadcast_in_dim3A_1486, %select_n3A_1482 : vector<16xi1>, vector<16xi32>
      %select_n3A_1488 = arith.select %gt3A_1484, %select_n3A_1278, %select_n3A_1483 : vector<16xi1>, vector<16xf32>
      %gt3A_1489 = arith.cmpf ogt, %select_n3A_1285, %select_n3A_1488 : vector<16xf32>
      %jit3A_1490 = arith.constant 9 : i32
      %broadcast_in_dim3A_1491 = vector.broadcast %jit3A_1490 : i32 to vector<16xi32>
      %select_n3A_1492 = arith.select %gt3A_1489, %broadcast_in_dim3A_1491, %select_n3A_1487 : vector<16xi1>, vector<16xi32>
      %select_n3A_1493 = arith.select %gt3A_1489, %select_n3A_1285, %select_n3A_1488 : vector<16xi1>, vector<16xf32>
      %gt3A_1494 = arith.cmpf ogt, %select_n3A_1292, %select_n3A_1493 : vector<16xf32>
      %jit3A_1495 = arith.constant 10 : i32
      %broadcast_in_dim3A_1496 = vector.broadcast %jit3A_1495 : i32 to vector<16xi32>
      %select_n3A_1497 = arith.select %gt3A_1494, %broadcast_in_dim3A_1496, %select_n3A_1492 : vector<16xi1>, vector<16xi32>
      %select_n3A_1498 = arith.select %gt3A_1494, %select_n3A_1292, %select_n3A_1493 : vector<16xi1>, vector<16xf32>
      %gt3A_1499 = arith.cmpf ogt, %select_n3A_1299, %select_n3A_1498 : vector<16xf32>
      %jit3A_1500 = arith.constant 11 : i32
      %broadcast_in_dim3A_1501 = vector.broadcast %jit3A_1500 : i32 to vector<16xi32>
      %select_n3A_1502 = arith.select %gt3A_1499, %broadcast_in_dim3A_1501, %select_n3A_1497 : vector<16xi1>, vector<16xi32>
      %select_n3A_1503 = arith.select %gt3A_1499, %select_n3A_1299, %select_n3A_1498 : vector<16xi1>, vector<16xf32>
      %gt3A_1504 = arith.cmpf ogt, %select_n3A_1306, %select_n3A_1503 : vector<16xf32>
      %jit3A_1505 = arith.constant 12 : i32
      %broadcast_in_dim3A_1506 = vector.broadcast %jit3A_1505 : i32 to vector<16xi32>
      %select_n3A_1507 = arith.select %gt3A_1504, %broadcast_in_dim3A_1506, %select_n3A_1502 : vector<16xi1>, vector<16xi32>
      %select_n3A_1508 = arith.select %gt3A_1504, %select_n3A_1306, %select_n3A_1503 : vector<16xi1>, vector<16xf32>
      %gt3A_1509 = arith.cmpf ogt, %select_n3A_1313, %select_n3A_1508 : vector<16xf32>
      %jit3A_1510 = arith.constant 13 : i32
      %broadcast_in_dim3A_1511 = vector.broadcast %jit3A_1510 : i32 to vector<16xi32>
      %select_n3A_1512 = arith.select %gt3A_1509, %broadcast_in_dim3A_1511, %select_n3A_1507 : vector<16xi1>, vector<16xi32>
      %select_n3A_1513 = arith.select %gt3A_1509, %select_n3A_1313, %select_n3A_1508 : vector<16xi1>, vector<16xf32>
      %gt3A_1514 = arith.cmpf ogt, %select_n3A_1320, %select_n3A_1513 : vector<16xf32>
      %jit3A_1515 = arith.constant 14 : i32
      %broadcast_in_dim3A_1516 = vector.broadcast %jit3A_1515 : i32 to vector<16xi32>
      %select_n3A_1517 = arith.select %gt3A_1514, %broadcast_in_dim3A_1516, %select_n3A_1512 : vector<16xi1>, vector<16xi32>
      %select_n3A_1518 = arith.select %gt3A_1514, %select_n3A_1320, %select_n3A_1513 : vector<16xi1>, vector<16xf32>
      %gt3A_1519 = arith.cmpf ogt, %select_n3A_1327, %select_n3A_1518 : vector<16xf32>
      %jit3A_1520 = arith.constant 15 : i32
      %broadcast_in_dim3A_1521 = vector.broadcast %jit3A_1520 : i32 to vector<16xi32>
      %select_n3A_1522 = arith.select %gt3A_1519, %broadcast_in_dim3A_1521, %select_n3A_1517 : vector<16xi1>, vector<16xi32>
      %select_n3A_1523 = arith.select %gt3A_1519, %select_n3A_1327, %select_n3A_1518 : vector<16xi1>, vector<16xf32>
      %gt3A_1524 = arith.cmpf ogt, %select_n3A_1334, %select_n3A_1523 : vector<16xf32>
      %jit3A_1525 = arith.constant 16 : i32
      %broadcast_in_dim3A_1526 = vector.broadcast %jit3A_1525 : i32 to vector<16xi32>
      %select_n3A_1527 = arith.select %gt3A_1524, %broadcast_in_dim3A_1526, %select_n3A_1522 : vector<16xi1>, vector<16xi32>
      %select_n3A_1528 = arith.select %gt3A_1524, %select_n3A_1334, %select_n3A_1523 : vector<16xi1>, vector<16xf32>
      %gt3A_1529 = arith.cmpf ogt, %select_n3A_1341, %select_n3A_1528 : vector<16xf32>
      %jit3A_1530 = arith.constant 17 : i32
      %broadcast_in_dim3A_1531 = vector.broadcast %jit3A_1530 : i32 to vector<16xi32>
      %select_n3A_1532 = arith.select %gt3A_1529, %broadcast_in_dim3A_1531, %select_n3A_1527 : vector<16xi1>, vector<16xi32>
      %select_n3A_1533 = arith.select %gt3A_1529, %select_n3A_1341, %select_n3A_1528 : vector<16xi1>, vector<16xf32>
      %gt3A_1534 = arith.cmpf ogt, %select_n3A_1348, %select_n3A_1533 : vector<16xf32>
      %jit3A_1535 = arith.constant 18 : i32
      %broadcast_in_dim3A_1536 = vector.broadcast %jit3A_1535 : i32 to vector<16xi32>
      %select_n3A_1537 = arith.select %gt3A_1534, %broadcast_in_dim3A_1536, %select_n3A_1532 : vector<16xi1>, vector<16xi32>
      %select_n3A_1538 = arith.select %gt3A_1534, %select_n3A_1348, %select_n3A_1533 : vector<16xi1>, vector<16xf32>
      %gt3A_1539 = arith.cmpf ogt, %select_n3A_1355, %select_n3A_1538 : vector<16xf32>
      %jit3A_1540 = arith.constant 19 : i32
      %broadcast_in_dim3A_1541 = vector.broadcast %jit3A_1540 : i32 to vector<16xi32>
      %select_n3A_1542 = arith.select %gt3A_1539, %broadcast_in_dim3A_1541, %select_n3A_1537 : vector<16xi1>, vector<16xi32>
      %select_n3A_1543 = arith.select %gt3A_1539, %select_n3A_1355, %select_n3A_1538 : vector<16xi1>, vector<16xf32>
      %gt3A_1544 = arith.cmpf ogt, %select_n3A_1362, %select_n3A_1543 : vector<16xf32>
      %jit3A_1545 = arith.constant 20 : i32
      %broadcast_in_dim3A_1546 = vector.broadcast %jit3A_1545 : i32 to vector<16xi32>
      %select_n3A_1547 = arith.select %gt3A_1544, %broadcast_in_dim3A_1546, %select_n3A_1542 : vector<16xi1>, vector<16xi32>
      %select_n3A_1548 = arith.select %gt3A_1544, %select_n3A_1362, %select_n3A_1543 : vector<16xi1>, vector<16xf32>
      %gt3A_1549 = arith.cmpf ogt, %select_n3A_1369, %select_n3A_1548 : vector<16xf32>
      %jit3A_1550 = arith.constant 21 : i32
      %broadcast_in_dim3A_1551 = vector.broadcast %jit3A_1550 : i32 to vector<16xi32>
      %select_n3A_1552 = arith.select %gt3A_1549, %broadcast_in_dim3A_1551, %select_n3A_1547 : vector<16xi1>, vector<16xi32>
      %select_n3A_1553 = arith.select %gt3A_1549, %select_n3A_1369, %select_n3A_1548 : vector<16xi1>, vector<16xf32>
      %gt3A_1554 = arith.cmpf ogt, %select_n3A_1376, %select_n3A_1553 : vector<16xf32>
      %jit3A_1555 = arith.constant 22 : i32
      %broadcast_in_dim3A_1556 = vector.broadcast %jit3A_1555 : i32 to vector<16xi32>
      %select_n3A_1557 = arith.select %gt3A_1554, %broadcast_in_dim3A_1556, %select_n3A_1552 : vector<16xi1>, vector<16xi32>
      %select_n3A_1558 = arith.select %gt3A_1554, %select_n3A_1376, %select_n3A_1553 : vector<16xi1>, vector<16xf32>
      %gt3A_1559 = arith.cmpf ogt, %select_n3A_1383, %select_n3A_1558 : vector<16xf32>
      %jit3A_1560 = arith.constant 23 : i32
      %broadcast_in_dim3A_1561 = vector.broadcast %jit3A_1560 : i32 to vector<16xi32>
      %select_n3A_1562 = arith.select %gt3A_1559, %broadcast_in_dim3A_1561, %select_n3A_1557 : vector<16xi1>, vector<16xi32>
      %select_n3A_1563 = arith.select %gt3A_1559, %select_n3A_1383, %select_n3A_1558 : vector<16xi1>, vector<16xf32>
      %gt3A_1564 = arith.cmpf ogt, %select_n3A_1390, %select_n3A_1563 : vector<16xf32>
      %jit3A_1565 = arith.constant 24 : i32
      %broadcast_in_dim3A_1566 = vector.broadcast %jit3A_1565 : i32 to vector<16xi32>
      %select_n3A_1567 = arith.select %gt3A_1564, %broadcast_in_dim3A_1566, %select_n3A_1562 : vector<16xi1>, vector<16xi32>
      %select_n3A_1568 = arith.select %gt3A_1564, %select_n3A_1390, %select_n3A_1563 : vector<16xi1>, vector<16xf32>
      %gt3A_1569 = arith.cmpf ogt, %select_n3A_1397, %select_n3A_1568 : vector<16xf32>
      %jit3A_1570 = arith.constant 25 : i32
      %broadcast_in_dim3A_1571 = vector.broadcast %jit3A_1570 : i32 to vector<16xi32>
      %select_n3A_1572 = arith.select %gt3A_1569, %broadcast_in_dim3A_1571, %select_n3A_1567 : vector<16xi1>, vector<16xi32>
      %select_n3A_1573 = arith.select %gt3A_1569, %select_n3A_1397, %select_n3A_1568 : vector<16xi1>, vector<16xf32>
      %gt3A_1574 = arith.cmpf ogt, %select_n3A_1404, %select_n3A_1573 : vector<16xf32>
      %jit3A_1575 = arith.constant 26 : i32
      %broadcast_in_dim3A_1576 = vector.broadcast %jit3A_1575 : i32 to vector<16xi32>
      %select_n3A_1577 = arith.select %gt3A_1574, %broadcast_in_dim3A_1576, %select_n3A_1572 : vector<16xi1>, vector<16xi32>
      %select_n3A_1578 = arith.select %gt3A_1574, %select_n3A_1404, %select_n3A_1573 : vector<16xi1>, vector<16xf32>
      %gt3A_1579 = arith.cmpf ogt, %select_n3A_1411, %select_n3A_1578 : vector<16xf32>
      %jit3A_1580 = arith.constant 27 : i32
      %broadcast_in_dim3A_1581 = vector.broadcast %jit3A_1580 : i32 to vector<16xi32>
      %select_n3A_1582 = arith.select %gt3A_1579, %broadcast_in_dim3A_1581, %select_n3A_1577 : vector<16xi1>, vector<16xi32>
      %select_n3A_1583 = arith.select %gt3A_1579, %select_n3A_1411, %select_n3A_1578 : vector<16xi1>, vector<16xf32>
      %gt3A_1584 = arith.cmpf ogt, %select_n3A_1418, %select_n3A_1583 : vector<16xf32>
      %jit3A_1585 = arith.constant 28 : i32
      %broadcast_in_dim3A_1586 = vector.broadcast %jit3A_1585 : i32 to vector<16xi32>
      %select_n3A_1587 = arith.select %gt3A_1584, %broadcast_in_dim3A_1586, %select_n3A_1582 : vector<16xi1>, vector<16xi32>
      %select_n3A_1588 = arith.select %gt3A_1584, %select_n3A_1418, %select_n3A_1583 : vector<16xi1>, vector<16xf32>
      %gt3A_1589 = arith.cmpf ogt, %select_n3A_1425, %select_n3A_1588 : vector<16xf32>
      %jit3A_1590 = arith.constant 29 : i32
      %broadcast_in_dim3A_1591 = vector.broadcast %jit3A_1590 : i32 to vector<16xi32>
      %select_n3A_1592 = arith.select %gt3A_1589, %broadcast_in_dim3A_1591, %select_n3A_1587 : vector<16xi1>, vector<16xi32>
      %select_n3A_1593 = arith.select %gt3A_1589, %select_n3A_1425, %select_n3A_1588 : vector<16xi1>, vector<16xf32>
      %gt3A_1594 = arith.cmpf ogt, %select_n3A_1432, %select_n3A_1593 : vector<16xf32>
      %jit3A_1595 = arith.constant 30 : i32
      %broadcast_in_dim3A_1596 = vector.broadcast %jit3A_1595 : i32 to vector<16xi32>
      %select_n3A_1597 = arith.select %gt3A_1594, %broadcast_in_dim3A_1596, %select_n3A_1592 : vector<16xi1>, vector<16xi32>
      %select_n3A_1598 = arith.select %gt3A_1594, %select_n3A_1432, %select_n3A_1593 : vector<16xi1>, vector<16xf32>
      %gt3A_1599 = arith.cmpf ogt, %select_n3A_1439, %select_n3A_1598 : vector<16xf32>
      %jit3A_1600 = arith.constant 31 : i32
      %broadcast_in_dim3A_1601 = vector.broadcast %jit3A_1600 : i32 to vector<16xi32>
      %select_n3A_1602 = arith.select %gt3A_1599, %broadcast_in_dim3A_1601, %select_n3A_1597 : vector<16xi1>, vector<16xi32>
      %select_n3A_1603 = arith.select %gt3A_1599, %select_n3A_1439, %select_n3A_1598 : vector<16xi1>, vector<16xf32>
      %add3A_1604 = arith.constant 8 : i32
      %add3A_1605 = vector.broadcast %add3A_1604 : i32 to vector<16xi32>
      %add3A_1606 = arith.addi %iota3A, %add3A_1605 : vector<16xi32>
      %and3A_1607 = arith.constant 15 : i32
      %and3A_1608 = vector.broadcast %and3A_1607 : i32 to vector<16xi32>
      %and3A_1609 = arith.andi %add3A_1606, %and3A_1608 : vector<16xi32>
      %lt3A_1610 = arith.constant 0 : i32
      %lt3A_1611 = vector.broadcast %lt3A_1610 : i32 to vector<16xi32>
      %lt3A_1612 = arith.cmpi slt, %and3A_1609, %lt3A_1611 : vector<16xi32>
      %add3A_1613 = arith.constant 16 : i32
      %add3A_1614 = vector.broadcast %add3A_1613 : i32 to vector<16xi32>
      %add3A_1615 = arith.addi %and3A_1609, %add3A_1614 : vector<16xi32>
      %select_n3A_1616 = arith.select %lt3A_1612, %add3A_1615, %and3A_1609 : vector<16xi1>, vector<16xi32>
      %broadcast_in_dim3A_1617 = vector.shape_cast %select_n3A_1616 : vector<16xi32> to vector<16x1xi32>
      %gather3A_1618 = vector.shape_cast %broadcast_in_dim3A_1617 : vector<16x1xi32> to vector<16xi32>
      %gather3A_1619 = tpu.dynamic_gather %select_n3A_1603[%gather3A_1618] in [0] : vector<16xf32>, vector<16xi32> -> vector<16xf32>
      %max3A_1620 = arith.maximumf %select_n3A_1603, %gather3A_1619 : vector<16xf32>
      %add3A_1621 = arith.constant 4 : i32
      %add3A_1622 = vector.broadcast %add3A_1621 : i32 to vector<16xi32>
      %add3A_1623 = arith.addi %iota3A, %add3A_1622 : vector<16xi32>
      %and3A_1624 = arith.constant 15 : i32
      %and3A_1625 = vector.broadcast %and3A_1624 : i32 to vector<16xi32>
      %and3A_1626 = arith.andi %add3A_1623, %and3A_1625 : vector<16xi32>
      %lt3A_1627 = arith.constant 0 : i32
      %lt3A_1628 = vector.broadcast %lt3A_1627 : i32 to vector<16xi32>
      %lt3A_1629 = arith.cmpi slt, %and3A_1626, %lt3A_1628 : vector<16xi32>
      %add3A_1630 = arith.constant 16 : i32
      %add3A_1631 = vector.broadcast %add3A_1630 : i32 to vector<16xi32>
      %add3A_1632 = arith.addi %and3A_1626, %add3A_1631 : vector<16xi32>
      %select_n3A_1633 = arith.select %lt3A_1629, %add3A_1632, %and3A_1626 : vector<16xi1>, vector<16xi32>
      %broadcast_in_dim3A_1634 = vector.shape_cast %select_n3A_1633 : vector<16xi32> to vector<16x1xi32>
      %gather3A_1635 = vector.shape_cast %broadcast_in_dim3A_1634 : vector<16x1xi32> to vector<16xi32>
      %gather3A_1636 = tpu.dynamic_gather %max3A_1620[%gather3A_1635] in [0] : vector<16xf32>, vector<16xi32> -> vector<16xf32>
      %max3A_1637 = arith.maximumf %max3A_1620, %gather3A_1636 : vector<16xf32>
      %add3A_1638 = arith.constant 2 : i32
      %add3A_1639 = vector.broadcast %add3A_1638 : i32 to vector<16xi32>
      %add3A_1640 = arith.addi %iota3A, %add3A_1639 : vector<16xi32>
      %and3A_1641 = arith.constant 15 : i32
      %and3A_1642 = vector.broadcast %and3A_1641 : i32 to vector<16xi32>
      %and3A_1643 = arith.andi %add3A_1640, %and3A_1642 : vector<16xi32>
      %lt3A_1644 = arith.constant 0 : i32
      %lt3A_1645 = vector.broadcast %lt3A_1644 : i32 to vector<16xi32>
      %lt3A_1646 = arith.cmpi slt, %and3A_1643, %lt3A_1645 : vector<16xi32>
      %add3A_1647 = arith.constant 16 : i32
      %add3A_1648 = vector.broadcast %add3A_1647 : i32 to vector<16xi32>
      %add3A_1649 = arith.addi %and3A_1643, %add3A_1648 : vector<16xi32>
      %select_n3A_1650 = arith.select %lt3A_1646, %add3A_1649, %and3A_1643 : vector<16xi1>, vector<16xi32>
      %broadcast_in_dim3A_1651 = vector.shape_cast %select_n3A_1650 : vector<16xi32> to vector<16x1xi32>
      %gather3A_1652 = vector.shape_cast %broadcast_in_dim3A_1651 : vector<16x1xi32> to vector<16xi32>
      %gather3A_1653 = tpu.dynamic_gather %max3A_1637[%gather3A_1652] in [0] : vector<16xf32>, vector<16xi32> -> vector<16xf32>
      %max3A_1654 = arith.maximumf %max3A_1637, %gather3A_1653 : vector<16xf32>
      %add3A_1655 = arith.constant 1 : i32
      %add3A_1656 = vector.broadcast %add3A_1655 : i32 to vector<16xi32>
      %add3A_1657 = arith.addi %iota3A, %add3A_1656 : vector<16xi32>
      %and3A_1658 = arith.constant 15 : i32
      %and3A_1659 = vector.broadcast %and3A_1658 : i32 to vector<16xi32>
      %and3A_1660 = arith.andi %add3A_1657, %and3A_1659 : vector<16xi32>
      %lt3A_1661 = arith.constant 0 : i32
      %lt3A_1662 = vector.broadcast %lt3A_1661 : i32 to vector<16xi32>
      %lt3A_1663 = arith.cmpi slt, %and3A_1660, %lt3A_1662 : vector<16xi32>
      %add3A_1664 = arith.constant 16 : i32
      %add3A_1665 = vector.broadcast %add3A_1664 : i32 to vector<16xi32>
      %add3A_1666 = arith.addi %and3A_1660, %add3A_1665 : vector<16xi32>
      %select_n3A_1667 = arith.select %lt3A_1663, %add3A_1666, %and3A_1660 : vector<16xi1>, vector<16xi32>
      %broadcast_in_dim3A_1668 = vector.shape_cast %select_n3A_1667 : vector<16xi32> to vector<16x1xi32>
      %gather3A_1669 = vector.shape_cast %broadcast_in_dim3A_1668 : vector<16x1xi32> to vector<16xi32>
      %gather3A_1670 = tpu.dynamic_gather %max3A_1654[%gather3A_1669] in [0] : vector<16xf32>, vector<16xi32> -> vector<16xf32>
      %max3A_1671 = arith.maximumf %max3A_1654, %gather3A_1670 : vector<16xf32>
      %mul3A_1672 = arith.constant 16 : i32
      %mul3A_1673 = vector.broadcast %mul3A_1672 : i32 to vector<16xi32>
      %mul3A_1674 = arith.muli %select_n3A_1602, %mul3A_1673 : vector<16xi32>
      %add3A_1675 = arith.addi %mul3A_1674, %iota3A : vector<16xi32>
      %eq3A_1676 = arith.cmpf oeq, %select_n3A_1603, %max3A_1671 : vector<16xf32>
      %jit3A_1677 = arith.constant 1048576 : i32
      %broadcast_in_dim3A_1678 = vector.broadcast %jit3A_1677 : i32 to vector<16xi32>
      %select_n3A_1679 = arith.select %eq3A_1676, %add3A_1675, %broadcast_in_dim3A_1678 : vector<16xi1>, vector<16xi32>
      %add3A_1680 = arith.constant 8 : i32
      %add3A_1681 = vector.broadcast %add3A_1680 : i32 to vector<16xi32>
      %add3A_1682 = arith.addi %iota3A, %add3A_1681 : vector<16xi32>
      %and3A_1683 = arith.constant 15 : i32
      %and3A_1684 = vector.broadcast %and3A_1683 : i32 to vector<16xi32>
      %and3A_1685 = arith.andi %add3A_1682, %and3A_1684 : vector<16xi32>
      %lt3A_1686 = arith.constant 0 : i32
      %lt3A_1687 = vector.broadcast %lt3A_1686 : i32 to vector<16xi32>
      %lt3A_1688 = arith.cmpi slt, %and3A_1685, %lt3A_1687 : vector<16xi32>
      %add3A_1689 = arith.constant 16 : i32
      %add3A_1690 = vector.broadcast %add3A_1689 : i32 to vector<16xi32>
      %add3A_1691 = arith.addi %and3A_1685, %add3A_1690 : vector<16xi32>
      %select_n3A_1692 = arith.select %lt3A_1688, %add3A_1691, %and3A_1685 : vector<16xi1>, vector<16xi32>
      %broadcast_in_dim3A_1693 = vector.shape_cast %select_n3A_1692 : vector<16xi32> to vector<16x1xi32>
      %gather3A_1694 = vector.shape_cast %broadcast_in_dim3A_1693 : vector<16x1xi32> to vector<16xi32>
      %gather3A_1695 = tpu.dynamic_gather %select_n3A_1679[%gather3A_1694] in [0] : vector<16xi32>, vector<16xi32> -> vector<16xi32>
      %min3A_1696 = arith.minsi %select_n3A_1679, %gather3A_1695 : vector<16xi32>
      %add3A_1697 = arith.constant 4 : i32
      %add3A_1698 = vector.broadcast %add3A_1697 : i32 to vector<16xi32>
      %add3A_1699 = arith.addi %iota3A, %add3A_1698 : vector<16xi32>
      %and3A_1700 = arith.constant 15 : i32
      %and3A_1701 = vector.broadcast %and3A_1700 : i32 to vector<16xi32>
      %and3A_1702 = arith.andi %add3A_1699, %and3A_1701 : vector<16xi32>
      %lt3A_1703 = arith.constant 0 : i32
      %lt3A_1704 = vector.broadcast %lt3A_1703 : i32 to vector<16xi32>
      %lt3A_1705 = arith.cmpi slt, %and3A_1702, %lt3A_1704 : vector<16xi32>
      %add3A_1706 = arith.constant 16 : i32
      %add3A_1707 = vector.broadcast %add3A_1706 : i32 to vector<16xi32>
      %add3A_1708 = arith.addi %and3A_1702, %add3A_1707 : vector<16xi32>
      %select_n3A_1709 = arith.select %lt3A_1705, %add3A_1708, %and3A_1702 : vector<16xi1>, vector<16xi32>
      %broadcast_in_dim3A_1710 = vector.shape_cast %select_n3A_1709 : vector<16xi32> to vector<16x1xi32>
      %gather3A_1711 = vector.shape_cast %broadcast_in_dim3A_1710 : vector<16x1xi32> to vector<16xi32>
      %gather3A_1712 = tpu.dynamic_gather %min3A_1696[%gather3A_1711] in [0] : vector<16xi32>, vector<16xi32> -> vector<16xi32>
      %min3A_1713 = arith.minsi %min3A_1696, %gather3A_1712 : vector<16xi32>
      %add3A_1714 = arith.constant 2 : i32
      %add3A_1715 = vector.broadcast %add3A_1714 : i32 to vector<16xi32>
      %add3A_1716 = arith.addi %iota3A, %add3A_1715 : vector<16xi32>
      %and3A_1717 = arith.constant 15 : i32
      %and3A_1718 = vector.broadcast %and3A_1717 : i32 to vector<16xi32>
      %and3A_1719 = arith.andi %add3A_1716, %and3A_1718 : vector<16xi32>
      %lt3A_1720 = arith.constant 0 : i32
      %lt3A_1721 = vector.broadcast %lt3A_1720 : i32 to vector<16xi32>
      %lt3A_1722 = arith.cmpi slt, %and3A_1719, %lt3A_1721 : vector<16xi32>
      %add3A_1723 = arith.constant 16 : i32
      %add3A_1724 = vector.broadcast %add3A_1723 : i32 to vector<16xi32>
      %add3A_1725 = arith.addi %and3A_1719, %add3A_1724 : vector<16xi32>
      %select_n3A_1726 = arith.select %lt3A_1722, %add3A_1725, %and3A_1719 : vector<16xi1>, vector<16xi32>
      %broadcast_in_dim3A_1727 = vector.shape_cast %select_n3A_1726 : vector<16xi32> to vector<16x1xi32>
      %gather3A_1728 = vector.shape_cast %broadcast_in_dim3A_1727 : vector<16x1xi32> to vector<16xi32>
      %gather3A_1729 = tpu.dynamic_gather %min3A_1713[%gather3A_1728] in [0] : vector<16xi32>, vector<16xi32> -> vector<16xi32>
      %min3A_1730 = arith.minsi %min3A_1713, %gather3A_1729 : vector<16xi32>
      %add3A_1731 = arith.constant 1 : i32
      %add3A_1732 = vector.broadcast %add3A_1731 : i32 to vector<16xi32>
      %add3A_1733 = arith.addi %iota3A, %add3A_1732 : vector<16xi32>
      %and3A_1734 = arith.constant 15 : i32
      %and3A_1735 = vector.broadcast %and3A_1734 : i32 to vector<16xi32>
      %and3A_1736 = arith.andi %add3A_1733, %and3A_1735 : vector<16xi32>
      %lt3A_1737 = arith.constant 0 : i32
      %lt3A_1738 = vector.broadcast %lt3A_1737 : i32 to vector<16xi32>
      %lt3A_1739 = arith.cmpi slt, %and3A_1736, %lt3A_1738 : vector<16xi32>
      %add3A_1740 = arith.constant 16 : i32
      %add3A_1741 = vector.broadcast %add3A_1740 : i32 to vector<16xi32>
      %add3A_1742 = arith.addi %and3A_1736, %add3A_1741 : vector<16xi32>
      %select_n3A_1743 = arith.select %lt3A_1739, %add3A_1742, %and3A_1736 : vector<16xi1>, vector<16xi32>
      %broadcast_in_dim3A_1744 = vector.shape_cast %select_n3A_1743 : vector<16xi32> to vector<16x1xi32>
      %gather3A_1745 = vector.shape_cast %broadcast_in_dim3A_1744 : vector<16x1xi32> to vector<16xi32>
      %gather3A_1746 = tpu.dynamic_gather %min3A_1730[%gather3A_1745] in [0] : vector<16xi32>, vector<16xi32> -> vector<16xi32>
      %min3A_1747 = arith.minsi %min3A_1730, %gather3A_1746 : vector<16xi32>
      %eq3A_1748 = arith.constant 4 : i32
      %eq3A_1749 = vector.broadcast %eq3A_1748 : i32 to vector<16xi32>
      %eq3A_1750 = arith.cmpi eq, %iota3A, %eq3A_1749 : vector<16xi32>
      %select_n3A_1751 = arith.select %eq3A_1750, %min3A_1747, %select_n3A_1215 : vector<16xi1>, vector<16xi32>
      %add3A_1752 = arith.constant 0 : i32
      %add3A_1753 = vector.broadcast %add3A_1752 : i32 to vector<16xi32>
      %add3A_1754 = arith.addi %iota3A, %add3A_1753 : vector<16xi32>
      %eq3A_1755 = arith.cmpi eq, %add3A_1754, %min3A_1747 : vector<16xi32>
      %jit3A_1756 = arith.constant 0xFF800000 : f32
      %broadcast_in_dim3A_1757 = vector.broadcast %jit3A_1756 : f32 to vector<16xf32>
      %select_n3A_1758 = arith.select %eq3A_1755, %broadcast_in_dim3A_1757, %select_n3A_1222 : vector<16xi1>, vector<16xf32>
      %add3A_1759 = arith.constant 16 : i32
      %add3A_1760 = vector.broadcast %add3A_1759 : i32 to vector<16xi32>
      %add3A_1761 = arith.addi %iota3A, %add3A_1760 : vector<16xi32>
      %eq3A_1762 = arith.cmpi eq, %add3A_1761, %min3A_1747 : vector<16xi32>
      %jit3A_1763 = arith.constant 0xFF800000 : f32
      %broadcast_in_dim3A_1764 = vector.broadcast %jit3A_1763 : f32 to vector<16xf32>
      %select_n3A_1765 = arith.select %eq3A_1762, %broadcast_in_dim3A_1764, %select_n3A_1229 : vector<16xi1>, vector<16xf32>
      %add3A_1766 = arith.constant 32 : i32
      %add3A_1767 = vector.broadcast %add3A_1766 : i32 to vector<16xi32>
      %add3A_1768 = arith.addi %iota3A, %add3A_1767 : vector<16xi32>
      %eq3A_1769 = arith.cmpi eq, %add3A_1768, %min3A_1747 : vector<16xi32>
      %jit3A_1770 = arith.constant 0xFF800000 : f32
      %broadcast_in_dim3A_1771 = vector.broadcast %jit3A_1770 : f32 to vector<16xf32>
      %select_n3A_1772 = arith.select %eq3A_1769, %broadcast_in_dim3A_1771, %select_n3A_1236 : vector<16xi1>, vector<16xf32>
      %add3A_1773 = arith.constant 48 : i32
      %add3A_1774 = vector.broadcast %add3A_1773 : i32 to vector<16xi32>
      %add3A_1775 = arith.addi %iota3A, %add3A_1774 : vector<16xi32>
      %eq3A_1776 = arith.cmpi eq, %add3A_1775, %min3A_1747 : vector<16xi32>
      %jit3A_1777 = arith.constant 0xFF800000 : f32
      %broadcast_in_dim3A_1778 = vector.broadcast %jit3A_1777 : f32 to vector<16xf32>
      %select_n3A_1779 = arith.select %eq3A_1776, %broadcast_in_dim3A_1778, %select_n3A_1243 : vector<16xi1>, vector<16xf32>
      %add3A_1780 = arith.constant 64 : i32
      %add3A_1781 = vector.broadcast %add3A_1780 : i32 to vector<16xi32>
      %add3A_1782 = arith.addi %iota3A, %add3A_1781 : vector<16xi32>
      %eq3A_1783 = arith.cmpi eq, %add3A_1782, %min3A_1747 : vector<16xi32>
      %jit3A_1784 = arith.constant 0xFF800000 : f32
      %broadcast_in_dim3A_1785 = vector.broadcast %jit3A_1784 : f32 to vector<16xf32>
      %select_n3A_1786 = arith.select %eq3A_1783, %broadcast_in_dim3A_1785, %select_n3A_1250 : vector<16xi1>, vector<16xf32>
      %add3A_1787 = arith.constant 80 : i32
      %add3A_1788 = vector.broadcast %add3A_1787 : i32 to vector<16xi32>
      %add3A_1789 = arith.addi %iota3A, %add3A_1788 : vector<16xi32>
      %eq3A_1790 = arith.cmpi eq, %add3A_1789, %min3A_1747 : vector<16xi32>
      %jit3A_1791 = arith.constant 0xFF800000 : f32
      %broadcast_in_dim3A_1792 = vector.broadcast %jit3A_1791 : f32 to vector<16xf32>
      %select_n3A_1793 = arith.select %eq3A_1790, %broadcast_in_dim3A_1792, %select_n3A_1257 : vector<16xi1>, vector<16xf32>
      %add3A_1794 = arith.constant 96 : i32
      %add3A_1795 = vector.broadcast %add3A_1794 : i32 to vector<16xi32>
      %add3A_1796 = arith.addi %iota3A, %add3A_1795 : vector<16xi32>
      %eq3A_1797 = arith.cmpi eq, %add3A_1796, %min3A_1747 : vector<16xi32>
      %jit3A_1798 = arith.constant 0xFF800000 : f32
      %broadcast_in_dim3A_1799 = vector.broadcast %jit3A_1798 : f32 to vector<16xf32>
      %select_n3A_1800 = arith.select %eq3A_1797, %broadcast_in_dim3A_1799, %select_n3A_1264 : vector<16xi1>, vector<16xf32>
      %add3A_1801 = arith.constant 112 : i32
      %add3A_1802 = vector.broadcast %add3A_1801 : i32 to vector<16xi32>
      %add3A_1803 = arith.addi %iota3A, %add3A_1802 : vector<16xi32>
      %eq3A_1804 = arith.cmpi eq, %add3A_1803, %min3A_1747 : vector<16xi32>
      %jit3A_1805 = arith.constant 0xFF800000 : f32
      %broadcast_in_dim3A_1806 = vector.broadcast %jit3A_1805 : f32 to vector<16xf32>
      %select_n3A_1807 = arith.select %eq3A_1804, %broadcast_in_dim3A_1806, %select_n3A_1271 : vector<16xi1>, vector<16xf32>
      %add3A_1808 = arith.constant 128 : i32
      %add3A_1809 = vector.broadcast %add3A_1808 : i32 to vector<16xi32>
      %add3A_1810 = arith.addi %iota3A, %add3A_1809 : vector<16xi32>
      %eq3A_1811 = arith.cmpi eq, %add3A_1810, %min3A_1747 : vector<16xi32>
      %jit3A_1812 = arith.constant 0xFF800000 : f32
      %broadcast_in_dim3A_1813 = vector.broadcast %jit3A_1812 : f32 to vector<16xf32>
      %select_n3A_1814 = arith.select %eq3A_1811, %broadcast_in_dim3A_1813, %select_n3A_1278 : vector<16xi1>, vector<16xf32>
      %add3A_1815 = arith.constant 144 : i32
      %add3A_1816 = vector.broadcast %add3A_1815 : i32 to vector<16xi32>
      %add3A_1817 = arith.addi %iota3A, %add3A_1816 : vector<16xi32>
      %eq3A_1818 = arith.cmpi eq, %add3A_1817, %min3A_1747 : vector<16xi32>
      %jit3A_1819 = arith.constant 0xFF800000 : f32
      %broadcast_in_dim3A_1820 = vector.broadcast %jit3A_1819 : f32 to vector<16xf32>
      %select_n3A_1821 = arith.select %eq3A_1818, %broadcast_in_dim3A_1820, %select_n3A_1285 : vector<16xi1>, vector<16xf32>
      %add3A_1822 = arith.constant 160 : i32
      %add3A_1823 = vector.broadcast %add3A_1822 : i32 to vector<16xi32>
      %add3A_1824 = arith.addi %iota3A, %add3A_1823 : vector<16xi32>
      %eq3A_1825 = arith.cmpi eq, %add3A_1824, %min3A_1747 : vector<16xi32>
      %jit3A_1826 = arith.constant 0xFF800000 : f32
      %broadcast_in_dim3A_1827 = vector.broadcast %jit3A_1826 : f32 to vector<16xf32>
      %select_n3A_1828 = arith.select %eq3A_1825, %broadcast_in_dim3A_1827, %select_n3A_1292 : vector<16xi1>, vector<16xf32>
      %add3A_1829 = arith.constant 176 : i32
      %add3A_1830 = vector.broadcast %add3A_1829 : i32 to vector<16xi32>
      %add3A_1831 = arith.addi %iota3A, %add3A_1830 : vector<16xi32>
      %eq3A_1832 = arith.cmpi eq, %add3A_1831, %min3A_1747 : vector<16xi32>
      %jit3A_1833 = arith.constant 0xFF800000 : f32
      %broadcast_in_dim3A_1834 = vector.broadcast %jit3A_1833 : f32 to vector<16xf32>
      %select_n3A_1835 = arith.select %eq3A_1832, %broadcast_in_dim3A_1834, %select_n3A_1299 : vector<16xi1>, vector<16xf32>
      %add3A_1836 = arith.constant 192 : i32
      %add3A_1837 = vector.broadcast %add3A_1836 : i32 to vector<16xi32>
      %add3A_1838 = arith.addi %iota3A, %add3A_1837 : vector<16xi32>
      %eq3A_1839 = arith.cmpi eq, %add3A_1838, %min3A_1747 : vector<16xi32>
      %jit3A_1840 = arith.constant 0xFF800000 : f32
      %broadcast_in_dim3A_1841 = vector.broadcast %jit3A_1840 : f32 to vector<16xf32>
      %select_n3A_1842 = arith.select %eq3A_1839, %broadcast_in_dim3A_1841, %select_n3A_1306 : vector<16xi1>, vector<16xf32>
      %add3A_1843 = arith.constant 208 : i32
      %add3A_1844 = vector.broadcast %add3A_1843 : i32 to vector<16xi32>
      %add3A_1845 = arith.addi %iota3A, %add3A_1844 : vector<16xi32>
      %eq3A_1846 = arith.cmpi eq, %add3A_1845, %min3A_1747 : vector<16xi32>
      %jit3A_1847 = arith.constant 0xFF800000 : f32
      %broadcast_in_dim3A_1848 = vector.broadcast %jit3A_1847 : f32 to vector<16xf32>
      %select_n3A_1849 = arith.select %eq3A_1846, %broadcast_in_dim3A_1848, %select_n3A_1313 : vector<16xi1>, vector<16xf32>
      %add3A_1850 = arith.constant 224 : i32
      %add3A_1851 = vector.broadcast %add3A_1850 : i32 to vector<16xi32>
      %add3A_1852 = arith.addi %iota3A, %add3A_1851 : vector<16xi32>
      %eq3A_1853 = arith.cmpi eq, %add3A_1852, %min3A_1747 : vector<16xi32>
      %jit3A_1854 = arith.constant 0xFF800000 : f32
      %broadcast_in_dim3A_1855 = vector.broadcast %jit3A_1854 : f32 to vector<16xf32>
      %select_n3A_1856 = arith.select %eq3A_1853, %broadcast_in_dim3A_1855, %select_n3A_1320 : vector<16xi1>, vector<16xf32>
      %add3A_1857 = arith.constant 240 : i32
      %add3A_1858 = vector.broadcast %add3A_1857 : i32 to vector<16xi32>
      %add3A_1859 = arith.addi %iota3A, %add3A_1858 : vector<16xi32>
      %eq3A_1860 = arith.cmpi eq, %add3A_1859, %min3A_1747 : vector<16xi32>
      %jit3A_1861 = arith.constant 0xFF800000 : f32
      %broadcast_in_dim3A_1862 = vector.broadcast %jit3A_1861 : f32 to vector<16xf32>
      %select_n3A_1863 = arith.select %eq3A_1860, %broadcast_in_dim3A_1862, %select_n3A_1327 : vector<16xi1>, vector<16xf32>
      %add3A_1864 = arith.constant 256 : i32
      %add3A_1865 = vector.broadcast %add3A_1864 : i32 to vector<16xi32>
      %add3A_1866 = arith.addi %iota3A, %add3A_1865 : vector<16xi32>
      %eq3A_1867 = arith.cmpi eq, %add3A_1866, %min3A_1747 : vector<16xi32>
      %jit3A_1868 = arith.constant 0xFF800000 : f32
      %broadcast_in_dim3A_1869 = vector.broadcast %jit3A_1868 : f32 to vector<16xf32>
      %select_n3A_1870 = arith.select %eq3A_1867, %broadcast_in_dim3A_1869, %select_n3A_1334 : vector<16xi1>, vector<16xf32>
      %add3A_1871 = arith.constant 272 : i32
      %add3A_1872 = vector.broadcast %add3A_1871 : i32 to vector<16xi32>
      %add3A_1873 = arith.addi %iota3A, %add3A_1872 : vector<16xi32>
      %eq3A_1874 = arith.cmpi eq, %add3A_1873, %min3A_1747 : vector<16xi32>
      %jit3A_1875 = arith.constant 0xFF800000 : f32
      %broadcast_in_dim3A_1876 = vector.broadcast %jit3A_1875 : f32 to vector<16xf32>
      %select_n3A_1877 = arith.select %eq3A_1874, %broadcast_in_dim3A_1876, %select_n3A_1341 : vector<16xi1>, vector<16xf32>
      %add3A_1878 = arith.constant 288 : i32
      %add3A_1879 = vector.broadcast %add3A_1878 : i32 to vector<16xi32>
      %add3A_1880 = arith.addi %iota3A, %add3A_1879 : vector<16xi32>
      %eq3A_1881 = arith.cmpi eq, %add3A_1880, %min3A_1747 : vector<16xi32>
      %jit3A_1882 = arith.constant 0xFF800000 : f32
      %broadcast_in_dim3A_1883 = vector.broadcast %jit3A_1882 : f32 to vector<16xf32>
      %select_n3A_1884 = arith.select %eq3A_1881, %broadcast_in_dim3A_1883, %select_n3A_1348 : vector<16xi1>, vector<16xf32>
      %add3A_1885 = arith.constant 304 : i32
      %add3A_1886 = vector.broadcast %add3A_1885 : i32 to vector<16xi32>
      %add3A_1887 = arith.addi %iota3A, %add3A_1886 : vector<16xi32>
      %eq3A_1888 = arith.cmpi eq, %add3A_1887, %min3A_1747 : vector<16xi32>
      %jit3A_1889 = arith.constant 0xFF800000 : f32
      %broadcast_in_dim3A_1890 = vector.broadcast %jit3A_1889 : f32 to vector<16xf32>
      %select_n3A_1891 = arith.select %eq3A_1888, %broadcast_in_dim3A_1890, %select_n3A_1355 : vector<16xi1>, vector<16xf32>
      %add3A_1892 = arith.constant 320 : i32
      %add3A_1893 = vector.broadcast %add3A_1892 : i32 to vector<16xi32>
      %add3A_1894 = arith.addi %iota3A, %add3A_1893 : vector<16xi32>
      %eq3A_1895 = arith.cmpi eq, %add3A_1894, %min3A_1747 : vector<16xi32>
      %jit3A_1896 = arith.constant 0xFF800000 : f32
      %broadcast_in_dim3A_1897 = vector.broadcast %jit3A_1896 : f32 to vector<16xf32>
      %select_n3A_1898 = arith.select %eq3A_1895, %broadcast_in_dim3A_1897, %select_n3A_1362 : vector<16xi1>, vector<16xf32>
      %add3A_1899 = arith.constant 336 : i32
      %add3A_1900 = vector.broadcast %add3A_1899 : i32 to vector<16xi32>
      %add3A_1901 = arith.addi %iota3A, %add3A_1900 : vector<16xi32>
      %eq3A_1902 = arith.cmpi eq, %add3A_1901, %min3A_1747 : vector<16xi32>
      %jit3A_1903 = arith.constant 0xFF800000 : f32
      %broadcast_in_dim3A_1904 = vector.broadcast %jit3A_1903 : f32 to vector<16xf32>
      %select_n3A_1905 = arith.select %eq3A_1902, %broadcast_in_dim3A_1904, %select_n3A_1369 : vector<16xi1>, vector<16xf32>
      %add3A_1906 = arith.constant 352 : i32
      %add3A_1907 = vector.broadcast %add3A_1906 : i32 to vector<16xi32>
      %add3A_1908 = arith.addi %iota3A, %add3A_1907 : vector<16xi32>
      %eq3A_1909 = arith.cmpi eq, %add3A_1908, %min3A_1747 : vector<16xi32>
      %jit3A_1910 = arith.constant 0xFF800000 : f32
      %broadcast_in_dim3A_1911 = vector.broadcast %jit3A_1910 : f32 to vector<16xf32>
      %select_n3A_1912 = arith.select %eq3A_1909, %broadcast_in_dim3A_1911, %select_n3A_1376 : vector<16xi1>, vector<16xf32>
      %add3A_1913 = arith.constant 368 : i32
      %add3A_1914 = vector.broadcast %add3A_1913 : i32 to vector<16xi32>
      %add3A_1915 = arith.addi %iota3A, %add3A_1914 : vector<16xi32>
      %eq3A_1916 = arith.cmpi eq, %add3A_1915, %min3A_1747 : vector<16xi32>
      %jit3A_1917 = arith.constant 0xFF800000 : f32
      %broadcast_in_dim3A_1918 = vector.broadcast %jit3A_1917 : f32 to vector<16xf32>
      %select_n3A_1919 = arith.select %eq3A_1916, %broadcast_in_dim3A_1918, %select_n3A_1383 : vector<16xi1>, vector<16xf32>
      %add3A_1920 = arith.constant 384 : i32
      %add3A_1921 = vector.broadcast %add3A_1920 : i32 to vector<16xi32>
      %add3A_1922 = arith.addi %iota3A, %add3A_1921 : vector<16xi32>
      %eq3A_1923 = arith.cmpi eq, %add3A_1922, %min3A_1747 : vector<16xi32>
      %jit3A_1924 = arith.constant 0xFF800000 : f32
      %broadcast_in_dim3A_1925 = vector.broadcast %jit3A_1924 : f32 to vector<16xf32>
      %select_n3A_1926 = arith.select %eq3A_1923, %broadcast_in_dim3A_1925, %select_n3A_1390 : vector<16xi1>, vector<16xf32>
      %add3A_1927 = arith.constant 400 : i32
      %add3A_1928 = vector.broadcast %add3A_1927 : i32 to vector<16xi32>
      %add3A_1929 = arith.addi %iota3A, %add3A_1928 : vector<16xi32>
      %eq3A_1930 = arith.cmpi eq, %add3A_1929, %min3A_1747 : vector<16xi32>
      %jit3A_1931 = arith.constant 0xFF800000 : f32
      %broadcast_in_dim3A_1932 = vector.broadcast %jit3A_1931 : f32 to vector<16xf32>
      %select_n3A_1933 = arith.select %eq3A_1930, %broadcast_in_dim3A_1932, %select_n3A_1397 : vector<16xi1>, vector<16xf32>
      %add3A_1934 = arith.constant 416 : i32
      %add3A_1935 = vector.broadcast %add3A_1934 : i32 to vector<16xi32>
      %add3A_1936 = arith.addi %iota3A, %add3A_1935 : vector<16xi32>
      %eq3A_1937 = arith.cmpi eq, %add3A_1936, %min3A_1747 : vector<16xi32>
      %jit3A_1938 = arith.constant 0xFF800000 : f32
      %broadcast_in_dim3A_1939 = vector.broadcast %jit3A_1938 : f32 to vector<16xf32>
      %select_n3A_1940 = arith.select %eq3A_1937, %broadcast_in_dim3A_1939, %select_n3A_1404 : vector<16xi1>, vector<16xf32>
      %add3A_1941 = arith.constant 432 : i32
      %add3A_1942 = vector.broadcast %add3A_1941 : i32 to vector<16xi32>
      %add3A_1943 = arith.addi %iota3A, %add3A_1942 : vector<16xi32>
      %eq3A_1944 = arith.cmpi eq, %add3A_1943, %min3A_1747 : vector<16xi32>
      %jit3A_1945 = arith.constant 0xFF800000 : f32
      %broadcast_in_dim3A_1946 = vector.broadcast %jit3A_1945 : f32 to vector<16xf32>
      %select_n3A_1947 = arith.select %eq3A_1944, %broadcast_in_dim3A_1946, %select_n3A_1411 : vector<16xi1>, vector<16xf32>
      %add3A_1948 = arith.constant 448 : i32
      %add3A_1949 = vector.broadcast %add3A_1948 : i32 to vector<16xi32>
      %add3A_1950 = arith.addi %iota3A, %add3A_1949 : vector<16xi32>
      %eq3A_1951 = arith.cmpi eq, %add3A_1950, %min3A_1747 : vector<16xi32>
      %jit3A_1952 = arith.constant 0xFF800000 : f32
      %broadcast_in_dim3A_1953 = vector.broadcast %jit3A_1952 : f32 to vector<16xf32>
      %select_n3A_1954 = arith.select %eq3A_1951, %broadcast_in_dim3A_1953, %select_n3A_1418 : vector<16xi1>, vector<16xf32>
      %add3A_1955 = arith.constant 464 : i32
      %add3A_1956 = vector.broadcast %add3A_1955 : i32 to vector<16xi32>
      %add3A_1957 = arith.addi %iota3A, %add3A_1956 : vector<16xi32>
      %eq3A_1958 = arith.cmpi eq, %add3A_1957, %min3A_1747 : vector<16xi32>
      %jit3A_1959 = arith.constant 0xFF800000 : f32
      %broadcast_in_dim3A_1960 = vector.broadcast %jit3A_1959 : f32 to vector<16xf32>
      %select_n3A_1961 = arith.select %eq3A_1958, %broadcast_in_dim3A_1960, %select_n3A_1425 : vector<16xi1>, vector<16xf32>
      %add3A_1962 = arith.constant 480 : i32
      %add3A_1963 = vector.broadcast %add3A_1962 : i32 to vector<16xi32>
      %add3A_1964 = arith.addi %iota3A, %add3A_1963 : vector<16xi32>
      %eq3A_1965 = arith.cmpi eq, %add3A_1964, %min3A_1747 : vector<16xi32>
      %jit3A_1966 = arith.constant 0xFF800000 : f32
      %broadcast_in_dim3A_1967 = vector.broadcast %jit3A_1966 : f32 to vector<16xf32>
      %select_n3A_1968 = arith.select %eq3A_1965, %broadcast_in_dim3A_1967, %select_n3A_1432 : vector<16xi1>, vector<16xf32>
      %add3A_1969 = arith.constant 496 : i32
      %add3A_1970 = vector.broadcast %add3A_1969 : i32 to vector<16xi32>
      %add3A_1971 = arith.addi %iota3A, %add3A_1970 : vector<16xi32>
      %eq3A_1972 = arith.cmpi eq, %add3A_1971, %min3A_1747 : vector<16xi32>
      %jit3A_1973 = arith.constant 0xFF800000 : f32
      %broadcast_in_dim3A_1974 = vector.broadcast %jit3A_1973 : f32 to vector<16xf32>
      %select_n3A_1975 = arith.select %eq3A_1972, %broadcast_in_dim3A_1974, %select_n3A_1439 : vector<16xi1>, vector<16xf32>
      %broadcast_in_dim3A_1976 = arith.constant 0xFF800000 : f32
      %broadcast_in_dim3A_1977 = vector.broadcast %broadcast_in_dim3A_1976 : f32 to vector<16xf32>
      %broadcast_in_dim3A_1978 = arith.constant 0 : i32
      %broadcast_in_dim3A_1979 = vector.broadcast %broadcast_in_dim3A_1978 : i32 to vector<16xi32>
      %gt3A_1980 = arith.cmpf ogt, %select_n3A_1758, %broadcast_in_dim3A_1977 : vector<16xf32>
      %jit3A_1981 = arith.constant 0 : i32
      %broadcast_in_dim3A_1982 = vector.broadcast %jit3A_1981 : i32 to vector<16xi32>
      %select_n3A_1983 = arith.select %gt3A_1980, %broadcast_in_dim3A_1982, %broadcast_in_dim3A_1979 : vector<16xi1>, vector<16xi32>
      %select_n3A_1984 = arith.select %gt3A_1980, %select_n3A_1758, %broadcast_in_dim3A_1977 : vector<16xi1>, vector<16xf32>
      %gt3A_1985 = arith.cmpf ogt, %select_n3A_1765, %select_n3A_1984 : vector<16xf32>
      %jit3A_1986 = arith.constant 1 : i32
      %broadcast_in_dim3A_1987 = vector.broadcast %jit3A_1986 : i32 to vector<16xi32>
      %select_n3A_1988 = arith.select %gt3A_1985, %broadcast_in_dim3A_1987, %select_n3A_1983 : vector<16xi1>, vector<16xi32>
      %select_n3A_1989 = arith.select %gt3A_1985, %select_n3A_1765, %select_n3A_1984 : vector<16xi1>, vector<16xf32>
      %gt3A_1990 = arith.cmpf ogt, %select_n3A_1772, %select_n3A_1989 : vector<16xf32>
      %jit3A_1991 = arith.constant 2 : i32
      %broadcast_in_dim3A_1992 = vector.broadcast %jit3A_1991 : i32 to vector<16xi32>
      %select_n3A_1993 = arith.select %gt3A_1990, %broadcast_in_dim3A_1992, %select_n3A_1988 : vector<16xi1>, vector<16xi32>
      %select_n3A_1994 = arith.select %gt3A_1990, %select_n3A_1772, %select_n3A_1989 : vector<16xi1>, vector<16xf32>
      %gt3A_1995 = arith.cmpf ogt, %select_n3A_1779, %select_n3A_1994 : vector<16xf32>
      %jit3A_1996 = arith.constant 3 : i32
      %broadcast_in_dim3A_1997 = vector.broadcast %jit3A_1996 : i32 to vector<16xi32>
      %select_n3A_1998 = arith.select %gt3A_1995, %broadcast_in_dim3A_1997, %select_n3A_1993 : vector<16xi1>, vector<16xi32>
      %select_n3A_1999 = arith.select %gt3A_1995, %select_n3A_1779, %select_n3A_1994 : vector<16xi1>, vector<16xf32>
      %gt3A_2000 = arith.cmpf ogt, %select_n3A_1786, %select_n3A_1999 : vector<16xf32>
      %jit3A_2001 = arith.constant 4 : i32
      %broadcast_in_dim3A_2002 = vector.broadcast %jit3A_2001 : i32 to vector<16xi32>
      %select_n3A_2003 = arith.select %gt3A_2000, %broadcast_in_dim3A_2002, %select_n3A_1998 : vector<16xi1>, vector<16xi32>
      %select_n3A_2004 = arith.select %gt3A_2000, %select_n3A_1786, %select_n3A_1999 : vector<16xi1>, vector<16xf32>
      %gt3A_2005 = arith.cmpf ogt, %select_n3A_1793, %select_n3A_2004 : vector<16xf32>
      %jit3A_2006 = arith.constant 5 : i32
      %broadcast_in_dim3A_2007 = vector.broadcast %jit3A_2006 : i32 to vector<16xi32>
      %select_n3A_2008 = arith.select %gt3A_2005, %broadcast_in_dim3A_2007, %select_n3A_2003 : vector<16xi1>, vector<16xi32>
      %select_n3A_2009 = arith.select %gt3A_2005, %select_n3A_1793, %select_n3A_2004 : vector<16xi1>, vector<16xf32>
      %gt3A_2010 = arith.cmpf ogt, %select_n3A_1800, %select_n3A_2009 : vector<16xf32>
      %jit3A_2011 = arith.constant 6 : i32
      %broadcast_in_dim3A_2012 = vector.broadcast %jit3A_2011 : i32 to vector<16xi32>
      %select_n3A_2013 = arith.select %gt3A_2010, %broadcast_in_dim3A_2012, %select_n3A_2008 : vector<16xi1>, vector<16xi32>
      %select_n3A_2014 = arith.select %gt3A_2010, %select_n3A_1800, %select_n3A_2009 : vector<16xi1>, vector<16xf32>
      %gt3A_2015 = arith.cmpf ogt, %select_n3A_1807, %select_n3A_2014 : vector<16xf32>
      %jit3A_2016 = arith.constant 7 : i32
      %broadcast_in_dim3A_2017 = vector.broadcast %jit3A_2016 : i32 to vector<16xi32>
      %select_n3A_2018 = arith.select %gt3A_2015, %broadcast_in_dim3A_2017, %select_n3A_2013 : vector<16xi1>, vector<16xi32>
      %select_n3A_2019 = arith.select %gt3A_2015, %select_n3A_1807, %select_n3A_2014 : vector<16xi1>, vector<16xf32>
      %gt3A_2020 = arith.cmpf ogt, %select_n3A_1814, %select_n3A_2019 : vector<16xf32>
      %jit3A_2021 = arith.constant 8 : i32
      %broadcast_in_dim3A_2022 = vector.broadcast %jit3A_2021 : i32 to vector<16xi32>
      %select_n3A_2023 = arith.select %gt3A_2020, %broadcast_in_dim3A_2022, %select_n3A_2018 : vector<16xi1>, vector<16xi32>
      %select_n3A_2024 = arith.select %gt3A_2020, %select_n3A_1814, %select_n3A_2019 : vector<16xi1>, vector<16xf32>
      %gt3A_2025 = arith.cmpf ogt, %select_n3A_1821, %select_n3A_2024 : vector<16xf32>
      %jit3A_2026 = arith.constant 9 : i32
      %broadcast_in_dim3A_2027 = vector.broadcast %jit3A_2026 : i32 to vector<16xi32>
      %select_n3A_2028 = arith.select %gt3A_2025, %broadcast_in_dim3A_2027, %select_n3A_2023 : vector<16xi1>, vector<16xi32>
      %select_n3A_2029 = arith.select %gt3A_2025, %select_n3A_1821, %select_n3A_2024 : vector<16xi1>, vector<16xf32>
      %gt3A_2030 = arith.cmpf ogt, %select_n3A_1828, %select_n3A_2029 : vector<16xf32>
      %jit3A_2031 = arith.constant 10 : i32
      %broadcast_in_dim3A_2032 = vector.broadcast %jit3A_2031 : i32 to vector<16xi32>
      %select_n3A_2033 = arith.select %gt3A_2030, %broadcast_in_dim3A_2032, %select_n3A_2028 : vector<16xi1>, vector<16xi32>
      %select_n3A_2034 = arith.select %gt3A_2030, %select_n3A_1828, %select_n3A_2029 : vector<16xi1>, vector<16xf32>
      %gt3A_2035 = arith.cmpf ogt, %select_n3A_1835, %select_n3A_2034 : vector<16xf32>
      %jit3A_2036 = arith.constant 11 : i32
      %broadcast_in_dim3A_2037 = vector.broadcast %jit3A_2036 : i32 to vector<16xi32>
      %select_n3A_2038 = arith.select %gt3A_2035, %broadcast_in_dim3A_2037, %select_n3A_2033 : vector<16xi1>, vector<16xi32>
      %select_n3A_2039 = arith.select %gt3A_2035, %select_n3A_1835, %select_n3A_2034 : vector<16xi1>, vector<16xf32>
      %gt3A_2040 = arith.cmpf ogt, %select_n3A_1842, %select_n3A_2039 : vector<16xf32>
      %jit3A_2041 = arith.constant 12 : i32
      %broadcast_in_dim3A_2042 = vector.broadcast %jit3A_2041 : i32 to vector<16xi32>
      %select_n3A_2043 = arith.select %gt3A_2040, %broadcast_in_dim3A_2042, %select_n3A_2038 : vector<16xi1>, vector<16xi32>
      %select_n3A_2044 = arith.select %gt3A_2040, %select_n3A_1842, %select_n3A_2039 : vector<16xi1>, vector<16xf32>
      %gt3A_2045 = arith.cmpf ogt, %select_n3A_1849, %select_n3A_2044 : vector<16xf32>
      %jit3A_2046 = arith.constant 13 : i32
      %broadcast_in_dim3A_2047 = vector.broadcast %jit3A_2046 : i32 to vector<16xi32>
      %select_n3A_2048 = arith.select %gt3A_2045, %broadcast_in_dim3A_2047, %select_n3A_2043 : vector<16xi1>, vector<16xi32>
      %select_n3A_2049 = arith.select %gt3A_2045, %select_n3A_1849, %select_n3A_2044 : vector<16xi1>, vector<16xf32>
      %gt3A_2050 = arith.cmpf ogt, %select_n3A_1856, %select_n3A_2049 : vector<16xf32>
      %jit3A_2051 = arith.constant 14 : i32
      %broadcast_in_dim3A_2052 = vector.broadcast %jit3A_2051 : i32 to vector<16xi32>
      %select_n3A_2053 = arith.select %gt3A_2050, %broadcast_in_dim3A_2052, %select_n3A_2048 : vector<16xi1>, vector<16xi32>
      %select_n3A_2054 = arith.select %gt3A_2050, %select_n3A_1856, %select_n3A_2049 : vector<16xi1>, vector<16xf32>
      %gt3A_2055 = arith.cmpf ogt, %select_n3A_1863, %select_n3A_2054 : vector<16xf32>
      %jit3A_2056 = arith.constant 15 : i32
      %broadcast_in_dim3A_2057 = vector.broadcast %jit3A_2056 : i32 to vector<16xi32>
      %select_n3A_2058 = arith.select %gt3A_2055, %broadcast_in_dim3A_2057, %select_n3A_2053 : vector<16xi1>, vector<16xi32>
      %select_n3A_2059 = arith.select %gt3A_2055, %select_n3A_1863, %select_n3A_2054 : vector<16xi1>, vector<16xf32>
      %gt3A_2060 = arith.cmpf ogt, %select_n3A_1870, %select_n3A_2059 : vector<16xf32>
      %jit3A_2061 = arith.constant 16 : i32
      %broadcast_in_dim3A_2062 = vector.broadcast %jit3A_2061 : i32 to vector<16xi32>
      %select_n3A_2063 = arith.select %gt3A_2060, %broadcast_in_dim3A_2062, %select_n3A_2058 : vector<16xi1>, vector<16xi32>
      %select_n3A_2064 = arith.select %gt3A_2060, %select_n3A_1870, %select_n3A_2059 : vector<16xi1>, vector<16xf32>
      %gt3A_2065 = arith.cmpf ogt, %select_n3A_1877, %select_n3A_2064 : vector<16xf32>
      %jit3A_2066 = arith.constant 17 : i32
      %broadcast_in_dim3A_2067 = vector.broadcast %jit3A_2066 : i32 to vector<16xi32>
      %select_n3A_2068 = arith.select %gt3A_2065, %broadcast_in_dim3A_2067, %select_n3A_2063 : vector<16xi1>, vector<16xi32>
      %select_n3A_2069 = arith.select %gt3A_2065, %select_n3A_1877, %select_n3A_2064 : vector<16xi1>, vector<16xf32>
      %gt3A_2070 = arith.cmpf ogt, %select_n3A_1884, %select_n3A_2069 : vector<16xf32>
      %jit3A_2071 = arith.constant 18 : i32
      %broadcast_in_dim3A_2072 = vector.broadcast %jit3A_2071 : i32 to vector<16xi32>
      %select_n3A_2073 = arith.select %gt3A_2070, %broadcast_in_dim3A_2072, %select_n3A_2068 : vector<16xi1>, vector<16xi32>
      %select_n3A_2074 = arith.select %gt3A_2070, %select_n3A_1884, %select_n3A_2069 : vector<16xi1>, vector<16xf32>
      %gt3A_2075 = arith.cmpf ogt, %select_n3A_1891, %select_n3A_2074 : vector<16xf32>
      %jit3A_2076 = arith.constant 19 : i32
      %broadcast_in_dim3A_2077 = vector.broadcast %jit3A_2076 : i32 to vector<16xi32>
      %select_n3A_2078 = arith.select %gt3A_2075, %broadcast_in_dim3A_2077, %select_n3A_2073 : vector<16xi1>, vector<16xi32>
      %select_n3A_2079 = arith.select %gt3A_2075, %select_n3A_1891, %select_n3A_2074 : vector<16xi1>, vector<16xf32>
      %gt3A_2080 = arith.cmpf ogt, %select_n3A_1898, %select_n3A_2079 : vector<16xf32>
      %jit3A_2081 = arith.constant 20 : i32
      %broadcast_in_dim3A_2082 = vector.broadcast %jit3A_2081 : i32 to vector<16xi32>
      %select_n3A_2083 = arith.select %gt3A_2080, %broadcast_in_dim3A_2082, %select_n3A_2078 : vector<16xi1>, vector<16xi32>
      %select_n3A_2084 = arith.select %gt3A_2080, %select_n3A_1898, %select_n3A_2079 : vector<16xi1>, vector<16xf32>
      %gt3A_2085 = arith.cmpf ogt, %select_n3A_1905, %select_n3A_2084 : vector<16xf32>
      %jit3A_2086 = arith.constant 21 : i32
      %broadcast_in_dim3A_2087 = vector.broadcast %jit3A_2086 : i32 to vector<16xi32>
      %select_n3A_2088 = arith.select %gt3A_2085, %broadcast_in_dim3A_2087, %select_n3A_2083 : vector<16xi1>, vector<16xi32>
      %select_n3A_2089 = arith.select %gt3A_2085, %select_n3A_1905, %select_n3A_2084 : vector<16xi1>, vector<16xf32>
      %gt3A_2090 = arith.cmpf ogt, %select_n3A_1912, %select_n3A_2089 : vector<16xf32>
      %jit3A_2091 = arith.constant 22 : i32
      %broadcast_in_dim3A_2092 = vector.broadcast %jit3A_2091 : i32 to vector<16xi32>
      %select_n3A_2093 = arith.select %gt3A_2090, %broadcast_in_dim3A_2092, %select_n3A_2088 : vector<16xi1>, vector<16xi32>
      %select_n3A_2094 = arith.select %gt3A_2090, %select_n3A_1912, %select_n3A_2089 : vector<16xi1>, vector<16xf32>
      %gt3A_2095 = arith.cmpf ogt, %select_n3A_1919, %select_n3A_2094 : vector<16xf32>
      %jit3A_2096 = arith.constant 23 : i32
      %broadcast_in_dim3A_2097 = vector.broadcast %jit3A_2096 : i32 to vector<16xi32>
      %select_n3A_2098 = arith.select %gt3A_2095, %broadcast_in_dim3A_2097, %select_n3A_2093 : vector<16xi1>, vector<16xi32>
      %select_n3A_2099 = arith.select %gt3A_2095, %select_n3A_1919, %select_n3A_2094 : vector<16xi1>, vector<16xf32>
      %gt3A_2100 = arith.cmpf ogt, %select_n3A_1926, %select_n3A_2099 : vector<16xf32>
      %jit3A_2101 = arith.constant 24 : i32
      %broadcast_in_dim3A_2102 = vector.broadcast %jit3A_2101 : i32 to vector<16xi32>
      %select_n3A_2103 = arith.select %gt3A_2100, %broadcast_in_dim3A_2102, %select_n3A_2098 : vector<16xi1>, vector<16xi32>
      %select_n3A_2104 = arith.select %gt3A_2100, %select_n3A_1926, %select_n3A_2099 : vector<16xi1>, vector<16xf32>
      %gt3A_2105 = arith.cmpf ogt, %select_n3A_1933, %select_n3A_2104 : vector<16xf32>
      %jit3A_2106 = arith.constant 25 : i32
      %broadcast_in_dim3A_2107 = vector.broadcast %jit3A_2106 : i32 to vector<16xi32>
      %select_n3A_2108 = arith.select %gt3A_2105, %broadcast_in_dim3A_2107, %select_n3A_2103 : vector<16xi1>, vector<16xi32>
      %select_n3A_2109 = arith.select %gt3A_2105, %select_n3A_1933, %select_n3A_2104 : vector<16xi1>, vector<16xf32>
      %gt3A_2110 = arith.cmpf ogt, %select_n3A_1940, %select_n3A_2109 : vector<16xf32>
      %jit3A_2111 = arith.constant 26 : i32
      %broadcast_in_dim3A_2112 = vector.broadcast %jit3A_2111 : i32 to vector<16xi32>
      %select_n3A_2113 = arith.select %gt3A_2110, %broadcast_in_dim3A_2112, %select_n3A_2108 : vector<16xi1>, vector<16xi32>
      %select_n3A_2114 = arith.select %gt3A_2110, %select_n3A_1940, %select_n3A_2109 : vector<16xi1>, vector<16xf32>
      %gt3A_2115 = arith.cmpf ogt, %select_n3A_1947, %select_n3A_2114 : vector<16xf32>
      %jit3A_2116 = arith.constant 27 : i32
      %broadcast_in_dim3A_2117 = vector.broadcast %jit3A_2116 : i32 to vector<16xi32>
      %select_n3A_2118 = arith.select %gt3A_2115, %broadcast_in_dim3A_2117, %select_n3A_2113 : vector<16xi1>, vector<16xi32>
      %select_n3A_2119 = arith.select %gt3A_2115, %select_n3A_1947, %select_n3A_2114 : vector<16xi1>, vector<16xf32>
      %gt3A_2120 = arith.cmpf ogt, %select_n3A_1954, %select_n3A_2119 : vector<16xf32>
      %jit3A_2121 = arith.constant 28 : i32
      %broadcast_in_dim3A_2122 = vector.broadcast %jit3A_2121 : i32 to vector<16xi32>
      %select_n3A_2123 = arith.select %gt3A_2120, %broadcast_in_dim3A_2122, %select_n3A_2118 : vector<16xi1>, vector<16xi32>
      %select_n3A_2124 = arith.select %gt3A_2120, %select_n3A_1954, %select_n3A_2119 : vector<16xi1>, vector<16xf32>
      %gt3A_2125 = arith.cmpf ogt, %select_n3A_1961, %select_n3A_2124 : vector<16xf32>
      %jit3A_2126 = arith.constant 29 : i32
      %broadcast_in_dim3A_2127 = vector.broadcast %jit3A_2126 : i32 to vector<16xi32>
      %select_n3A_2128 = arith.select %gt3A_2125, %broadcast_in_dim3A_2127, %select_n3A_2123 : vector<16xi1>, vector<16xi32>
      %select_n3A_2129 = arith.select %gt3A_2125, %select_n3A_1961, %select_n3A_2124 : vector<16xi1>, vector<16xf32>
      %gt3A_2130 = arith.cmpf ogt, %select_n3A_1968, %select_n3A_2129 : vector<16xf32>
      %jit3A_2131 = arith.constant 30 : i32
      %broadcast_in_dim3A_2132 = vector.broadcast %jit3A_2131 : i32 to vector<16xi32>
      %select_n3A_2133 = arith.select %gt3A_2130, %broadcast_in_dim3A_2132, %select_n3A_2128 : vector<16xi1>, vector<16xi32>
      %select_n3A_2134 = arith.select %gt3A_2130, %select_n3A_1968, %select_n3A_2129 : vector<16xi1>, vector<16xf32>
      %gt3A_2135 = arith.cmpf ogt, %select_n3A_1975, %select_n3A_2134 : vector<16xf32>
      %jit3A_2136 = arith.constant 31 : i32
      %broadcast_in_dim3A_2137 = vector.broadcast %jit3A_2136 : i32 to vector<16xi32>
      %select_n3A_2138 = arith.select %gt3A_2135, %broadcast_in_dim3A_2137, %select_n3A_2133 : vector<16xi1>, vector<16xi32>
      %select_n3A_2139 = arith.select %gt3A_2135, %select_n3A_1975, %select_n3A_2134 : vector<16xi1>, vector<16xf32>
      %add3A_2140 = arith.constant 8 : i32
      %add3A_2141 = vector.broadcast %add3A_2140 : i32 to vector<16xi32>
      %add3A_2142 = arith.addi %iota3A, %add3A_2141 : vector<16xi32>
      %and3A_2143 = arith.constant 15 : i32
      %and3A_2144 = vector.broadcast %and3A_2143 : i32 to vector<16xi32>
      %and3A_2145 = arith.andi %add3A_2142, %and3A_2144 : vector<16xi32>
      %lt3A_2146 = arith.constant 0 : i32
      %lt3A_2147 = vector.broadcast %lt3A_2146 : i32 to vector<16xi32>
      %lt3A_2148 = arith.cmpi slt, %and3A_2145, %lt3A_2147 : vector<16xi32>
      %add3A_2149 = arith.constant 16 : i32
      %add3A_2150 = vector.broadcast %add3A_2149 : i32 to vector<16xi32>
      %add3A_2151 = arith.addi %and3A_2145, %add3A_2150 : vector<16xi32>
      %select_n3A_2152 = arith.select %lt3A_2148, %add3A_2151, %and3A_2145 : vector<16xi1>, vector<16xi32>
      %broadcast_in_dim3A_2153 = vector.shape_cast %select_n3A_2152 : vector<16xi32> to vector<16x1xi32>
      %gather3A_2154 = vector.shape_cast %broadcast_in_dim3A_2153 : vector<16x1xi32> to vector<16xi32>
      %gather3A_2155 = tpu.dynamic_gather %select_n3A_2139[%gather3A_2154] in [0] : vector<16xf32>, vector<16xi32> -> vector<16xf32>
      %max3A_2156 = arith.maximumf %select_n3A_2139, %gather3A_2155 : vector<16xf32>
      %add3A_2157 = arith.constant 4 : i32
      %add3A_2158 = vector.broadcast %add3A_2157 : i32 to vector<16xi32>
      %add3A_2159 = arith.addi %iota3A, %add3A_2158 : vector<16xi32>
      %and3A_2160 = arith.constant 15 : i32
      %and3A_2161 = vector.broadcast %and3A_2160 : i32 to vector<16xi32>
      %and3A_2162 = arith.andi %add3A_2159, %and3A_2161 : vector<16xi32>
      %lt3A_2163 = arith.constant 0 : i32
      %lt3A_2164 = vector.broadcast %lt3A_2163 : i32 to vector<16xi32>
      %lt3A_2165 = arith.cmpi slt, %and3A_2162, %lt3A_2164 : vector<16xi32>
      %add3A_2166 = arith.constant 16 : i32
      %add3A_2167 = vector.broadcast %add3A_2166 : i32 to vector<16xi32>
      %add3A_2168 = arith.addi %and3A_2162, %add3A_2167 : vector<16xi32>
      %select_n3A_2169 = arith.select %lt3A_2165, %add3A_2168, %and3A_2162 : vector<16xi1>, vector<16xi32>
      %broadcast_in_dim3A_2170 = vector.shape_cast %select_n3A_2169 : vector<16xi32> to vector<16x1xi32>
      %gather3A_2171 = vector.shape_cast %broadcast_in_dim3A_2170 : vector<16x1xi32> to vector<16xi32>
      %gather3A_2172 = tpu.dynamic_gather %max3A_2156[%gather3A_2171] in [0] : vector<16xf32>, vector<16xi32> -> vector<16xf32>
      %max3A_2173 = arith.maximumf %max3A_2156, %gather3A_2172 : vector<16xf32>
      %add3A_2174 = arith.constant 2 : i32
      %add3A_2175 = vector.broadcast %add3A_2174 : i32 to vector<16xi32>
      %add3A_2176 = arith.addi %iota3A, %add3A_2175 : vector<16xi32>
      %and3A_2177 = arith.constant 15 : i32
      %and3A_2178 = vector.broadcast %and3A_2177 : i32 to vector<16xi32>
      %and3A_2179 = arith.andi %add3A_2176, %and3A_2178 : vector<16xi32>
      %lt3A_2180 = arith.constant 0 : i32
      %lt3A_2181 = vector.broadcast %lt3A_2180 : i32 to vector<16xi32>
      %lt3A_2182 = arith.cmpi slt, %and3A_2179, %lt3A_2181 : vector<16xi32>
      %add3A_2183 = arith.constant 16 : i32
      %add3A_2184 = vector.broadcast %add3A_2183 : i32 to vector<16xi32>
      %add3A_2185 = arith.addi %and3A_2179, %add3A_2184 : vector<16xi32>
      %select_n3A_2186 = arith.select %lt3A_2182, %add3A_2185, %and3A_2179 : vector<16xi1>, vector<16xi32>
      %broadcast_in_dim3A_2187 = vector.shape_cast %select_n3A_2186 : vector<16xi32> to vector<16x1xi32>
      %gather3A_2188 = vector.shape_cast %broadcast_in_dim3A_2187 : vector<16x1xi32> to vector<16xi32>
      %gather3A_2189 = tpu.dynamic_gather %max3A_2173[%gather3A_2188] in [0] : vector<16xf32>, vector<16xi32> -> vector<16xf32>
      %max3A_2190 = arith.maximumf %max3A_2173, %gather3A_2189 : vector<16xf32>
      %add3A_2191 = arith.constant 1 : i32
      %add3A_2192 = vector.broadcast %add3A_2191 : i32 to vector<16xi32>
      %add3A_2193 = arith.addi %iota3A, %add3A_2192 : vector<16xi32>
      %and3A_2194 = arith.constant 15 : i32
      %and3A_2195 = vector.broadcast %and3A_2194 : i32 to vector<16xi32>
      %and3A_2196 = arith.andi %add3A_2193, %and3A_2195 : vector<16xi32>
      %lt3A_2197 = arith.constant 0 : i32
      %lt3A_2198 = vector.broadcast %lt3A_2197 : i32 to vector<16xi32>
      %lt3A_2199 = arith.cmpi slt, %and3A_2196, %lt3A_2198 : vector<16xi32>
      %add3A_2200 = arith.constant 16 : i32
      %add3A_2201 = vector.broadcast %add3A_2200 : i32 to vector<16xi32>
      %add3A_2202 = arith.addi %and3A_2196, %add3A_2201 : vector<16xi32>
      %select_n3A_2203 = arith.select %lt3A_2199, %add3A_2202, %and3A_2196 : vector<16xi1>, vector<16xi32>
      %broadcast_in_dim3A_2204 = vector.shape_cast %select_n3A_2203 : vector<16xi32> to vector<16x1xi32>
      %gather3A_2205 = vector.shape_cast %broadcast_in_dim3A_2204 : vector<16x1xi32> to vector<16xi32>
      %gather3A_2206 = tpu.dynamic_gather %max3A_2190[%gather3A_2205] in [0] : vector<16xf32>, vector<16xi32> -> vector<16xf32>
      %max3A_2207 = arith.maximumf %max3A_2190, %gather3A_2206 : vector<16xf32>
      %mul3A_2208 = arith.constant 16 : i32
      %mul3A_2209 = vector.broadcast %mul3A_2208 : i32 to vector<16xi32>
      %mul3A_2210 = arith.muli %select_n3A_2138, %mul3A_2209 : vector<16xi32>
      %add3A_2211 = arith.addi %mul3A_2210, %iota3A : vector<16xi32>
      %eq3A_2212 = arith.cmpf oeq, %select_n3A_2139, %max3A_2207 : vector<16xf32>
      %jit3A_2213 = arith.constant 1048576 : i32
      %broadcast_in_dim3A_2214 = vector.broadcast %jit3A_2213 : i32 to vector<16xi32>
      %select_n3A_2215 = arith.select %eq3A_2212, %add3A_2211, %broadcast_in_dim3A_2214 : vector<16xi1>, vector<16xi32>
      %add3A_2216 = arith.constant 8 : i32
      %add3A_2217 = vector.broadcast %add3A_2216 : i32 to vector<16xi32>
      %add3A_2218 = arith.addi %iota3A, %add3A_2217 : vector<16xi32>
      %and3A_2219 = arith.constant 15 : i32
      %and3A_2220 = vector.broadcast %and3A_2219 : i32 to vector<16xi32>
      %and3A_2221 = arith.andi %add3A_2218, %and3A_2220 : vector<16xi32>
      %lt3A_2222 = arith.constant 0 : i32
      %lt3A_2223 = vector.broadcast %lt3A_2222 : i32 to vector<16xi32>
      %lt3A_2224 = arith.cmpi slt, %and3A_2221, %lt3A_2223 : vector<16xi32>
      %add3A_2225 = arith.constant 16 : i32
      %add3A_2226 = vector.broadcast %add3A_2225 : i32 to vector<16xi32>
      %add3A_2227 = arith.addi %and3A_2221, %add3A_2226 : vector<16xi32>
      %select_n3A_2228 = arith.select %lt3A_2224, %add3A_2227, %and3A_2221 : vector<16xi1>, vector<16xi32>
      %broadcast_in_dim3A_2229 = vector.shape_cast %select_n3A_2228 : vector<16xi32> to vector<16x1xi32>
      %gather3A_2230 = vector.shape_cast %broadcast_in_dim3A_2229 : vector<16x1xi32> to vector<16xi32>
      %gather3A_2231 = tpu.dynamic_gather %select_n3A_2215[%gather3A_2230] in [0] : vector<16xi32>, vector<16xi32> -> vector<16xi32>
      %min3A_2232 = arith.minsi %select_n3A_2215, %gather3A_2231 : vector<16xi32>
      %add3A_2233 = arith.constant 4 : i32
      %add3A_2234 = vector.broadcast %add3A_2233 : i32 to vector<16xi32>
      %add3A_2235 = arith.addi %iota3A, %add3A_2234 : vector<16xi32>
      %and3A_2236 = arith.constant 15 : i32
      %and3A_2237 = vector.broadcast %and3A_2236 : i32 to vector<16xi32>
      %and3A_2238 = arith.andi %add3A_2235, %and3A_2237 : vector<16xi32>
      %lt3A_2239 = arith.constant 0 : i32
      %lt3A_2240 = vector.broadcast %lt3A_2239 : i32 to vector<16xi32>
      %lt3A_2241 = arith.cmpi slt, %and3A_2238, %lt3A_2240 : vector<16xi32>
      %add3A_2242 = arith.constant 16 : i32
      %add3A_2243 = vector.broadcast %add3A_2242 : i32 to vector<16xi32>
      %add3A_2244 = arith.addi %and3A_2238, %add3A_2243 : vector<16xi32>
      %select_n3A_2245 = arith.select %lt3A_2241, %add3A_2244, %and3A_2238 : vector<16xi1>, vector<16xi32>
      %broadcast_in_dim3A_2246 = vector.shape_cast %select_n3A_2245 : vector<16xi32> to vector<16x1xi32>
      %gather3A_2247 = vector.shape_cast %broadcast_in_dim3A_2246 : vector<16x1xi32> to vector<16xi32>
      %gather3A_2248 = tpu.dynamic_gather %min3A_2232[%gather3A_2247] in [0] : vector<16xi32>, vector<16xi32> -> vector<16xi32>
      %min3A_2249 = arith.minsi %min3A_2232, %gather3A_2248 : vector<16xi32>
      %add3A_2250 = arith.constant 2 : i32
      %add3A_2251 = vector.broadcast %add3A_2250 : i32 to vector<16xi32>
      %add3A_2252 = arith.addi %iota3A, %add3A_2251 : vector<16xi32>
      %and3A_2253 = arith.constant 15 : i32
      %and3A_2254 = vector.broadcast %and3A_2253 : i32 to vector<16xi32>
      %and3A_2255 = arith.andi %add3A_2252, %and3A_2254 : vector<16xi32>
      %lt3A_2256 = arith.constant 0 : i32
      %lt3A_2257 = vector.broadcast %lt3A_2256 : i32 to vector<16xi32>
      %lt3A_2258 = arith.cmpi slt, %and3A_2255, %lt3A_2257 : vector<16xi32>
      %add3A_2259 = arith.constant 16 : i32
      %add3A_2260 = vector.broadcast %add3A_2259 : i32 to vector<16xi32>
      %add3A_2261 = arith.addi %and3A_2255, %add3A_2260 : vector<16xi32>
      %select_n3A_2262 = arith.select %lt3A_2258, %add3A_2261, %and3A_2255 : vector<16xi1>, vector<16xi32>
      %broadcast_in_dim3A_2263 = vector.shape_cast %select_n3A_2262 : vector<16xi32> to vector<16x1xi32>
      %gather3A_2264 = vector.shape_cast %broadcast_in_dim3A_2263 : vector<16x1xi32> to vector<16xi32>
      %gather3A_2265 = tpu.dynamic_gather %min3A_2249[%gather3A_2264] in [0] : vector<16xi32>, vector<16xi32> -> vector<16xi32>
      %min3A_2266 = arith.minsi %min3A_2249, %gather3A_2265 : vector<16xi32>
      %add3A_2267 = arith.constant 1 : i32
      %add3A_2268 = vector.broadcast %add3A_2267 : i32 to vector<16xi32>
      %add3A_2269 = arith.addi %iota3A, %add3A_2268 : vector<16xi32>
      %and3A_2270 = arith.constant 15 : i32
      %and3A_2271 = vector.broadcast %and3A_2270 : i32 to vector<16xi32>
      %and3A_2272 = arith.andi %add3A_2269, %and3A_2271 : vector<16xi32>
      %lt3A_2273 = arith.constant 0 : i32
      %lt3A_2274 = vector.broadcast %lt3A_2273 : i32 to vector<16xi32>
      %lt3A_2275 = arith.cmpi slt, %and3A_2272, %lt3A_2274 : vector<16xi32>
      %add3A_2276 = arith.constant 16 : i32
      %add3A_2277 = vector.broadcast %add3A_2276 : i32 to vector<16xi32>
      %add3A_2278 = arith.addi %and3A_2272, %add3A_2277 : vector<16xi32>
      %select_n3A_2279 = arith.select %lt3A_2275, %add3A_2278, %and3A_2272 : vector<16xi1>, vector<16xi32>
      %broadcast_in_dim3A_2280 = vector.shape_cast %select_n3A_2279 : vector<16xi32> to vector<16x1xi32>
      %gather3A_2281 = vector.shape_cast %broadcast_in_dim3A_2280 : vector<16x1xi32> to vector<16xi32>
      %gather3A_2282 = tpu.dynamic_gather %min3A_2266[%gather3A_2281] in [0] : vector<16xi32>, vector<16xi32> -> vector<16xi32>
      %min3A_2283 = arith.minsi %min3A_2266, %gather3A_2282 : vector<16xi32>
      %eq3A_2284 = arith.constant 5 : i32
      %eq3A_2285 = vector.broadcast %eq3A_2284 : i32 to vector<16xi32>
      %eq3A_2286 = arith.cmpi eq, %iota3A, %eq3A_2285 : vector<16xi32>
      %select_n3A_2287 = arith.select %eq3A_2286, %min3A_2283, %select_n3A_1751 : vector<16xi1>, vector<16xi32>
      %add3A_2288 = arith.constant 0 : i32
      %add3A_2289 = vector.broadcast %add3A_2288 : i32 to vector<16xi32>
      %add3A_2290 = arith.addi %iota3A, %add3A_2289 : vector<16xi32>
      %eq3A_2291 = arith.cmpi eq, %add3A_2290, %min3A_2283 : vector<16xi32>
      %jit3A_2292 = arith.constant 0xFF800000 : f32
      %broadcast_in_dim3A_2293 = vector.broadcast %jit3A_2292 : f32 to vector<16xf32>
      %select_n3A_2294 = arith.select %eq3A_2291, %broadcast_in_dim3A_2293, %select_n3A_1758 : vector<16xi1>, vector<16xf32>
      %add3A_2295 = arith.constant 16 : i32
      %add3A_2296 = vector.broadcast %add3A_2295 : i32 to vector<16xi32>
      %add3A_2297 = arith.addi %iota3A, %add3A_2296 : vector<16xi32>
      %eq3A_2298 = arith.cmpi eq, %add3A_2297, %min3A_2283 : vector<16xi32>
      %jit3A_2299 = arith.constant 0xFF800000 : f32
      %broadcast_in_dim3A_2300 = vector.broadcast %jit3A_2299 : f32 to vector<16xf32>
      %select_n3A_2301 = arith.select %eq3A_2298, %broadcast_in_dim3A_2300, %select_n3A_1765 : vector<16xi1>, vector<16xf32>
      %add3A_2302 = arith.constant 32 : i32
      %add3A_2303 = vector.broadcast %add3A_2302 : i32 to vector<16xi32>
      %add3A_2304 = arith.addi %iota3A, %add3A_2303 : vector<16xi32>
      %eq3A_2305 = arith.cmpi eq, %add3A_2304, %min3A_2283 : vector<16xi32>
      %jit3A_2306 = arith.constant 0xFF800000 : f32
      %broadcast_in_dim3A_2307 = vector.broadcast %jit3A_2306 : f32 to vector<16xf32>
      %select_n3A_2308 = arith.select %eq3A_2305, %broadcast_in_dim3A_2307, %select_n3A_1772 : vector<16xi1>, vector<16xf32>
      %add3A_2309 = arith.constant 48 : i32
      %add3A_2310 = vector.broadcast %add3A_2309 : i32 to vector<16xi32>
      %add3A_2311 = arith.addi %iota3A, %add3A_2310 : vector<16xi32>
      %eq3A_2312 = arith.cmpi eq, %add3A_2311, %min3A_2283 : vector<16xi32>
      %jit3A_2313 = arith.constant 0xFF800000 : f32
      %broadcast_in_dim3A_2314 = vector.broadcast %jit3A_2313 : f32 to vector<16xf32>
      %select_n3A_2315 = arith.select %eq3A_2312, %broadcast_in_dim3A_2314, %select_n3A_1779 : vector<16xi1>, vector<16xf32>
      %add3A_2316 = arith.constant 64 : i32
      %add3A_2317 = vector.broadcast %add3A_2316 : i32 to vector<16xi32>
      %add3A_2318 = arith.addi %iota3A, %add3A_2317 : vector<16xi32>
      %eq3A_2319 = arith.cmpi eq, %add3A_2318, %min3A_2283 : vector<16xi32>
      %jit3A_2320 = arith.constant 0xFF800000 : f32
      %broadcast_in_dim3A_2321 = vector.broadcast %jit3A_2320 : f32 to vector<16xf32>
      %select_n3A_2322 = arith.select %eq3A_2319, %broadcast_in_dim3A_2321, %select_n3A_1786 : vector<16xi1>, vector<16xf32>
      %add3A_2323 = arith.constant 80 : i32
      %add3A_2324 = vector.broadcast %add3A_2323 : i32 to vector<16xi32>
      %add3A_2325 = arith.addi %iota3A, %add3A_2324 : vector<16xi32>
      %eq3A_2326 = arith.cmpi eq, %add3A_2325, %min3A_2283 : vector<16xi32>
      %jit3A_2327 = arith.constant 0xFF800000 : f32
      %broadcast_in_dim3A_2328 = vector.broadcast %jit3A_2327 : f32 to vector<16xf32>
      %select_n3A_2329 = arith.select %eq3A_2326, %broadcast_in_dim3A_2328, %select_n3A_1793 : vector<16xi1>, vector<16xf32>
      %add3A_2330 = arith.constant 96 : i32
      %add3A_2331 = vector.broadcast %add3A_2330 : i32 to vector<16xi32>
      %add3A_2332 = arith.addi %iota3A, %add3A_2331 : vector<16xi32>
      %eq3A_2333 = arith.cmpi eq, %add3A_2332, %min3A_2283 : vector<16xi32>
      %jit3A_2334 = arith.constant 0xFF800000 : f32
      %broadcast_in_dim3A_2335 = vector.broadcast %jit3A_2334 : f32 to vector<16xf32>
      %select_n3A_2336 = arith.select %eq3A_2333, %broadcast_in_dim3A_2335, %select_n3A_1800 : vector<16xi1>, vector<16xf32>
      %add3A_2337 = arith.constant 112 : i32
      %add3A_2338 = vector.broadcast %add3A_2337 : i32 to vector<16xi32>
      %add3A_2339 = arith.addi %iota3A, %add3A_2338 : vector<16xi32>
      %eq3A_2340 = arith.cmpi eq, %add3A_2339, %min3A_2283 : vector<16xi32>
      %jit3A_2341 = arith.constant 0xFF800000 : f32
      %broadcast_in_dim3A_2342 = vector.broadcast %jit3A_2341 : f32 to vector<16xf32>
      %select_n3A_2343 = arith.select %eq3A_2340, %broadcast_in_dim3A_2342, %select_n3A_1807 : vector<16xi1>, vector<16xf32>
      %add3A_2344 = arith.constant 128 : i32
      %add3A_2345 = vector.broadcast %add3A_2344 : i32 to vector<16xi32>
      %add3A_2346 = arith.addi %iota3A, %add3A_2345 : vector<16xi32>
      %eq3A_2347 = arith.cmpi eq, %add3A_2346, %min3A_2283 : vector<16xi32>
      %jit3A_2348 = arith.constant 0xFF800000 : f32
      %broadcast_in_dim3A_2349 = vector.broadcast %jit3A_2348 : f32 to vector<16xf32>
      %select_n3A_2350 = arith.select %eq3A_2347, %broadcast_in_dim3A_2349, %select_n3A_1814 : vector<16xi1>, vector<16xf32>
      %add3A_2351 = arith.constant 144 : i32
      %add3A_2352 = vector.broadcast %add3A_2351 : i32 to vector<16xi32>
      %add3A_2353 = arith.addi %iota3A, %add3A_2352 : vector<16xi32>
      %eq3A_2354 = arith.cmpi eq, %add3A_2353, %min3A_2283 : vector<16xi32>
      %jit3A_2355 = arith.constant 0xFF800000 : f32
      %broadcast_in_dim3A_2356 = vector.broadcast %jit3A_2355 : f32 to vector<16xf32>
      %select_n3A_2357 = arith.select %eq3A_2354, %broadcast_in_dim3A_2356, %select_n3A_1821 : vector<16xi1>, vector<16xf32>
      %add3A_2358 = arith.constant 160 : i32
      %add3A_2359 = vector.broadcast %add3A_2358 : i32 to vector<16xi32>
      %add3A_2360 = arith.addi %iota3A, %add3A_2359 : vector<16xi32>
      %eq3A_2361 = arith.cmpi eq, %add3A_2360, %min3A_2283 : vector<16xi32>
      %jit3A_2362 = arith.constant 0xFF800000 : f32
      %broadcast_in_dim3A_2363 = vector.broadcast %jit3A_2362 : f32 to vector<16xf32>
      %select_n3A_2364 = arith.select %eq3A_2361, %broadcast_in_dim3A_2363, %select_n3A_1828 : vector<16xi1>, vector<16xf32>
      %add3A_2365 = arith.constant 176 : i32
      %add3A_2366 = vector.broadcast %add3A_2365 : i32 to vector<16xi32>
      %add3A_2367 = arith.addi %iota3A, %add3A_2366 : vector<16xi32>
      %eq3A_2368 = arith.cmpi eq, %add3A_2367, %min3A_2283 : vector<16xi32>
      %jit3A_2369 = arith.constant 0xFF800000 : f32
      %broadcast_in_dim3A_2370 = vector.broadcast %jit3A_2369 : f32 to vector<16xf32>
      %select_n3A_2371 = arith.select %eq3A_2368, %broadcast_in_dim3A_2370, %select_n3A_1835 : vector<16xi1>, vector<16xf32>
      %add3A_2372 = arith.constant 192 : i32
      %add3A_2373 = vector.broadcast %add3A_2372 : i32 to vector<16xi32>
      %add3A_2374 = arith.addi %iota3A, %add3A_2373 : vector<16xi32>
      %eq3A_2375 = arith.cmpi eq, %add3A_2374, %min3A_2283 : vector<16xi32>
      %jit3A_2376 = arith.constant 0xFF800000 : f32
      %broadcast_in_dim3A_2377 = vector.broadcast %jit3A_2376 : f32 to vector<16xf32>
      %select_n3A_2378 = arith.select %eq3A_2375, %broadcast_in_dim3A_2377, %select_n3A_1842 : vector<16xi1>, vector<16xf32>
      %add3A_2379 = arith.constant 208 : i32
      %add3A_2380 = vector.broadcast %add3A_2379 : i32 to vector<16xi32>
      %add3A_2381 = arith.addi %iota3A, %add3A_2380 : vector<16xi32>
      %eq3A_2382 = arith.cmpi eq, %add3A_2381, %min3A_2283 : vector<16xi32>
      %jit3A_2383 = arith.constant 0xFF800000 : f32
      %broadcast_in_dim3A_2384 = vector.broadcast %jit3A_2383 : f32 to vector<16xf32>
      %select_n3A_2385 = arith.select %eq3A_2382, %broadcast_in_dim3A_2384, %select_n3A_1849 : vector<16xi1>, vector<16xf32>
      %add3A_2386 = arith.constant 224 : i32
      %add3A_2387 = vector.broadcast %add3A_2386 : i32 to vector<16xi32>
      %add3A_2388 = arith.addi %iota3A, %add3A_2387 : vector<16xi32>
      %eq3A_2389 = arith.cmpi eq, %add3A_2388, %min3A_2283 : vector<16xi32>
      %jit3A_2390 = arith.constant 0xFF800000 : f32
      %broadcast_in_dim3A_2391 = vector.broadcast %jit3A_2390 : f32 to vector<16xf32>
      %select_n3A_2392 = arith.select %eq3A_2389, %broadcast_in_dim3A_2391, %select_n3A_1856 : vector<16xi1>, vector<16xf32>
      %add3A_2393 = arith.constant 240 : i32
      %add3A_2394 = vector.broadcast %add3A_2393 : i32 to vector<16xi32>
      %add3A_2395 = arith.addi %iota3A, %add3A_2394 : vector<16xi32>
      %eq3A_2396 = arith.cmpi eq, %add3A_2395, %min3A_2283 : vector<16xi32>
      %jit3A_2397 = arith.constant 0xFF800000 : f32
      %broadcast_in_dim3A_2398 = vector.broadcast %jit3A_2397 : f32 to vector<16xf32>
      %select_n3A_2399 = arith.select %eq3A_2396, %broadcast_in_dim3A_2398, %select_n3A_1863 : vector<16xi1>, vector<16xf32>
      %add3A_2400 = arith.constant 256 : i32
      %add3A_2401 = vector.broadcast %add3A_2400 : i32 to vector<16xi32>
      %add3A_2402 = arith.addi %iota3A, %add3A_2401 : vector<16xi32>
      %eq3A_2403 = arith.cmpi eq, %add3A_2402, %min3A_2283 : vector<16xi32>
      %jit3A_2404 = arith.constant 0xFF800000 : f32
      %broadcast_in_dim3A_2405 = vector.broadcast %jit3A_2404 : f32 to vector<16xf32>
      %select_n3A_2406 = arith.select %eq3A_2403, %broadcast_in_dim3A_2405, %select_n3A_1870 : vector<16xi1>, vector<16xf32>
      %add3A_2407 = arith.constant 272 : i32
      %add3A_2408 = vector.broadcast %add3A_2407 : i32 to vector<16xi32>
      %add3A_2409 = arith.addi %iota3A, %add3A_2408 : vector<16xi32>
      %eq3A_2410 = arith.cmpi eq, %add3A_2409, %min3A_2283 : vector<16xi32>
      %jit3A_2411 = arith.constant 0xFF800000 : f32
      %broadcast_in_dim3A_2412 = vector.broadcast %jit3A_2411 : f32 to vector<16xf32>
      %select_n3A_2413 = arith.select %eq3A_2410, %broadcast_in_dim3A_2412, %select_n3A_1877 : vector<16xi1>, vector<16xf32>
      %add3A_2414 = arith.constant 288 : i32
      %add3A_2415 = vector.broadcast %add3A_2414 : i32 to vector<16xi32>
      %add3A_2416 = arith.addi %iota3A, %add3A_2415 : vector<16xi32>
      %eq3A_2417 = arith.cmpi eq, %add3A_2416, %min3A_2283 : vector<16xi32>
      %jit3A_2418 = arith.constant 0xFF800000 : f32
      %broadcast_in_dim3A_2419 = vector.broadcast %jit3A_2418 : f32 to vector<16xf32>
      %select_n3A_2420 = arith.select %eq3A_2417, %broadcast_in_dim3A_2419, %select_n3A_1884 : vector<16xi1>, vector<16xf32>
      %add3A_2421 = arith.constant 304 : i32
      %add3A_2422 = vector.broadcast %add3A_2421 : i32 to vector<16xi32>
      %add3A_2423 = arith.addi %iota3A, %add3A_2422 : vector<16xi32>
      %eq3A_2424 = arith.cmpi eq, %add3A_2423, %min3A_2283 : vector<16xi32>
      %jit3A_2425 = arith.constant 0xFF800000 : f32
      %broadcast_in_dim3A_2426 = vector.broadcast %jit3A_2425 : f32 to vector<16xf32>
      %select_n3A_2427 = arith.select %eq3A_2424, %broadcast_in_dim3A_2426, %select_n3A_1891 : vector<16xi1>, vector<16xf32>
      %add3A_2428 = arith.constant 320 : i32
      %add3A_2429 = vector.broadcast %add3A_2428 : i32 to vector<16xi32>
      %add3A_2430 = arith.addi %iota3A, %add3A_2429 : vector<16xi32>
      %eq3A_2431 = arith.cmpi eq, %add3A_2430, %min3A_2283 : vector<16xi32>
      %jit3A_2432 = arith.constant 0xFF800000 : f32
      %broadcast_in_dim3A_2433 = vector.broadcast %jit3A_2432 : f32 to vector<16xf32>
      %select_n3A_2434 = arith.select %eq3A_2431, %broadcast_in_dim3A_2433, %select_n3A_1898 : vector<16xi1>, vector<16xf32>
      %add3A_2435 = arith.constant 336 : i32
      %add3A_2436 = vector.broadcast %add3A_2435 : i32 to vector<16xi32>
      %add3A_2437 = arith.addi %iota3A, %add3A_2436 : vector<16xi32>
      %eq3A_2438 = arith.cmpi eq, %add3A_2437, %min3A_2283 : vector<16xi32>
      %jit3A_2439 = arith.constant 0xFF800000 : f32
      %broadcast_in_dim3A_2440 = vector.broadcast %jit3A_2439 : f32 to vector<16xf32>
      %select_n3A_2441 = arith.select %eq3A_2438, %broadcast_in_dim3A_2440, %select_n3A_1905 : vector<16xi1>, vector<16xf32>
      %add3A_2442 = arith.constant 352 : i32
      %add3A_2443 = vector.broadcast %add3A_2442 : i32 to vector<16xi32>
      %add3A_2444 = arith.addi %iota3A, %add3A_2443 : vector<16xi32>
      %eq3A_2445 = arith.cmpi eq, %add3A_2444, %min3A_2283 : vector<16xi32>
      %jit3A_2446 = arith.constant 0xFF800000 : f32
      %broadcast_in_dim3A_2447 = vector.broadcast %jit3A_2446 : f32 to vector<16xf32>
      %select_n3A_2448 = arith.select %eq3A_2445, %broadcast_in_dim3A_2447, %select_n3A_1912 : vector<16xi1>, vector<16xf32>
      %add3A_2449 = arith.constant 368 : i32
      %add3A_2450 = vector.broadcast %add3A_2449 : i32 to vector<16xi32>
      %add3A_2451 = arith.addi %iota3A, %add3A_2450 : vector<16xi32>
      %eq3A_2452 = arith.cmpi eq, %add3A_2451, %min3A_2283 : vector<16xi32>
      %jit3A_2453 = arith.constant 0xFF800000 : f32
      %broadcast_in_dim3A_2454 = vector.broadcast %jit3A_2453 : f32 to vector<16xf32>
      %select_n3A_2455 = arith.select %eq3A_2452, %broadcast_in_dim3A_2454, %select_n3A_1919 : vector<16xi1>, vector<16xf32>
      %add3A_2456 = arith.constant 384 : i32
      %add3A_2457 = vector.broadcast %add3A_2456 : i32 to vector<16xi32>
      %add3A_2458 = arith.addi %iota3A, %add3A_2457 : vector<16xi32>
      %eq3A_2459 = arith.cmpi eq, %add3A_2458, %min3A_2283 : vector<16xi32>
      %jit3A_2460 = arith.constant 0xFF800000 : f32
      %broadcast_in_dim3A_2461 = vector.broadcast %jit3A_2460 : f32 to vector<16xf32>
      %select_n3A_2462 = arith.select %eq3A_2459, %broadcast_in_dim3A_2461, %select_n3A_1926 : vector<16xi1>, vector<16xf32>
      %add3A_2463 = arith.constant 400 : i32
      %add3A_2464 = vector.broadcast %add3A_2463 : i32 to vector<16xi32>
      %add3A_2465 = arith.addi %iota3A, %add3A_2464 : vector<16xi32>
      %eq3A_2466 = arith.cmpi eq, %add3A_2465, %min3A_2283 : vector<16xi32>
      %jit3A_2467 = arith.constant 0xFF800000 : f32
      %broadcast_in_dim3A_2468 = vector.broadcast %jit3A_2467 : f32 to vector<16xf32>
      %select_n3A_2469 = arith.select %eq3A_2466, %broadcast_in_dim3A_2468, %select_n3A_1933 : vector<16xi1>, vector<16xf32>
      %add3A_2470 = arith.constant 416 : i32
      %add3A_2471 = vector.broadcast %add3A_2470 : i32 to vector<16xi32>
      %add3A_2472 = arith.addi %iota3A, %add3A_2471 : vector<16xi32>
      %eq3A_2473 = arith.cmpi eq, %add3A_2472, %min3A_2283 : vector<16xi32>
      %jit3A_2474 = arith.constant 0xFF800000 : f32
      %broadcast_in_dim3A_2475 = vector.broadcast %jit3A_2474 : f32 to vector<16xf32>
      %select_n3A_2476 = arith.select %eq3A_2473, %broadcast_in_dim3A_2475, %select_n3A_1940 : vector<16xi1>, vector<16xf32>
      %add3A_2477 = arith.constant 432 : i32
      %add3A_2478 = vector.broadcast %add3A_2477 : i32 to vector<16xi32>
      %add3A_2479 = arith.addi %iota3A, %add3A_2478 : vector<16xi32>
      %eq3A_2480 = arith.cmpi eq, %add3A_2479, %min3A_2283 : vector<16xi32>
      %jit3A_2481 = arith.constant 0xFF800000 : f32
      %broadcast_in_dim3A_2482 = vector.broadcast %jit3A_2481 : f32 to vector<16xf32>
      %select_n3A_2483 = arith.select %eq3A_2480, %broadcast_in_dim3A_2482, %select_n3A_1947 : vector<16xi1>, vector<16xf32>
      %add3A_2484 = arith.constant 448 : i32
      %add3A_2485 = vector.broadcast %add3A_2484 : i32 to vector<16xi32>
      %add3A_2486 = arith.addi %iota3A, %add3A_2485 : vector<16xi32>
      %eq3A_2487 = arith.cmpi eq, %add3A_2486, %min3A_2283 : vector<16xi32>
      %jit3A_2488 = arith.constant 0xFF800000 : f32
      %broadcast_in_dim3A_2489 = vector.broadcast %jit3A_2488 : f32 to vector<16xf32>
      %select_n3A_2490 = arith.select %eq3A_2487, %broadcast_in_dim3A_2489, %select_n3A_1954 : vector<16xi1>, vector<16xf32>
      %add3A_2491 = arith.constant 464 : i32
      %add3A_2492 = vector.broadcast %add3A_2491 : i32 to vector<16xi32>
      %add3A_2493 = arith.addi %iota3A, %add3A_2492 : vector<16xi32>
      %eq3A_2494 = arith.cmpi eq, %add3A_2493, %min3A_2283 : vector<16xi32>
      %jit3A_2495 = arith.constant 0xFF800000 : f32
      %broadcast_in_dim3A_2496 = vector.broadcast %jit3A_2495 : f32 to vector<16xf32>
      %select_n3A_2497 = arith.select %eq3A_2494, %broadcast_in_dim3A_2496, %select_n3A_1961 : vector<16xi1>, vector<16xf32>
      %add3A_2498 = arith.constant 480 : i32
      %add3A_2499 = vector.broadcast %add3A_2498 : i32 to vector<16xi32>
      %add3A_2500 = arith.addi %iota3A, %add3A_2499 : vector<16xi32>
      %eq3A_2501 = arith.cmpi eq, %add3A_2500, %min3A_2283 : vector<16xi32>
      %jit3A_2502 = arith.constant 0xFF800000 : f32
      %broadcast_in_dim3A_2503 = vector.broadcast %jit3A_2502 : f32 to vector<16xf32>
      %select_n3A_2504 = arith.select %eq3A_2501, %broadcast_in_dim3A_2503, %select_n3A_1968 : vector<16xi1>, vector<16xf32>
      %add3A_2505 = arith.constant 496 : i32
      %add3A_2506 = vector.broadcast %add3A_2505 : i32 to vector<16xi32>
      %add3A_2507 = arith.addi %iota3A, %add3A_2506 : vector<16xi32>
      %eq3A_2508 = arith.cmpi eq, %add3A_2507, %min3A_2283 : vector<16xi32>
      %jit3A_2509 = arith.constant 0xFF800000 : f32
      %broadcast_in_dim3A_2510 = vector.broadcast %jit3A_2509 : f32 to vector<16xf32>
      %select_n3A_2511 = arith.select %eq3A_2508, %broadcast_in_dim3A_2510, %select_n3A_1975 : vector<16xi1>, vector<16xf32>
      %swap3A = arith.index_cast %scan3A_8 : i32 to index
      %swap3A_2512 = arith.constant 0 : index
      %swap3A_2513 = tpu.vector_load %arg7[%swap3A, %swap3A_2512] {strides = array<i32>} : memref<128x16xi32, #tpu.memory_space<vmem>>, vector<1x16xi32>,
      %swap3A_2514 = vector.shape_cast %swap3A_2513 : vector<1x16xi32> to vector<16xi32>
      %swap3A_2515 = vector.shape_cast %select_n3A_2287 : vector<16xi32> to vector<1x16xi32>
      tpu.vector_store %arg7[%swap3A, %swap3A_2512], %swap3A_2515 {strides = array<i32>} : memref<128x16xi32, #tpu.memory_space<vmem>>, vector<1x16xi32>,
    }
    %scan3A_7 = arith.constant 128 : i32
    "tpu.region"() ({
      %run_scoped3A = tpu.sem_alloc : memref<!tpu.dma_semaphore, #tpu.memory_space<semaphore_mem>>
      %dma_start3A = arith.constant 0 : i32
      %dma_start3A_8 = tpu.memref_slice %arg4[%mul3A_2, %dma_start3A] : memref<4096x16xi32, #tpu.memory_space<hbm>> -> memref<128x16xi32, #tpu.memory_space<hbm>>
      %dma_start3A_9 = arith.constant 0 : i32
      %dma_start3A_10 = tpu.memref_slice %arg4[%mul3A_2, %dma_start3A_9] : memref<4096x16xi32, #tpu.memory_space<hbm>> -> memref<128x16xi32, #tpu.memory_space<hbm>>
      tpu.enqueue_dma source(%arg7 : memref<128x16xi32, #tpu.memory_space<vmem>>) target(%dma_start3A_10 : memref<128x16xi32, #tpu.memory_space<hbm>>) target_semaphore(%run_scoped3A : memref<!tpu.dma_semaphore, #tpu.memory_space<semaphore_mem>>)
      %dma_wait3A = arith.constant 0 : i32
      %dma_wait3A_11 = tpu.memref_slice %arg4[%mul3A_2, %dma_wait3A] : memref<4096x16xi32, #tpu.memory_space<hbm>> -> memref<128x16xi32, #tpu.memory_space<hbm>>
      %dma_wait3A_12 = arith.constant 0 : i32
      %dma_wait3A_13 = tpu.memref_slice %arg4[%mul3A_2, %dma_wait3A_12] : memref<4096x16xi32, #tpu.memory_space<hbm>> -> memref<128x16xi32, #tpu.memory_space<hbm>>
      tpu.wait_dma2 semaphore(%run_scoped3A : memref<!tpu.dma_semaphore, #tpu.memory_space<semaphore_mem>>) src(%arg7 : memref<128x16xi32, #tpu.memory_space<vmem>>) dst(%dma_wait3A_13 : memref<128x16xi32, #tpu.memory_space<hbm>>)
      tpu.yield
    }) : () -> ()
    return
  }
}

module attributes {stable_mosaic.version = 14 : i64} {
  func.func @_body(%arg0: i32, %arg1: memref<1x512x16xi32, #tpu.memory_space<vmem>>, %arg2: memref<1x512x128xf32, #tpu.memory_space<vmem>>, %arg3: memref<128x128xf32, #tpu.memory_space<vmem>>, %arg4: memref<512x128xf32, #tpu.memory_space<vmem>>, %arg5: memref<4x128x16xf32, #tpu.memory_space<vmem>>, %arg6: memref<4x32xf32, #tpu.memory_space<vmem>>, %arg7: memref<64x128xf32, #tpu.memory_space<vmem>>, %arg8: memref<2x128xf32, #tpu.memory_space<vmem>>, %arg9: memref<128x128xf32, #tpu.memory_space<vmem>>, %arg10: memref<1x128xf32, #tpu.memory_space<vmem>>, %arg11: memref<128x512xf32, #tpu.memory_space<vmem>>, %arg12: memref<1x512xf32, #tpu.memory_space<vmem>>, %arg13: memref<1x512x128xf32, #tpu.memory_space<vmem>>, %arg14: memref<1x512x128xf32, #tpu.memory_space<vmem>>, %arg15: memref<1x512x512xf32, #tpu.memory_space<vmem>>, %arg16: memref<1152x1152xf32, #tpu.memory_space<vmem>>) attributes {dimension_semantics = [#tpu.dimension_semantics<arbitrary>], iteration_bounds = array<i64: 8>, scalar_prefetch = 0 : i64, scratch_operands = 1 : i64, tpu.core_type = #tpu.core_type<tc>, window_params = [{transform_indices = @transform_0, window_bounds = array<i64: 1, 512, 16>}, {transform_indices = @transform_1, window_bounds = array<i64: 1, 512, 128>}, {pipeline_mode = #tpu.pipeline_mode<synchronous>, transform_indices = @transform_2, window_bounds = array<i64: 128, 128>}, {pipeline_mode = #tpu.pipeline_mode<synchronous>, transform_indices = @transform_3, window_bounds = array<i64: 512, 128>}, {pipeline_mode = #tpu.pipeline_mode<synchronous>, transform_indices = @transform_4, window_bounds = array<i64: 4, 128, 16>}, {pipeline_mode = #tpu.pipeline_mode<synchronous>, transform_indices = @transform_5, window_bounds = array<i64: 4, 32>}, {pipeline_mode = #tpu.pipeline_mode<synchronous>, transform_indices = @transform_6, window_bounds = array<i64: 64, 128>}, {pipeline_mode = #tpu.pipeline_mode<synchronous>, transform_indices = @transform_7, window_bounds = array<i64: 2, 128>}, {pipeline_mode = #tpu.pipeline_mode<synchronous>, transform_indices = @transform_8, window_bounds = array<i64: 128, 128>}, {pipeline_mode = #tpu.pipeline_mode<synchronous>, transform_indices = @transform_9, window_bounds = array<i64: 1, 128>}, {pipeline_mode = #tpu.pipeline_mode<synchronous>, transform_indices = @transform_10, window_bounds = array<i64: 128, 512>}, {pipeline_mode = #tpu.pipeline_mode<synchronous>, transform_indices = @transform_11, window_bounds = array<i64: 1, 512>}, {transform_indices = @transform_12, window_bounds = array<i64: 1, 512, 128>}, {transform_indices = @transform_13, window_bounds = array<i64: 1, 512, 128>}, {transform_indices = @transform_14, window_bounds = array<i64: 1, 512, 512>}]} {
    %get3A = arith.constant 0 : index
    %get3A_0 = arith.constant 0 : index
    %get3A_1 = arith.constant 0 : index
    %get3A_2 = vector.load %arg1[%get3A, %get3A_0, %get3A_1] : memref<1x512x16xi32, #tpu.memory_space<vmem>>, vector<1x512x16xi32>
    %get3A_3 = vector.shape_cast %get3A_2 : vector<1x512x16xi32> to vector<512x16xi32>
    %slice3A = vector.extract_strided_slice %get3A_3 {offsets = [0, 0], sizes = [512, 3], strides = [1, 1]} : vector<512x16xi32> to vector<512x3xi32>
    %iota3A = tpu.iota {dimensions = array<i32: 1>} : vector<512x128xi32>
    %slice3A_4 = vector.extract_strided_slice %slice3A {offsets = [0, 0], sizes = [512, 1], strides = [1, 1]} : vector<512x3xi32> to vector<512x1xi32>
    %eq3A = vector.broadcast %slice3A_4 : vector<512x1xi32> to vector<512x128xi32>
    %eq3A_5 = arith.cmpi eq, %iota3A, %eq3A : vector<512x128xi32>
    %slice3A_6 = vector.extract_strided_slice %slice3A {offsets = [0, 1], sizes = [512, 1], strides = [1, 1]} : vector<512x3xi32> to vector<512x1xi32>
    %eq3A_7 = vector.broadcast %slice3A_6 : vector<512x1xi32> to vector<512x128xi32>
    %eq3A_8 = arith.cmpi eq, %iota3A, %eq3A_7 : vector<512x128xi32>
    %or3A = arith.ori %eq3A_5, %eq3A_8 : vector<512x128xi1>
    %slice3A_9 = vector.extract_strided_slice %slice3A {offsets = [0, 2], sizes = [512, 1], strides = [1, 1]} : vector<512x3xi32> to vector<512x1xi32>
    %eq3A_10 = vector.broadcast %slice3A_9 : vector<512x1xi32> to vector<512x128xi32>
    %eq3A_11 = arith.cmpi eq, %iota3A, %eq3A_10 : vector<512x128xi32>
    %or3A_12 = arith.ori %or3A, %eq3A_11 : vector<512x128xi1>
    %convert_element_type3A = arith.extui %or3A_12 : vector<512x128xi1> to vector<512x128xi32>
    %convert_element_type3A_13 = arith.sitofp %convert_element_type3A : vector<512x128xi32> to vector<512x128xf32>
    %slice3A_14 = vector.extract_strided_slice %get3A_3 {offsets = [0, 3], sizes = [512, 3], strides = [1, 1]} : vector<512x16xi32> to vector<512x3xi32>
    %iota3A_15 = tpu.iota {dimensions = array<i32: 1>} : vector<512x512xi32>
    %slice3A_16 = vector.extract_strided_slice %slice3A_14 {offsets = [0, 0], sizes = [512, 1], strides = [1, 1]} : vector<512x3xi32> to vector<512x1xi32>
    %eq3A_17 = vector.broadcast %slice3A_16 : vector<512x1xi32> to vector<512x512xi32>
    %eq3A_18 = arith.cmpi eq, %iota3A_15, %eq3A_17 : vector<512x512xi32>
    %slice3A_19 = vector.extract_strided_slice %slice3A_14 {offsets = [0, 1], sizes = [512, 1], strides = [1, 1]} : vector<512x3xi32> to vector<512x1xi32>
    %eq3A_20 = vector.broadcast %slice3A_19 : vector<512x1xi32> to vector<512x512xi32>
    %eq3A_21 = arith.cmpi eq, %iota3A_15, %eq3A_20 : vector<512x512xi32>
    %or3A_22 = arith.ori %eq3A_18, %eq3A_21 : vector<512x512xi1>
    %slice3A_23 = vector.extract_strided_slice %slice3A_14 {offsets = [0, 2], sizes = [512, 1], strides = [1, 1]} : vector<512x3xi32> to vector<512x1xi32>
    %eq3A_24 = vector.broadcast %slice3A_23 : vector<512x1xi32> to vector<512x512xi32>
    %eq3A_25 = arith.cmpi eq, %iota3A_15, %eq3A_24 : vector<512x512xi32>
    %or3A_26 = arith.ori %or3A_22, %eq3A_25 : vector<512x512xi1>
    %convert_element_type3A_27 = arith.extui %or3A_26 : vector<512x512xi1> to vector<512x512xi32>
    %convert_element_type3A_28 = arith.sitofp %convert_element_type3A_27 : vector<512x512xi32> to vector<512x512xf32>
    %iota3A_29 = tpu.iota {dimensions = array<i32: 0>} : vector<512x512xi32>
    %iota3A_30 = tpu.iota {dimensions = array<i32: 1>} : vector<512x512xi32>
    %eq3A_31 = arith.cmpi eq, %iota3A_29, %iota3A_30 : vector<512x512xi32>
    %convert_element_type3A_32 = arith.extui %eq3A_31 : vector<512x512xi1> to vector<512x512xi32>
    %convert_element_type3A_33 = arith.sitofp %convert_element_type3A_32 : vector<512x512xi32> to vector<512x512xf32>
    %convert_element_type3A_34 = arith.truncf %convert_element_type3A_33 : vector<512x512xf32> to vector<512x512xbf16>
    %convert_element_type3A_35 = arith.truncf %convert_element_type3A_13 : vector<512x128xf32> to vector<512x128xbf16>
    %convert_element_type3A_36 = arith.truncf %convert_element_type3A_28 : vector<512x512xf32> to vector<512x512xbf16>
    %sub3A = arith.subi %iota3A_29, %iota3A_30 : vector<512x512xi32>
    %abs3A = math.absi %sub3A : vector<512x512xi32>
    %le3A = arith.constant 2 : i32
    %le3A_37 = vector.broadcast %le3A : i32 to vector<512x512xi32>
    %le3A_38 = arith.cmpi sle, %abs3A, %le3A_37 : vector<512x512xi32>
    %convert_element_type3A_39 = arith.extui %le3A_38 : vector<512x512xi1> to vector<512x512xi32>
    %convert_element_type3A_40 = arith.sitofp %convert_element_type3A_39 : vector<512x512xi32> to vector<512x512xf32>
    %swap3A = arith.constant 0 : index
    %swap3A_41 = arith.constant 0 : index
    %swap3A_42 = vector.load %arg16[%swap3A, %swap3A_41] : memref<1152x1152xf32, #tpu.memory_space<vmem>>, vector<512x512xf32>
    tpu.vector_store %arg16[%swap3A, %swap3A_41], %convert_element_type3A_40 {strides = array<i32>} : memref<1152x1152xf32, #tpu.memory_space<vmem>>, vector<512x512xf32>,
    %iota3A_43 = tpu.iota {dimensions = array<i32: 0>} : vector<128x128xi32>
    %iota3A_44 = tpu.iota {dimensions = array<i32: 1>} : vector<128x128xi32>
    %eq3A_45 = arith.cmpi eq, %iota3A_43, %iota3A_44 : vector<128x128xi32>
    %convert_element_type3A_46 = arith.extui %eq3A_45 : vector<128x128xi1> to vector<128x128xi32>
    %convert_element_type3A_47 = arith.sitofp %convert_element_type3A_46 : vector<128x128xi32> to vector<128x128xf32>
    %swap3A_48 = arith.constant 512 : index
    %swap3A_49 = arith.constant 512 : index
    %swap3A_50 = vector.load %arg16[%swap3A_48, %swap3A_49] : memref<1152x1152xf32, #tpu.memory_space<vmem>>, vector<128x128xf32>
    tpu.vector_store %arg16[%swap3A_48, %swap3A_49], %convert_element_type3A_47 {strides = array<i32>} : memref<1152x1152xf32, #tpu.memory_space<vmem>>, vector<128x128xf32>,
    %eq3A_51 = arith.cmpi eq, %iota3A_29, %iota3A_30 : vector<512x512xi32>
    %convert_element_type3A_52 = arith.extui %eq3A_51 : vector<512x512xi1> to vector<512x512xi32>
    %convert_element_type3A_53 = arith.sitofp %convert_element_type3A_52 : vector<512x512xi32> to vector<512x512xf32>
    %swap3A_54 = arith.constant 640 : index
    %swap3A_55 = arith.constant 640 : index
    %swap3A_56 = vector.load %arg16[%swap3A_54, %swap3A_55] : memref<1152x1152xf32, #tpu.memory_space<vmem>>, vector<512x512xf32>
    tpu.vector_store %arg16[%swap3A_54, %swap3A_55], %convert_element_type3A_53 {strides = array<i32>} : memref<1152x1152xf32, #tpu.memory_space<vmem>>, vector<512x512xf32>,
    %iota3A_57 = tpu.iota {dimensions = array<i32: 0>} : vector<512x128xi32>
    %iota3A_58 = tpu.iota {dimensions = array<i32: 1>} : vector<512x128xi32>
    %sub3A_59 = arith.constant 510 : i32
    %sub3A_60 = vector.broadcast %sub3A_59 : i32 to vector<512x128xi32>
    %sub3A_61 = arith.subi %iota3A_57, %sub3A_60 : vector<512x128xi32>
    %le3A_62 = arith.cmpi sle, %iota3A_58, %sub3A_61 : vector<512x128xi32>
    %convert_element_type3A_63 = arith.extui %le3A_62 : vector<512x128xi1> to vector<512x128xi32>
    %convert_element_type3A_64 = arith.sitofp %convert_element_type3A_63 : vector<512x128xi32> to vector<512x128xf32>
    %max3A = arith.maximumf %convert_element_type3A_13, %convert_element_type3A_64 : vector<512x128xf32>
    %swap3A_65 = arith.constant 0 : index
    %swap3A_66 = arith.constant 512 : index
    %swap3A_67 = vector.load %arg16[%swap3A_65, %swap3A_66] : memref<1152x1152xf32, #tpu.memory_space<vmem>>, vector<512x128xf32>
    tpu.vector_store %arg16[%swap3A_65, %swap3A_66], %max3A {strides = array<i32>} : memref<1152x1152xf32, #tpu.memory_space<vmem>>, vector<512x128xf32>,
    %swap3A_68 = arith.constant 0 : index
    %swap3A_69 = arith.constant 640 : index
    %swap3A_70 = vector.load %arg16[%swap3A_68, %swap3A_69] : memref<1152x1152xf32, #tpu.memory_space<vmem>>, vector<512x512xf32>
    tpu.vector_store %arg16[%swap3A_68, %swap3A_69], %convert_element_type3A_28 {strides = array<i32>} : memref<1152x1152xf32, #tpu.memory_space<vmem>>, vector<512x512xf32>,
    %dot_general3A = arith.constant dense<0.000000e+00> : vector<128x512xf32>
    %dot_general3A_71 = tpu.matmul %convert_element_type3A_35, %convert_element_type3A_34, %dot_general3A {dimension_numbers = #tpu.dot_dimension_numbers<[0], [0], [1], [1], [0, 1, 1, 1], [], []>, transpose_lhs_hint = false} : vector<512x128xbf16>, vector<512x512xbf16>, vector<128x512xf32> -> vector<128x512xf32>
    %swap3A_72 = arith.constant 512 : index
    %swap3A_73 = arith.constant 0 : index
    %swap3A_74 = vector.load %arg16[%swap3A_72, %swap3A_73] : memref<1152x1152xf32, #tpu.memory_space<vmem>>, vector<128x512xf32>
    tpu.vector_store %arg16[%swap3A_72, %swap3A_73], %dot_general3A_71 {strides = array<i32>} : memref<1152x1152xf32, #tpu.memory_space<vmem>>, vector<128x512xf32>,
    %dot_general3A_75 = arith.constant dense<0.000000e+00> : vector<128x512xf32>
    %dot_general3A_76 = tpu.matmul %convert_element_type3A_35, %convert_element_type3A_36, %dot_general3A_75 {dimension_numbers = #tpu.dot_dimension_numbers<[0], [0], [1], [1], [0, 1, 1, 1], [], []>, transpose_lhs_hint = false} : vector<512x128xbf16>, vector<512x512xbf16>, vector<128x512xf32> -> vector<128x512xf32>
    %gt3A = arith.constant 0.000000e+00 : f32
    %gt3A_77 = vector.broadcast %gt3A : f32 to vector<128x512xf32>
    %gt3A_78 = arith.cmpf ogt, %dot_general3A_76, %gt3A_77 : vector<128x512xf32>
    %convert_element_type3A_79 = arith.extui %gt3A_78 : vector<128x512xi1> to vector<128x512xi32>
    %convert_element_type3A_80 = arith.sitofp %convert_element_type3A_79 : vector<128x512xi32> to vector<128x512xf32>
    %swap3A_81 = arith.constant 512 : index
    %swap3A_82 = arith.constant 640 : index
    %swap3A_83 = vector.load %arg16[%swap3A_81, %swap3A_82] : memref<1152x1152xf32, #tpu.memory_space<vmem>>, vector<128x512xf32>
    tpu.vector_store %arg16[%swap3A_81, %swap3A_82], %convert_element_type3A_80 {strides = array<i32>} : memref<1152x1152xf32, #tpu.memory_space<vmem>>, vector<128x512xf32>,
    %dot_general3A_84 = arith.constant dense<0.000000e+00> : vector<512x512xf32>
    %dot_general3A_85 = tpu.matmul %convert_element_type3A_36, %convert_element_type3A_34, %dot_general3A_84 {dimension_numbers = #tpu.dot_dimension_numbers<[0], [0], [1], [1], [0, 1, 1, 1], [], []>, transpose_lhs_hint = false} : vector<512x512xbf16>, vector<512x512xbf16>, vector<512x512xf32> -> vector<512x512xf32>
    %swap3A_86 = arith.constant 640 : index
    %swap3A_87 = arith.constant 0 : index
    %swap3A_88 = vector.load %arg16[%swap3A_86, %swap3A_87] : memref<1152x1152xf32, #tpu.memory_space<vmem>>, vector<512x512xf32>
    tpu.vector_store %arg16[%swap3A_86, %swap3A_87], %dot_general3A_85 {strides = array<i32>} : memref<1152x1152xf32, #tpu.memory_space<vmem>>, vector<512x512xf32>,
    %dot_general3A_89 = arith.constant dense<0.000000e+00> : vector<512x128xf32>
    %dot_general3A_90 = tpu.matmul %convert_element_type3A_36, %convert_element_type3A_35, %dot_general3A_89 {dimension_numbers = #tpu.dot_dimension_numbers<[0], [0], [1], [1], [0, 1, 1, 1], [], []>, transpose_lhs_hint = false} : vector<512x512xbf16>, vector<512x128xbf16>, vector<512x128xf32> -> vector<512x128xf32>
    %gt3A_91 = arith.constant 0.000000e+00 : f32
    %gt3A_92 = vector.broadcast %gt3A_91 : f32 to vector<512x128xf32>
    %gt3A_93 = arith.cmpf ogt, %dot_general3A_90, %gt3A_92 : vector<512x128xf32>
    %convert_element_type3A_94 = arith.extui %gt3A_93 : vector<512x128xi1> to vector<512x128xi32>
    %convert_element_type3A_95 = arith.sitofp %convert_element_type3A_94 : vector<512x128xi32> to vector<512x128xf32>
    %swap3A_96 = arith.constant 640 : index
    %swap3A_97 = arith.constant 512 : index
    %swap3A_98 = vector.load %arg16[%swap3A_96, %swap3A_97] : memref<1152x1152xf32, #tpu.memory_space<vmem>>, vector<512x128xf32>
    tpu.vector_store %arg16[%swap3A_96, %swap3A_97], %convert_element_type3A_95 {strides = array<i32>} : memref<1152x1152xf32, #tpu.memory_space<vmem>>, vector<512x128xf32>,
    %get3A_99 = arith.constant 0 : index
    %get3A_100 = arith.constant 0 : index
    %get3A_101 = arith.constant 0 : index
    %get3A_102 = vector.load %arg2[%get3A_99, %get3A_100, %get3A_101] : memref<1x512x128xf32, #tpu.memory_space<vmem>>, vector<1x512x128xf32>
    %get3A_103 = vector.shape_cast %get3A_102 : vector<1x512x128xf32> to vector<512x128xf32>
    %get3A_104 = arith.constant 0 : index
    %get3A_105 = arith.constant 0 : index
    %get3A_106 = vector.load %arg3[%get3A_104, %get3A_105] : memref<128x128xf32, #tpu.memory_space<vmem>>, vector<128x128xf32>
    %get3A_107 = arith.constant 0 : index
    %get3A_108 = arith.constant 0 : index
    %get3A_109 = vector.load %arg4[%get3A_107, %get3A_108] : memref<512x128xf32, #tpu.memory_space<vmem>>, vector<512x128xf32>
    %concatenate3A = tpu.concatenate %get3A_103, %get3A_106, %get3A_109 in 0 : vector<512x128xf32>, vector<128x128xf32>, vector<512x128xf32> -> vector<1152x128xf32>
    %broadcast_in_dim3A = arith.constant 1.000000e+00 : f32
    %broadcast_in_dim3A_110 = vector.broadcast %broadcast_in_dim3A : f32 to vector<1152x1xf32>
    %get3A_111 = arith.constant 0 : index
    %get3A_112 = arith.constant 0 : index
    %get3A_113 = arith.constant 0 : index
    %get3A_114 = vector.load %arg5[%get3A_111, %get3A_112, %get3A_113] : memref<4x128x16xf32, #tpu.memory_space<vmem>>, vector<1x128x16xf32>
    %get3A_115 = vector.shape_cast %get3A_114 : vector<1x128x16xf32> to vector<128x16xf32>
    %dot_general3A_116 = arith.constant dense<0.000000e+00> : vector<1152x16xf32>
    %dot_general3A_117 = tpu.matmul %concatenate3A, %get3A_115, %dot_general3A_116 {dimension_numbers = #tpu.dot_dimension_numbers<[1], [0], [0], [1], [0, 0, 1, 1], [], []>, transpose_lhs_hint = false} : vector<1152x128xf32>, vector<128x16xf32>, vector<1152x16xf32> -> vector<1152x16xf32>
    %get3A_118 = arith.constant 0 : index
    %get3A_119 = arith.constant 0 : index
    %get3A_120 = vector.load %arg6[%get3A_118, %get3A_119] : memref<4x32xf32, #tpu.memory_space<vmem>>, vector<1x16xf32>
    %get3A_121 = arith.constant 0 : index
    %get3A_122 = arith.constant 16 : index
    %get3A_123 = vector.load %arg6[%get3A_121, %get3A_122] : memref<4x32xf32, #tpu.memory_space<vmem>>, vector<1x16xf32>
    %dot_general3A_124 = arith.constant dense<0.000000e+00> : vector<1152x1xf32>
    %dot_general3A_125 = tpu.matmul %dot_general3A_117, %get3A_120, %dot_general3A_124 {dimension_numbers = #tpu.dot_dimension_numbers<[1], [1], [0], [0], [0, 0, 1, 0], [], []>, transpose_lhs_hint = false} : vector<1152x16xf32>, vector<1x16xf32>, vector<1152x1xf32> -> vector<1152x1xf32>
    %dot_general3A_126 = arith.constant dense<0.000000e+00> : vector<1x1152xf32>
    %dot_general3A_127 = tpu.matmul %get3A_123, %dot_general3A_117, %dot_general3A_126 {dimension_numbers = #tpu.dot_dimension_numbers<[1], [1], [0], [0], [0, 0, 1, 0], [], []>, transpose_lhs_hint = false} : vector<1x16xf32>, vector<1152x16xf32>, vector<1x1152xf32> -> vector<1x1152xf32>
    %slice3A_128 = vector.extract_strided_slice %dot_general3A_125 {offsets = [0, 0], sizes = [384, 1], strides = [1, 1]} : vector<1152x1xf32> to vector<384x1xf32>
    %get3A_129 = arith.constant 0 : index
    %get3A_130 = arith.constant 0 : index
    %get3A_131 = vector.load %arg16[%get3A_129, %get3A_130] : memref<1152x1152xf32, #tpu.memory_space<vmem>>, vector<384x1152xf32>
    %add3A = vector.broadcast %slice3A_128 : vector<384x1xf32> to vector<384x1152xf32>
    %add3A_132 = vector.broadcast %dot_general3A_127 : vector<1x1152xf32> to vector<384x1152xf32>
    %add3A_133 = arith.addf %add3A, %add3A_132 : vector<384x1152xf32>
    %mul3A = arith.constant 2.000000e-01 : f32
    %mul3A_134 = vector.broadcast %mul3A : f32 to vector<384x1152xf32>
    %mul3A_135 = arith.mulf %mul3A_134, %add3A_133 : vector<384x1152xf32>
    %max3A_136 = arith.maximumf %add3A_133, %mul3A_135 : vector<384x1152xf32>
    %min3A = arith.constant 6.000000e+01 : f32
    %min3A_137 = vector.broadcast %min3A : f32 to vector<384x1152xf32>
    %min3A_138 = arith.minimumf %max3A_136, %min3A_137 : vector<384x1152xf32>
    %exp3A = math.exp %min3A_138 : vector<384x1152xf32>
    %mul3A_139 = arith.mulf %exp3A, %get3A_131 : vector<384x1152xf32>
    %dot_general3A_140 = arith.constant dense<0.000000e+00> : vector<384x16xf32>
    %dot_general3A_141 = tpu.matmul %mul3A_139, %dot_general3A_117, %dot_general3A_140 {dimension_numbers = #tpu.dot_dimension_numbers<[1], [0], [0], [1], [0, 0, 1, 1], [], []>, transpose_lhs_hint = false} : vector<384x1152xf32>, vector<1152x16xf32>, vector<384x16xf32> -> vector<384x16xf32>
    %dot_general3A_142 = arith.constant dense<0.000000e+00> : vector<384x1xf32>
    %dot_general3A_143 = tpu.matmul %mul3A_139, %broadcast_in_dim3A_110, %dot_general3A_142 {dimension_numbers = #tpu.dot_dimension_numbers<[1], [0], [0], [1], [0, 0, 1, 1], [], []>, transpose_lhs_hint = false} : vector<384x1152xf32>, vector<1152x1xf32>, vector<384x1xf32> -> vector<384x1xf32>
    %div3A = vector.broadcast %dot_general3A_143 : vector<384x1xf32> to vector<384x16xf32>
    %div3A_144 = arith.divf %dot_general3A_141, %div3A : vector<384x16xf32>
    %gt3A_145 = arith.constant 0.000000e+00 : f32
    %gt3A_146 = vector.broadcast %gt3A_145 : f32 to vector<384x16xf32>
    %gt3A_147 = arith.cmpf ogt, %div3A_144, %gt3A_146 : vector<384x16xf32>
    %exp3A_148 = math.exp %div3A_144 : vector<384x16xf32>
    %sub3A_149 = arith.constant 1.000000e+00 : f32
    %sub3A_150 = vector.broadcast %sub3A_149 : f32 to vector<384x16xf32>
    %sub3A_151 = arith.subf %exp3A_148, %sub3A_150 : vector<384x16xf32>
    %select_n3A = arith.select %gt3A_147, %div3A_144, %sub3A_151 : vector<384x16xi1>, vector<384x16xf32>
    %slice3A_152 = vector.extract_strided_slice %dot_general3A_125 {offsets = [384, 0], sizes = [384, 1], strides = [1, 1]} : vector<1152x1xf32> to vector<384x1xf32>
    %get3A_153 = arith.constant 384 : index
    %get3A_154 = arith.constant 0 : index
    %get3A_155 = vector.load %arg16[%get3A_153, %get3A_154] : memref<1152x1152xf32, #tpu.memory_space<vmem>>, vector<384x1152xf32>
    %add3A_156 = vector.broadcast %slice3A_152 : vector<384x1xf32> to vector<384x1152xf32>
    %add3A_157 = vector.broadcast %dot_general3A_127 : vector<1x1152xf32> to vector<384x1152xf32>
    %add3A_158 = arith.addf %add3A_156, %add3A_157 : vector<384x1152xf32>
    %mul3A_159 = arith.constant 2.000000e-01 : f32
    %mul3A_160 = vector.broadcast %mul3A_159 : f32 to vector<384x1152xf32>
    %mul3A_161 = arith.mulf %mul3A_160, %add3A_158 : vector<384x1152xf32>
    %max3A_162 = arith.maximumf %add3A_158, %mul3A_161 : vector<384x1152xf32>
    %min3A_163 = arith.constant 6.000000e+01 : f32
    %min3A_164 = vector.broadcast %min3A_163 : f32 to vector<384x1152xf32>
    %min3A_165 = arith.minimumf %max3A_162, %min3A_164 : vector<384x1152xf32>
    %exp3A_166 = math.exp %min3A_165 : vector<384x1152xf32>
    %mul3A_167 = arith.mulf %exp3A_166, %get3A_155 : vector<384x1152xf32>
    %dot_general3A_168 = arith.constant dense<0.000000e+00> : vector<384x16xf32>
    %dot_general3A_169 = tpu.matmul %mul3A_167, %dot_general3A_117, %dot_general3A_168 {dimension_numbers = #tpu.dot_dimension_numbers<[1], [0], [0], [1], [0, 0, 1, 1], [], []>, transpose_lhs_hint = false} : vector<384x1152xf32>, vector<1152x16xf32>, vector<384x16xf32> -> vector<384x16xf32>
    %dot_general3A_170 = arith.constant dense<0.000000e+00> : vector<384x1xf32>
    %dot_general3A_171 = tpu.matmul %mul3A_167, %broadcast_in_dim3A_110, %dot_general3A_170 {dimension_numbers = #tpu.dot_dimension_numbers<[1], [0], [0], [1], [0, 0, 1, 1], [], []>, transpose_lhs_hint = false} : vector<384x1152xf32>, vector<1152x1xf32>, vector<384x1xf32> -> vector<384x1xf32>
    %div3A_172 = vector.broadcast %dot_general3A_171 : vector<384x1xf32> to vector<384x16xf32>
    %div3A_173 = arith.divf %dot_general3A_169, %div3A_172 : vector<384x16xf32>
    %gt3A_174 = arith.constant 0.000000e+00 : f32
    %gt3A_175 = vector.broadcast %gt3A_174 : f32 to vector<384x16xf32>
    %gt3A_176 = arith.cmpf ogt, %div3A_173, %gt3A_175 : vector<384x16xf32>
    %exp3A_177 = math.exp %div3A_173 : vector<384x16xf32>
    %sub3A_178 = arith.constant 1.000000e+00 : f32
    %sub3A_179 = vector.broadcast %sub3A_178 : f32 to vector<384x16xf32>
    %sub3A_180 = arith.subf %exp3A_177, %sub3A_179 : vector<384x16xf32>
    %select_n3A_181 = arith.select %gt3A_176, %div3A_173, %sub3A_180 : vector<384x16xi1>, vector<384x16xf32>
    %slice3A_182 = vector.extract_strided_slice %dot_general3A_125 {offsets = [768, 0], sizes = [384, 1], strides = [1, 1]} : vector<1152x1xf32> to vector<384x1xf32>
    %get3A_183 = arith.constant 768 : index
    %get3A_184 = arith.constant 0 : index
    %get3A_185 = vector.load %arg16[%get3A_183, %get3A_184] : memref<1152x1152xf32, #tpu.memory_space<vmem>>, vector<384x1152xf32>
    %add3A_186 = vector.broadcast %slice3A_182 : vector<384x1xf32> to vector<384x1152xf32>
    %add3A_187 = vector.broadcast %dot_general3A_127 : vector<1x1152xf32> to vector<384x1152xf32>
    %add3A_188 = arith.addf %add3A_186, %add3A_187 : vector<384x1152xf32>
    %mul3A_189 = arith.constant 2.000000e-01 : f32
    %mul3A_190 = vector.broadcast %mul3A_189 : f32 to vector<384x1152xf32>
    %mul3A_191 = arith.mulf %mul3A_190, %add3A_188 : vector<384x1152xf32>
    %max3A_192 = arith.maximumf %add3A_188, %mul3A_191 : vector<384x1152xf32>
    %min3A_193 = arith.constant 6.000000e+01 : f32
    %min3A_194 = vector.broadcast %min3A_193 : f32 to vector<384x1152xf32>
    %min3A_195 = arith.minimumf %max3A_192, %min3A_194 : vector<384x1152xf32>
    %exp3A_196 = math.exp %min3A_195 : vector<384x1152xf32>
    %mul3A_197 = arith.mulf %exp3A_196, %get3A_185 : vector<384x1152xf32>
    %dot_general3A_198 = arith.constant dense<0.000000e+00> : vector<384x16xf32>
    %dot_general3A_199 = tpu.matmul %mul3A_197, %dot_general3A_117, %dot_general3A_198 {dimension_numbers = #tpu.dot_dimension_numbers<[1], [0], [0], [1], [0, 0, 1, 1], [], []>, transpose_lhs_hint = false} : vector<384x1152xf32>, vector<1152x16xf32>, vector<384x16xf32> -> vector<384x16xf32>
    %dot_general3A_200 = arith.constant dense<0.000000e+00> : vector<384x1xf32>
    %dot_general3A_201 = tpu.matmul %mul3A_197, %broadcast_in_dim3A_110, %dot_general3A_200 {dimension_numbers = #tpu.dot_dimension_numbers<[1], [0], [0], [1], [0, 0, 1, 1], [], []>, transpose_lhs_hint = false} : vector<384x1152xf32>, vector<1152x1xf32>, vector<384x1xf32> -> vector<384x1xf32>
    %div3A_202 = vector.broadcast %dot_general3A_201 : vector<384x1xf32> to vector<384x16xf32>
    %div3A_203 = arith.divf %dot_general3A_199, %div3A_202 : vector<384x16xf32>
    %gt3A_204 = arith.constant 0.000000e+00 : f32
    %gt3A_205 = vector.broadcast %gt3A_204 : f32 to vector<384x16xf32>
    %gt3A_206 = arith.cmpf ogt, %div3A_203, %gt3A_205 : vector<384x16xf32>
    %exp3A_207 = math.exp %div3A_203 : vector<384x16xf32>
    %sub3A_208 = arith.constant 1.000000e+00 : f32
    %sub3A_209 = vector.broadcast %sub3A_208 : f32 to vector<384x16xf32>
    %sub3A_210 = arith.subf %exp3A_207, %sub3A_209 : vector<384x16xf32>
    %select_n3A_211 = arith.select %gt3A_206, %div3A_203, %sub3A_210 : vector<384x16xi1>, vector<384x16xf32>
    %concatenate3A_212 = tpu.concatenate %select_n3A, %select_n3A_181, %select_n3A_211 in 0 : vector<384x16xf32>, vector<384x16xf32>, vector<384x16xf32> -> vector<1152x16xf32>
    %get3A_213 = arith.constant 1 : index
    %get3A_214 = arith.constant 0 : index
    %get3A_215 = arith.constant 0 : index
    %get3A_216 = vector.load %arg5[%get3A_213, %get3A_214, %get3A_215] : memref<4x128x16xf32, #tpu.memory_space<vmem>>, vector<1x128x16xf32>
    %get3A_217 = vector.shape_cast %get3A_216 : vector<1x128x16xf32> to vector<128x16xf32>
    %dot_general3A_218 = arith.constant dense<0.000000e+00> : vector<1152x16xf32>
    %dot_general3A_219 = tpu.matmul %concatenate3A, %get3A_217, %dot_general3A_218 {dimension_numbers = #tpu.dot_dimension_numbers<[1], [0], [0], [1], [0, 0, 1, 1], [], []>, transpose_lhs_hint = false} : vector<1152x128xf32>, vector<128x16xf32>, vector<1152x16xf32> -> vector<1152x16xf32>
    %get3A_220 = arith.constant 1 : index
    %get3A_221 = arith.constant 0 : index
    %get3A_222 = vector.load %arg6[%get3A_220, %get3A_221] : memref<4x32xf32, #tpu.memory_space<vmem>>, vector<1x16xf32>
    %get3A_223 = arith.constant 1 : index
    %get3A_224 = arith.constant 16 : index
    %get3A_225 = vector.load %arg6[%get3A_223, %get3A_224] : memref<4x32xf32, #tpu.memory_space<vmem>>, vector<1x16xf32>
    %dot_general3A_226 = arith.constant dense<0.000000e+00> : vector<1152x1xf32>
    %dot_general3A_227 = tpu.matmul %dot_general3A_219, %get3A_222, %dot_general3A_226 {dimension_numbers = #tpu.dot_dimension_numbers<[1], [1], [0], [0], [0, 0, 1, 0], [], []>, transpose_lhs_hint = false} : vector<1152x16xf32>, vector<1x16xf32>, vector<1152x1xf32> -> vector<1152x1xf32>
    %dot_general3A_228 = arith.constant dense<0.000000e+00> : vector<1x1152xf32>
    %dot_general3A_229 = tpu.matmul %get3A_225, %dot_general3A_219, %dot_general3A_228 {dimension_numbers = #tpu.dot_dimension_numbers<[1], [1], [0], [0], [0, 0, 1, 0], [], []>, transpose_lhs_hint = false} : vector<1x16xf32>, vector<1152x16xf32>, vector<1x1152xf32> -> vector<1x1152xf32>
    %slice3A_230 = vector.extract_strided_slice %dot_general3A_227 {offsets = [0, 0], sizes = [384, 1], strides = [1, 1]} : vector<1152x1xf32> to vector<384x1xf32>
    %get3A_231 = arith.constant 0 : index
    %get3A_232 = arith.constant 0 : index
    %get3A_233 = vector.load %arg16[%get3A_231, %get3A_232] : memref<1152x1152xf32, #tpu.memory_space<vmem>>, vector<384x1152xf32>
    %add3A_234 = vector.broadcast %slice3A_230 : vector<384x1xf32> to vector<384x1152xf32>
    %add3A_235 = vector.broadcast %dot_general3A_229 : vector<1x1152xf32> to vector<384x1152xf32>
    %add3A_236 = arith.addf %add3A_234, %add3A_235 : vector<384x1152xf32>
    %mul3A_237 = arith.constant 2.000000e-01 : f32
    %mul3A_238 = vector.broadcast %mul3A_237 : f32 to vector<384x1152xf32>
    %mul3A_239 = arith.mulf %mul3A_238, %add3A_236 : vector<384x1152xf32>
    %max3A_240 = arith.maximumf %add3A_236, %mul3A_239 : vector<384x1152xf32>
    %min3A_241 = arith.constant 6.000000e+01 : f32
    %min3A_242 = vector.broadcast %min3A_241 : f32 to vector<384x1152xf32>
    %min3A_243 = arith.minimumf %max3A_240, %min3A_242 : vector<384x1152xf32>
    %exp3A_244 = math.exp %min3A_243 : vector<384x1152xf32>
    %mul3A_245 = arith.mulf %exp3A_244, %get3A_233 : vector<384x1152xf32>
    %dot_general3A_246 = arith.constant dense<0.000000e+00> : vector<384x16xf32>
    %dot_general3A_247 = tpu.matmul %mul3A_245, %dot_general3A_219, %dot_general3A_246 {dimension_numbers = #tpu.dot_dimension_numbers<[1], [0], [0], [1], [0, 0, 1, 1], [], []>, transpose_lhs_hint = false} : vector<384x1152xf32>, vector<1152x16xf32>, vector<384x16xf32> -> vector<384x16xf32>
    %dot_general3A_248 = arith.constant dense<0.000000e+00> : vector<384x1xf32>
    %dot_general3A_249 = tpu.matmul %mul3A_245, %broadcast_in_dim3A_110, %dot_general3A_248 {dimension_numbers = #tpu.dot_dimension_numbers<[1], [0], [0], [1], [0, 0, 1, 1], [], []>, transpose_lhs_hint = false} : vector<384x1152xf32>, vector<1152x1xf32>, vector<384x1xf32> -> vector<384x1xf32>
    %div3A_250 = vector.broadcast %dot_general3A_249 : vector<384x1xf32> to vector<384x16xf32>
    %div3A_251 = arith.divf %dot_general3A_247, %div3A_250 : vector<384x16xf32>
    %gt3A_252 = arith.constant 0.000000e+00 : f32
    %gt3A_253 = vector.broadcast %gt3A_252 : f32 to vector<384x16xf32>
    %gt3A_254 = arith.cmpf ogt, %div3A_251, %gt3A_253 : vector<384x16xf32>
    %exp3A_255 = math.exp %div3A_251 : vector<384x16xf32>
    %sub3A_256 = arith.constant 1.000000e+00 : f32
    %sub3A_257 = vector.broadcast %sub3A_256 : f32 to vector<384x16xf32>
    %sub3A_258 = arith.subf %exp3A_255, %sub3A_257 : vector<384x16xf32>
    %select_n3A_259 = arith.select %gt3A_254, %div3A_251, %sub3A_258 : vector<384x16xi1>, vector<384x16xf32>
    %slice3A_260 = vector.extract_strided_slice %dot_general3A_227 {offsets = [384, 0], sizes = [384, 1], strides = [1, 1]} : vector<1152x1xf32> to vector<384x1xf32>
    %get3A_261 = arith.constant 384 : index
    %get3A_262 = arith.constant 0 : index
    %get3A_263 = vector.load %arg16[%get3A_261, %get3A_262] : memref<1152x1152xf32, #tpu.memory_space<vmem>>, vector<384x1152xf32>
    %add3A_264 = vector.broadcast %slice3A_260 : vector<384x1xf32> to vector<384x1152xf32>
    %add3A_265 = vector.broadcast %dot_general3A_229 : vector<1x1152xf32> to vector<384x1152xf32>
    %add3A_266 = arith.addf %add3A_264, %add3A_265 : vector<384x1152xf32>
    %mul3A_267 = arith.constant 2.000000e-01 : f32
    %mul3A_268 = vector.broadcast %mul3A_267 : f32 to vector<384x1152xf32>
    %mul3A_269 = arith.mulf %mul3A_268, %add3A_266 : vector<384x1152xf32>
    %max3A_270 = arith.maximumf %add3A_266, %mul3A_269 : vector<384x1152xf32>
    %min3A_271 = arith.constant 6.000000e+01 : f32
    %min3A_272 = vector.broadcast %min3A_271 : f32 to vector<384x1152xf32>
    %min3A_273 = arith.minimumf %max3A_270, %min3A_272 : vector<384x1152xf32>
    %exp3A_274 = math.exp %min3A_273 : vector<384x1152xf32>
    %mul3A_275 = arith.mulf %exp3A_274, %get3A_263 : vector<384x1152xf32>
    %dot_general3A_276 = arith.constant dense<0.000000e+00> : vector<384x16xf32>
    %dot_general3A_277 = tpu.matmul %mul3A_275, %dot_general3A_219, %dot_general3A_276 {dimension_numbers = #tpu.dot_dimension_numbers<[1], [0], [0], [1], [0, 0, 1, 1], [], []>, transpose_lhs_hint = false} : vector<384x1152xf32>, vector<1152x16xf32>, vector<384x16xf32> -> vector<384x16xf32>
    %dot_general3A_278 = arith.constant dense<0.000000e+00> : vector<384x1xf32>
    %dot_general3A_279 = tpu.matmul %mul3A_275, %broadcast_in_dim3A_110, %dot_general3A_278 {dimension_numbers = #tpu.dot_dimension_numbers<[1], [0], [0], [1], [0, 0, 1, 1], [], []>, transpose_lhs_hint = false} : vector<384x1152xf32>, vector<1152x1xf32>, vector<384x1xf32> -> vector<384x1xf32>
    %div3A_280 = vector.broadcast %dot_general3A_279 : vector<384x1xf32> to vector<384x16xf32>
    %div3A_281 = arith.divf %dot_general3A_277, %div3A_280 : vector<384x16xf32>
    %gt3A_282 = arith.constant 0.000000e+00 : f32
    %gt3A_283 = vector.broadcast %gt3A_282 : f32 to vector<384x16xf32>
    %gt3A_284 = arith.cmpf ogt, %div3A_281, %gt3A_283 : vector<384x16xf32>
    %exp3A_285 = math.exp %div3A_281 : vector<384x16xf32>
    %sub3A_286 = arith.constant 1.000000e+00 : f32
    %sub3A_287 = vector.broadcast %sub3A_286 : f32 to vector<384x16xf32>
    %sub3A_288 = arith.subf %exp3A_285, %sub3A_287 : vector<384x16xf32>
    %select_n3A_289 = arith.select %gt3A_284, %div3A_281, %sub3A_288 : vector<384x16xi1>, vector<384x16xf32>
    %slice3A_290 = vector.extract_strided_slice %dot_general3A_227 {offsets = [768, 0], sizes = [384, 1], strides = [1, 1]} : vector<1152x1xf32> to vector<384x1xf32>
    %get3A_291 = arith.constant 768 : index
    %get3A_292 = arith.constant 0 : index
    %get3A_293 = vector.load %arg16[%get3A_291, %get3A_292] : memref<1152x1152xf32, #tpu.memory_space<vmem>>, vector<384x1152xf32>
    %add3A_294 = vector.broadcast %slice3A_290 : vector<384x1xf32> to vector<384x1152xf32>
    %add3A_295 = vector.broadcast %dot_general3A_229 : vector<1x1152xf32> to vector<384x1152xf32>
    %add3A_296 = arith.addf %add3A_294, %add3A_295 : vector<384x1152xf32>
    %mul3A_297 = arith.constant 2.000000e-01 : f32
    %mul3A_298 = vector.broadcast %mul3A_297 : f32 to vector<384x1152xf32>
    %mul3A_299 = arith.mulf %mul3A_298, %add3A_296 : vector<384x1152xf32>
    %max3A_300 = arith.maximumf %add3A_296, %mul3A_299 : vector<384x1152xf32>
    %min3A_301 = arith.constant 6.000000e+01 : f32
    %min3A_302 = vector.broadcast %min3A_301 : f32 to vector<384x1152xf32>
    %min3A_303 = arith.minimumf %max3A_300, %min3A_302 : vector<384x1152xf32>
    %exp3A_304 = math.exp %min3A_303 : vector<384x1152xf32>
    %mul3A_305 = arith.mulf %exp3A_304, %get3A_293 : vector<384x1152xf32>
    %dot_general3A_306 = arith.constant dense<0.000000e+00> : vector<384x16xf32>
    %dot_general3A_307 = tpu.matmul %mul3A_305, %dot_general3A_219, %dot_general3A_306 {dimension_numbers = #tpu.dot_dimension_numbers<[1], [0], [0], [1], [0, 0, 1, 1], [], []>, transpose_lhs_hint = false} : vector<384x1152xf32>, vector<1152x16xf32>, vector<384x16xf32> -> vector<384x16xf32>
    %dot_general3A_308 = arith.constant dense<0.000000e+00> : vector<384x1xf32>
    %dot_general3A_309 = tpu.matmul %mul3A_305, %broadcast_in_dim3A_110, %dot_general3A_308 {dimension_numbers = #tpu.dot_dimension_numbers<[1], [0], [0], [1], [0, 0, 1, 1], [], []>, transpose_lhs_hint = false} : vector<384x1152xf32>, vector<1152x1xf32>, vector<384x1xf32> -> vector<384x1xf32>
    %div3A_310 = vector.broadcast %dot_general3A_309 : vector<384x1xf32> to vector<384x16xf32>
    %div3A_311 = arith.divf %dot_general3A_307, %div3A_310 : vector<384x16xf32>
    %gt3A_312 = arith.constant 0.000000e+00 : f32
    %gt3A_313 = vector.broadcast %gt3A_312 : f32 to vector<384x16xf32>
    %gt3A_314 = arith.cmpf ogt, %div3A_311, %gt3A_313 : vector<384x16xf32>
    %exp3A_315 = math.exp %div3A_311 : vector<384x16xf32>
    %sub3A_316 = arith.constant 1.000000e+00 : f32
    %sub3A_317 = vector.broadcast %sub3A_316 : f32 to vector<384x16xf32>
    %sub3A_318 = arith.subf %exp3A_315, %sub3A_317 : vector<384x16xf32>
    %select_n3A_319 = arith.select %gt3A_314, %div3A_311, %sub3A_318 : vector<384x16xi1>, vector<384x16xf32>
    %concatenate3A_320 = tpu.concatenate %select_n3A_259, %select_n3A_289, %select_n3A_319 in 0 : vector<384x16xf32>, vector<384x16xf32>, vector<384x16xf32> -> vector<1152x16xf32>
    %get3A_321 = arith.constant 2 : index
    %get3A_322 = arith.constant 0 : index
    %get3A_323 = arith.constant 0 : index
    %get3A_324 = vector.load %arg5[%get3A_321, %get3A_322, %get3A_323] : memref<4x128x16xf32, #tpu.memory_space<vmem>>, vector<1x128x16xf32>
    %get3A_325 = vector.shape_cast %get3A_324 : vector<1x128x16xf32> to vector<128x16xf32>
    %dot_general3A_326 = arith.constant dense<0.000000e+00> : vector<1152x16xf32>
    %dot_general3A_327 = tpu.matmul %concatenate3A, %get3A_325, %dot_general3A_326 {dimension_numbers = #tpu.dot_dimension_numbers<[1], [0], [0], [1], [0, 0, 1, 1], [], []>, transpose_lhs_hint = false} : vector<1152x128xf32>, vector<128x16xf32>, vector<1152x16xf32> -> vector<1152x16xf32>
    %get3A_328 = arith.constant 2 : index
    %get3A_329 = arith.constant 0 : index
    %get3A_330 = vector.load %arg6[%get3A_328, %get3A_329] : memref<4x32xf32, #tpu.memory_space<vmem>>, vector<1x16xf32>
    %get3A_331 = arith.constant 2 : index
    %get3A_332 = arith.constant 16 : index
    %get3A_333 = vector.load %arg6[%get3A_331, %get3A_332] : memref<4x32xf32, #tpu.memory_space<vmem>>, vector<1x16xf32>
    %dot_general3A_334 = arith.constant dense<0.000000e+00> : vector<1152x1xf32>
    %dot_general3A_335 = tpu.matmul %dot_general3A_327, %get3A_330, %dot_general3A_334 {dimension_numbers = #tpu.dot_dimension_numbers<[1], [1], [0], [0], [0, 0, 1, 0], [], []>, transpose_lhs_hint = false} : vector<1152x16xf32>, vector<1x16xf32>, vector<1152x1xf32> -> vector<1152x1xf32>
    %dot_general3A_336 = arith.constant dense<0.000000e+00> : vector<1x1152xf32>
    %dot_general3A_337 = tpu.matmul %get3A_333, %dot_general3A_327, %dot_general3A_336 {dimension_numbers = #tpu.dot_dimension_numbers<[1], [1], [0], [0], [0, 0, 1, 0], [], []>, transpose_lhs_hint = false} : vector<1x16xf32>, vector<1152x16xf32>, vector<1x1152xf32> -> vector<1x1152xf32>
    %slice3A_338 = vector.extract_strided_slice %dot_general3A_335 {offsets = [0, 0], sizes = [384, 1], strides = [1, 1]} : vector<1152x1xf32> to vector<384x1xf32>
    %get3A_339 = arith.constant 0 : index
    %get3A_340 = arith.constant 0 : index
    %get3A_341 = vector.load %arg16[%get3A_339, %get3A_340] : memref<1152x1152xf32, #tpu.memory_space<vmem>>, vector<384x1152xf32>
    %add3A_342 = vector.broadcast %slice3A_338 : vector<384x1xf32> to vector<384x1152xf32>
    %add3A_343 = vector.broadcast %dot_general3A_337 : vector<1x1152xf32> to vector<384x1152xf32>
    %add3A_344 = arith.addf %add3A_342, %add3A_343 : vector<384x1152xf32>
    %mul3A_345 = arith.constant 2.000000e-01 : f32
    %mul3A_346 = vector.broadcast %mul3A_345 : f32 to vector<384x1152xf32>
    %mul3A_347 = arith.mulf %mul3A_346, %add3A_344 : vector<384x1152xf32>
    %max3A_348 = arith.maximumf %add3A_344, %mul3A_347 : vector<384x1152xf32>
    %min3A_349 = arith.constant 6.000000e+01 : f32
    %min3A_350 = vector.broadcast %min3A_349 : f32 to vector<384x1152xf32>
    %min3A_351 = arith.minimumf %max3A_348, %min3A_350 : vector<384x1152xf32>
    %exp3A_352 = math.exp %min3A_351 : vector<384x1152xf32>
    %mul3A_353 = arith.mulf %exp3A_352, %get3A_341 : vector<384x1152xf32>
    %dot_general3A_354 = arith.constant dense<0.000000e+00> : vector<384x16xf32>
    %dot_general3A_355 = tpu.matmul %mul3A_353, %dot_general3A_327, %dot_general3A_354 {dimension_numbers = #tpu.dot_dimension_numbers<[1], [0], [0], [1], [0, 0, 1, 1], [], []>, transpose_lhs_hint = false} : vector<384x1152xf32>, vector<1152x16xf32>, vector<384x16xf32> -> vector<384x16xf32>
    %dot_general3A_356 = arith.constant dense<0.000000e+00> : vector<384x1xf32>
    %dot_general3A_357 = tpu.matmul %mul3A_353, %broadcast_in_dim3A_110, %dot_general3A_356 {dimension_numbers = #tpu.dot_dimension_numbers<[1], [0], [0], [1], [0, 0, 1, 1], [], []>, transpose_lhs_hint = false} : vector<384x1152xf32>, vector<1152x1xf32>, vector<384x1xf32> -> vector<384x1xf32>
    %div3A_358 = vector.broadcast %dot_general3A_357 : vector<384x1xf32> to vector<384x16xf32>
    %div3A_359 = arith.divf %dot_general3A_355, %div3A_358 : vector<384x16xf32>
    %gt3A_360 = arith.constant 0.000000e+00 : f32
    %gt3A_361 = vector.broadcast %gt3A_360 : f32 to vector<384x16xf32>
    %gt3A_362 = arith.cmpf ogt, %div3A_359, %gt3A_361 : vector<384x16xf32>
    %exp3A_363 = math.exp %div3A_359 : vector<384x16xf32>
    %sub3A_364 = arith.constant 1.000000e+00 : f32
    %sub3A_365 = vector.broadcast %sub3A_364 : f32 to vector<384x16xf32>
    %sub3A_366 = arith.subf %exp3A_363, %sub3A_365 : vector<384x16xf32>
    %select_n3A_367 = arith.select %gt3A_362, %div3A_359, %sub3A_366 : vector<384x16xi1>, vector<384x16xf32>
    %slice3A_368 = vector.extract_strided_slice %dot_general3A_335 {offsets = [384, 0], sizes = [384, 1], strides = [1, 1]} : vector<1152x1xf32> to vector<384x1xf32>
    %get3A_369 = arith.constant 384 : index
    %get3A_370 = arith.constant 0 : index
    %get3A_371 = vector.load %arg16[%get3A_369, %get3A_370] : memref<1152x1152xf32, #tpu.memory_space<vmem>>, vector<384x1152xf32>
    %add3A_372 = vector.broadcast %slice3A_368 : vector<384x1xf32> to vector<384x1152xf32>
    %add3A_373 = vector.broadcast %dot_general3A_337 : vector<1x1152xf32> to vector<384x1152xf32>
    %add3A_374 = arith.addf %add3A_372, %add3A_373 : vector<384x1152xf32>
    %mul3A_375 = arith.constant 2.000000e-01 : f32
    %mul3A_376 = vector.broadcast %mul3A_375 : f32 to vector<384x1152xf32>
    %mul3A_377 = arith.mulf %mul3A_376, %add3A_374 : vector<384x1152xf32>
    %max3A_378 = arith.maximumf %add3A_374, %mul3A_377 : vector<384x1152xf32>
    %min3A_379 = arith.constant 6.000000e+01 : f32
    %min3A_380 = vector.broadcast %min3A_379 : f32 to vector<384x1152xf32>
    %min3A_381 = arith.minimumf %max3A_378, %min3A_380 : vector<384x1152xf32>
    %exp3A_382 = math.exp %min3A_381 : vector<384x1152xf32>
    %mul3A_383 = arith.mulf %exp3A_382, %get3A_371 : vector<384x1152xf32>
    %dot_general3A_384 = arith.constant dense<0.000000e+00> : vector<384x16xf32>
    %dot_general3A_385 = tpu.matmul %mul3A_383, %dot_general3A_327, %dot_general3A_384 {dimension_numbers = #tpu.dot_dimension_numbers<[1], [0], [0], [1], [0, 0, 1, 1], [], []>, transpose_lhs_hint = false} : vector<384x1152xf32>, vector<1152x16xf32>, vector<384x16xf32> -> vector<384x16xf32>
    %dot_general3A_386 = arith.constant dense<0.000000e+00> : vector<384x1xf32>
    %dot_general3A_387 = tpu.matmul %mul3A_383, %broadcast_in_dim3A_110, %dot_general3A_386 {dimension_numbers = #tpu.dot_dimension_numbers<[1], [0], [0], [1], [0, 0, 1, 1], [], []>, transpose_lhs_hint = false} : vector<384x1152xf32>, vector<1152x1xf32>, vector<384x1xf32> -> vector<384x1xf32>
    %div3A_388 = vector.broadcast %dot_general3A_387 : vector<384x1xf32> to vector<384x16xf32>
    %div3A_389 = arith.divf %dot_general3A_385, %div3A_388 : vector<384x16xf32>
    %gt3A_390 = arith.constant 0.000000e+00 : f32
    %gt3A_391 = vector.broadcast %gt3A_390 : f32 to vector<384x16xf32>
    %gt3A_392 = arith.cmpf ogt, %div3A_389, %gt3A_391 : vector<384x16xf32>
    %exp3A_393 = math.exp %div3A_389 : vector<384x16xf32>
    %sub3A_394 = arith.constant 1.000000e+00 : f32
    %sub3A_395 = vector.broadcast %sub3A_394 : f32 to vector<384x16xf32>
    %sub3A_396 = arith.subf %exp3A_393, %sub3A_395 : vector<384x16xf32>
    %select_n3A_397 = arith.select %gt3A_392, %div3A_389, %sub3A_396 : vector<384x16xi1>, vector<384x16xf32>
    %slice3A_398 = vector.extract_strided_slice %dot_general3A_335 {offsets = [768, 0], sizes = [384, 1], strides = [1, 1]} : vector<1152x1xf32> to vector<384x1xf32>
    %get3A_399 = arith.constant 768 : index
    %get3A_400 = arith.constant 0 : index
    %get3A_401 = vector.load %arg16[%get3A_399, %get3A_400] : memref<1152x1152xf32, #tpu.memory_space<vmem>>, vector<384x1152xf32>
    %add3A_402 = vector.broadcast %slice3A_398 : vector<384x1xf32> to vector<384x1152xf32>
    %add3A_403 = vector.broadcast %dot_general3A_337 : vector<1x1152xf32> to vector<384x1152xf32>
    %add3A_404 = arith.addf %add3A_402, %add3A_403 : vector<384x1152xf32>
    %mul3A_405 = arith.constant 2.000000e-01 : f32
    %mul3A_406 = vector.broadcast %mul3A_405 : f32 to vector<384x1152xf32>
    %mul3A_407 = arith.mulf %mul3A_406, %add3A_404 : vector<384x1152xf32>
    %max3A_408 = arith.maximumf %add3A_404, %mul3A_407 : vector<384x1152xf32>
    %min3A_409 = arith.constant 6.000000e+01 : f32
    %min3A_410 = vector.broadcast %min3A_409 : f32 to vector<384x1152xf32>
    %min3A_411 = arith.minimumf %max3A_408, %min3A_410 : vector<384x1152xf32>
    %exp3A_412 = math.exp %min3A_411 : vector<384x1152xf32>
    %mul3A_413 = arith.mulf %exp3A_412, %get3A_401 : vector<384x1152xf32>
    %dot_general3A_414 = arith.constant dense<0.000000e+00> : vector<384x16xf32>
    %dot_general3A_415 = tpu.matmul %mul3A_413, %dot_general3A_327, %dot_general3A_414 {dimension_numbers = #tpu.dot_dimension_numbers<[1], [0], [0], [1], [0, 0, 1, 1], [], []>, transpose_lhs_hint = false} : vector<384x1152xf32>, vector<1152x16xf32>, vector<384x16xf32> -> vector<384x16xf32>
    %dot_general3A_416 = arith.constant dense<0.000000e+00> : vector<384x1xf32>
    %dot_general3A_417 = tpu.matmul %mul3A_413, %broadcast_in_dim3A_110, %dot_general3A_416 {dimension_numbers = #tpu.dot_dimension_numbers<[1], [0], [0], [1], [0, 0, 1, 1], [], []>, transpose_lhs_hint = false} : vector<384x1152xf32>, vector<1152x1xf32>, vector<384x1xf32> -> vector<384x1xf32>
    %div3A_418 = vector.broadcast %dot_general3A_417 : vector<384x1xf32> to vector<384x16xf32>
    %div3A_419 = arith.divf %dot_general3A_415, %div3A_418 : vector<384x16xf32>
    %gt3A_420 = arith.constant 0.000000e+00 : f32
    %gt3A_421 = vector.broadcast %gt3A_420 : f32 to vector<384x16xf32>
    %gt3A_422 = arith.cmpf ogt, %div3A_419, %gt3A_421 : vector<384x16xf32>
    %exp3A_423 = math.exp %div3A_419 : vector<384x16xf32>
    %sub3A_424 = arith.constant 1.000000e+00 : f32
    %sub3A_425 = vector.broadcast %sub3A_424 : f32 to vector<384x16xf32>
    %sub3A_426 = arith.subf %exp3A_423, %sub3A_425 : vector<384x16xf32>
    %select_n3A_427 = arith.select %gt3A_422, %div3A_419, %sub3A_426 : vector<384x16xi1>, vector<384x16xf32>
    %concatenate3A_428 = tpu.concatenate %select_n3A_367, %select_n3A_397, %select_n3A_427 in 0 : vector<384x16xf32>, vector<384x16xf32>, vector<384x16xf32> -> vector<1152x16xf32>
    %get3A_429 = arith.constant 3 : index
    %get3A_430 = arith.constant 0 : index
    %get3A_431 = arith.constant 0 : index
    %get3A_432 = vector.load %arg5[%get3A_429, %get3A_430, %get3A_431] : memref<4x128x16xf32, #tpu.memory_space<vmem>>, vector<1x128x16xf32>
    %get3A_433 = vector.shape_cast %get3A_432 : vector<1x128x16xf32> to vector<128x16xf32>
    %dot_general3A_434 = arith.constant dense<0.000000e+00> : vector<1152x16xf32>
    %dot_general3A_435 = tpu.matmul %concatenate3A, %get3A_433, %dot_general3A_434 {dimension_numbers = #tpu.dot_dimension_numbers<[1], [0], [0], [1], [0, 0, 1, 1], [], []>, transpose_lhs_hint = false} : vector<1152x128xf32>, vector<128x16xf32>, vector<1152x16xf32> -> vector<1152x16xf32>
    %get3A_436 = arith.constant 3 : index
    %get3A_437 = arith.constant 0 : index
    %get3A_438 = vector.load %arg6[%get3A_436, %get3A_437] : memref<4x32xf32, #tpu.memory_space<vmem>>, vector<1x16xf32>
    %get3A_439 = arith.constant 3 : index
    %get3A_440 = arith.constant 16 : index
    %get3A_441 = vector.load %arg6[%get3A_439, %get3A_440] : memref<4x32xf32, #tpu.memory_space<vmem>>, vector<1x16xf32>
    %dot_general3A_442 = arith.constant dense<0.000000e+00> : vector<1152x1xf32>
    %dot_general3A_443 = tpu.matmul %dot_general3A_435, %get3A_438, %dot_general3A_442 {dimension_numbers = #tpu.dot_dimension_numbers<[1], [1], [0], [0], [0, 0, 1, 0], [], []>, transpose_lhs_hint = false} : vector<1152x16xf32>, vector<1x16xf32>, vector<1152x1xf32> -> vector<1152x1xf32>
    %dot_general3A_444 = arith.constant dense<0.000000e+00> : vector<1x1152xf32>
    %dot_general3A_445 = tpu.matmul %get3A_441, %dot_general3A_435, %dot_general3A_444 {dimension_numbers = #tpu.dot_dimension_numbers<[1], [1], [0], [0], [0, 0, 1, 0], [], []>, transpose_lhs_hint = false} : vector<1x16xf32>, vector<1152x16xf32>, vector<1x1152xf32> -> vector<1x1152xf32>
    %slice3A_446 = vector.extract_strided_slice %dot_general3A_443 {offsets = [0, 0], sizes = [384, 1], strides = [1, 1]} : vector<1152x1xf32> to vector<384x1xf32>
    %get3A_447 = arith.constant 0 : index
    %get3A_448 = arith.constant 0 : index
    %get3A_449 = vector.load %arg16[%get3A_447, %get3A_448] : memref<1152x1152xf32, #tpu.memory_space<vmem>>, vector<384x1152xf32>
    %add3A_450 = vector.broadcast %slice3A_446 : vector<384x1xf32> to vector<384x1152xf32>
    %add3A_451 = vector.broadcast %dot_general3A_445 : vector<1x1152xf32> to vector<384x1152xf32>
    %add3A_452 = arith.addf %add3A_450, %add3A_451 : vector<384x1152xf32>
    %mul3A_453 = arith.constant 2.000000e-01 : f32
    %mul3A_454 = vector.broadcast %mul3A_453 : f32 to vector<384x1152xf32>
    %mul3A_455 = arith.mulf %mul3A_454, %add3A_452 : vector<384x1152xf32>
    %max3A_456 = arith.maximumf %add3A_452, %mul3A_455 : vector<384x1152xf32>
    %min3A_457 = arith.constant 6.000000e+01 : f32
    %min3A_458 = vector.broadcast %min3A_457 : f32 to vector<384x1152xf32>
    %min3A_459 = arith.minimumf %max3A_456, %min3A_458 : vector<384x1152xf32>
    %exp3A_460 = math.exp %min3A_459 : vector<384x1152xf32>
    %mul3A_461 = arith.mulf %exp3A_460, %get3A_449 : vector<384x1152xf32>
    %dot_general3A_462 = arith.constant dense<0.000000e+00> : vector<384x16xf32>
    %dot_general3A_463 = tpu.matmul %mul3A_461, %dot_general3A_435, %dot_general3A_462 {dimension_numbers = #tpu.dot_dimension_numbers<[1], [0], [0], [1], [0, 0, 1, 1], [], []>, transpose_lhs_hint = false} : vector<384x1152xf32>, vector<1152x16xf32>, vector<384x16xf32> -> vector<384x16xf32>
    %dot_general3A_464 = arith.constant dense<0.000000e+00> : vector<384x1xf32>
    %dot_general3A_465 = tpu.matmul %mul3A_461, %broadcast_in_dim3A_110, %dot_general3A_464 {dimension_numbers = #tpu.dot_dimension_numbers<[1], [0], [0], [1], [0, 0, 1, 1], [], []>, transpose_lhs_hint = false} : vector<384x1152xf32>, vector<1152x1xf32>, vector<384x1xf32> -> vector<384x1xf32>
    %div3A_466 = vector.broadcast %dot_general3A_465 : vector<384x1xf32> to vector<384x16xf32>
    %div3A_467 = arith.divf %dot_general3A_463, %div3A_466 : vector<384x16xf32>
    %gt3A_468 = arith.constant 0.000000e+00 : f32
    %gt3A_469 = vector.broadcast %gt3A_468 : f32 to vector<384x16xf32>
    %gt3A_470 = arith.cmpf ogt, %div3A_467, %gt3A_469 : vector<384x16xf32>
    %exp3A_471 = math.exp %div3A_467 : vector<384x16xf32>
    %sub3A_472 = arith.constant 1.000000e+00 : f32
    %sub3A_473 = vector.broadcast %sub3A_472 : f32 to vector<384x16xf32>
    %sub3A_474 = arith.subf %exp3A_471, %sub3A_473 : vector<384x16xf32>
    %select_n3A_475 = arith.select %gt3A_470, %div3A_467, %sub3A_474 : vector<384x16xi1>, vector<384x16xf32>
    %slice3A_476 = vector.extract_strided_slice %dot_general3A_443 {offsets = [384, 0], sizes = [384, 1], strides = [1, 1]} : vector<1152x1xf32> to vector<384x1xf32>
    %get3A_477 = arith.constant 384 : index
    %get3A_478 = arith.constant 0 : index
    %get3A_479 = vector.load %arg16[%get3A_477, %get3A_478] : memref<1152x1152xf32, #tpu.memory_space<vmem>>, vector<384x1152xf32>
    %add3A_480 = vector.broadcast %slice3A_476 : vector<384x1xf32> to vector<384x1152xf32>
    %add3A_481 = vector.broadcast %dot_general3A_445 : vector<1x1152xf32> to vector<384x1152xf32>
    %add3A_482 = arith.addf %add3A_480, %add3A_481 : vector<384x1152xf32>
    %mul3A_483 = arith.constant 2.000000e-01 : f32
    %mul3A_484 = vector.broadcast %mul3A_483 : f32 to vector<384x1152xf32>
    %mul3A_485 = arith.mulf %mul3A_484, %add3A_482 : vector<384x1152xf32>
    %max3A_486 = arith.maximumf %add3A_482, %mul3A_485 : vector<384x1152xf32>
    %min3A_487 = arith.constant 6.000000e+01 : f32
    %min3A_488 = vector.broadcast %min3A_487 : f32 to vector<384x1152xf32>
    %min3A_489 = arith.minimumf %max3A_486, %min3A_488 : vector<384x1152xf32>
    %exp3A_490 = math.exp %min3A_489 : vector<384x1152xf32>
    %mul3A_491 = arith.mulf %exp3A_490, %get3A_479 : vector<384x1152xf32>
    %dot_general3A_492 = arith.constant dense<0.000000e+00> : vector<384x16xf32>
    %dot_general3A_493 = tpu.matmul %mul3A_491, %dot_general3A_435, %dot_general3A_492 {dimension_numbers = #tpu.dot_dimension_numbers<[1], [0], [0], [1], [0, 0, 1, 1], [], []>, transpose_lhs_hint = false} : vector<384x1152xf32>, vector<1152x16xf32>, vector<384x16xf32> -> vector<384x16xf32>
    %dot_general3A_494 = arith.constant dense<0.000000e+00> : vector<384x1xf32>
    %dot_general3A_495 = tpu.matmul %mul3A_491, %broadcast_in_dim3A_110, %dot_general3A_494 {dimension_numbers = #tpu.dot_dimension_numbers<[1], [0], [0], [1], [0, 0, 1, 1], [], []>, transpose_lhs_hint = false} : vector<384x1152xf32>, vector<1152x1xf32>, vector<384x1xf32> -> vector<384x1xf32>
    %div3A_496 = vector.broadcast %dot_general3A_495 : vector<384x1xf32> to vector<384x16xf32>
    %div3A_497 = arith.divf %dot_general3A_493, %div3A_496 : vector<384x16xf32>
    %gt3A_498 = arith.constant 0.000000e+00 : f32
    %gt3A_499 = vector.broadcast %gt3A_498 : f32 to vector<384x16xf32>
    %gt3A_500 = arith.cmpf ogt, %div3A_497, %gt3A_499 : vector<384x16xf32>
    %exp3A_501 = math.exp %div3A_497 : vector<384x16xf32>
    %sub3A_502 = arith.constant 1.000000e+00 : f32
    %sub3A_503 = vector.broadcast %sub3A_502 : f32 to vector<384x16xf32>
    %sub3A_504 = arith.subf %exp3A_501, %sub3A_503 : vector<384x16xf32>
    %select_n3A_505 = arith.select %gt3A_500, %div3A_497, %sub3A_504 : vector<384x16xi1>, vector<384x16xf32>
    %slice3A_506 = vector.extract_strided_slice %dot_general3A_443 {offsets = [768, 0], sizes = [384, 1], strides = [1, 1]} : vector<1152x1xf32> to vector<384x1xf32>
    %get3A_507 = arith.constant 768 : index
    %get3A_508 = arith.constant 0 : index
    %get3A_509 = vector.load %arg16[%get3A_507, %get3A_508] : memref<1152x1152xf32, #tpu.memory_space<vmem>>, vector<384x1152xf32>
    %add3A_510 = vector.broadcast %slice3A_506 : vector<384x1xf32> to vector<384x1152xf32>
    %add3A_511 = vector.broadcast %dot_general3A_445 : vector<1x1152xf32> to vector<384x1152xf32>
    %add3A_512 = arith.addf %add3A_510, %add3A_511 : vector<384x1152xf32>
    %mul3A_513 = arith.constant 2.000000e-01 : f32
    %mul3A_514 = vector.broadcast %mul3A_513 : f32 to vector<384x1152xf32>
    %mul3A_515 = arith.mulf %mul3A_514, %add3A_512 : vector<384x1152xf32>
    %max3A_516 = arith.maximumf %add3A_512, %mul3A_515 : vector<384x1152xf32>
    %min3A_517 = arith.constant 6.000000e+01 : f32
    %min3A_518 = vector.broadcast %min3A_517 : f32 to vector<384x1152xf32>
    %min3A_519 = arith.minimumf %max3A_516, %min3A_518 : vector<384x1152xf32>
    %exp3A_520 = math.exp %min3A_519 : vector<384x1152xf32>
    %mul3A_521 = arith.mulf %exp3A_520, %get3A_509 : vector<384x1152xf32>
    %dot_general3A_522 = arith.constant dense<0.000000e+00> : vector<384x16xf32>
    %dot_general3A_523 = tpu.matmul %mul3A_521, %dot_general3A_435, %dot_general3A_522 {dimension_numbers = #tpu.dot_dimension_numbers<[1], [0], [0], [1], [0, 0, 1, 1], [], []>, transpose_lhs_hint = false} : vector<384x1152xf32>, vector<1152x16xf32>, vector<384x16xf32> -> vector<384x16xf32>
    %dot_general3A_524 = arith.constant dense<0.000000e+00> : vector<384x1xf32>
    %dot_general3A_525 = tpu.matmul %mul3A_521, %broadcast_in_dim3A_110, %dot_general3A_524 {dimension_numbers = #tpu.dot_dimension_numbers<[1], [0], [0], [1], [0, 0, 1, 1], [], []>, transpose_lhs_hint = false} : vector<384x1152xf32>, vector<1152x1xf32>, vector<384x1xf32> -> vector<384x1xf32>
    %div3A_526 = vector.broadcast %dot_general3A_525 : vector<384x1xf32> to vector<384x16xf32>
    %div3A_527 = arith.divf %dot_general3A_523, %div3A_526 : vector<384x16xf32>
    %gt3A_528 = arith.constant 0.000000e+00 : f32
    %gt3A_529 = vector.broadcast %gt3A_528 : f32 to vector<384x16xf32>
    %gt3A_530 = arith.cmpf ogt, %div3A_527, %gt3A_529 : vector<384x16xf32>
    %exp3A_531 = math.exp %div3A_527 : vector<384x16xf32>
    %sub3A_532 = arith.constant 1.000000e+00 : f32
    %sub3A_533 = vector.broadcast %sub3A_532 : f32 to vector<384x16xf32>
    %sub3A_534 = arith.subf %exp3A_531, %sub3A_533 : vector<384x16xf32>
    %select_n3A_535 = arith.select %gt3A_530, %div3A_527, %sub3A_534 : vector<384x16xi1>, vector<384x16xf32>
    %concatenate3A_536 = tpu.concatenate %select_n3A_475, %select_n3A_505, %select_n3A_535 in 0 : vector<384x16xf32>, vector<384x16xf32>, vector<384x16xf32> -> vector<1152x16xf32>
    %concatenate3A_537 = tpu.concatenate %concatenate3A_212, %concatenate3A_320, %concatenate3A_428, %concatenate3A_536 in 1 : vector<1152x16xf32>, vector<1152x16xf32>, vector<1152x16xf32>, vector<1152x16xf32> -> vector<1152x64xf32>
    %get3A_538 = arith.constant 0 : index
    %get3A_539 = arith.constant 0 : index
    %get3A_540 = vector.load %arg7[%get3A_538, %get3A_539] : memref<64x128xf32, #tpu.memory_space<vmem>>, vector<64x128xf32>
    %dot_general3A_541 = arith.constant dense<0.000000e+00> : vector<1152x128xf32>
    %dot_general3A_542 = tpu.matmul %concatenate3A_537, %get3A_540, %dot_general3A_541 {dimension_numbers = #tpu.dot_dimension_numbers<[1], [0], [0], [1], [0, 0, 1, 1], [], []>, transpose_lhs_hint = false} : vector<1152x64xf32>, vector<64x128xf32>, vector<1152x128xf32> -> vector<1152x128xf32>
    %get3A_543 = arith.constant 0 : index
    %get3A_544 = arith.constant 0 : index
    %get3A_545 = vector.load %arg8[%get3A_543, %get3A_544] : memref<2x128xf32, #tpu.memory_space<vmem>>, vector<1x128xf32>
    %dot_general3A_546 = arith.constant dense<0.000000e+00> : vector<1152x1xf32>
    %dot_general3A_547 = tpu.matmul %dot_general3A_542, %get3A_545, %dot_general3A_546 {dimension_numbers = #tpu.dot_dimension_numbers<[1], [1], [0], [0], [0, 0, 1, 0], [], []>, transpose_lhs_hint = false} : vector<1152x128xf32>, vector<1x128xf32>, vector<1152x1xf32> -> vector<1152x1xf32>
    %get3A_548 = arith.constant 1 : index
    %get3A_549 = arith.constant 0 : index
    %get3A_550 = vector.load %arg8[%get3A_548, %get3A_549] : memref<2x128xf32, #tpu.memory_space<vmem>>, vector<1x128xf32>
    %dot_general3A_551 = arith.constant dense<0.000000e+00> : vector<1x1152xf32>
    %dot_general3A_552 = tpu.matmul %get3A_550, %dot_general3A_542, %dot_general3A_551 {dimension_numbers = #tpu.dot_dimension_numbers<[1], [1], [0], [0], [0, 0, 1, 0], [], []>, transpose_lhs_hint = false} : vector<1x128xf32>, vector<1152x128xf32>, vector<1x1152xf32> -> vector<1x1152xf32>
    %slice3A_553 = vector.extract_strided_slice %dot_general3A_547 {offsets = [0, 0], sizes = [256, 1], strides = [1, 1]} : vector<1152x1xf32> to vector<256x1xf32>
    %get3A_554 = arith.constant 0 : index
    %get3A_555 = arith.constant 0 : index
    %get3A_556 = vector.load %arg16[%get3A_554, %get3A_555] : memref<1152x1152xf32, #tpu.memory_space<vmem>>, vector<256x1152xf32>
    %add3A_557 = vector.broadcast %slice3A_553 : vector<256x1xf32> to vector<256x1152xf32>
    %add3A_558 = vector.broadcast %dot_general3A_552 : vector<1x1152xf32> to vector<256x1152xf32>
    %add3A_559 = arith.addf %add3A_557, %add3A_558 : vector<256x1152xf32>
    %mul3A_560 = arith.constant 2.000000e-01 : f32
    %mul3A_561 = vector.broadcast %mul3A_560 : f32 to vector<256x1152xf32>
    %mul3A_562 = arith.mulf %mul3A_561, %add3A_559 : vector<256x1152xf32>
    %max3A_563 = arith.maximumf %add3A_559, %mul3A_562 : vector<256x1152xf32>
    %min3A_564 = arith.constant 6.000000e+01 : f32
    %min3A_565 = vector.broadcast %min3A_564 : f32 to vector<256x1152xf32>
    %min3A_566 = arith.minimumf %max3A_563, %min3A_565 : vector<256x1152xf32>
    %exp3A_567 = math.exp %min3A_566 : vector<256x1152xf32>
    %mul3A_568 = arith.mulf %exp3A_567, %get3A_556 : vector<256x1152xf32>
    %dot_general3A_569 = arith.constant dense<0.000000e+00> : vector<256x128xf32>
    %dot_general3A_570 = tpu.matmul %mul3A_568, %dot_general3A_542, %dot_general3A_569 {dimension_numbers = #tpu.dot_dimension_numbers<[1], [0], [0], [1], [0, 0, 1, 1], [], []>, transpose_lhs_hint = false} : vector<256x1152xf32>, vector<1152x128xf32>, vector<256x128xf32> -> vector<256x128xf32>
    %dot_general3A_571 = arith.constant dense<0.000000e+00> : vector<256x1xf32>
    %dot_general3A_572 = tpu.matmul %mul3A_568, %broadcast_in_dim3A_110, %dot_general3A_571 {dimension_numbers = #tpu.dot_dimension_numbers<[1], [0], [0], [1], [0, 0, 1, 1], [], []>, transpose_lhs_hint = false} : vector<256x1152xf32>, vector<1152x1xf32>, vector<256x1xf32> -> vector<256x1xf32>
    %div3A_573 = vector.broadcast %dot_general3A_572 : vector<256x1xf32> to vector<256x128xf32>
    %div3A_574 = arith.divf %dot_general3A_570, %div3A_573 : vector<256x128xf32>
    %gt3A_575 = arith.constant 0.000000e+00 : f32
    %gt3A_576 = vector.broadcast %gt3A_575 : f32 to vector<256x128xf32>
    %gt3A_577 = arith.cmpf ogt, %div3A_574, %gt3A_576 : vector<256x128xf32>
    %exp3A_578 = math.exp %div3A_574 : vector<256x128xf32>
    %sub3A_579 = arith.constant 1.000000e+00 : f32
    %sub3A_580 = vector.broadcast %sub3A_579 : f32 to vector<256x128xf32>
    %sub3A_581 = arith.subf %exp3A_578, %sub3A_580 : vector<256x128xf32>
    %select_n3A_582 = arith.select %gt3A_577, %div3A_574, %sub3A_581 : vector<256x128xi1>, vector<256x128xf32>
    %swap3A_583 = arith.constant 0 : index
    %swap3A_584 = arith.constant 0 : index
    %swap3A_585 = arith.constant 0 : index
    %swap3A_586 = vector.load %arg13[%swap3A_583, %swap3A_584, %swap3A_585] : memref<1x512x128xf32, #tpu.memory_space<vmem>>, vector<1x256x128xf32>
    %swap3A_587 = vector.shape_cast %swap3A_586 : vector<1x256x128xf32> to vector<256x128xf32>
    %swap3A_588 = vector.shape_cast %select_n3A_582 : vector<256x128xf32> to vector<1x256x128xf32>
    tpu.vector_store %arg13[%swap3A_583, %swap3A_584, %swap3A_585], %swap3A_588 {strides = array<i32>} : memref<1x512x128xf32, #tpu.memory_space<vmem>>, vector<1x256x128xf32>,
    %get3A_589 = arith.constant 0 : index
    %get3A_590 = arith.constant 0 : index
    %get3A_591 = vector.load %arg9[%get3A_589, %get3A_590] : memref<128x128xf32, #tpu.memory_space<vmem>>, vector<128x128xf32>
    %dot_general3A_592 = arith.constant dense<0.000000e+00> : vector<256x128xf32>
    %dot_general3A_593 = tpu.matmul %select_n3A_582, %get3A_591, %dot_general3A_592 {dimension_numbers = #tpu.dot_dimension_numbers<[1], [0], [0], [1], [0, 0, 1, 1], [], []>, transpose_lhs_hint = false} : vector<256x128xf32>, vector<128x128xf32>, vector<256x128xf32> -> vector<256x128xf32>
    %get3A_594 = arith.constant 0 : index
    %get3A_595 = arith.constant 0 : index
    %get3A_596 = vector.load %arg10[%get3A_594, %get3A_595] : memref<1x128xf32, #tpu.memory_space<vmem>>, vector<1x128xf32>
    %add3A_597 = vector.broadcast %get3A_596 : vector<1x128xf32> to vector<256x128xf32>
    %add3A_598 = arith.addf %dot_general3A_593, %add3A_597 : vector<256x128xf32>
    %swap3A_599 = arith.constant 0 : index
    %swap3A_600 = arith.constant 0 : index
    %swap3A_601 = arith.constant 0 : index
    %swap3A_602 = vector.load %arg14[%swap3A_599, %swap3A_600, %swap3A_601] : memref<1x512x128xf32, #tpu.memory_space<vmem>>, vector<1x256x128xf32>
    %swap3A_603 = vector.shape_cast %swap3A_602 : vector<1x256x128xf32> to vector<256x128xf32>
    %swap3A_604 = vector.shape_cast %add3A_598 : vector<256x128xf32> to vector<1x256x128xf32>
    tpu.vector_store %arg14[%swap3A_599, %swap3A_600, %swap3A_601], %swap3A_604 {strides = array<i32>} : memref<1x512x128xf32, #tpu.memory_space<vmem>>, vector<1x256x128xf32>,
    %get3A_605 = arith.constant 0 : index
    %get3A_606 = arith.constant 0 : index
    %get3A_607 = vector.load %arg11[%get3A_605, %get3A_606] : memref<128x512xf32, #tpu.memory_space<vmem>>, vector<128x512xf32>
    %dot_general3A_608 = arith.constant dense<0.000000e+00> : vector<256x512xf32>
    %dot_general3A_609 = tpu.matmul %select_n3A_582, %get3A_607, %dot_general3A_608 {dimension_numbers = #tpu.dot_dimension_numbers<[1], [0], [0], [1], [0, 0, 1, 1], [], []>, transpose_lhs_hint = false} : vector<256x128xf32>, vector<128x512xf32>, vector<256x512xf32> -> vector<256x512xf32>
    %get3A_610 = arith.constant 0 : index
    %get3A_611 = arith.constant 0 : index
    %get3A_612 = vector.load %arg12[%get3A_610, %get3A_611] : memref<1x512xf32, #tpu.memory_space<vmem>>, vector<1x512xf32>
    %add3A_613 = vector.broadcast %get3A_612 : vector<1x512xf32> to vector<256x512xf32>
    %add3A_614 = arith.addf %dot_general3A_609, %add3A_613 : vector<256x512xf32>
    %swap3A_615 = arith.constant 0 : index
    %swap3A_616 = arith.constant 0 : index
    %swap3A_617 = arith.constant 0 : index
    %swap3A_618 = vector.load %arg15[%swap3A_615, %swap3A_616, %swap3A_617] : memref<1x512x512xf32, #tpu.memory_space<vmem>>, vector<1x256x512xf32>
    %swap3A_619 = vector.shape_cast %swap3A_618 : vector<1x256x512xf32> to vector<256x512xf32>
    %swap3A_620 = vector.shape_cast %add3A_614 : vector<256x512xf32> to vector<1x256x512xf32>
    tpu.vector_store %arg15[%swap3A_615, %swap3A_616, %swap3A_617], %swap3A_620 {strides = array<i32>} : memref<1x512x512xf32, #tpu.memory_space<vmem>>, vector<1x256x512xf32>,
    %slice3A_621 = vector.extract_strided_slice %dot_general3A_547 {offsets = [256, 0], sizes = [256, 1], strides = [1, 1]} : vector<1152x1xf32> to vector<256x1xf32>
    %get3A_622 = arith.constant 256 : index
    %get3A_623 = arith.constant 0 : index
    %get3A_624 = vector.load %arg16[%get3A_622, %get3A_623] : memref<1152x1152xf32, #tpu.memory_space<vmem>>, vector<256x1152xf32>
    %add3A_625 = vector.broadcast %slice3A_621 : vector<256x1xf32> to vector<256x1152xf32>
    %add3A_626 = vector.broadcast %dot_general3A_552 : vector<1x1152xf32> to vector<256x1152xf32>
    %add3A_627 = arith.addf %add3A_625, %add3A_626 : vector<256x1152xf32>
    %mul3A_628 = arith.constant 2.000000e-01 : f32
    %mul3A_629 = vector.broadcast %mul3A_628 : f32 to vector<256x1152xf32>
    %mul3A_630 = arith.mulf %mul3A_629, %add3A_627 : vector<256x1152xf32>
    %max3A_631 = arith.maximumf %add3A_627, %mul3A_630 : vector<256x1152xf32>
    %min3A_632 = arith.constant 6.000000e+01 : f32
    %min3A_633 = vector.broadcast %min3A_632 : f32 to vector<256x1152xf32>
    %min3A_634 = arith.minimumf %max3A_631, %min3A_633 : vector<256x1152xf32>
    %exp3A_635 = math.exp %min3A_634 : vector<256x1152xf32>
    %mul3A_636 = arith.mulf %exp3A_635, %get3A_624 : vector<256x1152xf32>
    %dot_general3A_637 = arith.constant dense<0.000000e+00> : vector<256x128xf32>
    %dot_general3A_638 = tpu.matmul %mul3A_636, %dot_general3A_542, %dot_general3A_637 {dimension_numbers = #tpu.dot_dimension_numbers<[1], [0], [0], [1], [0, 0, 1, 1], [], []>, transpose_lhs_hint = false} : vector<256x1152xf32>, vector<1152x128xf32>, vector<256x128xf32> -> vector<256x128xf32>
    %dot_general3A_639 = arith.constant dense<0.000000e+00> : vector<256x1xf32>
    %dot_general3A_640 = tpu.matmul %mul3A_636, %broadcast_in_dim3A_110, %dot_general3A_639 {dimension_numbers = #tpu.dot_dimension_numbers<[1], [0], [0], [1], [0, 0, 1, 1], [], []>, transpose_lhs_hint = false} : vector<256x1152xf32>, vector<1152x1xf32>, vector<256x1xf32> -> vector<256x1xf32>
    %div3A_641 = vector.broadcast %dot_general3A_640 : vector<256x1xf32> to vector<256x128xf32>
    %div3A_642 = arith.divf %dot_general3A_638, %div3A_641 : vector<256x128xf32>
    %gt3A_643 = arith.constant 0.000000e+00 : f32
    %gt3A_644 = vector.broadcast %gt3A_643 : f32 to vector<256x128xf32>
    %gt3A_645 = arith.cmpf ogt, %div3A_642, %gt3A_644 : vector<256x128xf32>
    %exp3A_646 = math.exp %div3A_642 : vector<256x128xf32>
    %sub3A_647 = arith.constant 1.000000e+00 : f32
    %sub3A_648 = vector.broadcast %sub3A_647 : f32 to vector<256x128xf32>
    %sub3A_649 = arith.subf %exp3A_646, %sub3A_648 : vector<256x128xf32>
    %select_n3A_650 = arith.select %gt3A_645, %div3A_642, %sub3A_649 : vector<256x128xi1>, vector<256x128xf32>
    %swap3A_651 = arith.constant 0 : index
    %swap3A_652 = arith.constant 256 : index
    %swap3A_653 = arith.constant 0 : index
    %swap3A_654 = vector.load %arg13[%swap3A_651, %swap3A_652, %swap3A_653] : memref<1x512x128xf32, #tpu.memory_space<vmem>>, vector<1x256x128xf32>
    %swap3A_655 = vector.shape_cast %swap3A_654 : vector<1x256x128xf32> to vector<256x128xf32>
    %swap3A_656 = vector.shape_cast %select_n3A_650 : vector<256x128xf32> to vector<1x256x128xf32>
    tpu.vector_store %arg13[%swap3A_651, %swap3A_652, %swap3A_653], %swap3A_656 {strides = array<i32>} : memref<1x512x128xf32, #tpu.memory_space<vmem>>, vector<1x256x128xf32>,
    %get3A_657 = arith.constant 0 : index
    %get3A_658 = arith.constant 0 : index
    %get3A_659 = vector.load %arg9[%get3A_657, %get3A_658] : memref<128x128xf32, #tpu.memory_space<vmem>>, vector<128x128xf32>
    %dot_general3A_660 = arith.constant dense<0.000000e+00> : vector<256x128xf32>
    %dot_general3A_661 = tpu.matmul %select_n3A_650, %get3A_659, %dot_general3A_660 {dimension_numbers = #tpu.dot_dimension_numbers<[1], [0], [0], [1], [0, 0, 1, 1], [], []>, transpose_lhs_hint = false} : vector<256x128xf32>, vector<128x128xf32>, vector<256x128xf32> -> vector<256x128xf32>
    %get3A_662 = arith.constant 0 : index
    %get3A_663 = arith.constant 0 : index
    %get3A_664 = vector.load %arg10[%get3A_662, %get3A_663] : memref<1x128xf32, #tpu.memory_space<vmem>>, vector<1x128xf32>
    %add3A_665 = vector.broadcast %get3A_664 : vector<1x128xf32> to vector<256x128xf32>
    %add3A_666 = arith.addf %dot_general3A_661, %add3A_665 : vector<256x128xf32>
    %swap3A_667 = arith.constant 0 : index
    %swap3A_668 = arith.constant 256 : index
    %swap3A_669 = arith.constant 0 : index
    %swap3A_670 = vector.load %arg14[%swap3A_667, %swap3A_668, %swap3A_669] : memref<1x512x128xf32, #tpu.memory_space<vmem>>, vector<1x256x128xf32>
    %swap3A_671 = vector.shape_cast %swap3A_670 : vector<1x256x128xf32> to vector<256x128xf32>
    %swap3A_672 = vector.shape_cast %add3A_666 : vector<256x128xf32> to vector<1x256x128xf32>
    tpu.vector_store %arg14[%swap3A_667, %swap3A_668, %swap3A_669], %swap3A_672 {strides = array<i32>} : memref<1x512x128xf32, #tpu.memory_space<vmem>>, vector<1x256x128xf32>,
    %get3A_673 = arith.constant 0 : index
    %get3A_674 = arith.constant 0 : index
    %get3A_675 = vector.load %arg11[%get3A_673, %get3A_674] : memref<128x512xf32, #tpu.memory_space<vmem>>, vector<128x512xf32>
    %dot_general3A_676 = arith.constant dense<0.000000e+00> : vector<256x512xf32>
    %dot_general3A_677 = tpu.matmul %select_n3A_650, %get3A_675, %dot_general3A_676 {dimension_numbers = #tpu.dot_dimension_numbers<[1], [0], [0], [1], [0, 0, 1, 1], [], []>, transpose_lhs_hint = false} : vector<256x128xf32>, vector<128x512xf32>, vector<256x512xf32> -> vector<256x512xf32>
    %get3A_678 = arith.constant 0 : index
    %get3A_679 = arith.constant 0 : index
    %get3A_680 = vector.load %arg12[%get3A_678, %get3A_679] : memref<1x512xf32, #tpu.memory_space<vmem>>, vector<1x512xf32>
    %add3A_681 = vector.broadcast %get3A_680 : vector<1x512xf32> to vector<256x512xf32>
    %add3A_682 = arith.addf %dot_general3A_677, %add3A_681 : vector<256x512xf32>
    %swap3A_683 = arith.constant 0 : index
    %swap3A_684 = arith.constant 256 : index
    %swap3A_685 = arith.constant 0 : index
    %swap3A_686 = vector.load %arg15[%swap3A_683, %swap3A_684, %swap3A_685] : memref<1x512x512xf32, #tpu.memory_space<vmem>>, vector<1x256x512xf32>
    %swap3A_687 = vector.shape_cast %swap3A_686 : vector<1x256x512xf32> to vector<256x512xf32>
    %swap3A_688 = vector.shape_cast %add3A_682 : vector<256x512xf32> to vector<1x256x512xf32>
    tpu.vector_store %arg15[%swap3A_683, %swap3A_684, %swap3A_685], %swap3A_688 {strides = array<i32>} : memref<1x512x512xf32, #tpu.memory_space<vmem>>, vector<1x256x512xf32>,
    return
  }
  func.func @transform_0(%arg0: i32) -> (i32, i32, i32) {
    %c0_i32 = arith.constant 0 : i32
    %c0_i32_0 = arith.constant 0 : i32
    %c0_i32_1 = arith.constant 0 : i32
    return %arg0, %c0_i32, %c0_i32_0 : i32, i32, i32
  }
  func.func @transform_1(%arg0: i32) -> (i32, i32, i32) {
    %c0_i32 = arith.constant 0 : i32
    %c0_i32_0 = arith.constant 0 : i32
    %c0_i32_1 = arith.constant 0 : i32
    return %arg0, %c0_i32, %c0_i32_0 : i32, i32, i32
  }
  func.func @transform_2(%arg0: i32) -> (i32, i32) {
    %c0_i32 = arith.constant 0 : i32
    %c0_i32_0 = arith.constant 0 : i32
    %c0_i32_1 = arith.constant 0 : i32
    return %c0_i32, %c0_i32_0 : i32, i32
  }
  func.func @transform_3(%arg0: i32) -> (i32, i32) {
    %c0_i32 = arith.constant 0 : i32
    %c0_i32_0 = arith.constant 0 : i32
    %c0_i32_1 = arith.constant 0 : i32
    return %c0_i32, %c0_i32_0 : i32, i32
  }
  func.func @transform_4(%arg0: i32) -> (i32, i32, i32) {
    %c0_i32 = arith.constant 0 : i32
    %c0_i32_0 = arith.constant 0 : i32
    %c0_i32_1 = arith.constant 0 : i32
    %c0_i32_2 = arith.constant 0 : i32
    return %c0_i32, %c0_i32_0, %c0_i32_1 : i32, i32, i32
  }
  func.func @transform_5(%arg0: i32) -> (i32, i32) {
    %c0_i32 = arith.constant 0 : i32
    %c0_i32_0 = arith.constant 0 : i32
    %c0_i32_1 = arith.constant 0 : i32
    return %c0_i32, %c0_i32_0 : i32, i32
  }
  func.func @transform_6(%arg0: i32) -> (i32, i32) {
    %c0_i32 = arith.constant 0 : i32
    %c0_i32_0 = arith.constant 0 : i32
    %c0_i32_1 = arith.constant 0 : i32
    return %c0_i32, %c0_i32_0 : i32, i32
  }
  func.func @transform_7(%arg0: i32) -> (i32, i32) {
    %c0_i32 = arith.constant 0 : i32
    %c0_i32_0 = arith.constant 0 : i32
    %c0_i32_1 = arith.constant 0 : i32
    return %c0_i32, %c0_i32_0 : i32, i32
  }
  func.func @transform_8(%arg0: i32) -> (i32, i32) {
    %c0_i32 = arith.constant 0 : i32
    %c0_i32_0 = arith.constant 0 : i32
    %c0_i32_1 = arith.constant 0 : i32
    return %c0_i32, %c0_i32_0 : i32, i32
  }
  func.func @transform_9(%arg0: i32) -> (i32, i32) {
    %c0_i32 = arith.constant 0 : i32
    %c0_i32_0 = arith.constant 0 : i32
    %c0_i32_1 = arith.constant 0 : i32
    return %c0_i32, %c0_i32_0 : i32, i32
  }
  func.func @transform_10(%arg0: i32) -> (i32, i32) {
    %c0_i32 = arith.constant 0 : i32
    %c0_i32_0 = arith.constant 0 : i32
    %c0_i32_1 = arith.constant 0 : i32
    return %c0_i32, %c0_i32_0 : i32, i32
  }
  func.func @transform_11(%arg0: i32) -> (i32, i32) {
    %c0_i32 = arith.constant 0 : i32
    %c0_i32_0 = arith.constant 0 : i32
    %c0_i32_1 = arith.constant 0 : i32
    return %c0_i32, %c0_i32_0 : i32, i32
  }
  func.func @transform_12(%arg0: i32) -> (i32, i32, i32) {
    %c0_i32 = arith.constant 0 : i32
    %c0_i32_0 = arith.constant 0 : i32
    %c0_i32_1 = arith.constant 0 : i32
    return %arg0, %c0_i32, %c0_i32_0 : i32, i32, i32
  }
  func.func @transform_13(%arg0: i32) -> (i32, i32, i32) {
    %c0_i32 = arith.constant 0 : i32
    %c0_i32_0 = arith.constant 0 : i32
    %c0_i32_1 = arith.constant 0 : i32
    return %arg0, %c0_i32, %c0_i32_0 : i32, i32, i32
  }
  func.func @transform_14(%arg0: i32) -> (i32, i32, i32) {
    %c0_i32 = arith.constant 0 : i32
    %c0_i32_0 = arith.constant 0 : i32
    %c0_i32_1 = arith.constant 0 : i32
    return %arg0, %c0_i32, %c0_i32_0 : i32, i32, i32
  }
}

</mosaic_0001>

<sc_bundles>
// kernel: kernel.4.cloned.1.call-start
scs
__scs_entry_jumppad:
0x0: {  	(pc) =	sbr.rel $0x88, $3  }
0x1: {  	(tag) =	ssettag $0x0;
	lr =	simm.s32 $0x1  }
0x2: {  	[smem:$0x3F94] =	sst lr;
	_ =	strace $0xD0000000  }
0x3: {  	_ = 	snop  }
0x4: {  	_ = 	snop  }
0x5: {  	_ = 	snop  }
0x6: {  	_ = 	snop  }
0x7: {  	_ = 	snop  }
__scs_overlays_trampoline_lowered:
0x8: {  	[smem:$0x3FA3] =	sst s0  }
0x9: {  	[smem:$0x3FA4] =	sst s1  }
0xa: {  	[smem:$0x3FA5] =	sst s2  }
0xb: {  	[smem:$0x3FA6] =	sst s3  }
0xc: {  	[smem:$0x3FA7] =	sst s4  }
0xd: {  	[smem:$0x3FA8] =	sst s5  }
0xe: {  	[smem:$0x3FA9] =	sst s6  }
0xf: {  	[smem:$0x3FAA] =	sst s7  }
0x10: {  	[smem:$0x3FAB] =	sst s8  }
0x11: {  	[smem:$0x3FAC] =	sst s9;
	s0 =	simm.s32 @!p0 $0x0  }
0x12: {  	s1 =	sld [smem:$0x3F92];
	s0 =	simm.s32 @p0 $0x1  }
0x13: {  	[smem:$0x3FAD] =	sst s0;
	s0 =	simm.s32 @!p1 $0x0  }
0x14: {  	s2 =	sld [smem:$0x3F91];
	s0 =	simm.s32 @p1 $0x1  }
0x15: {  	[smem:$0x3FAE] =	sst s0;
	s0 =	simm.s32 @!p2 $0x0  }
0x16: {  	s3 =	sld [smem:$0x3FDB];
	s0 =	simm.s32 @p2 $0x1  }
0x17: {  	s4 =	simm.s32 $0x1BF5;
	[smem:$0x3FB0] =	sst s0  }
0x18: {  	s0 =	sld [smem:$0x3F93];
	_ =	swait.ge [sflag:s4], $0x0  }
0x19: {  	s7 =	sld [smem:$0x3F94]  }
0x1a: {  	s8 =	sadd.s32 $0xFFFFE003, lr  }
0x1b: {  	s9 =	sadd.s32 $0xFFFFFEF7, lr;
	s5 =	simm.s32 $0xFFFFFFFF;
	p2 =	slt.u32 s8, $0xFFFFF086  }
0x1c: {  	p1 =	slt.u32 s9, $0xF7A;
	s5 =	simm.s32 @!p2 $0x0  }
0x1d: {  	s5 =	simm.s32 @p1 $0x1;
	p0 =	seq.s32 s7, s2  }
0x1e: {  	s7 =	smul.u32 @!p0 $0xF7A, s2;
	p2 =	seq.s32 @!p0 s5, $0x0  }
0x1f: {  	s9 =	smul.u32 $0xF7A, s1;
	s8 =	simm.s32 @!p0 $0x1BF5;
	p2 =	por !p2, p0  }
0x20: {  	[sflag:s8] =	ssyncset.s32 @!p0 $0xFFFFF086;
	s6 =	sadd.s32 @!p0 s3, s7;
	s7 =	simm.s32 @!p0 $0x108  }
0x21: {  	s3 =	sadd.s32 s3, s9;
	s6 =	sadd.s32 @!p0 $0x88, s6;
	s7 =	simm.s32 @p2 $0x1082  }
0x22: {  	[simem:s7], [sflag:s8] =	dma.local @!p0 [hbm:s6], $0xF7A  }
0x23: {  	s9 =	sor.u32 $0xD0000000, s2;
	s6 =	simm.s32 $0x108;
	_ =	swait.ge @!p0 [sflag:s8], $0x0  }
0x24: {  	s3 =	sadd.s32 $0x88, s3;
	s6 =	simm.s32 @!p1 $0x1082;
	[sflag:s4] =	ssyncset.s32 $0xFFFFF086  }
0x25: {  	[simem:s6], [sflag:s4] =	dma.local [hbm:s3], $0xF7A  }
0x26: {  	[smem:$0x3F94] =	sst s1;
	(tag) =	ssettag s2;
	_ =	strace s9  }
0x27: {  	s1 =	sld [smem:$0x3FA4]  }
0x28: {  	s2 =	sld [smem:$0x3FA5]  }
0x29: {  	s4 =	sld [smem:$0x3FA7]  }
0x2a: {  	p0 =	seq.s32 s5, $0x0;
	s5 =	sld [smem:$0x3FA8]  }
0x2b: {  	s6 =	sld [smem:$0x3FA9]  }
0x2c: {  	s7 =	sld [smem:$0x3FAA]  }
0x2d: {  	s3 =	simm.s32 $0x108;
	s8 =	sld [smem:$0x3FAB]  }
0x2e: {  	s3 =	simm.s32 @!p0 $0x1082;
	s9 =	sld [smem:$0x3FAC]  }
0x2f: {  	lr =	sadd.s32 s0, s3;
	s0 =	sld [smem:$0x3FA3]  }
0x30: {  	s3 =	sld [smem:$0x3FA6]  }
0x31: {  	[smem:$0x3FAF] =	sst s10  }
0x32: {  	s10 =	sld [smem:$0x3FAD];
	_ =	sdelay $0x3  }
0x33: {  	p0 =	seq.s32 s10, $0x1;
	s10 =	sld [smem:$0x3FAF];
	_ =	sdelay $0x3  }
0x34: {  	[smem:$0x3FAF] =	sst s10  }
0x35: {  	s10 =	sld [smem:$0x3FAE];
	_ =	sdelay $0x3  }
0x36: {  	p1 =	seq.s32 s10, $0x1;
	s10 =	sld [smem:$0x3FAF];
	_ =	sdelay $0x3  }
0x37: {  	[smem:$0x3FAF] =	sst s10  }
0x38: {  	s10 =	sld [smem:$0x3FB0]  }
0x39: {  	_ = 	snop;
	(pc) =	sbr.ind lr, $3  }
0x3a: {  	_ = 	snop  }
0x3b: {  	_ = 	snop  }
0x3c: {  	p2 =	seq.s32 s10, $0x1;
	s10 =	sld [smem:$0x3FAF]  }
0x3d: {  	_ =	shalt  }
0x3e: {  	_ =	shalt  }
0x3f: {  	_ =	shalt  }
0x40: {  	_ =	shalt  }
0x41: {  	_ =	shalt  }
0x42: {  	_ =	shalt  }
0x43: {  	_ =	shalt  }
0x44: {  	_ =	shalt  }
0x45: {  	_ =	shalt  }
0x46: {  	_ =	shalt  }
0x47: {  	_ =	shalt  }
0x48: {  	_ =	shalt  }
0x49: {  	_ =	shalt  }
0x4a: {  	_ =	shalt  }
0x4b: {  	_ =	shalt  }
0x4c: {  	_ =	shalt  }
0x4d: {  	_ =	shalt  }
0x4e: {  	_ =	shalt  }
0x4f: {  	_ =	shalt  }
0x50: {  	_ =	shalt  }
0x51: {  	_ =	shalt  }
0x52: {  	_ =	shalt  }
0x53: {  	_ =	shalt  }
0x54: {  	_ =	shalt  }
0x55: {  	_ =	shalt  }
0x56: {  	_ =	shalt  }
0x57: {  	_ =	shalt  }
0x58: {  	_ =	shalt  }
0x59: {  	_ =	shalt  }
0x5a: {  	_ =	shalt  }
0x5b: {  	_ =	shalt  }
0x5c: {  	_ =	shalt  }
0x5d: {  	_ =	shalt  }
0x5e: {  	_ =	shalt  }
0x5f: {  	_ =	shalt  }
0x60: {  	_ =	shalt  }
0x61: {  	_ =	shalt  }
0x62: {  	_ =	shalt  }
0x63: {  	_ =	shalt  }
0x64: {  	_ =	shalt  }
0x65: {  	_ =	shalt  }
0x66: {  	_ =	shalt  }
0x67: {  	_ =	shalt  }
0x68: {  	_ =	shalt  }
0x69: {  	_ =	shalt  }
0x6a: {  	_ =	shalt  }
0x6b: {  	_ =	shalt  }
0x6c: {  	_ =	shalt  }
0x6d: {  	_ =	shalt  }
0x6e: {  	_ =	shalt  }
0x6f: {  	_ =	shalt  }
0x70: {  	_ =	shalt  }
0x71: {  	_ =	shalt  }
0x72: {  	_ =	shalt  }
0x73: {  	_ =	shalt  }
0x74: {  	_ =	shalt  }
0x75: {  	_ =	shalt  }
0x76: {  	_ =	shalt  }
0x77: {  	_ =	shalt  }
0x78: {  	_ =	shalt  }
0x79: {  	_ =	shalt  }
0x7a: {  	_ =	shalt  }
0x7b: {  	_ =	shalt  }
0x7c: {  	_ =	shalt  }
0x7d: {  	_ =	shalt  }
0x7e: {  	_ =	shalt  }
0x7f: {  	_ =	shalt  }
0x80: {  	_ =	shalt  }
0x81: {  	_ =	shalt  }
0x82: {  	_ =	shalt  }
0x83: {  	_ =	shalt  }
0x84: {  	_ =	shalt  }
0x85: {  	_ =	shalt  }
0x86: {  	_ =	shalt  }
0x87: {  	_ =	shalt  }
.Lfunc_end0:
.L_simem_size_0:
called_computation_lowered:
.L_overlay_start_0:
0x88: {  	s2 =	sld [smem:$0x3FD9]  }
0x89: {  	s3 =	sld [smem:$0x3FFE];
	_ =	sdelay $0x1  }
0x8a: {  	s1 =	srdreg.scid  }
0x8b: {  	s0 =	sand.u32 $0x1, s1  }
0x8c: {  	s15 =	sshll.u32 s0, $0xA;
	s2 =	sadd.s32 s3, s2  }
0x8d: {  	s2 =	sadd.s32 s2, s15  }
0x8e: {  	[smem:$0x3FBB] =	sst s2  }
0x8f: {  	_ = 	snop  }
0x90: {  	s2 =	sld [smem:$0x3FD0];
	_ =	sdelay $0x1  }
0x91: {  	s16 =	sld [smem:$0x3FC8]  }
0x92: {  	s5 =	simm.s32 $0xA;
	s6 =	simm.s32 $0x10;
	s4 =	sld [smem:$0x3FC7]  }
0x93: {  	[smem:s6], [sflag:s5] =	dma.local [hbm:s2], $0x1  }
0x94: {  	_ =	swait.eq [sflag:s5], $0x1  }
0x95: {  	[sflag:s5] =	ssyncset.done $0x0  }
0x96: {  	[sflag:s5] =	ssyncadd.s32 $0xFFFFFFFF  }
0x97: {  	s17 =	sld [smem:$0x11];
	(tm) =	ssettm $0x1  }
0x98: {  	s18 =	sld [smem:$0x3FFB];
	_ =	sdelay $0x3  }
0x99: {  	_ =	strace s18  }
0x9a: {  	s5 =	sld [smem:$0x3FFC];
	_ =	sdelay $0x3  }
0x9b: {  	_ =	strace s5  }
0x9c: {  	s5 =	sld [smem:$0x3FFD];
	_ =	sdelay $0x3  }
0x9d: {  	_ =	strace s5  }
0x9e: {  	_ =	strace $0x8FFFFFFF  }
0x9f: {  	s19 =	sld [smem:$0x3FDB];
	_ =	sdelay $0x1  }
0xa0: {  	s20 =	simm.s32 $_scs_section_size  }
0xa1: {  	s7 =	simm.s32 $_size__tile_overlayer_lowered;
	s8 =	simm.s32 $_tile_overlayer_lowered  }
0xa2: {  	s23 =	simm.s32 $0x1BFF;
	s22 =	sshll.u32 s8, $0x1;
	s5 =	sadd.s32 s20, s19  }
0xa3: {  	s9 =	simm.s32 $0x0;
	s21 =	sshll.u32 s7, $0x1;
	s7 =	sadd.s32 s22, s5  }
0xa4: {  	[timem:s9], [sflag:s23] =	dma.local [hbm:s7], s21  }
0xa5: {  	_ =	swait.ge [sflag:s23], s21  }
0xa6: {  	s6 =	ssub.s32 $0x0, s21;
	[sflag:s23] =	ssyncset.done $0x0  }
0xa7: {  	[sflag:s23] =	ssyncadd.s32 s6;
	_ =	sdelay $0x1  }
0xa8: {  	s24 =	simm.s32 $0x1B8B  }
0xa9: {  	_ =	swait.ge [sflag:s24], $0x1  }
0xaa: {  	[sflag:s24] =	ssyncset.done $0x0  }
0xab: {  	s25 =	simm.s32 $0x1B8E;
	[sflag:s24] =	ssyncadd.s32 $0xFFFFFFFF  }
0xac: {  	s26 =	simm.s32 $execute0_lowered;
	[smem:$0x3FD2] =	sst s25  }
0xad: {  	s6 =	sshll.u32 s26, $0x1;
	_ =	strace $0x80000046;
	[dreg:$0x1] =	wrdreg $0xFFFFFFFF  }
0xae: {  	s28 =	simm.s32 $_size_execute0_lowered;
	s5 =	sadd.s32 s5, s6;
	[dreg:$0x0] =	wrdreg $0x0  }
0xaf: {  	s6 =	sshll.u32 s28, $0x1;
	[dreg:$0x2] =	wrdreg s5  }
0xb0: {  	[dreg:$0x3] =	wrdreg s6  }
0xb1: {  	[dreg:$0x4] =	wrdreg $0xC0  }
0xb2: {  	_ =	task [dreg:s9], $0x5FFFF  }
0xb3: {  	[dreg:$0x1] =	wrdreg $0xFFFFFFFF  }
0xb4: {  	[dreg:$0x0] =	wrdreg $0x60  }
0xb5: {  	[dreg:$0x2] =	wrdreg s16  }
0xb6: {  	[dreg:$0x3] =	wrdreg s4  }
0xb7: {  	[dreg:$0x4] =	wrdreg s17  }
0xb8: {  	[dreg:$0x5] =	wrdreg $0x9  }
0xb9: {  	_ =	task.clear_ibuf [dreg:s9], $0x6FFFF;
	_ =	strace $0x90000046  }
0xba: {  	s29 =	simm.s32 $0x9;
	_ =	strace $0x80000048  }
0xbb: {  	_ =	swait.ge [sflag:s29], $0x1  }
0xbc: {  	[sflag:s29] =	ssyncadd.s32 $0xFFFFFFFF  }
0xbd: {  	_ =	strace $0x90000048  }
0xbe: {  	_ =	sfence  }
0xbf: {  	s30 =	sld [smem:$0x0];
	_ =	sdelay $0x2  }
0xc0: {  	s31 =	sshll.u32 s1, $0xD;
	s1 =	sshrl.u32 s1, $0x2  }
0xc1: {  	s3 =	sand.u32 $0x4000, s31;
	s1 =	sadd.s32 s1, s30  }
0xc2: {  	s0 =	sor.u32 s3, s0;
	s1 =	sshll.u32 s1, $0x11  }
0xc3: {  	s0 =	sor.u32 s1, s0  }
0xc4: {  	s0 =	sadd.s32 $0x8F2B, s0  }
0xc5: {  	[sflag:s0] =	ssyncadd.remote.s32 $0x1  }
0xc6: {  	_ =	sfence.sel $0xFFFF  }
0xc7: {  	[dreg:$0x0] =	wrdreg $0xFFFFFFFF;
	(pc) =	sbr.abs _section_cstart, $3  }
0xc8: {  	[dreg:$0x1] =	wrdreg $0xFFFFFFFF  }
0xc9: {  	_ =	task.clear_ibuf [dreg:s9], $0x2FFFF;
	_ =	strace $0x9FFFFFFF  }
0xca: {  	(tm) =	ssettm $0x7FFFFFFF  }
0xcb: {  	_ =	shalt  }
tec
execute0_lowered:
.L_overlay_start_1:
0x0: {  	(tag) =	ssettag $0x1  }
0x1: {  	s3 =	rddreg [dreg:$0x0]  }
0x2: {  	v0 =	vimm.s32 $0xFEDCBA98;
	v1 =	vimm.s32 $0x76543210;
	v2 =	vimm.s32 $0x3210FEDC;
	s4 =	rddreg [dreg:$0x1]  }
0x3: {  	v3 =	vimm.s32 $0xBA987654;
	v4 =	vimm.s32 $0x10FEDCBA;
	v29 =	vlaneseq.u32;
	s5 =	rddreg [dreg:$0x2];
	s2 =	simm.s32 $0x0  }
0x4: {  	v5 =	vimm.s32 $0x98765432;
	v24 =	vor.u32 $0xB0, v29;
	[smem:$0x7FF] =	sst s2  }
0x5: {  	v6 =	vimm.s32 $0xFEDCBA9;
	s0 =	rddreg [dreg:$0x3];
	v26 =	vor.u32 $0xC0, v29;
	_ =	strace $0x80000047;
	[tilespmem:$0x1FED0] =	vst v24  }
0x6: {  	v7 =	vimm.s32 $0x87654321;
	vm1 =	vmmov $0x1;
	v30 =	vor.u32 $0x80, v29;
	[tilespmem:$0x1FEE0] =	vst v26  }
0x7: {  	v0 =	vunpack.c.l.s4.s8 v0;
	v1 =	vunpack.c.l.s4.s8 v1;
	v31 =	vor.u32 $0x110, v29;
	[tilespmem:$0x1FF00] =	vst v30  }
0x8: {  	v2 =	vunpack.c.l.s4.s8 v2;
	v3 =	vunpack.c.l.s4.s8 v3;
	v32 =	vor.u32 $0x90, v29;
	[tilespmem:$0x1FF10] =	vst v31  }
0x9: {  	v4 =	vunpack.c.l.s4.s8 v4;
	v5 =	vunpack.c.l.s4.s8 v5;
	v35 =	vor.u32 $0xA0, v29;
	[tilespmem:$0x1FF20] =	vst v32  }
0xa: {  	v6 =	vunpack.c.l.s4.s8 v6;
	v7 =	vunpack.c.l.s4.s8 v7;
	v25 =	vor.u32 $0xE0, v29;
	[tilespmem:$0x1FF30] =	vst v35  }
0xb: {  	v49 =	vor.u32 $0x10, v29;
	v8 =	vor.u32 $0x40, v29;
	v34 =	vor.u32 $0x120, v29;
	[tilespmem:$0x1FF40] =	vst v25  }
0xc: {  	v9 =	vor.u32 $0x50, v29;
	v10 =	vor.u32 $0x60, v29;
	v62 =	vor.u32 $0x170, v29;
	[tilespmem:$0x1FF50] =	vst v34  }
0xd: {  	v11 =	vor.u32 $0x70, v29;
	v27 =	vor.u32 $0xF0, v29;
	v33 =	vor.u32 $0x130, v29;
	[tilespmem:$0x1FF60] =	vst v62  }
0xe: {  	v28 =	vor.u32 $0x100, v29;
	v52 =	vor.u32 $0x140, v29;
	v20 =	vor.u32 $0x190, v29;
	[tilespmem:$0x1FF70] =	vst v33  }
0xf: {  	v53 =	vor.u32 $0x150, v29;
	v54 =	vor.u32 $0x160, v29;
	v21 =	vor.u32 $0x1A0, v29;
	[tilespmem:$0x1FF80] =	vst v20  }
0x10: {  	v22 =	vor.u32 $0x1B0, v29;
	v18 =	vor.u32 $0x1C0, v29;
	v19 =	vor.u32 $0x1D0, v29;
	[tilespmem:$0x1FF90] =	vst v28  }
0x11: {  	v23 =	vor.u32 $0x1E0, v29;
	v17 =	vor.u32 $0x1F0, v29;
	[tilespmem:$0x1FFA0] =	vst v21;
	v0 =	vunpack.c.0.s8.s32 v0  }
0x12: {  	s6 =	srdreg.scid;
	[tilespmem:$0x1FFB0] =	vst v22;
	v2 =	vunpack.c.0.s8.s32 v2;
	v3 =	vunpack.c.0.s8.s32 v3;
	v4 =	vunpack.c.0.s8.s32 v4  }
0x13: {  	s1 =	stileid.u32;
	s10 =	simm.s32 $0x0;
	s6 =	sand.u32 $0x1, s6;
	[tilespmem:$0x1FFC0] =	vst v18;
	v5 =	vunpack.c.0.s8.s32 v5;
	v6 =	vunpack.c.0.s8.s32 v6;
	v7 =	vunpack.c.0.s8.s32 v7  }
0x14: {  	s7 =	sshll.u32 s1, $0x8;
	s8 =	sshll.u32 s6, $0x7;
	s6 =	ssub.s32 $0x2, s6;
	[tilespmem:$0x1FFD0] =	vst v19;
	v1 =	vunpack.c.0.s8.s32 v1;
	v2 =	vcombine.low v3, v2;
	v0 =	vand.u32 $0xF, v0  }
0x15: {  	[tilespmem:$0x1FFE0] =	vst v23;
	s7 =	sor.u32 s8, s7;
	s31 =	sshrl.u32 s6, $0x1;
	s8 =	simm.s32 $0x4000;
	v3 =	vcombine.low v5, v4;
	v4 =	vcombine.low v7, v6;
	v5 =	vor.u32 $0xD0, v29  }
0x16: {  	[tilespmem:$0x1FFF0] =	vst v17;
	s9 =	sshll.u32 s7, $0x4;
	s7 =	sshll.u32 s7, $0x6;
	s6 =	ssub.s32 s6, s31;
	v0 =	vcombine.low v0, v1;
	v1 =	vand.u32 $0xF, v2;
	v2 =	vimm.s32 $0x0  }
0x17: {  	v63 =	vor.u32 $0x180, v29;
	v6 =	vor.u32 $0x20, v29;
	s3 =	sadd.s32 s3, s9;
	s4 =	sadd.s32 s4, s7;
	s5 =	sadd.s32 s5, s9;
	[tilespmem:$0x1FEF0] =	vst v5;
	v2 =	vsel vm1, $0xFFFFFFFF, v2  }
0x18: {  	v7 =	vor.u32 $0x30, v29;
	s6 =	smax.u32 s6, $0x1;
	s7 =	simm.s32 $0x1;
	s9 =	simm.s32 $0x14000;
	v3 =	vand.u32 $0xF, v3;
	v4 =	vand.u32 $0xF, v4;
	[tilespmem:$0x1FEC0] =	vst v2  }
.LBB2_1:
0x19: {  	[tilespmem:s2], [sflag:$0x1] =	stream.linear.gather [hbm4b:s3+s2], $0x4000, $0x38;
	[tilespmem:$0x18000] =	vst v63  }
0x1a: {  	_ =	swait.ge [sflag:s7], $0x4000  }
0x1b: {  	[sflag:s7] =	ssyncset.done $0x0  }
0x1c: {  	[sflag:s7] =	ssyncadd.s32 $0xFFFFC000  }
0x1d: {  	[tilespmem:s8], [sflag:$0x1] =	stream.linear.gather [hbm4b:s4+s2], $0x10000, $0x38;
	[tilespmem:$0x18000] =	vst v63  }
0x1e: {  	_ =	swait.ge [sflag:s7], $0x10000  }
0x1f: {  	[sflag:s7] =	ssyncset.done $0x0  }
0x20: {  	s11 =	simm.s32 $0x0;
	s12 =	simm.s32 $0x0;
	[sflag:s7] =	ssyncadd.s32 $0xFFFF0000  }
.LBB2_2:
0x21: {  	s13 =	sand.u32 $0xF000, s11;
	s14 =	sand.u32 $0x380, s12  }
0x22: {  	s13 =	sor.u32 s14, s13  }
0x23: {  	v21 =	vld [tilespmem:s13+$0x4000];
	_ =	sdelay $0x1  }
0x24: {  	v18 =	vld [tilespmem:s13+$0x4010];
	_ =	sdelay $0x1  }
0x25: {  	v19 =	vld [tilespmem:s13+$0x4020]  }
0x26: {  	vm0 =	vgt.f32 v21, $-Inf  }
0x27: {  	v20 =	vld [tilespmem:s13+$0x4030];
	v2 =	vnsel vm0, $0xFF800000, v21  }
0x28: {  	vm0 =	vgt.f32 v18, v2  }
0x29: {  	v55 =	vld [tilespmem:s13+$0x4040];
	v2 =	vsel vm0, v18, v2  }
0x2a: {  	vm1 =	vgt.f32 v19, v2  }
0x2b: {  	v57 =	vld [tilespmem:s13+$0x4050];
	v2 =	vsel vm1, v19, v2  }
0x2c: {  	vm2 =	vgt.f32 v20, v2  }
0x2d: {  	v58 =	vld [tilespmem:s13+$0x4060];
	v2 =	vsel vm2, v20, v2  }
0x2e: {  	vm3 =	vgt.f32 v55, v2  }
0x2f: {  	v60 =	vld [tilespmem:s13+$0x4070];
	v2 =	vsel vm3, v55, v2  }
0x30: {  	vm4 =	vgt.f32 v57, v2  }
0x31: {  	v12 =	vimm.s32 $0x0;
	v59 =	vld [tilespmem:s13+$0x4400];
	v2 =	vsel vm4, v57, v2  }
0x32: {  	v12 =	vsel vm4, $0xFFFFFFFF, v12;
	vm4 =	vgt.f32 v58, v2  }
0x33: {  	v45 =	vimm.s32 $0x0;
	v61 =	vld [tilespmem:s13+$0x4410];
	v2 =	vsel vm4, v58, v2  }
0x34: {  	[tilespmem:$0x1FCA0] =	vst v12;
	v12 =	vsel vm4, $0xFFFFFFFF, v45;
	vm4 =	vgt.f32 v60, v2  }
0x35: {  	v46 =	vimm.s32 $0x0;
	v56 =	vld [tilespmem:s13+$0x4420];
	v2 =	vsel vm4, v60, v2  }
0x36: {  	[tilespmem:$0x1FCB0] =	vst v12;
	v12 =	vsel vm4, $0xFFFFFFFF, v46;
	vm4 =	vgt.f32 v59, v2  }
0x37: {  	v47 =	vimm.s32 $0x0;
	v48 =	vsel vm4, v59, v2  }
0x38: {  	v50 =	vld [tilespmem:s13+$0x4430];
	[tilespmem:$0x1FCC0] =	vst v12;
	v12 =	vsel vm4, $0xFFFFFFFF, v47;
	v2 =	vimm.s32 $0x0;
	vm4 =	vgt.f32 v61, v48  }
0x39: {  	v2 =	vsel vm4, $0xFFFFFFFF, v2;
	v13 =	vsel vm4, v61, v48  }
0x3a: {  	v51 =	vimm.s32 $0x0;
	[tilespmem:$0x1FCE0] =	vst v2;
	v2 =	vld [tilespmem:s13+$0x4440];
	vm4 =	vgt.f32 v56, v13  }
0x3b: {  	[tilespmem:$0x1FCD0] =	vst v12;
	v12 =	vsel vm4, $0xFFFFFFFF, v51  }
0x3c: {  	v13 =	vsel vm4, v56, v13;
	[tilespmem:$0x1FCF0] =	vst v12;
	v12 =	vld [tilespmem:s13+$0x4450]  }
0x3d: {  	vm4 =	vgt.f32 v50, v13  }
0x3e: {  	v14 =	vimm.s32 $0x0;
	v38 =	vld [tilespmem:s13+$0x4460];
	v13 =	vsel vm4, v50, v13  }
0x3f: {  	v14 =	vsel vm4, $0xFFFFFFFF, v14;
	vm4 =	vgt.f32 v2, v13  }
0x40: {  	v16 =	vimm.s32 $0x0;
	v41 =	vld [tilespmem:s13+$0x4470];
	v13 =	vsel vm4, v2, v13  }
0x41: {  	[tilespmem:$0x1FD00] =	vst v14;
	v14 =	vsel vm4, $0xFFFFFFFF, v16;
	vm4 =	vgt.f32 v12, v13  }
0x42: {  	v42 =	vld [tilespmem:s13+$0x4800];
	v13 =	vsel vm4, v12, v13  }
0x43: {  	vm13 =	vgt.f32 v38, v13  }
0x44: {  	v39 =	vld [tilespmem:s13+$0x4810];
	v13 =	vsel vm13, v38, v13  }
0x45: {  	vm14 =	vgt.f32 v41, v13  }
0x46: {  	v43 =	vld [tilespmem:s13+$0x4820];
	v13 =	vsel vm14, v41, v13  }
0x47: {  	vm15 =	vgt.f32 v42, v13  }
0x48: {  	v40 =	vld [tilespmem:s13+$0x4830];
	v13 =	vsel vm15, v42, v13  }
0x49: {  	vm11 =	vgt.f32 v39, v13  }
0x4a: {  	v44 =	vld [tilespmem:s13+$0x4840];
	v13 =	vsel vm11, v39, v13  }
0x4b: {  	vm10 =	vgt.f32 v43, v13  }
0x4c: {  	v45 =	vld [tilespmem:s13+$0x4850];
	v13 =	vsel vm10, v43, v13  }
0x4d: {  	v46 =	vld [tilespmem:s13+$0x4870];
	vm9 =	vgt.f32 v40, v13  }
0x4e: {  	v47 =	vld [tilespmem:s13+$0x4860];
	v13 =	vsel vm9, v40, v13  }
0x4f: {  	v17 =	vimm.s32 $0x0;
	v16 =	vld [tilespmem:$0x1FCA0];
	vm8 =	vgt.f32 v44, v13  }
0x50: {  	v22 =	vsel vm0, v49, v29;
	v36 =	vld [tilespmem:$0x1FCB0];
	[tilespmem:$0x1FD10] =	vst v14;
	v14 =	vsel vm4, $0xFFFFFFFF, v17;
	v13 =	vsel vm8, v44, v13  }
0x51: {  	[tilespmem:$0x1FD20] =	vst v14;
	v14 =	vsel vm1, v6, v22;
	v22 =	vld [tilespmem:$0x1FCC0];
	vm7 =	vgt.f32 v45, v13  }
0x52: {  	v48 =	vld [tilespmem:s13+$0x4C00];
	v13 =	vsel vm7, v45, v13  }
0x53: {  	v23 =	vsel vm2, v7, v14;
	vm6 =	vgt.f32 v47, v13  }
0x54: {  	v51 =	vld [tilespmem:s13+$0x4C10];
	v14 =	vsel vm3, v8, v23;
	vm12 =	vnez.u8 v16;
	v13 =	vsel vm6, v47, v13  }
0x55: {  	v23 =	vld [tilespmem:$0x1FCD0];
	v14 =	vsel vm12, v9, v14;
	vm12 =	vnez.u8 v36;
	vm5 =	vgt.f32 v46, v13  }
0x56: {  	v16 =	vsel vm12, v10, v14;
	vm12 =	vnez.u8 v22;
	v22 =	vld [tilespmem:$0x1FCE0];
	v15 =	vsel vm5, v46, v13  }
0x57: {  	vm4 =	vgt.f32 v48, v15  }
0x58: {  	v15 =	vsel vm4, v48, v15  }
0x59: {  	vm3 =	vgt.f32 v51, v15  }
0x5a: {  	v17 =	vsel vm3, v51, v15;
	v15 =	vsel vm12, v11, v16;
	vm12 =	vnez.u8 v23  }
0x5b: {  	v16 =	vsel vm12, v30, v15;
	vm12 =	vnez.u8 v22  }
0x5c: {  	v16 =	vsel vm12, v32, v16;
	v32 =	vld [tilespmem:$0x1FCF0];
	_ =	sdelay $0x3  }
0x5d: {  	v37 =	vld [tilespmem:s13+$0x4C20]  }
0x5e: {  	v13 =	vld [tilespmem:s13+$0x4C30];
	vm12 =	vnez.u8 v32  }
0x5f: {  	v22 =	vsel vm12, v35, v16;
	v35 =	vld [tilespmem:$0x1FD00];
	_ =	sdelay $0x2  }
0x60: {  	vm2 =	vgt.f32 v37, v17  }
0x61: {  	v17 =	vsel vm2, v37, v17  }
0x62: {  	v36 =	vld [tilespmem:$0x1FD10];
	vm1 =	vgt.f32 v13, v17;
	vm12 =	vnez.u8 v35  }
0x63: {  	v23 =	vsel vm1, v13, v17;
	v17 =	vsel vm12, v24, v22;
	v24 =	vld [tilespmem:$0x1FD20];
	_ =	sdelay $0x3  }
0x64: {  	vm12 =	vnez.u8 v36  }
0x65: {  	v22 =	vsel vm12, v26, v17;
	vm12 =	vnez.u8 v24  }
0x66: {  	v22 =	vsel vm12, v5, v22  }
0x67: {  	v22 =	vsel vm13, v25, v22  }
0x68: {  	v22 =	vsel vm14, v27, v22  }
0x69: {  	v22 =	vsel vm15, v28, v22  }
0x6a: {  	v22 =	vsel vm11, v31, v22  }
0x6b: {  	v22 =	vsel vm10, v34, v22  }
0x6c: {  	v22 =	vsel vm9, v33, v22  }
0x6d: {  	v5 =	vld [tilespmem:$0x1FF80];
	v22 =	vsel vm8, v52, v22  }
0x6e: {  	v22 =	vsel vm7, v53, v22  }
0x6f: {  	v22 =	vsel vm6, v54, v22  }
0x70: {  	v22 =	vsel vm5, v62, v22  }
0x71: {  	v22 =	vsel vm4, v63, v22  }
0x72: {  	v22 =	vsel vm3, v5, v22;
	v5 =	vld [tilespmem:$0x1FFA0];
	_ =	sdelay $0x3  }
0x73: {  	v14 =	vld [tilespmem:s13+$0x4C40]  }
0x74: {  	v22 =	vsel vm2, v5, v22;
	v5 =	vld [tilespmem:$0x1FFB0];
	_ =	sdelay $0x1  }
0x75: {  	v15 =	vld [tilespmem:s13+$0x4C50];
	_ =	sdelay $0x1  }
0x76: {  	v16 =	vld [tilespmem:s13+$0x4C60]  }
0x77: {  	vm0 =	vgt.f32 v14, v23;
	v22 =	vsel vm1, v5, v22;
	v5 =	vld [tilespmem:$0x1FFC0]  }
0x78: {  	v23 =	vsel vm0, v14, v23;
	v17 =	vld [tilespmem:s13+$0x4C70]  }
0x79: {  	vm12 =	vgt.f32 v15, v23  }
0x7a: {  	v23 =	vsel vm12, v15, v23  }
0x7b: {  	vm13 =	vgt.f32 v16, v23  }
0x7c: {  	v23 =	vsel vm13, v16, v23;
	v22 =	vsel vm0, v5, v22;
	v5 =	vld [tilespmem:$0x1FFD0]  }
0x7d: {  	vm14 =	vgt.f32 v17, v23  }
0x7e: {  	v23 =	vsel vm14, v17, v23  }
0x7f: {  	v24 =	vperm.xlane v23, v0;
	_ =	sdelay $0x1  }
0x80: {  	v24 =	vmax.f32 v23, v24;
	v22 =	vsel vm12, v5, v22;
	v5 =	vld [tilespmem:$0x1FFE0]  }
0x81: {  	v25 =	vperm.xlane v24, v1;
	_ =	sdelay $0x1  }
0x82: {  	v24 =	vmax.f32 v24, v25  }
0x83: {  	v25 =	vperm.xlane v24, v3  }
0x84: {  	v22 =	vsel vm13, v5, v22;
	v5 =	vld [tilespmem:$0x1FFF0]  }
0x85: {  	v24 =	vmax.f32 v24, v25  }
0x86: {  	v25 =	vperm.xlane v24, v4;
	_ =	sdelay $0x1  }
0x87: {  	v24 =	vmax.f32 v24, v25  }
0x88: {  	vm8 =	veq.f32 v23, v24;
	v22 =	vsel vm14, v5, v22  }
0x89: {  	v22 =	vnsel vm8, $0x100000, v22  }
0x8a: {  	v32 =	vperm.xlane v22, v0;
	_ =	sdelay $0x1  }
0x8b: {  	vm0 =	vlt.s32 v22, v32  }
0x8c: {  	v22 =	vsel vm0, v22, v32  }
0x8d: {  	v23 =	vperm.xlane v22, v1;
	_ =	sdelay $0x1  }
0x8e: {  	vm0 =	vlt.s32 v22, v23  }
0x8f: {  	v22 =	vsel vm0, v22, v23  }
0x90: {  	v23 =	vperm.xlane v22, v3  }
0x91: {  	s31 =	sshra.s32 s11, $0x2  }
0x92: {  	v24 =	vld [tilespmem:s31+$0x0];
	vm0 =	vlt.s32 v22, v23  }
0x93: {  	v23 =	vsel vm0, v22, v23  }
0x94: {  	v25 =	vld [tilespmem:s31+$0x10];
	v26 =	vperm.xlane v23, v4;
	_ =	sdelay $0x1  }
0x95: {  	vm0 =	vlt.s32 v23, v26  }
0x96: {  	vm9 =	vgt.f32 v24, $-Inf;
	v36 =	vsel vm0, v23, v26  }
0x97: {  	v5 =	vimm.s32 $0x0;
	v26 =	vnsel vm9, $0xFF800000, v24;
	vm10 =	veq.s32 v36, v29  }
0x98: {  	vm0 =	vgt.f32 v25, v26;
	vm11 =	veq.s32 v36, v49;
	v32 =	vsel vm10, $0xFF800000, v21  }
0x99: {  	vm13 =	veq.s32 v36, v6;
	vm15 =	veq.s32 v36, v7;
	vm12 =	vgt.f32 v32, $-Inf  }
0x9a: {  	vm9 =	veq.s32 v36, v8;
	v30 =	vsel vm11, $0xFF800000, v18;
	v33 =	vnsel vm12, $0xFF800000, v32  }
0x9b: {  	v22 =	vld [tilespmem:s31+$0x20];
	v26 =	vsel vm0, v25, v26;
	v31 =	vsel vm13, $0xFF800000, v19;
	vm14 =	vgt.f32 v30, v33  }
0x9c: {  	v35 =	vmovc v54;
	v54 =	vsel vm15, $0xFF800000, v20;
	v5 =	vsel vm14, $0xFFFFFFFF, v5;
	v34 =	vsel vm14, v30, v33  }
0x9d: {  	v55 =	vsel vm9, $0xFF800000, v55;
	[tilespmem:$0x1FD30] =	vst v5;
	vm8 =	vgt.f32 v31, v34;
	v5 =	vimm.s32 $0x0  }
0x9e: {  	vm11 =	veq.s32 v36, v9;
	v5 =	vsel vm8, $0xFFFFFFFF, v5;
	v62 =	vsel vm8, v31, v34  }
0x9f: {  	v23 =	vld [tilespmem:s31+$0x30];
	vm13 =	veq.s32 v36, v10;
	[tilespmem:$0x1FD40] =	vst v5;
	vm10 =	vgt.f32 v54, v62;
	v5 =	vimm.s32 $0x0  }
0xa0: {  	vm1 =	vgt.f32 v22, v26;
	v5 =	vsel vm10, $0xFFFFFFFF, v5;
	v62 =	vsel vm10, v54, v62  }
0xa1: {  	v21 =	vld [tilespmem:s31+$0x40];
	v57 =	vsel vm11, $0xFF800000, v57;
	[tilespmem:$0x1FD50] =	vst v5;
	vm12 =	vgt.f32 v55, v62;
	v5 =	vimm.s32 $0x0  }
0xa2: {  	v58 =	vsel vm13, $0xFF800000, v58;
	v5 =	vsel vm12, $0xFFFFFFFF, v5;
	v62 =	vsel vm12, v55, v62  }
0xa3: {  	v18 =	vld [tilespmem:s31+$0x50];
	v26 =	vsel vm1, v22, v26;
	[tilespmem:$0x1FD60] =	vst v5;
	vm14 =	vgt.f32 v57, v62;
	v5 =	vimm.s32 $0x0  }
0xa4: {  	vm2 =	vgt.f32 v23, v26;
	v5 =	vsel vm14, $0xFFFFFFFF, v5;
	v62 =	vsel vm14, v57, v62  }
0xa5: {  	v19 =	vld [tilespmem:s31+$0x60];
	v26 =	vsel vm2, v23, v26;
	[tilespmem:$0x1FD70] =	vst v5;
	vm12 =	vgt.f32 v58, v62;
	v5 =	vimm.s32 $0x0  }
0xa6: {  	vm3 =	vgt.f32 v21, v26;
	v5 =	vsel vm12, $0xFFFFFFFF, v5  }
0xa7: {  	v26 =	vsel vm3, v21, v26;
	[tilespmem:$0x1FD80] =	vst v5;
	v5 =	vld [tilespmem:$0x1FF00]  }
0xa8: {  	v20 =	vld [tilespmem:s31+$0x70];
	vm4 =	vgt.f32 v18, v26  }
0xa9: {  	v26 =	vsel vm4, v18, v26  }
0xaa: {  	vm15 =	veq.s32 v36, v11;
	vm5 =	vgt.f32 v19, v26  }
0xab: {  	v60 =	vsel vm15, $0xFF800000, v60;
	v26 =	vsel vm5, v19, v26;
	v62 =	vsel vm12, v58, v62  }
0xac: {  	vm8 =	vgt.f32 v60, v62;
	vm13 =	veq.s32 v36, v5;
	v5 =	vimm.s32 $0x0  }
0xad: {  	vm6 =	vgt.f32 v20, v26;
	v5 =	vsel vm8, $0xFFFFFFFF, v5  }
0xae: {  	v26 =	vsel vm6, v20, v26;
	[tilespmem:$0x1FD90] =	vst v5;
	v5 =	vld [tilespmem:$0x1FF20]  }
0xaf: {  	v33 =	vperm.xlane v26, v0;
	_ =	sdelay $0x1  }
0xb0: {  	v34 =	vmov v63;
	v63 =	vmax.f32 v26, v33;
	v33 =	vld [tilespmem:$0x1FF30]  }
0xb1: {  	v62 =	vsel vm8, v60, v62;
	v59 =	vsel vm13, $0xFF800000, v59  }
0xb2: {  	vm8 =	vgt.f32 v59, v62;
	vm14 =	veq.s32 v36, v5  }
0xb3: {  	v28 =	vsel vm8, v59, v62;
	v61 =	vsel vm14, $0xFF800000, v61  }
0xb4: {  	v62 =	vimm.s32 $0x0;
	v5 =	vimm.s32 $0x0;
	vm7 =	vgt.f32 v61, v28  }
0xb5: {  	vm15 =	veq.s32 v36, v33;
	v5 =	vsel vm8, $0xFFFFFFFF, v5;
	v33 =	vsel vm7, $0xFFFFFFFF, v62  }
0xb6: {  	[tilespmem:$0x1FDB0] =	vst v33;
	v33 =	vld [tilespmem:$0x1FED0];
	_ =	sdelay $0x1  }
0xb7: {  	[tilespmem:$0x1FDA0] =	vst v5;
	v5 =	vmov v27;
	v27 =	vperm.xlane v63, v1  }
0xb8: {  	v62 =	vsel vm15, $0xFF800000, v56;
	v28 =	vsel vm7, v61, v28  }
0xb9: {  	vm8 =	vgt.f32 v62, v28;
	v27 =	vmax.f32 v63, v27;
	v63 =	vimm.s32 $0x0  }
0xba: {  	vm7 =	veq.s32 v36, v33;
	v33 =	vsel vm8, $0xFFFFFFFF, v63  }
0xbb: {  	[tilespmem:$0x1FDC0] =	vst v33;
	v33 =	vld [tilespmem:$0x1FEE0]  }
0xbc: {  	v29 =	vlaneseq.u32  }
0xbd: {  	v29 =	vsel vm0, v49, v29  }
0xbe: {  	v28 =	vsel vm8, v62, v28;
	v56 =	vperm.xlane v27, v3;
	v63 =	vsel vm7, $0xFF800000, v50  }
0xbf: {  	v29 =	vsel vm1, v6, v29;
	v50 =	vimm.s32 $0x0;
	vm1 =	vgt.f32 v63, v28  }
0xc0: {  	v27 =	vmax.f32 v27, v56;
	vm9 =	veq.s32 v36, v33;
	v33 =	vsel vm1, $0xFFFFFFFF, v50  }
0xc1: {  	v50 =	vperm.xlane v27, v4;
	[tilespmem:$0x1FDD0] =	vst v33;
	v33 =	vld [tilespmem:$0x1FEF0];
	_ =	sdelay $0x1  }
0xc2: {  	v29 =	vsel vm2, v7, v29;
	v27 =	vmax.f32 v27, v50  }
0xc3: {  	v28 =	vsel vm1, v63, v28;
	v2 =	vsel vm9, $0xFF800000, v2;
	vm7 =	veq.f32 v26, v27;
	v26 =	vld [tilespmem:$0x1FF90]  }
0xc4: {  	v29 =	vsel vm3, v8, v29;
	v56 =	vimm.s32 $0x0;
	vm1 =	vgt.f32 v2, v28  }
0xc5: {  	v29 =	vsel vm4, v9, v29;
	vm10 =	veq.s32 v36, v33;
	v33 =	vsel vm1, $0xFFFFFFFF, v56  }
0xc6: {  	v29 =	vsel vm5, v10, v29;
	[tilespmem:$0x1FDE0] =	vst v33;
	v33 =	vld [tilespmem:$0x1FF40]  }
0xc7: {  	v29 =	vsel vm6, v11, v29  }
0xc8: {  	vm8 =	veq.s32 v36, v26;
	v26 =	vnsel vm7, $0x100000, v29;
	v29 =	vld [tilespmem:$0x1FF10];
	_ =	sdelay $0x1  }
0xc9: {  	v28 =	vsel vm1, v2, v28;
	v12 =	vsel vm10, $0xFF800000, v12  }
0xca: {  	vm15 =	vgt.f32 v12, v28;
	vm11 =	veq.s32 v36, v33  }
0xcb: {  	v28 =	vsel vm15, v12, v28;
	v38 =	vsel vm11, $0xFF800000, v38  }
0xcc: {  	vm4 =	veq.s32 v36, v5;
	vm9 =	veq.s32 v36, v29;
	v29 =	vld [tilespmem:$0x1FF50];
	vm5 =	vgt.f32 v38, v28  }
0xcd: {  	v41 =	vsel vm4, $0xFF800000, v41;
	v28 =	vsel vm5, v38, v28  }
0xce: {  	vm13 =	vgt.f32 v41, v28  }
0xcf: {  	v27 =	vsel vm13, v41, v28;
	v28 =	vperm.xlane v26, v0;
	_ =	sdelay $0x1  }
0xd0: {  	vm11 =	veq.s32 v36, v29;
	v29 =	vld [tilespmem:$0x1FF70];
	vm10 =	vlt.s32 v26, v28  }
0xd1: {  	v26 =	vsel vm10, v26, v28  }
0xd2: {  	v28 =	vperm.xlane v26, v1  }
0xd3: {  	v56 =	vimm.s32 $0x0  }
0xd4: {  	v33 =	vsel vm5, $0xFFFFFFFF, v56;
	vm5 =	vlt.s32 v26, v28  }
0xd5: {  	vm4 =	veq.s32 v36, v29;
	v29 =	vld [tilespmem:$0x1FD30];
	v26 =	vsel vm5, v26, v28  }
0xd6: {  	v28 =	vperm.xlane v26, v3;
	_ =	sdelay $0x1  }
0xd7: {  	v40 =	vsel vm4, $0xFF800000, v40;
	vm4 =	vlt.s32 v26, v28  }
0xd8: {  	vm6 =	veq.s32 v36, v52;
	v26 =	vsel vm4, v26, v28;
	v28 =	vld [tilespmem:$0x1FF60]  }
0xd9: {  	v44 =	vsel vm6, $0xFF800000, v44;
	vm6 =	vnez.u8 v29;
	v29 =	vld [tilespmem:$0x1FF80];
	_ =	sdelay $0x3  }
0xda: {  	vm0 =	veq.s32 v36, v28  }
0xdb: {  	v50 =	vsel vm0, $0xFF800000, v46;
	vm0 =	veq.s32 v36, v29;
	v29 =	vld [tilespmem:$0x1FD40];
	_ =	sdelay $0x4  }
0xdc: {  	vm4 =	vnez.u8 v29;
	v29 =	vld [tilespmem:$0x1FD50];
	_ =	sdelay $0x3  }
0xdd: {  	vm5 =	veq.s32 v36, v35  }
0xde: {  	v47 =	vsel vm5, $0xFF800000, v47;
	vm5 =	vnez.u8 v29;
	v29 =	vld [tilespmem:$0x1FFA0];
	_ =	sdelay $0x4  }
0xdf: {  	v51 =	vsel vm0, $0xFF800000, v51;
	vm0 =	veq.s32 v36, v29;
	v29 =	vld [tilespmem:$0x1FD60];
	_ =	sdelay $0x2  }
0xe0: {  	v28 =	vlaneseq.u32  }
0xe1: {  	v28 =	vsel vm6, v49, v28  }
0xe2: {  	v28 =	vsel vm4, v6, v28;
	vm4 =	vnez.u8 v29;
	v29 =	vld [tilespmem:$0x1FD70];
	_ =	sdelay $0x3  }
0xe3: {  	v28 =	vsel vm5, v7, v28  }
0xe4: {  	v28 =	vsel vm4, v8, v28;
	vm4 =	vnez.u8 v29;
	v29 =	vld [tilespmem:$0x1FFB0];
	_ =	sdelay $0x4  }
0xe5: {  	v56 =	vsel vm0, $0xFF800000, v37;
	vm0 =	veq.s32 v36, v29;
	v29 =	vld [tilespmem:$0x1FD80];
	_ =	sdelay $0x4  }
0xe6: {  	v13 =	vsel vm0, $0xFF800000, v13;
	vm0 =	vnez.u8 v29;
	v29 =	vld [tilespmem:$0x1FD90];
	_ =	sdelay $0x3  }
0xe7: {  	v28 =	vsel vm4, v9, v28  }
0xe8: {  	v28 =	vsel vm0, v10, v28;
	vm0 =	vnez.u8 v29;
	v29 =	vld [tilespmem:$0x1FFC0];
	_ =	sdelay $0x3  }
0xe9: {  	v46 =	vld [tilespmem:$0x1FDA0]  }
0xea: {  	v28 =	vsel vm0, v11, v28;
	vm0 =	veq.s32 v36, v29;
	v29 =	vld [tilespmem:$0x1FF00];
	_ =	sdelay $0x3  }
0xeb: {  	v37 =	vld [tilespmem:$0x1FDB0];
	v14 =	vsel vm0, $0xFF800000, v14;
	vm0 =	vnez.u8 v46  }
0xec: {  	v28 =	vsel vm0, v29, v28;
	v29 =	vld [tilespmem:$0x1FF20];
	_ =	sdelay $0x3  }
0xed: {  	vm0 =	vnez.u8 v37  }
0xee: {  	v28 =	vsel vm0, v29, v28;
	v29 =	vld [tilespmem:$0x1FFD0];
	_ =	sdelay $0x3  }
0xef: {  	v46 =	vld [tilespmem:$0x1FDC0]  }
0xf0: {  	vm0 =	veq.s32 v36, v29;
	v29 =	vld [tilespmem:$0x1FF30];
	_ =	sdelay $0x3  }
0xf1: {  	v37 =	vld [tilespmem:$0x1FDD0];
	v15 =	vsel vm0, $0xFF800000, v15;
	vm0 =	vnez.u8 v46  }
0xf2: {  	v28 =	vsel vm0, v29, v28;
	v29 =	vld [tilespmem:$0x1FED0];
	_ =	sdelay $0x3  }
0xf3: {  	vm0 =	vnez.u8 v37  }
0xf4: {  	v28 =	vsel vm0, v29, v28;
	v29 =	vld [tilespmem:$0x1FFE0]  }
0xf5: {  	v46 =	vld [tilespmem:$0x1FDE0];
	_ =	sdelay $0x2  }
0xf6: {  	v42 =	vsel vm8, $0xFF800000, v42;
	[tilespmem:$0x1FDF0] =	vst v33;
	v33 =	vld [tilespmem:$0x1FEF0]  }
0xf7: {  	v39 =	vsel vm9, $0xFF800000, v39;
	vm12 =	vgt.f32 v42, v27;
	vm0 =	veq.s32 v36, v29;
	v29 =	vld [tilespmem:$0x1FEE0]  }
0xf8: {  	v27 =	vsel vm12, v42, v27;
	v16 =	vsel vm0, $0xFF800000, v16;
	vm0 =	vnez.u8 v46;
	v46 =	vld [tilespmem:$0x1FDF0]  }
0xf9: {  	vm14 =	vgt.f32 v39, v27;
	v37 =	vld [tilespmem:$0x1FF40]  }
0xfa: {  	v43 =	vsel vm11, $0xFF800000, v43;
	v27 =	vsel vm14, v39, v27  }
0xfb: {  	vm11 =	vgt.f32 v43, v27  }
0xfc: {  	v27 =	vsel vm11, v43, v27;
	v28 =	vsel vm0, v29, v28  }
0xfd: {  	vm10 =	vgt.f32 v40, v27;
	v28 =	vsel vm15, v33, v28;
	vm0 =	vnez.u8 v46;
	v46 =	vld [tilespmem:$0x1FF90]  }
0xfe: {  	v27 =	vsel vm10, v40, v27;
	v28 =	vsel vm0, v37, v28;
	v37 =	vld [tilespmem:$0x1FFF0]  }
0xff: {  	vm7 =	veq.s32 v36, v53;
	vm9 =	vgt.f32 v44, v27  }
0x100: {  	v45 =	vsel vm7, $0xFF800000, v45;
	v27 =	vsel vm9, v44, v27;
	v29 =	vperm.xlane v26, v4  }
0x101: {  	vm8 =	vgt.f32 v45, v27;
	v28 =	vsel vm13, v5, v28  }
0x102: {  	v27 =	vsel vm8, v45, v27;
	v28 =	vsel vm12, v46, v28;
	vm12 =	vlt.s32 v26, v29  }
0x103: {  	vm7 =	vgt.f32 v47, v27;
	vm0 =	veq.s32 v36, v37;
	v37 =	vsel vm12, v26, v29;
	v26 =	vld [tilespmem:$0x1FF10]  }
0x104: {  	v27 =	vsel vm7, v47, v27  }
0x105: {  	vm1 =	veq.s32 v36, v34;
	vm6 =	vgt.f32 v50, v27  }
0x106: {  	v48 =	vsel vm1, $0xFF800000, v48;
	v27 =	vsel vm6, v50, v27  }
0x107: {  	vm5 =	vgt.f32 v48, v27  }
0x108: {  	v27 =	vsel vm5, v48, v27;
	v26 =	vsel vm14, v26, v28;
	v28 =	vlaneseq.u32  }
0x109: {  	vm4 =	vgt.f32 v51, v27;
	v17 =	vsel vm0, $0xFF800000, v17;
	vm0 =	veq.s32 v37, v28;
	v28 =	vld [tilespmem:$0x1FF50]  }
0x10a: {  	v27 =	vsel vm4, v51, v27  }
0x10b: {  	vm3 =	vgt.f32 v56, v27  }
0x10c: {  	v27 =	vsel vm3, v56, v27  }
0x10d: {  	vm2 =	vgt.f32 v13, v27  }
0x10e: {  	v27 =	vsel vm2, v13, v27;
	v26 =	vsel vm11, v28, v26;
	v28 =	vld [tilespmem:$0x1FF70]  }
0x10f: {  	vm1 =	vgt.f32 v14, v27  }
0x110: {  	v27 =	vsel vm1, v14, v27  }
0x111: {  	vm15 =	vgt.f32 v15, v27  }
0x112: {  	v33 =	vld [tilespmem:$0x1FF60];
	v27 =	vsel vm15, v15, v27  }
0x113: {  	vm13 =	vgt.f32 v16, v27;
	vm14 =	veq.s32 v37, v49;
	v28 =	vsel vm10, v28, v26  }
0x114: {  	v26 =	vsel vm0, $0xFF800000, v24;
	v24 =	vsel vm14, $0xFF800000, v25;
	v25 =	vsel vm9, v52, v28  }
0x115: {  	v27 =	vsel vm13, v16, v27;
	v25 =	vsel vm8, v53, v25  }
0x116: {  	vm12 =	vgt.f32 v17, v27;
	v25 =	vsel vm7, v35, v25  }
0x117: {  	v27 =	vsel vm12, v17, v27;
	v25 =	vsel vm6, v33, v25;
	v33 =	vld [tilespmem:$0x1FF80]  }
0x118: {  	v29 =	vperm.xlane v27, v0;
	_ =	sdelay $0x1  }
0x119: {  	v28 =	vmax.f32 v27, v29  }
0x11a: {  	v29 =	vperm.xlane v28, v1;
	v25 =	vsel vm5, v34, v25  }
0x11b: {  	v25 =	vsel vm4, v33, v25;
	v33 =	vld [tilespmem:$0x1FFA0]  }
0x11c: {  	v28 =	vmax.f32 v28, v29  }
0x11d: {  	v46 =	vperm.xlane v28, v3;
	_ =	sdelay $0x1  }
0x11e: {  	v28 =	vmax.f32 v28, v46;
	v46 =	vld [tilespmem:$0x1FFB0]  }
0x11f: {  	v25 =	vsel vm3, v33, v25;
	v33 =	vld [tilespmem:$0x1FFC0];
	_ =	sdelay $0x3  }
0x120: {  	v25 =	vsel vm2, v46, v25;
	v46 =	vperm.xlane v28, v4  }
0x121: {  	v25 =	vsel vm1, v33, v25;
	v33 =	vld [tilespmem:$0x1FFD0]  }
0x122: {  	v28 =	vmax.f32 v28, v46;
	v46 =	vld [tilespmem:$0x1FFE0];
	_ =	sdelay $0x2  }
0x123: {  	vm11 =	vgt.f32 v26, $-Inf  }
0x124: {  	v29 =	vnsel vm11, $0xFF800000, v26;
	v25 =	vsel vm15, v33, v25  }
0x125: {  	vm0 =	veq.s32 v37, v6;
	vm4 =	vgt.f32 v24, v29;
	v25 =	vsel vm13, v46, v25;
	v46 =	vld [tilespmem:$0x1FFF0]  }
0x126: {  	v22 =	vsel vm0, $0xFF800000, v22;
	v29 =	vsel vm4, v24, v29  }
0x127: {  	vm14 =	veq.s32 v37, v7;
	vm7 =	vgt.f32 v22, v29  }
0x128: {  	v23 =	vsel vm14, $0xFF800000, v23;
	vm14 =	veq.s32 v37, v8;
	v29 =	vsel vm7, v22, v29  }
0x129: {  	v21 =	vsel vm14, $0xFF800000, v21;
	vm0 =	vgt.f32 v23, v29  }
0x12a: {  	v29 =	vsel vm0, v23, v29;
	vm8 =	veq.f32 v27, v28;
	v25 =	vsel vm12, v46, v25  }
0x12b: {  	vm9 =	veq.s32 v37, v9;
	vm3 =	vgt.f32 v21, v29;
	v25 =	vnsel vm8, $0x100000, v25  }
0x12c: {  	v18 =	vsel vm9, $0xFF800000, v18;
	v27 =	vsel vm3, v21, v29;
	v28 =	vperm.xlane v25, v0  }
0x12d: {  	vm10 =	veq.s32 v37, v10;
	vm2 =	vgt.f32 v18, v27  }
0x12e: {  	v19 =	vsel vm10, $0xFF800000, v19;
	v27 =	vsel vm2, v18, v27;
	vm11 =	vlt.s32 v25, v28  }
0x12f: {  	vm5 =	vgt.f32 v19, v27;
	vm12 =	veq.s32 v37, v11;
	v25 =	vsel vm11, v25, v28  }
0x130: {  	v27 =	vsel vm5, v19, v27;
	v20 =	vsel vm12, $0xFF800000, v20;
	v28 =	vperm.xlane v25, v1  }
0x131: {  	vm6 =	vgt.f32 v20, v27  }
0x132: {  	v27 =	vsel vm6, v20, v27;
	vm1 =	vlt.s32 v25, v28  }
0x133: {  	v29 =	vperm.xlane v27, v0;
	v25 =	vsel vm1, v25, v28  }
0x134: {  	v28 =	vperm.xlane v25, v3  }
0x135: {  	v29 =	vmax.f32 v27, v29  }
0x136: {  	v33 =	vperm.xlane v29, v1;
	vm1 =	vlt.s32 v25, v28  }
0x137: {  	v25 =	vsel vm1, v25, v28  }
0x138: {  	v28 =	vmax.f32 v29, v33;
	v29 =	vperm.xlane v25, v4  }
0x139: {  	v46 =	vperm.xlane v28, v3  }
0x13a: {  	vm1 =	vlt.s32 v25, v29  }
0x13b: {  	v28 =	vmax.f32 v28, v46;
	v46 =	vsel vm1, v25, v29;
	v29 =	vlaneseq.u32  }
0x13c: {  	v25 =	vperm.xlane v28, v4;
	vm1 =	veq.s32 v46, v29  }
0x13d: {  	vm13 =	veq.s32 v46, v49;
	v29 =	vsel vm1, $0xFF800000, v32  }
0x13e: {  	v25 =	vmax.f32 v28, v25;
	v28 =	vlaneseq.u32;
	vm14 =	vgt.f32 v29, $-Inf  }
0x13f: {  	vm15 =	veq.f32 v27, v25;
	v25 =	vsel vm13, $0xFF800000, v30;
	v27 =	vnsel vm14, $0xFF800000, v29  }
0x140: {  	vm10 =	veq.s32 v46, v6;
	v28 =	vsel vm4, v49, v28;
	vm4 =	vgt.f32 v25, v27  }
0x141: {  	v25 =	vsel vm4, v25, v27;
	v27 =	vsel vm7, v6, v28;
	v28 =	vsel vm10, $0xFF800000, v31  }
0x142: {  	vm11 =	veq.s32 v46, v7;
	vm7 =	vgt.f32 v28, v25  }
0x143: {  	v27 =	vsel vm0, v7, v27;
	v25 =	vsel vm7, v28, v25;
	v28 =	vsel vm11, $0xFF800000, v54  }
0x144: {  	vm12 =	veq.s32 v46, v8;
	v27 =	vsel vm3, v8, v27;
	vm3 =	vgt.f32 v28, v25  }
0x145: {  	v27 =	vsel vm2, v9, v27;
	v25 =	vsel vm3, v28, v25;
	v28 =	vsel vm12, $0xFF800000, v55  }
0x146: {  	vm13 =	veq.s32 v46, v9;
	v27 =	vsel vm5, v10, v27;
	vm5 =	vgt.f32 v28, v25  }
0x147: {  	v29 =	vsel vm13, $0xFF800000, v57;
	v25 =	vsel vm5, v28, v25  }
0x148: {  	vm14 =	veq.s32 v46, v10;
	v27 =	vsel vm6, v11, v27;
	vm6 =	vgt.f32 v29, v25  }
0x149: {  	v25 =	vsel vm6, v29, v25;
	v29 =	vsel vm14, $0xFF800000, v58  }
0x14a: {  	v30 =	vimm.s32 $0x0;
	vm9 =	vgt.f32 v29, v25  }
0x14b: {  	v30 =	vsel vm9, $0xFFFFFFFF, v30  }
0x14c: {  	v27 =	vnsel vm15, $0x100000, v27;
	[tilespmem:$0x1FE00] =	vst v30;
	v30 =	vld [tilespmem:$0x1FF00]  }
0x14d: {  	v28 =	vperm.xlane v27, v0;
	_ =	sdelay $0x1  }
0x14e: {  	vm8 =	veq.s32 v46, v11;
	vm15 =	vlt.s32 v27, v28  }
0x14f: {  	v27 =	vsel vm15, v27, v28;
	v28 =	vsel vm8, $0xFF800000, v60;
	v25 =	vsel vm9, v29, v25  }
0x150: {  	vm1 =	vgt.f32 v28, v25;
	vm10 =	veq.s32 v46, v30;
	v30 =	vimm.s32 $0x0  }
0x151: {  	v30 =	vsel vm1, $0xFFFFFFFF, v30  }
0x152: {  	[tilespmem:$0x1FE10] =	vst v30;
	v30 =	vld [tilespmem:$0x1FF20];
	_ =	sdelay $0x3  }
0x153: {  	v25 =	vsel vm1, v28, v25;
	v28 =	vsel vm10, $0xFF800000, v59  }
0x154: {  	vm13 =	vgt.f32 v28, v25;
	vm12 =	veq.s32 v46, v30;
	v30 =	vimm.s32 $0x0  }
0x155: {  	v30 =	vsel vm13, $0xFFFFFFFF, v30  }
0x156: {  	[tilespmem:$0x1FE20] =	vst v30;
	v30 =	vld [tilespmem:$0x1FF30]  }
0x157: {  	v29 =	vperm.xlane v27, v1;
	_ =	sdelay $0x1  }
0x158: {  	vm11 =	vlt.s32 v27, v29  }
0x159: {  	v27 =	vsel vm11, v27, v29;
	v25 =	vsel vm13, v28, v25;
	v29 =	vsel vm12, $0xFF800000, v61  }
0x15a: {  	vm1 =	vgt.f32 v29, v25;
	vm14 =	veq.s32 v46, v30;
	v30 =	vimm.s32 $0x0  }
0x15b: {  	v30 =	vsel vm1, $0xFFFFFFFF, v30  }
0x15c: {  	[tilespmem:$0x1FE30] =	vst v30;
	v30 =	vld [tilespmem:$0x1FED0];
	_ =	sdelay $0x3  }
0x15d: {  	v25 =	vsel vm1, v29, v25;
	v29 =	vsel vm14, $0xFF800000, v62  }
0x15e: {  	vm9 =	vgt.f32 v29, v25;
	vm8 =	veq.s32 v46, v30;
	v30 =	vimm.s32 $0x0  }
0x15f: {  	v30 =	vsel vm9, $0xFFFFFFFF, v30  }
0x160: {  	[tilespmem:$0x1FE40] =	vst v30;
	v30 =	vld [tilespmem:$0x1FEE0]  }
0x161: {  	v28 =	vperm.xlane v27, v3;
	_ =	sdelay $0x1  }
0x162: {  	vm15 =	vlt.s32 v27, v28  }
0x163: {  	v27 =	vsel vm15, v27, v28;
	v25 =	vsel vm9, v29, v25;
	v28 =	vsel vm8, $0xFF800000, v63  }
0x164: {  	vm1 =	vgt.f32 v28, v25;
	vm10 =	veq.s32 v46, v30  }
0x165: {  	v25 =	vsel vm1, v28, v25;
	v28 =	vsel vm10, $0xFF800000, v2;
	v2 =	vld [tilespmem:$0x1FEF0];
	_ =	sdelay $0x3  }
0x166: {  	v29 =	vperm.xlane v27, v4  }
0x167: {  	vm13 =	vgt.f32 v28, v25;
	vm12 =	veq.s32 v46, v2;
	v2 =	vimm.s32 $0x0  }
0x168: {  	vm11 =	vlt.s32 v27, v29;
	v25 =	vsel vm13, v28, v25;
	v2 =	vsel vm13, $0xFFFFFFFF, v2  }
0x169: {  	v12 =	vsel vm12, $0xFF800000, v12;
	[tilespmem:$0x1FE60] =	vst v2;
	v2 =	vsel vm11, v27, v29;
	v29 =	vlaneseq.u32  }
0x16a: {  	vm15 =	vgt.f32 v12, v25;
	vm0 =	veq.s32 v2, v29  }
0x16b: {  	v12 =	vsel vm15, v12, v25;
	v25 =	vsel vm0, $0xFF800000, v26;
	v26 =	vld [tilespmem:$0x1FF40];
	_ =	sdelay $0x3  }
0x16c: {  	vm8 =	veq.s32 v2, v6  }
0x16d: {  	v22 =	vsel vm8, $0xFF800000, v22;
	vm8 =	veq.s32 v46, v26  }
0x16e: {  	v27 =	vimm.s32 $0x0;
	vm14 =	veq.s32 v2, v49;
	v26 =	vsel vm8, $0xFF800000, v38  }
0x16f: {  	vm9 =	veq.s32 v2, v7;
	vm10 =	veq.s32 v2, v8;
	vm2 =	vgt.f32 v26, v12  }
0x170: {  	vm11 =	veq.s32 v2, v9;
	vm12 =	veq.s32 v2, v10;
	v27 =	vsel vm2, $0xFFFFFFFF, v27  }
0x171: {  	vm13 =	veq.s32 v2, v11;
	v24 =	vsel vm14, $0xFF800000, v24;
	vm14 =	vgt.f32 v25, $-Inf;
	[tilespmem:$0x1FE70] =	vst v27;
	v27 =	vld [tilespmem:$0x1FF90]  }
0x172: {  	v23 =	vsel vm9, $0xFF800000, v23;
	v21 =	vsel vm10, $0xFF800000, v21;
	v25 =	vnsel vm14, $0xFF800000, v25  }
0x173: {  	v18 =	vsel vm11, $0xFF800000, v18;
	v19 =	vsel vm12, $0xFF800000, v19;
	vm9 =	vgt.f32 v24, v25  }
0x174: {  	v20 =	vsel vm13, $0xFF800000, v20;
	vm10 =	veq.s32 v46, v5;
	v24 =	vsel vm9, v24, v25  }
0x175: {  	v25 =	vsel vm10, $0xFF800000, v41;
	vm12 =	vgt.f32 v22, v24;
	v12 =	vsel vm2, v26, v12  }
0x176: {  	v22 =	vsel vm12, v22, v24;
	v24 =	vld [tilespmem:$0x1FF10];
	vm13 =	vgt.f32 v25, v12;
	vm11 =	veq.s32 v46, v27  }
0x177: {  	v12 =	vsel vm13, v25, v12;
	v25 =	vsel vm11, $0xFF800000, v42  }
0x178: {  	vm8 =	vgt.f32 v25, v12  }
0x179: {  	v12 =	vsel vm8, v25, v12;
	v25 =	vld [tilespmem:$0x1FF50];
	_ =	sdelay $0x1  }
0x17a: {  	vm14 =	veq.s32 v46, v24;
	v24 =	vimm.s32 $0x0  }
0x17b: {  	v26 =	vsel vm9, v49, v29;
	v24 =	vsel vm8, $0xFFFFFFFF, v24  }
0x17c: {  	[tilespmem:$0x1FE80] =	vst v24;
	v24 =	vsel vm12, v6, v26;
	v26 =	vsel vm14, $0xFF800000, v39  }
0x17d: {  	vm2 =	vgt.f32 v26, v12;
	vm10 =	veq.s32 v46, v25;
	v25 =	vimm.s32 $0x0  }
0x17e: {  	vm9 =	vgt.f32 v23, v22;
	v25 =	vsel vm2, $0xFFFFFFFF, v25  }
0x17f: {  	[tilespmem:$0x1FE90] =	vst v25;
	v25 =	vsel vm10, $0xFF800000, v43;
	v43 =	vsel vm9, v7, v24;
	v24 =	vld [tilespmem:$0x1FF70];
	_ =	sdelay $0x2  }
0x180: {  	v30 =	vimm.s32 $0x0  }
0x181: {  	v30 =	vsel vm1, $0xFFFFFFFF, v30;
	v12 =	vsel vm2, v26, v12  }
0x182: {  	vm1 =	vgt.f32 v25, v12;
	vm11 =	veq.s32 v46, v24;
	v24 =	vimm.s32 $0x0  }
0x183: {  	v24 =	vsel vm1, $0xFFFFFFFF, v24  }
0x184: {  	vm12 =	veq.s32 v46, v52;
	v12 =	vsel vm1, v25, v12;
	[tilespmem:$0x1FEA0] =	vst v24;
	v24 =	vsel vm11, $0xFF800000, v40  }
0x185: {  	vm14 =	veq.s32 v46, v53;
	v26 =	vimm.s32 $0x0;
	vm1 =	vgt.f32 v24, v12  }
0x186: {  	v25 =	vsel vm12, $0xFF800000, v44;
	v26 =	vsel vm1, $0xFFFFFFFF, v26;
	v12 =	vsel vm1, v24, v12  }
0x187: {  	[tilespmem:$0x1FEB0] =	vst v26;
	v26 =	vsel vm14, $0xFF800000, v45;
	vm14 =	vgt.f32 v25, v12  }
0x188: {  	v12 =	vsel vm14, v25, v12  }
0x189: {  	vm8 =	veq.s32 v46, v35;
	vm12 =	vgt.f32 v26, v12  }
0x18a: {  	v62 =	vld [tilespmem:$0x1FF60];
	vm10 =	veq.s32 v46, v34;
	v24 =	vsel vm8, $0xFF800000, v47;
	v12 =	vsel vm12, v26, v12  }
0x18b: {  	v25 =	vsel vm10, $0xFF800000, v48;
	vm10 =	vgt.f32 v24, v12  }
0x18c: {  	v12 =	vsel vm10, v24, v12;
	v24 =	vld [tilespmem:$0x1FFC0];
	_ =	sdelay $0x2  }
0x18d: {  	v22 =	vsel vm9, v23, v22;
	vm9 =	veq.s32 v46, v62  }
0x18e: {  	v27 =	vsel vm9, $0xFF800000, v50  }
0x18f: {  	vm9 =	veq.s32 v46, v24  }
0x190: {  	v28 =	vld [tilespmem:$0x1FF80];
	v14 =	vsel vm9, $0xFF800000, v14;
	vm9 =	vgt.f32 v27, v12  }
0x191: {  	v12 =	vsel vm9, v27, v12;
	v27 =	vmov v5;
	v5 =	vld [tilespmem:$0x1FFD0];
	_ =	sdelay $0x3  }
0x192: {  	vm11 =	veq.s32 v46, v28  }
0x193: {  	v28 =	vsel vm11, $0xFF800000, v51;
	vm11 =	veq.s32 v46, v5;
	v5 =	vld [tilespmem:$0x1FFE0];
	_ =	sdelay $0x4  }
0x194: {  	v24 =	vsel vm4, v49, v29;
	vm4 =	veq.s32 v46, v5;
	v5 =	vld [tilespmem:$0x1FE00];
	_ =	sdelay $0x2  }
0x195: {  	v24 =	vsel vm7, v6, v24  }
0x196: {  	v24 =	vsel vm3, v7, v24  }
0x197: {  	v24 =	vsel vm5, v8, v24;
	vm5 =	vnez.u8 v5;
	v5 =	vld [tilespmem:$0x1FFF0];
	_ =	sdelay $0x4  }
0x198: {  	v24 =	vsel vm6, v9, v24;
	vm6 =	veq.s32 v46, v5;
	v5 =	vld [tilespmem:$0x1FE10];
	_ =	sdelay $0x4  }
0x199: {  	v15 =	vsel vm11, $0xFF800000, v15;
	vm11 =	vnez.u8 v5;
	v5 =	vld [tilespmem:$0x1FE20];
	_ =	sdelay $0x1  }
0x19a: {  	[tilespmem:$0x1FE50] =	vst v30;
	v30 =	vld [tilespmem:$0x1FFB0]  }
0x19b: {  	v32 =	vld [tilespmem:$0x1FF20]  }
0x19c: {  	v26 =	vld [tilespmem:$0x1FFA0]  }
0x19d: {  	v16 =	vsel vm4, $0xFF800000, v16;
	vm4 =	vnez.u8 v5;
	v5 =	vld [tilespmem:$0x1FE30]  }
0x19e: {  	v31 =	vld [tilespmem:$0x1FF10]  }
0x19f: {  	vm0 =	veq.s32 v46, v30;
	v30 =	vld [tilespmem:$0x1FF00]  }
0x1a0: {  	v58 =	vld [tilespmem:$0x1FE70]  }
0x1a1: {  	v48 =	vld [tilespmem:$0x1FE40]  }
0x1a2: {  	vm8 =	veq.s32 v46, v26;
	v24 =	vsel vm5, v10, v24;
	vm5 =	vnez.u8 v5;
	v5 =	vld [tilespmem:$0x1FF30]  }
0x1a3: {  	v13 =	vsel vm0, $0xFF800000, v13;
	v60 =	vld [tilespmem:$0x1FE80];
	v26 =	vsel vm8, $0xFF800000, v56;
	vm8 =	vgt.f32 v25, v12  }
0x1a4: {  	vm0 =	vgt.f32 v21, v22;
	v50 =	vld [tilespmem:$0x1FE50];
	v12 =	vsel vm8, v25, v12;
	v24 =	vsel vm11, v11, v24  }
0x1a5: {  	v21 =	vsel vm0, v21, v22;
	v41 =	vld [tilespmem:$0x1FEA0];
	vm7 =	vgt.f32 v28, v12;
	v24 =	vsel vm4, v30, v24  }
0x1a6: {  	v56 =	vld [tilespmem:$0x1FE60];
	v12 =	vsel vm7, v28, v12;
	vm11 =	vnez.u8 v48;
	v24 =	vsel vm5, v32, v24  }
0x1a7: {  	v17 =	vsel vm6, $0xFF800000, v17;
	vm6 =	vgt.f32 v26, v12;
	v22 =	vsel vm11, v5, v24;
	v24 =	vld [tilespmem:$0x1FED0]  }
0x1a8: {  	v12 =	vsel vm6, v26, v12;
	v26 =	vld [tilespmem:$0x1FEE0]  }
0x1a9: {  	v5 =	vld [tilespmem:$0x1FEF0]  }
0x1aa: {  	v25 =	vld [tilespmem:$0x1FF40]  }
0x1ab: {  	v40 =	vld [tilespmem:$0x1FE90];
	vm1 =	vgt.f32 v18, v21;
	vm4 =	vnez.u8 v50;
	vm5 =	vgt.f32 v13, v12  }
0x1ac: {  	v28 =	vld [tilespmem:$0x1FF90];
	v12 =	vsel vm5, v13, v12;
	vm11 =	vnez.u8 v56;
	v13 =	vsel vm4, v24, v22  }
0x1ad: {  	v63 =	vmovc v34;
	v34 =	vld [tilespmem:$0x1FF50];
	v38 =	vsel vm0, v8, v43;
	v18 =	vsel vm1, v18, v21;
	v13 =	vsel vm11, v26, v13  }
0x1ae: {  	vm2 =	vgt.f32 v19, v18;
	v42 =	vld [tilespmem:$0x1FEB0];
	vm11 =	vnez.u8 v58;
	v13 =	vsel vm15, v5, v13  }
0x1af: {  	v33 =	vld [tilespmem:$0x1FF70];
	v57 =	vsel vm2, v19, v18;
	vm0 =	vnez.u8 v41;
	v13 =	vsel vm11, v25, v13  }
0x1b0: {  	vm4 =	vgt.f32 v14, v12;
	vm11 =	vnez.u8 v60;
	v13 =	vsel vm13, v27, v13  }
0x1b1: {  	v12 =	vsel vm4, v14, v12;
	v13 =	vsel vm11, v28, v13;
	vm11 =	vnez.u8 v40  }
0x1b2: {  	vm3 =	vgt.f32 v20, v57;
	vm15 =	vgt.f32 v15, v12;
	v13 =	vsel vm11, v31, v13  }
0x1b3: {  	v12 =	vsel vm15, v15, v12;
	v13 =	vsel vm0, v34, v13;
	vm0 =	vnez.u8 v42  }
0x1b4: {  	v14 =	vsel vm3, v20, v57;
	vm13 =	vgt.f32 v16, v12;
	v13 =	vsel vm0, v33, v13  }
0x1b5: {  	v59 =	vld [tilespmem:$0x1FF80];
	v61 =	vperm.xlane v14, v0;
	v12 =	vsel vm13, v16, v12;
	v13 =	vsel vm14, v52, v13  }
0x1b6: {  	v54 =	vmov v35;
	v55 =	vld [tilespmem:$0x1FFA0];
	vm11 =	vgt.f32 v17, v12;
	v13 =	vsel vm12, v53, v13  }
0x1b7: {  	v51 =	vld [tilespmem:$0x1FFB0];
	v15 =	vmax.f32 v14, v61;
	v12 =	vsel vm11, v17, v12;
	v13 =	vsel vm10, v54, v13  }
0x1b8: {  	v43 =	vperm.xlane v15, v1;
	v44 =	vperm.xlane v12, v0;
	v13 =	vsel vm9, v62, v13  }
0x1b9: {  	v13 =	vsel vm8, v63, v13  }
0x1ba: {  	v15 =	vmax.f32 v15, v43;
	v47 =	vmax.f32 v12, v44;
	v13 =	vsel vm7, v59, v13  }
0x1bb: {  	v48 =	vperm.xlane v15, v3;
	v50 =	vperm.xlane v47, v1;
	v13 =	vsel vm6, v55, v13  }
0x1bc: {  	v13 =	vsel vm5, v51, v13;
	v51 =	vld [tilespmem:$0x1FFC0]  }
0x1bd: {  	v15 =	vmax.f32 v15, v48;
	v17 =	vmax.f32 v47, v50;
	v55 =	vld [tilespmem:$0x1FFD0]  }
0x1be: {  	v39 =	vld [tilespmem:$0x1FFE0];
	v16 =	vsel vm1, v9, v38;
	v18 =	vperm.xlane v15, v4;
	v19 =	vperm.xlane v17, v3  }
0x1bf: {  	v57 =	vld [tilespmem:$0x1FFF0];
	v16 =	vsel vm2, v10, v16  }
0x1c0: {  	v16 =	vsel vm3, v11, v16;
	v15 =	vmax.f32 v15, v18;
	v17 =	vmax.f32 v17, v19  }
0x1c1: {  	vm14 =	veq.f32 v14, v15;
	v56 =	vperm.xlane v17, v4;
	v13 =	vsel vm4, v51, v13  }
0x1c2: {  	v15 =	vnsel vm14, $0x100000, v16;
	v13 =	vsel vm15, v55, v13  }
0x1c3: {  	v16 =	vperm.xlane v15, v0;
	v14 =	vmax.f32 v17, v56;
	v13 =	vsel vm13, v39, v13  }
0x1c4: {  	vm15 =	veq.f32 v12, v14;
	v13 =	vsel vm11, v57, v13  }
0x1c5: {  	vm4 =	vlt.s32 v15, v16;
	v12 =	vnsel vm15, $0x100000, v13  }
0x1c6: {  	v58 =	vsel vm4, v15, v16;
	v59 =	vperm.xlane v12, v0  }
0x1c7: {  	v15 =	vperm.xlane v58, v1  }
0x1c8: {  	vm5 =	vlt.s32 v12, v59  }
0x1c9: {  	vm6 =	vlt.s32 v58, v15;
	v12 =	vsel vm5, v12, v59  }
0x1ca: {  	v45 =	vld [tilespmem:$0x1FEC0];
	v13 =	vsel vm6, v58, v15;
	v14 =	vperm.xlane v12, v1  }
0x1cb: {  	v15 =	vperm.xlane v13, v3  }
0x1cc: {  	vm7 =	vlt.s32 v12, v14  }
0x1cd: {  	vm8 =	vlt.s32 v13, v15;
	v12 =	vsel vm7, v12, v14  }
0x1ce: {  	v13 =	vsel vm8, v13, v15;
	v14 =	vperm.xlane v12, v3  }
0x1cf: {  	vm1 =	vnez.u8 v45;
	v15 =	vperm.xlane v13, v4  }
0x1d0: {  	v60 =	vnsel vm1, $0x0, v37;
	vm12 =	vcmask $0x318;
	vm9 =	vlt.s32 v12, v14  }
0x1d1: {  	v2 =	vsel vm12, v60, v2;
	vm10 =	vlt.s32 v13, v15;
	v12 =	vsel vm9, v12, v14  }
0x1d2: {  	p0 =	sne.s32 s12, $0x3F80;
	vm12 =	vcmask $0x718;
	v13 =	vsel vm10, v13, v15;
	v61 =	vperm.xlane v12, v4  }
.Ltmp0:
0x1d3: {  	vm11 =	vcmask $0xB18;
	v2 =	vsel vm12, v2, v13;
	(pc) =	sbr.rel @p0 .LBB2_2-.Ltmp0, $4  }
0x1d4: {  	vm14 =	vcmask $0xF18;
	v2 =	vsel vm11, v2, v36;
	vm13 =	vlt.s32 v12, v61  }
0x1d5: {  	vm15 =	vcmask $0x1318;
	v2 =	vsel vm14, v2, v46;
	v12 =	vsel vm13, v12, v61  }
0x1d6: {  	v2 =	vsel vm15, v2, v12  }
0x1d7: {  	s11 =	sadd.s32 $0x200, s11;
	s12 =	sadd.s32 $0x80, s12;
	v35 =	vld [tilespmem:$0x1FF30];
	[tilespmem:s31+$0x14000] =	vst v2  }
0x1d8: {  	s10 =	sadd.s32 $0x1, s10  }
0x1d9: {  	p0 =	sne.s32 s10, s6  }
.Ltmp1:
0x1da: {  	_ = 	snop;
	(pc) =	sbr.rel @p0 .LBB2_1-.Ltmp1, $4  }
0x1db: {  	[hbm4b:s5+s2] =	stream.linear.scatter [tilespmem:s9], [sflag:$0x1], $0x4000, $0x38;
	[tilespmem:$0x18000] =	vst v63  }
0x1dc: {  	_ =	swait.ge [sflag:s7], $0x4000  }
0x1dd: {  	[sflag:s7] =	ssyncset.done $0x0  }
0x1de: {  	[sflag:s7] =	ssyncadd.s32 $0xFFFFC000  }
0x1df: {  	_ =	sfence.sel $0x180000  }
0x1e0: {  	[bflag:$0x0] =	sbarrier.arrive $0xFFFF  }
0x1e1: {  	p0 =	sne.s32 s1, $0x0;
	_ =	strace $0x90000047  }
0x1e2: {  	s0 =	sadd.s32 @!p0 $0x100000, s0;
	[bflag:$0x2] =	sbarrier.arrive $0xFFFF  }
0x1e3: {  	[sflag:s0] =	ssyncadd.tile.s32 @!p0 $0x1;
	_ =	shalt  }
.Lfunc_end2:
_tile_overlayer_lowered:
.L_overlay_start_2:
0x1e4: {  	(tag) =	ssettag $0x2  }
0x1e5: {  	s0 =	rddreg [dreg:$0x0];
	s2 =	stileid.u32  }
0x1e6: {  	s1 =	rddreg [dreg:$0x1];
	p0 =	sne.s32 s2, $0x0  }
0x1e7: {  	s3 =	rddreg [dreg:$0x2];
	[bflag:$0x3] =	sbarrier.arrive $0xFFFF;
	s2 =	simm.s32 @!p0 $0x1C01  }
0x1e8: {  	[timem:s3], [sflag:s2] =	dma.local @!p0 [hbm:s0], s1  }
0x1e9: {  	s0 =	simm.s32 @!p0 $0x1  }
0x1ea: {  	_ =	swait.ge @!p0 [sflag:s0], s1  }
0x1eb: {  	s1 =	ssub.s32 @!p0 $0x0, s1;
	[sflag:s0] =	ssyncset.done @!p0 $0x0  }
0x1ec: {  	[sflag:s0] =	ssyncadd.s32 @!p0 s1  }
0x1ed: {  	[bflag:$0x3] =	sbarrier.arrive $0xFFFF  }
0x1ee: {  	_ =	shalt  }

</sc_bundles>
